<compile_context>
chip_gen: v7x
topology: tpu7x:2x2x1
jax: 0.10.2.dev20260603
libtpu: 0.0.44.dev20260713+nightly
codegen_flags: <defaults>
</compile_context>

<pallas_src>
import functools

import jax
import jax.numpy as jnp
from jax import lax
from jax.experimental import pallas as pl
from jax.experimental.pallas import tpu as pltpu
from jax.experimental.pallas import tpu_sc as plsc

_NUM_HEADS = 16
_NUM_BUCKETS = 32
_MAX_DISTANCE = 128
_QL = 2048
_KL = 2048

_S = 512
_NSTRIP = _QL // _S
_MW = 4096

_THRESH = (12, 16, 23, 32, 46, 64, 91)

_SC_INFO = plsc.get_sparse_core_info()
_NWORK = _SC_INFO.num_cores * _SC_INFO.num_subcores
_CHUNK = _MW // _NWORK


def _sc_lookup_kernel(w_hbm, delta_hbm, vb_hbm, w_v, delta_v, out_v):
    wid = lax.axis_index("s") * _SC_INFO.num_cores + lax.axis_index("c")
    base = wid * _CHUNK
    pltpu.sync_copy(w_hbm, w_v)
    pltpu.sync_copy(delta_hbm, delta_v)
    delta = delta_v[...]
    nb = _NUM_BUCKETS // 2
    me = nb // 2
    dnums = lax.GatherDimensionNumbers(
        offset_dims=(), collapsed_slice_dims=(0,), start_index_map=(0,)
    )
    chunks = []
    for v in range(_CHUNK // 16):
        j = lax.iota(jnp.int32, 16) + (base + v * 16)
        d = j - 2047 + delta
        side = jnp.where(d > 0, nb, 0).astype(jnp.int32)
        a = jnp.abs(d)
        large = jnp.full((16,), me, jnp.int32)
        for t in _THRESH:
            large = large + jnp.where(a >= t, 1, 0).astype(jnp.int32)
        bucket = side + jnp.where(a < me, a, large)
        is_lo = bucket < 16
        lo_idx = jnp.where(is_lo, bucket, 0)
        hi_idx = jnp.where(is_lo, 0, bucket - 16)
        chunks.append((is_lo, lo_idx, hi_idx))
    for h in range(_NUM_HEADS):
        wlo = w_v[pl.ds(h * _NUM_BUCKETS, 16)]
        whi = w_v[pl.ds(h * _NUM_BUCKETS + 16, 16)]
        for v, (is_lo, lo_idx, hi_idx) in enumerate(chunks):
            glo = lax.gather(
                wlo, lo_idx[:, None], dnums, (1,),
                mode=lax.GatherScatterMode.PROMISE_IN_BOUNDS,
            )
            ghi = lax.gather(
                whi, hi_idx[:, None], dnums, (1,),
                mode=lax.GatherScatterMode.PROMISE_IN_BOUNDS,
            )
            out_v[h, pl.ds(v * 16, 16)] = jnp.where(is_lo, glo, ghi)
    pltpu.sync_copy(out_v, vb_hbm.at[:, pl.ds(base, _CHUNK)])


def _stream_kernel(vb_ref, out_ref, m_ref, sem_ref):
    h = pl.program_id(0)
    last = pl.num_programs(0) - 1
    buf = h % 2

    def strip_copies(b, hh):
        return [
            pltpu.make_async_copy(
                m_ref.at[b, :, pl.ds(_S * (_NSTRIP - 1 - i), _KL)],
                out_ref.at[0, hh, pl.ds(_S * i, _S), :],
                sem_ref.at[b],
            )
            for i in range(_NSTRIP)
        ]

    @pl.when(h >= 2)
    def _wait_prev():
        for c in strip_copies(buf, h - 2):
            c.wait()

    m_ref[buf] = pltpu.roll(
        jnp.broadcast_to(vb_ref[...].reshape(1, _MW), (_S, _MW)),
        _MW - (_S - 1),
        axis=1,
        stride=1,
        stride_axis=0,
    )

    for c in strip_copies(buf, h):
        c.start()

    @pl.when(h == last)
    def _drain():
        for c in strip_copies(buf, h):
            c.wait()
        for c in strip_copies(1 - buf, h - 1):
            c.wait()


@functools.partial(
    pl.kernel,
    out_type=jax.ShapeDtypeStruct((_NUM_HEADS, _MW), jnp.float32),
    mesh=plsc.VectorSubcoreMesh(core_axis_name="c", subcore_axis_name="s"),
    scratch_types=[
        pltpu.VMEM((_NUM_BUCKETS * _NUM_HEADS,), jnp.float32),
        pltpu.VMEM((16,), jnp.int32),
        pltpu.VMEM((_NUM_HEADS, _CHUNK), jnp.float32),
    ],
)
def _sc_lookup(w_hbm, delta_hbm, vb_hbm, w_v, delta_v, out_v):
    _sc_lookup_kernel(w_hbm, delta_hbm, vb_hbm, w_v, delta_v, out_v)


def kernel(W, q_len, k_len):
    delta = (
        jnp.asarray(k_len, jnp.int32) - _KL
        - (jnp.asarray(q_len, jnp.int32) - _QL)
    )
    vbase = _sc_lookup(
        W.T.reshape(_NUM_HEADS * _NUM_BUCKETS),
        jnp.full((16,), 1, jnp.int32) * delta,
    )
    vbase = vbase.reshape(_NUM_HEADS, 1, _MW)
    out = pl.pallas_call(
        _stream_kernel,
        grid=(_NUM_HEADS,),
        in_specs=[pl.BlockSpec((1, 1, _MW), lambda h: (h, 0, 0))],
        out_specs=pl.BlockSpec(memory_space=pl.ANY),
        out_shape=jax.ShapeDtypeStruct((1, _NUM_HEADS, _QL, _KL), jnp.float32),
        scratch_shapes=[
            pltpu.VMEM((2, _S, _MW), jnp.float32),
            pltpu.SemaphoreType.DMA((2,)),
        ],
    )(vbase)
    return out

# --- scband reference (transcript-rebuilt; emitter-appended) ---
"""Pipeline reference for scband-relative-position-embedding-19507741458719 (READ-ONLY COPY).

The authoritative reference and input builder live on the scoring server;
editing this copy changes nothing except your own understanding.
"""

import jax, jax.numpy as jnp
import numpy as np
import math

NUM_HEADS = 16
NUM_BUCKETS = 32
MAX_DISTANCE = 128

Q_LEN = 2048
K_LEN = 2048


def setup_inputs(seed: int = 0) -> dict:
    key = jax.random.key(seed)
    W = jax.random.normal(key, (NUM_BUCKETS, NUM_HEADS), dtype=jnp.float32)
    return {"W": W, "q_len": 2048, "k_len": 2048}


def reference(W, q_len, k_len):
    q_off = jnp.asarray(q_len, dtype=jnp.int32) - Q_LEN
    k_off = jnp.asarray(k_len, dtype=jnp.int32) - K_LEN
    q_pos = jnp.arange(Q_LEN, dtype=jnp.int32) + q_off
    k_pos = jnp.arange(K_LEN, dtype=jnp.int32) + k_off
    rel_pos = k_pos[None, :] - q_pos[:, None]
    num_buckets = NUM_BUCKETS // 2
    rel_buckets = (rel_pos > 0).astype(jnp.int32) * num_buckets
    rel_pos = jnp.abs(rel_pos)
    max_exact = num_buckets // 2
    is_small = rel_pos < max_exact
    rel_pos_if_large = max_exact + (
        jnp.log(rel_pos.astype(jnp.float32) / max_exact)
        / math.log(MAX_DISTANCE / max_exact)
        * (num_buckets - max_exact)
    ).astype(jnp.int32)
    rel_pos_if_large = jnp.minimum(rel_pos_if_large, num_buckets - 1)
    rel_buckets = rel_buckets + jnp.where(is_small, rel_pos, rel_pos_if_large)
    rel_embeddings = jnp.take(W, rel_buckets, axis=0)  # [q_len, k_len, H]
    rel_embeddings = jnp.transpose(rel_embeddings, (2, 0, 1))[None]  # [1, H, q_len, k_len]
    return rel_embeddings

if __name__ == "__main__":
    import jax
    _d = setup_inputs()
    print(jax.jit(kernel)(*tuple(_d.values())))

</pallas_src>

<mosaic_0001>
#map = affine_map<(d0, d1) -> (0)>
#map1 = affine_map<(d0, d1) -> (0, 0)>
module attributes {stable_mosaic.version = 14 : i64} {
  func.func @_sc_lookup(%arg0: i32, %arg1: i32, %arg2: memref<512xf32, #tpu.memory_space<hbm>>, %arg3: memref<16xi32, #tpu.memory_space<hbm>>, %arg4: memref<16x4096xf32, #tpu.memory_space<hbm>>, %arg5: memref<512xf32, #tpu.memory_space<vmem>>, %arg6: memref<16xi32, #tpu.memory_space<vmem>>, %arg7: memref<16x128xf32, #tpu.memory_space<vmem>>) attributes {dimension_semantics = [#tpu.dimension_semantics<core_parallel>, #tpu.dimension_semantics<subcore_parallel>], iteration_bounds = array<i64: 2, 16>, scalar_prefetch = 0 : i64, scratch_operands = 3 : i64, tpu.core_type = #tpu.core_type<sc_vector_subcore>, window_params = [{transform_indices = #map}, {transform_indices = #map}, {transform_indices = #map1}]} {
    %mul3A = arith.constant 2 : i32
    %mul3A_0 = arith.muli %arg1, %mul3A : i32
    %add3A = arith.addi %mul3A_0, %arg0 : i32
    %mul3A_1 = arith.constant 128 : i32
    %mul3A_2 = arith.muli %add3A, %mul3A_1 : i32
    "tpu.region"() ({
      %run_scoped3A = tpu.sem_alloc : memref<!tpu.dma_semaphore, #tpu.memory_space<semaphore_mem>>
      tpu.enqueue_dma source(%arg2 : memref<512xf32, #tpu.memory_space<hbm>>) target(%arg5 : memref<512xf32, #tpu.memory_space<vmem>>) target_semaphore(%run_scoped3A : memref<!tpu.dma_semaphore, #tpu.memory_space<semaphore_mem>>)
      tpu.wait_dma2 semaphore(%run_scoped3A : memref<!tpu.dma_semaphore, #tpu.memory_space<semaphore_mem>>) src(%arg2 : memref<512xf32, #tpu.memory_space<hbm>>) dst(%arg5 : memref<512xf32, #tpu.memory_space<vmem>>)
      tpu.yield
    }) : () -> ()
    "tpu.region"() ({
      %run_scoped3A = tpu.sem_alloc : memref<!tpu.dma_semaphore, #tpu.memory_space<semaphore_mem>>
      tpu.enqueue_dma source(%arg3 : memref<16xi32, #tpu.memory_space<hbm>>) target(%arg6 : memref<16xi32, #tpu.memory_space<vmem>>) target_semaphore(%run_scoped3A : memref<!tpu.dma_semaphore, #tpu.memory_space<semaphore_mem>>)
      tpu.wait_dma2 semaphore(%run_scoped3A : memref<!tpu.dma_semaphore, #tpu.memory_space<semaphore_mem>>) src(%arg3 : memref<16xi32, #tpu.memory_space<hbm>>) dst(%arg6 : memref<16xi32, #tpu.memory_space<vmem>>)
      tpu.yield
    }) : () -> ()
    %get3A = arith.constant 0 : index
    %get3A_3 = tpu.vector_load %arg6[%get3A] {strides = array<i32>} : memref<16xi32, #tpu.memory_space<vmem>>, vector<16xi32>,
    %get3A_4 = vector.shape_cast %get3A_3 : vector<16xi32> to vector<16xi32>
    %iota3A = tpu.iota {dimensions = array<i32: 0>} : vector<16xi32>
    %add3A_5 = arith.constant 0 : i32
    %add3A_6 = arith.addi %mul3A_2, %add3A_5 : i32
    %add3A_7 = vector.broadcast %add3A_6 : i32 to vector<16xi32>
    %add3A_8 = arith.addi %iota3A, %add3A_7 : vector<16xi32>
    %sub3A = arith.constant 2047 : i32
    %sub3A_9 = vector.broadcast %sub3A : i32 to vector<16xi32>
    %sub3A_10 = arith.subi %add3A_8, %sub3A_9 : vector<16xi32>
    %add3A_11 = arith.addi %sub3A_10, %get3A_4 : vector<16xi32>
    %gt3A = arith.constant 0 : i32
    %gt3A_12 = vector.broadcast %gt3A : i32 to vector<16xi32>
    %gt3A_13 = arith.cmpi sgt, %add3A_11, %gt3A_12 : vector<16xi32>
    %jit3A = arith.constant 16 : i32
    %jit3A_14 = arith.constant 0 : i32
    %broadcast_in_dim3A = vector.broadcast %jit3A : i32 to vector<16xi32>
    %broadcast_in_dim3A_15 = vector.broadcast %jit3A_14 : i32 to vector<16xi32>
    %select_n3A = arith.select %gt3A_13, %broadcast_in_dim3A, %broadcast_in_dim3A_15 : vector<16xi1>, vector<16xi32>
    %abs3A = math.absi %add3A_11 : vector<16xi32>
    %broadcast_in_dim3A_16 = arith.constant 8 : i32
    %broadcast_in_dim3A_17 = vector.broadcast %broadcast_in_dim3A_16 : i32 to vector<16xi32>
    %ge3A = arith.constant 12 : i32
    %ge3A_18 = vector.broadcast %ge3A : i32 to vector<16xi32>
    %ge3A_19 = arith.cmpi sge, %abs3A, %ge3A_18 : vector<16xi32>
    %jit3A_20 = arith.constant 1 : i32
    %jit3A_21 = arith.constant 0 : i32
    %broadcast_in_dim3A_22 = vector.broadcast %jit3A_20 : i32 to vector<16xi32>
    %broadcast_in_dim3A_23 = vector.broadcast %jit3A_21 : i32 to vector<16xi32>
    %select_n3A_24 = arith.select %ge3A_19, %broadcast_in_dim3A_22, %broadcast_in_dim3A_23 : vector<16xi1>, vector<16xi32>
    %add3A_25 = arith.addi %broadcast_in_dim3A_17, %select_n3A_24 : vector<16xi32>
    %ge3A_26 = arith.constant 16 : i32
    %ge3A_27 = vector.broadcast %ge3A_26 : i32 to vector<16xi32>
    %ge3A_28 = arith.cmpi sge, %abs3A, %ge3A_27 : vector<16xi32>
    %jit3A_29 = arith.constant 1 : i32
    %jit3A_30 = arith.constant 0 : i32
    %broadcast_in_dim3A_31 = vector.broadcast %jit3A_29 : i32 to vector<16xi32>
    %broadcast_in_dim3A_32 = vector.broadcast %jit3A_30 : i32 to vector<16xi32>
    %select_n3A_33 = arith.select %ge3A_28, %broadcast_in_dim3A_31, %broadcast_in_dim3A_32 : vector<16xi1>, vector<16xi32>
    %add3A_34 = arith.addi %add3A_25, %select_n3A_33 : vector<16xi32>
    %ge3A_35 = arith.constant 23 : i32
    %ge3A_36 = vector.broadcast %ge3A_35 : i32 to vector<16xi32>
    %ge3A_37 = arith.cmpi sge, %abs3A, %ge3A_36 : vector<16xi32>
    %jit3A_38 = arith.constant 1 : i32
    %jit3A_39 = arith.constant 0 : i32
    %broadcast_in_dim3A_40 = vector.broadcast %jit3A_38 : i32 to vector<16xi32>
    %broadcast_in_dim3A_41 = vector.broadcast %jit3A_39 : i32 to vector<16xi32>
    %select_n3A_42 = arith.select %ge3A_37, %broadcast_in_dim3A_40, %broadcast_in_dim3A_41 : vector<16xi1>, vector<16xi32>
    %add3A_43 = arith.addi %add3A_34, %select_n3A_42 : vector<16xi32>
    %ge3A_44 = arith.constant 32 : i32
    %ge3A_45 = vector.broadcast %ge3A_44 : i32 to vector<16xi32>
    %ge3A_46 = arith.cmpi sge, %abs3A, %ge3A_45 : vector<16xi32>
    %jit3A_47 = arith.constant 1 : i32
    %jit3A_48 = arith.constant 0 : i32
    %broadcast_in_dim3A_49 = vector.broadcast %jit3A_47 : i32 to vector<16xi32>
    %broadcast_in_dim3A_50 = vector.broadcast %jit3A_48 : i32 to vector<16xi32>
    %select_n3A_51 = arith.select %ge3A_46, %broadcast_in_dim3A_49, %broadcast_in_dim3A_50 : vector<16xi1>, vector<16xi32>
    %add3A_52 = arith.addi %add3A_43, %select_n3A_51 : vector<16xi32>
    %ge3A_53 = arith.constant 46 : i32
    %ge3A_54 = vector.broadcast %ge3A_53 : i32 to vector<16xi32>
    %ge3A_55 = arith.cmpi sge, %abs3A, %ge3A_54 : vector<16xi32>
    %jit3A_56 = arith.constant 1 : i32
    %jit3A_57 = arith.constant 0 : i32
    %broadcast_in_dim3A_58 = vector.broadcast %jit3A_56 : i32 to vector<16xi32>
    %broadcast_in_dim3A_59 = vector.broadcast %jit3A_57 : i32 to vector<16xi32>
    %select_n3A_60 = arith.select %ge3A_55, %broadcast_in_dim3A_58, %broadcast_in_dim3A_59 : vector<16xi1>, vector<16xi32>
    %add3A_61 = arith.addi %add3A_52, %select_n3A_60 : vector<16xi32>
    %ge3A_62 = arith.constant 64 : i32
    %ge3A_63 = vector.broadcast %ge3A_62 : i32 to vector<16xi32>
    %ge3A_64 = arith.cmpi sge, %abs3A, %ge3A_63 : vector<16xi32>
    %jit3A_65 = arith.constant 1 : i32
    %jit3A_66 = arith.constant 0 : i32
    %broadcast_in_dim3A_67 = vector.broadcast %jit3A_65 : i32 to vector<16xi32>
    %broadcast_in_dim3A_68 = vector.broadcast %jit3A_66 : i32 to vector<16xi32>
    %select_n3A_69 = arith.select %ge3A_64, %broadcast_in_dim3A_67, %broadcast_in_dim3A_68 : vector<16xi1>, vector<16xi32>
    %add3A_70 = arith.addi %add3A_61, %select_n3A_69 : vector<16xi32>
    %ge3A_71 = arith.constant 91 : i32
    %ge3A_72 = vector.broadcast %ge3A_71 : i32 to vector<16xi32>
    %ge3A_73 = arith.cmpi sge, %abs3A, %ge3A_72 : vector<16xi32>
    %jit3A_74 = arith.constant 1 : i32
    %jit3A_75 = arith.constant 0 : i32
    %broadcast_in_dim3A_76 = vector.broadcast %jit3A_74 : i32 to vector<16xi32>
    %broadcast_in_dim3A_77 = vector.broadcast %jit3A_75 : i32 to vector<16xi32>
    %select_n3A_78 = arith.select %ge3A_73, %broadcast_in_dim3A_76, %broadcast_in_dim3A_77 : vector<16xi1>, vector<16xi32>
    %add3A_79 = arith.addi %add3A_70, %select_n3A_78 : vector<16xi32>
    %lt3A = arith.constant 8 : i32
    %lt3A_80 = vector.broadcast %lt3A : i32 to vector<16xi32>
    %lt3A_81 = arith.cmpi slt, %abs3A, %lt3A_80 : vector<16xi32>
    %select_n3A_82 = arith.select %lt3A_81, %abs3A, %add3A_79 : vector<16xi1>, vector<16xi32>
    %add3A_83 = arith.addi %select_n3A, %select_n3A_82 : vector<16xi32>
    %lt3A_84 = arith.constant 16 : i32
    %lt3A_85 = vector.broadcast %lt3A_84 : i32 to vector<16xi32>
    %lt3A_86 = arith.cmpi slt, %add3A_83, %lt3A_85 : vector<16xi32>
    %jit3A_87 = arith.constant 0 : i32
    %broadcast_in_dim3A_88 = vector.broadcast %jit3A_87 : i32 to vector<16xi32>
    %select_n3A_89 = arith.select %lt3A_86, %add3A_83, %broadcast_in_dim3A_88 : vector<16xi1>, vector<16xi32>
    %sub3A_90 = arith.constant 16 : i32
    %sub3A_91 = vector.broadcast %sub3A_90 : i32 to vector<16xi32>
    %sub3A_92 = arith.subi %add3A_83, %sub3A_91 : vector<16xi32>
    %jit3A_93 = arith.constant 0 : i32
    %broadcast_in_dim3A_94 = vector.broadcast %jit3A_93 : i32 to vector<16xi32>
    %select_n3A_95 = arith.select %lt3A_86, %broadcast_in_dim3A_94, %sub3A_92 : vector<16xi1>, vector<16xi32>
    %iota3A_96 = tpu.iota {dimensions = array<i32: 0>} : vector<16xi32>
    %add3A_97 = arith.constant 16 : i32
    %add3A_98 = arith.addi %mul3A_2, %add3A_97 : i32
    %add3A_99 = vector.broadcast %add3A_98 : i32 to vector<16xi32>
    %add3A_100 = arith.addi %iota3A_96, %add3A_99 : vector<16xi32>
    %sub3A_101 = arith.constant 2047 : i32
    %sub3A_102 = vector.broadcast %sub3A_101 : i32 to vector<16xi32>
    %sub3A_103 = arith.subi %add3A_100, %sub3A_102 : vector<16xi32>
    %add3A_104 = arith.addi %sub3A_103, %get3A_4 : vector<16xi32>
    %gt3A_105 = arith.constant 0 : i32
    %gt3A_106 = vector.broadcast %gt3A_105 : i32 to vector<16xi32>
    %gt3A_107 = arith.cmpi sgt, %add3A_104, %gt3A_106 : vector<16xi32>
    %jit3A_108 = arith.constant 16 : i32
    %jit3A_109 = arith.constant 0 : i32
    %broadcast_in_dim3A_110 = vector.broadcast %jit3A_108 : i32 to vector<16xi32>
    %broadcast_in_dim3A_111 = vector.broadcast %jit3A_109 : i32 to vector<16xi32>
    %select_n3A_112 = arith.select %gt3A_107, %broadcast_in_dim3A_110, %broadcast_in_dim3A_111 : vector<16xi1>, vector<16xi32>
    %abs3A_113 = math.absi %add3A_104 : vector<16xi32>
    %broadcast_in_dim3A_114 = arith.constant 8 : i32
    %broadcast_in_dim3A_115 = vector.broadcast %broadcast_in_dim3A_114 : i32 to vector<16xi32>
    %ge3A_116 = arith.constant 12 : i32
    %ge3A_117 = vector.broadcast %ge3A_116 : i32 to vector<16xi32>
    %ge3A_118 = arith.cmpi sge, %abs3A_113, %ge3A_117 : vector<16xi32>
    %jit3A_119 = arith.constant 1 : i32
    %jit3A_120 = arith.constant 0 : i32
    %broadcast_in_dim3A_121 = vector.broadcast %jit3A_119 : i32 to vector<16xi32>
    %broadcast_in_dim3A_122 = vector.broadcast %jit3A_120 : i32 to vector<16xi32>
    %select_n3A_123 = arith.select %ge3A_118, %broadcast_in_dim3A_121, %broadcast_in_dim3A_122 : vector<16xi1>, vector<16xi32>
    %add3A_124 = arith.addi %broadcast_in_dim3A_115, %select_n3A_123 : vector<16xi32>
    %ge3A_125 = arith.constant 16 : i32
    %ge3A_126 = vector.broadcast %ge3A_125 : i32 to vector<16xi32>
    %ge3A_127 = arith.cmpi sge, %abs3A_113, %ge3A_126 : vector<16xi32>
    %jit3A_128 = arith.constant 1 : i32
    %jit3A_129 = arith.constant 0 : i32
    %broadcast_in_dim3A_130 = vector.broadcast %jit3A_128 : i32 to vector<16xi32>
    %broadcast_in_dim3A_131 = vector.broadcast %jit3A_129 : i32 to vector<16xi32>
    %select_n3A_132 = arith.select %ge3A_127, %broadcast_in_dim3A_130, %broadcast_in_dim3A_131 : vector<16xi1>, vector<16xi32>
    %add3A_133 = arith.addi %add3A_124, %select_n3A_132 : vector<16xi32>
    %ge3A_134 = arith.constant 23 : i32
    %ge3A_135 = vector.broadcast %ge3A_134 : i32 to vector<16xi32>
    %ge3A_136 = arith.cmpi sge, %abs3A_113, %ge3A_135 : vector<16xi32>
    %jit3A_137 = arith.constant 1 : i32
    %jit3A_138 = arith.constant 0 : i32
    %broadcast_in_dim3A_139 = vector.broadcast %jit3A_137 : i32 to vector<16xi32>
    %broadcast_in_dim3A_140 = vector.broadcast %jit3A_138 : i32 to vector<16xi32>
    %select_n3A_141 = arith.select %ge3A_136, %broadcast_in_dim3A_139, %broadcast_in_dim3A_140 : vector<16xi1>, vector<16xi32>
    %add3A_142 = arith.addi %add3A_133, %select_n3A_141 : vector<16xi32>
    %ge3A_143 = arith.constant 32 : i32
    %ge3A_144 = vector.broadcast %ge3A_143 : i32 to vector<16xi32>
    %ge3A_145 = arith.cmpi sge, %abs3A_113, %ge3A_144 : vector<16xi32>
    %jit3A_146 = arith.constant 1 : i32
    %jit3A_147 = arith.constant 0 : i32
    %broadcast_in_dim3A_148 = vector.broadcast %jit3A_146 : i32 to vector<16xi32>
    %broadcast_in_dim3A_149 = vector.broadcast %jit3A_147 : i32 to vector<16xi32>
    %select_n3A_150 = arith.select %ge3A_145, %broadcast_in_dim3A_148, %broadcast_in_dim3A_149 : vector<16xi1>, vector<16xi32>
    %add3A_151 = arith.addi %add3A_142, %select_n3A_150 : vector<16xi32>
    %ge3A_152 = arith.constant 46 : i32
    %ge3A_153 = vector.broadcast %ge3A_152 : i32 to vector<16xi32>
    %ge3A_154 = arith.cmpi sge, %abs3A_113, %ge3A_153 : vector<16xi32>
    %jit3A_155 = arith.constant 1 : i32
    %jit3A_156 = arith.constant 0 : i32
    %broadcast_in_dim3A_157 = vector.broadcast %jit3A_155 : i32 to vector<16xi32>
    %broadcast_in_dim3A_158 = vector.broadcast %jit3A_156 : i32 to vector<16xi32>
    %select_n3A_159 = arith.select %ge3A_154, %broadcast_in_dim3A_157, %broadcast_in_dim3A_158 : vector<16xi1>, vector<16xi32>
    %add3A_160 = arith.addi %add3A_151, %select_n3A_159 : vector<16xi32>
    %ge3A_161 = arith.constant 64 : i32
    %ge3A_162 = vector.broadcast %ge3A_161 : i32 to vector<16xi32>
    %ge3A_163 = arith.cmpi sge, %abs3A_113, %ge3A_162 : vector<16xi32>
    %jit3A_164 = arith.constant 1 : i32
    %jit3A_165 = arith.constant 0 : i32
    %broadcast_in_dim3A_166 = vector.broadcast %jit3A_164 : i32 to vector<16xi32>
    %broadcast_in_dim3A_167 = vector.broadcast %jit3A_165 : i32 to vector<16xi32>
    %select_n3A_168 = arith.select %ge3A_163, %broadcast_in_dim3A_166, %broadcast_in_dim3A_167 : vector<16xi1>, vector<16xi32>
    %add3A_169 = arith.addi %add3A_160, %select_n3A_168 : vector<16xi32>
    %ge3A_170 = arith.constant 91 : i32
    %ge3A_171 = vector.broadcast %ge3A_170 : i32 to vector<16xi32>
    %ge3A_172 = arith.cmpi sge, %abs3A_113, %ge3A_171 : vector<16xi32>
    %jit3A_173 = arith.constant 1 : i32
    %jit3A_174 = arith.constant 0 : i32
    %broadcast_in_dim3A_175 = vector.broadcast %jit3A_173 : i32 to vector<16xi32>
    %broadcast_in_dim3A_176 = vector.broadcast %jit3A_174 : i32 to vector<16xi32>
    %select_n3A_177 = arith.select %ge3A_172, %broadcast_in_dim3A_175, %broadcast_in_dim3A_176 : vector<16xi1>, vector<16xi32>
    %add3A_178 = arith.addi %add3A_169, %select_n3A_177 : vector<16xi32>
    %lt3A_179 = arith.constant 8 : i32
    %lt3A_180 = vector.broadcast %lt3A_179 : i32 to vector<16xi32>
    %lt3A_181 = arith.cmpi slt, %abs3A_113, %lt3A_180 : vector<16xi32>
    %select_n3A_182 = arith.select %lt3A_181, %abs3A_113, %add3A_178 : vector<16xi1>, vector<16xi32>
    %add3A_183 = arith.addi %select_n3A_112, %select_n3A_182 : vector<16xi32>
    %lt3A_184 = arith.constant 16 : i32
    %lt3A_185 = vector.broadcast %lt3A_184 : i32 to vector<16xi32>
    %lt3A_186 = arith.cmpi slt, %add3A_183, %lt3A_185 : vector<16xi32>
    %jit3A_187 = arith.constant 0 : i32
    %broadcast_in_dim3A_188 = vector.broadcast %jit3A_187 : i32 to vector<16xi32>
    %select_n3A_189 = arith.select %lt3A_186, %add3A_183, %broadcast_in_dim3A_188 : vector<16xi1>, vector<16xi32>
    %sub3A_190 = arith.constant 16 : i32
    %sub3A_191 = vector.broadcast %sub3A_190 : i32 to vector<16xi32>
    %sub3A_192 = arith.subi %add3A_183, %sub3A_191 : vector<16xi32>
    %jit3A_193 = arith.constant 0 : i32
    %broadcast_in_dim3A_194 = vector.broadcast %jit3A_193 : i32 to vector<16xi32>
    %select_n3A_195 = arith.select %lt3A_186, %broadcast_in_dim3A_194, %sub3A_192 : vector<16xi1>, vector<16xi32>
    %iota3A_196 = tpu.iota {dimensions = array<i32: 0>} : vector<16xi32>
    %add3A_197 = arith.constant 32 : i32
    %add3A_198 = arith.addi %mul3A_2, %add3A_197 : i32
    %add3A_199 = vector.broadcast %add3A_198 : i32 to vector<16xi32>
    %add3A_200 = arith.addi %iota3A_196, %add3A_199 : vector<16xi32>
    %sub3A_201 = arith.constant 2047 : i32
    %sub3A_202 = vector.broadcast %sub3A_201 : i32 to vector<16xi32>
    %sub3A_203 = arith.subi %add3A_200, %sub3A_202 : vector<16xi32>
    %add3A_204 = arith.addi %sub3A_203, %get3A_4 : vector<16xi32>
    %gt3A_205 = arith.constant 0 : i32
    %gt3A_206 = vector.broadcast %gt3A_205 : i32 to vector<16xi32>
    %gt3A_207 = arith.cmpi sgt, %add3A_204, %gt3A_206 : vector<16xi32>
    %jit3A_208 = arith.constant 16 : i32
    %jit3A_209 = arith.constant 0 : i32
    %broadcast_in_dim3A_210 = vector.broadcast %jit3A_208 : i32 to vector<16xi32>
    %broadcast_in_dim3A_211 = vector.broadcast %jit3A_209 : i32 to vector<16xi32>
    %select_n3A_212 = arith.select %gt3A_207, %broadcast_in_dim3A_210, %broadcast_in_dim3A_211 : vector<16xi1>, vector<16xi32>
    %abs3A_213 = math.absi %add3A_204 : vector<16xi32>
    %broadcast_in_dim3A_214 = arith.constant 8 : i32
    %broadcast_in_dim3A_215 = vector.broadcast %broadcast_in_dim3A_214 : i32 to vector<16xi32>
    %ge3A_216 = arith.constant 12 : i32
    %ge3A_217 = vector.broadcast %ge3A_216 : i32 to vector<16xi32>
    %ge3A_218 = arith.cmpi sge, %abs3A_213, %ge3A_217 : vector<16xi32>
    %jit3A_219 = arith.constant 1 : i32
    %jit3A_220 = arith.constant 0 : i32
    %broadcast_in_dim3A_221 = vector.broadcast %jit3A_219 : i32 to vector<16xi32>
    %broadcast_in_dim3A_222 = vector.broadcast %jit3A_220 : i32 to vector<16xi32>
    %select_n3A_223 = arith.select %ge3A_218, %broadcast_in_dim3A_221, %broadcast_in_dim3A_222 : vector<16xi1>, vector<16xi32>
    %add3A_224 = arith.addi %broadcast_in_dim3A_215, %select_n3A_223 : vector<16xi32>
    %ge3A_225 = arith.constant 16 : i32
    %ge3A_226 = vector.broadcast %ge3A_225 : i32 to vector<16xi32>
    %ge3A_227 = arith.cmpi sge, %abs3A_213, %ge3A_226 : vector<16xi32>
    %jit3A_228 = arith.constant 1 : i32
    %jit3A_229 = arith.constant 0 : i32
    %broadcast_in_dim3A_230 = vector.broadcast %jit3A_228 : i32 to vector<16xi32>
    %broadcast_in_dim3A_231 = vector.broadcast %jit3A_229 : i32 to vector<16xi32>
    %select_n3A_232 = arith.select %ge3A_227, %broadcast_in_dim3A_230, %broadcast_in_dim3A_231 : vector<16xi1>, vector<16xi32>
    %add3A_233 = arith.addi %add3A_224, %select_n3A_232 : vector<16xi32>
    %ge3A_234 = arith.constant 23 : i32
    %ge3A_235 = vector.broadcast %ge3A_234 : i32 to vector<16xi32>
    %ge3A_236 = arith.cmpi sge, %abs3A_213, %ge3A_235 : vector<16xi32>
    %jit3A_237 = arith.constant 1 : i32
    %jit3A_238 = arith.constant 0 : i32
    %broadcast_in_dim3A_239 = vector.broadcast %jit3A_237 : i32 to vector<16xi32>
    %broadcast_in_dim3A_240 = vector.broadcast %jit3A_238 : i32 to vector<16xi32>
    %select_n3A_241 = arith.select %ge3A_236, %broadcast_in_dim3A_239, %broadcast_in_dim3A_240 : vector<16xi1>, vector<16xi32>
    %add3A_242 = arith.addi %add3A_233, %select_n3A_241 : vector<16xi32>
    %ge3A_243 = arith.constant 32 : i32
    %ge3A_244 = vector.broadcast %ge3A_243 : i32 to vector<16xi32>
    %ge3A_245 = arith.cmpi sge, %abs3A_213, %ge3A_244 : vector<16xi32>
    %jit3A_246 = arith.constant 1 : i32
    %jit3A_247 = arith.constant 0 : i32
    %broadcast_in_dim3A_248 = vector.broadcast %jit3A_246 : i32 to vector<16xi32>
    %broadcast_in_dim3A_249 = vector.broadcast %jit3A_247 : i32 to vector<16xi32>
    %select_n3A_250 = arith.select %ge3A_245, %broadcast_in_dim3A_248, %broadcast_in_dim3A_249 : vector<16xi1>, vector<16xi32>
    %add3A_251 = arith.addi %add3A_242, %select_n3A_250 : vector<16xi32>
    %ge3A_252 = arith.constant 46 : i32
    %ge3A_253 = vector.broadcast %ge3A_252 : i32 to vector<16xi32>
    %ge3A_254 = arith.cmpi sge, %abs3A_213, %ge3A_253 : vector<16xi32>
    %jit3A_255 = arith.constant 1 : i32
    %jit3A_256 = arith.constant 0 : i32
    %broadcast_in_dim3A_257 = vector.broadcast %jit3A_255 : i32 to vector<16xi32>
    %broadcast_in_dim3A_258 = vector.broadcast %jit3A_256 : i32 to vector<16xi32>
    %select_n3A_259 = arith.select %ge3A_254, %broadcast_in_dim3A_257, %broadcast_in_dim3A_258 : vector<16xi1>, vector<16xi32>
    %add3A_260 = arith.addi %add3A_251, %select_n3A_259 : vector<16xi32>
    %ge3A_261 = arith.constant 64 : i32
    %ge3A_262 = vector.broadcast %ge3A_261 : i32 to vector<16xi32>
    %ge3A_263 = arith.cmpi sge, %abs3A_213, %ge3A_262 : vector<16xi32>
    %jit3A_264 = arith.constant 1 : i32
    %jit3A_265 = arith.constant 0 : i32
    %broadcast_in_dim3A_266 = vector.broadcast %jit3A_264 : i32 to vector<16xi32>
    %broadcast_in_dim3A_267 = vector.broadcast %jit3A_265 : i32 to vector<16xi32>
    %select_n3A_268 = arith.select %ge3A_263, %broadcast_in_dim3A_266, %broadcast_in_dim3A_267 : vector<16xi1>, vector<16xi32>
    %add3A_269 = arith.addi %add3A_260, %select_n3A_268 : vector<16xi32>
    %ge3A_270 = arith.constant 91 : i32
    %ge3A_271 = vector.broadcast %ge3A_270 : i32 to vector<16xi32>
    %ge3A_272 = arith.cmpi sge, %abs3A_213, %ge3A_271 : vector<16xi32>
    %jit3A_273 = arith.constant 1 : i32
    %jit3A_274 = arith.constant 0 : i32
    %broadcast_in_dim3A_275 = vector.broadcast %jit3A_273 : i32 to vector<16xi32>
    %broadcast_in_dim3A_276 = vector.broadcast %jit3A_274 : i32 to vector<16xi32>
    %select_n3A_277 = arith.select %ge3A_272, %broadcast_in_dim3A_275, %broadcast_in_dim3A_276 : vector<16xi1>, vector<16xi32>
    %add3A_278 = arith.addi %add3A_269, %select_n3A_277 : vector<16xi32>
    %lt3A_279 = arith.constant 8 : i32
    %lt3A_280 = vector.broadcast %lt3A_279 : i32 to vector<16xi32>
    %lt3A_281 = arith.cmpi slt, %abs3A_213, %lt3A_280 : vector<16xi32>
    %select_n3A_282 = arith.select %lt3A_281, %abs3A_213, %add3A_278 : vector<16xi1>, vector<16xi32>
    %add3A_283 = arith.addi %select_n3A_212, %select_n3A_282 : vector<16xi32>
    %lt3A_284 = arith.constant 16 : i32
    %lt3A_285 = vector.broadcast %lt3A_284 : i32 to vector<16xi32>
    %lt3A_286 = arith.cmpi slt, %add3A_283, %lt3A_285 : vector<16xi32>
    %jit3A_287 = arith.constant 0 : i32
    %broadcast_in_dim3A_288 = vector.broadcast %jit3A_287 : i32 to vector<16xi32>
    %select_n3A_289 = arith.select %lt3A_286, %add3A_283, %broadcast_in_dim3A_288 : vector<16xi1>, vector<16xi32>
    %sub3A_290 = arith.constant 16 : i32
    %sub3A_291 = vector.broadcast %sub3A_290 : i32 to vector<16xi32>
    %sub3A_292 = arith.subi %add3A_283, %sub3A_291 : vector<16xi32>
    %jit3A_293 = arith.constant 0 : i32
    %broadcast_in_dim3A_294 = vector.broadcast %jit3A_293 : i32 to vector<16xi32>
    %select_n3A_295 = arith.select %lt3A_286, %broadcast_in_dim3A_294, %sub3A_292 : vector<16xi1>, vector<16xi32>
    %iota3A_296 = tpu.iota {dimensions = array<i32: 0>} : vector<16xi32>
    %add3A_297 = arith.constant 48 : i32
    %add3A_298 = arith.addi %mul3A_2, %add3A_297 : i32
    %add3A_299 = vector.broadcast %add3A_298 : i32 to vector<16xi32>
    %add3A_300 = arith.addi %iota3A_296, %add3A_299 : vector<16xi32>
    %sub3A_301 = arith.constant 2047 : i32
    %sub3A_302 = vector.broadcast %sub3A_301 : i32 to vector<16xi32>
    %sub3A_303 = arith.subi %add3A_300, %sub3A_302 : vector<16xi32>
    %add3A_304 = arith.addi %sub3A_303, %get3A_4 : vector<16xi32>
    %gt3A_305 = arith.constant 0 : i32
    %gt3A_306 = vector.broadcast %gt3A_305 : i32 to vector<16xi32>
    %gt3A_307 = arith.cmpi sgt, %add3A_304, %gt3A_306 : vector<16xi32>
    %jit3A_308 = arith.constant 16 : i32
    %jit3A_309 = arith.constant 0 : i32
    %broadcast_in_dim3A_310 = vector.broadcast %jit3A_308 : i32 to vector<16xi32>
    %broadcast_in_dim3A_311 = vector.broadcast %jit3A_309 : i32 to vector<16xi32>
    %select_n3A_312 = arith.select %gt3A_307, %broadcast_in_dim3A_310, %broadcast_in_dim3A_311 : vector<16xi1>, vector<16xi32>
    %abs3A_313 = math.absi %add3A_304 : vector<16xi32>
    %broadcast_in_dim3A_314 = arith.constant 8 : i32
    %broadcast_in_dim3A_315 = vector.broadcast %broadcast_in_dim3A_314 : i32 to vector<16xi32>
    %ge3A_316 = arith.constant 12 : i32
    %ge3A_317 = vector.broadcast %ge3A_316 : i32 to vector<16xi32>
    %ge3A_318 = arith.cmpi sge, %abs3A_313, %ge3A_317 : vector<16xi32>
    %jit3A_319 = arith.constant 1 : i32
    %jit3A_320 = arith.constant 0 : i32
    %broadcast_in_dim3A_321 = vector.broadcast %jit3A_319 : i32 to vector<16xi32>
    %broadcast_in_dim3A_322 = vector.broadcast %jit3A_320 : i32 to vector<16xi32>
    %select_n3A_323 = arith.select %ge3A_318, %broadcast_in_dim3A_321, %broadcast_in_dim3A_322 : vector<16xi1>, vector<16xi32>
    %add3A_324 = arith.addi %broadcast_in_dim3A_315, %select_n3A_323 : vector<16xi32>
    %ge3A_325 = arith.constant 16 : i32
    %ge3A_326 = vector.broadcast %ge3A_325 : i32 to vector<16xi32>
    %ge3A_327 = arith.cmpi sge, %abs3A_313, %ge3A_326 : vector<16xi32>
    %jit3A_328 = arith.constant 1 : i32
    %jit3A_329 = arith.constant 0 : i32
    %broadcast_in_dim3A_330 = vector.broadcast %jit3A_328 : i32 to vector<16xi32>
    %broadcast_in_dim3A_331 = vector.broadcast %jit3A_329 : i32 to vector<16xi32>
    %select_n3A_332 = arith.select %ge3A_327, %broadcast_in_dim3A_330, %broadcast_in_dim3A_331 : vector<16xi1>, vector<16xi32>
    %add3A_333 = arith.addi %add3A_324, %select_n3A_332 : vector<16xi32>
    %ge3A_334 = arith.constant 23 : i32
    %ge3A_335 = vector.broadcast %ge3A_334 : i32 to vector<16xi32>
    %ge3A_336 = arith.cmpi sge, %abs3A_313, %ge3A_335 : vector<16xi32>
    %jit3A_337 = arith.constant 1 : i32
    %jit3A_338 = arith.constant 0 : i32
    %broadcast_in_dim3A_339 = vector.broadcast %jit3A_337 : i32 to vector<16xi32>
    %broadcast_in_dim3A_340 = vector.broadcast %jit3A_338 : i32 to vector<16xi32>
    %select_n3A_341 = arith.select %ge3A_336, %broadcast_in_dim3A_339, %broadcast_in_dim3A_340 : vector<16xi1>, vector<16xi32>
    %add3A_342 = arith.addi %add3A_333, %select_n3A_341 : vector<16xi32>
    %ge3A_343 = arith.constant 32 : i32
    %ge3A_344 = vector.broadcast %ge3A_343 : i32 to vector<16xi32>
    %ge3A_345 = arith.cmpi sge, %abs3A_313, %ge3A_344 : vector<16xi32>
    %jit3A_346 = arith.constant 1 : i32
    %jit3A_347 = arith.constant 0 : i32
    %broadcast_in_dim3A_348 = vector.broadcast %jit3A_346 : i32 to vector<16xi32>
    %broadcast_in_dim3A_349 = vector.broadcast %jit3A_347 : i32 to vector<16xi32>
    %select_n3A_350 = arith.select %ge3A_345, %broadcast_in_dim3A_348, %broadcast_in_dim3A_349 : vector<16xi1>, vector<16xi32>
    %add3A_351 = arith.addi %add3A_342, %select_n3A_350 : vector<16xi32>
    %ge3A_352 = arith.constant 46 : i32
    %ge3A_353 = vector.broadcast %ge3A_352 : i32 to vector<16xi32>
    %ge3A_354 = arith.cmpi sge, %abs3A_313, %ge3A_353 : vector<16xi32>
    %jit3A_355 = arith.constant 1 : i32
    %jit3A_356 = arith.constant 0 : i32
    %broadcast_in_dim3A_357 = vector.broadcast %jit3A_355 : i32 to vector<16xi32>
    %broadcast_in_dim3A_358 = vector.broadcast %jit3A_356 : i32 to vector<16xi32>
    %select_n3A_359 = arith.select %ge3A_354, %broadcast_in_dim3A_357, %broadcast_in_dim3A_358 : vector<16xi1>, vector<16xi32>
    %add3A_360 = arith.addi %add3A_351, %select_n3A_359 : vector<16xi32>
    %ge3A_361 = arith.constant 64 : i32
    %ge3A_362 = vector.broadcast %ge3A_361 : i32 to vector<16xi32>
    %ge3A_363 = arith.cmpi sge, %abs3A_313, %ge3A_362 : vector<16xi32>
    %jit3A_364 = arith.constant 1 : i32
    %jit3A_365 = arith.constant 0 : i32
    %broadcast_in_dim3A_366 = vector.broadcast %jit3A_364 : i32 to vector<16xi32>
    %broadcast_in_dim3A_367 = vector.broadcast %jit3A_365 : i32 to vector<16xi32>
    %select_n3A_368 = arith.select %ge3A_363, %broadcast_in_dim3A_366, %broadcast_in_dim3A_367 : vector<16xi1>, vector<16xi32>
    %add3A_369 = arith.addi %add3A_360, %select_n3A_368 : vector<16xi32>
    %ge3A_370 = arith.constant 91 : i32
    %ge3A_371 = vector.broadcast %ge3A_370 : i32 to vector<16xi32>
    %ge3A_372 = arith.cmpi sge, %abs3A_313, %ge3A_371 : vector<16xi32>
    %jit3A_373 = arith.constant 1 : i32
    %jit3A_374 = arith.constant 0 : i32
    %broadcast_in_dim3A_375 = vector.broadcast %jit3A_373 : i32 to vector<16xi32>
    %broadcast_in_dim3A_376 = vector.broadcast %jit3A_374 : i32 to vector<16xi32>
    %select_n3A_377 = arith.select %ge3A_372, %broadcast_in_dim3A_375, %broadcast_in_dim3A_376 : vector<16xi1>, vector<16xi32>
    %add3A_378 = arith.addi %add3A_369, %select_n3A_377 : vector<16xi32>
    %lt3A_379 = arith.constant 8 : i32
    %lt3A_380 = vector.broadcast %lt3A_379 : i32 to vector<16xi32>
    %lt3A_381 = arith.cmpi slt, %abs3A_313, %lt3A_380 : vector<16xi32>
    %select_n3A_382 = arith.select %lt3A_381, %abs3A_313, %add3A_378 : vector<16xi1>, vector<16xi32>
    %add3A_383 = arith.addi %select_n3A_312, %select_n3A_382 : vector<16xi32>
    %lt3A_384 = arith.constant 16 : i32
    %lt3A_385 = vector.broadcast %lt3A_384 : i32 to vector<16xi32>
    %lt3A_386 = arith.cmpi slt, %add3A_383, %lt3A_385 : vector<16xi32>
    %jit3A_387 = arith.constant 0 : i32
    %broadcast_in_dim3A_388 = vector.broadcast %jit3A_387 : i32 to vector<16xi32>
    %select_n3A_389 = arith.select %lt3A_386, %add3A_383, %broadcast_in_dim3A_388 : vector<16xi1>, vector<16xi32>
    %sub3A_390 = arith.constant 16 : i32
    %sub3A_391 = vector.broadcast %sub3A_390 : i32 to vector<16xi32>
    %sub3A_392 = arith.subi %add3A_383, %sub3A_391 : vector<16xi32>
    %jit3A_393 = arith.constant 0 : i32
    %broadcast_in_dim3A_394 = vector.broadcast %jit3A_393 : i32 to vector<16xi32>
    %select_n3A_395 = arith.select %lt3A_386, %broadcast_in_dim3A_394, %sub3A_392 : vector<16xi1>, vector<16xi32>
    %iota3A_396 = tpu.iota {dimensions = array<i32: 0>} : vector<16xi32>
    %add3A_397 = arith.constant 64 : i32
    %add3A_398 = arith.addi %mul3A_2, %add3A_397 : i32
    %add3A_399 = vector.broadcast %add3A_398 : i32 to vector<16xi32>
    %add3A_400 = arith.addi %iota3A_396, %add3A_399 : vector<16xi32>
    %sub3A_401 = arith.constant 2047 : i32
    %sub3A_402 = vector.broadcast %sub3A_401 : i32 to vector<16xi32>
    %sub3A_403 = arith.subi %add3A_400, %sub3A_402 : vector<16xi32>
    %add3A_404 = arith.addi %sub3A_403, %get3A_4 : vector<16xi32>
    %gt3A_405 = arith.constant 0 : i32
    %gt3A_406 = vector.broadcast %gt3A_405 : i32 to vector<16xi32>
    %gt3A_407 = arith.cmpi sgt, %add3A_404, %gt3A_406 : vector<16xi32>
    %jit3A_408 = arith.constant 16 : i32
    %jit3A_409 = arith.constant 0 : i32
    %broadcast_in_dim3A_410 = vector.broadcast %jit3A_408 : i32 to vector<16xi32>
    %broadcast_in_dim3A_411 = vector.broadcast %jit3A_409 : i32 to vector<16xi32>
    %select_n3A_412 = arith.select %gt3A_407, %broadcast_in_dim3A_410, %broadcast_in_dim3A_411 : vector<16xi1>, vector<16xi32>
    %abs3A_413 = math.absi %add3A_404 : vector<16xi32>
    %broadcast_in_dim3A_414 = arith.constant 8 : i32
    %broadcast_in_dim3A_415 = vector.broadcast %broadcast_in_dim3A_414 : i32 to vector<16xi32>
    %ge3A_416 = arith.constant 12 : i32
    %ge3A_417 = vector.broadcast %ge3A_416 : i32 to vector<16xi32>
    %ge3A_418 = arith.cmpi sge, %abs3A_413, %ge3A_417 : vector<16xi32>
    %jit3A_419 = arith.constant 1 : i32
    %jit3A_420 = arith.constant 0 : i32
    %broadcast_in_dim3A_421 = vector.broadcast %jit3A_419 : i32 to vector<16xi32>
    %broadcast_in_dim3A_422 = vector.broadcast %jit3A_420 : i32 to vector<16xi32>
    %select_n3A_423 = arith.select %ge3A_418, %broadcast_in_dim3A_421, %broadcast_in_dim3A_422 : vector<16xi1>, vector<16xi32>
    %add3A_424 = arith.addi %broadcast_in_dim3A_415, %select_n3A_423 : vector<16xi32>
    %ge3A_425 = arith.constant 16 : i32
    %ge3A_426 = vector.broadcast %ge3A_425 : i32 to vector<16xi32>
    %ge3A_427 = arith.cmpi sge, %abs3A_413, %ge3A_426 : vector<16xi32>
    %jit3A_428 = arith.constant 1 : i32
    %jit3A_429 = arith.constant 0 : i32
    %broadcast_in_dim3A_430 = vector.broadcast %jit3A_428 : i32 to vector<16xi32>
    %broadcast_in_dim3A_431 = vector.broadcast %jit3A_429 : i32 to vector<16xi32>
    %select_n3A_432 = arith.select %ge3A_427, %broadcast_in_dim3A_430, %broadcast_in_dim3A_431 : vector<16xi1>, vector<16xi32>
    %add3A_433 = arith.addi %add3A_424, %select_n3A_432 : vector<16xi32>
    %ge3A_434 = arith.constant 23 : i32
    %ge3A_435 = vector.broadcast %ge3A_434 : i32 to vector<16xi32>
    %ge3A_436 = arith.cmpi sge, %abs3A_413, %ge3A_435 : vector<16xi32>
    %jit3A_437 = arith.constant 1 : i32
    %jit3A_438 = arith.constant 0 : i32
    %broadcast_in_dim3A_439 = vector.broadcast %jit3A_437 : i32 to vector<16xi32>
    %broadcast_in_dim3A_440 = vector.broadcast %jit3A_438 : i32 to vector<16xi32>
    %select_n3A_441 = arith.select %ge3A_436, %broadcast_in_dim3A_439, %broadcast_in_dim3A_440 : vector<16xi1>, vector<16xi32>
    %add3A_442 = arith.addi %add3A_433, %select_n3A_441 : vector<16xi32>
    %ge3A_443 = arith.constant 32 : i32
    %ge3A_444 = vector.broadcast %ge3A_443 : i32 to vector<16xi32>
    %ge3A_445 = arith.cmpi sge, %abs3A_413, %ge3A_444 : vector<16xi32>
    %jit3A_446 = arith.constant 1 : i32
    %jit3A_447 = arith.constant 0 : i32
    %broadcast_in_dim3A_448 = vector.broadcast %jit3A_446 : i32 to vector<16xi32>
    %broadcast_in_dim3A_449 = vector.broadcast %jit3A_447 : i32 to vector<16xi32>
    %select_n3A_450 = arith.select %ge3A_445, %broadcast_in_dim3A_448, %broadcast_in_dim3A_449 : vector<16xi1>, vector<16xi32>
    %add3A_451 = arith.addi %add3A_442, %select_n3A_450 : vector<16xi32>
    %ge3A_452 = arith.constant 46 : i32
    %ge3A_453 = vector.broadcast %ge3A_452 : i32 to vector<16xi32>
    %ge3A_454 = arith.cmpi sge, %abs3A_413, %ge3A_453 : vector<16xi32>
    %jit3A_455 = arith.constant 1 : i32
    %jit3A_456 = arith.constant 0 : i32
    %broadcast_in_dim3A_457 = vector.broadcast %jit3A_455 : i32 to vector<16xi32>
    %broadcast_in_dim3A_458 = vector.broadcast %jit3A_456 : i32 to vector<16xi32>
    %select_n3A_459 = arith.select %ge3A_454, %broadcast_in_dim3A_457, %broadcast_in_dim3A_458 : vector<16xi1>, vector<16xi32>
    %add3A_460 = arith.addi %add3A_451, %select_n3A_459 : vector<16xi32>
    %ge3A_461 = arith.constant 64 : i32
    %ge3A_462 = vector.broadcast %ge3A_461 : i32 to vector<16xi32>
    %ge3A_463 = arith.cmpi sge, %abs3A_413, %ge3A_462 : vector<16xi32>
    %jit3A_464 = arith.constant 1 : i32
    %jit3A_465 = arith.constant 0 : i32
    %broadcast_in_dim3A_466 = vector.broadcast %jit3A_464 : i32 to vector<16xi32>
    %broadcast_in_dim3A_467 = vector.broadcast %jit3A_465 : i32 to vector<16xi32>
    %select_n3A_468 = arith.select %ge3A_463, %broadcast_in_dim3A_466, %broadcast_in_dim3A_467 : vector<16xi1>, vector<16xi32>
    %add3A_469 = arith.addi %add3A_460, %select_n3A_468 : vector<16xi32>
    %ge3A_470 = arith.constant 91 : i32
    %ge3A_471 = vector.broadcast %ge3A_470 : i32 to vector<16xi32>
    %ge3A_472 = arith.cmpi sge, %abs3A_413, %ge3A_471 : vector<16xi32>
    %jit3A_473 = arith.constant 1 : i32
    %jit3A_474 = arith.constant 0 : i32
    %broadcast_in_dim3A_475 = vector.broadcast %jit3A_473 : i32 to vector<16xi32>
    %broadcast_in_dim3A_476 = vector.broadcast %jit3A_474 : i32 to vector<16xi32>
    %select_n3A_477 = arith.select %ge3A_472, %broadcast_in_dim3A_475, %broadcast_in_dim3A_476 : vector<16xi1>, vector<16xi32>
    %add3A_478 = arith.addi %add3A_469, %select_n3A_477 : vector<16xi32>
    %lt3A_479 = arith.constant 8 : i32
    %lt3A_480 = vector.broadcast %lt3A_479 : i32 to vector<16xi32>
    %lt3A_481 = arith.cmpi slt, %abs3A_413, %lt3A_480 : vector<16xi32>
    %select_n3A_482 = arith.select %lt3A_481, %abs3A_413, %add3A_478 : vector<16xi1>, vector<16xi32>
    %add3A_483 = arith.addi %select_n3A_412, %select_n3A_482 : vector<16xi32>
    %lt3A_484 = arith.constant 16 : i32
    %lt3A_485 = vector.broadcast %lt3A_484 : i32 to vector<16xi32>
    %lt3A_486 = arith.cmpi slt, %add3A_483, %lt3A_485 : vector<16xi32>
    %jit3A_487 = arith.constant 0 : i32
    %broadcast_in_dim3A_488 = vector.broadcast %jit3A_487 : i32 to vector<16xi32>
    %select_n3A_489 = arith.select %lt3A_486, %add3A_483, %broadcast_in_dim3A_488 : vector<16xi1>, vector<16xi32>
    %sub3A_490 = arith.constant 16 : i32
    %sub3A_491 = vector.broadcast %sub3A_490 : i32 to vector<16xi32>
    %sub3A_492 = arith.subi %add3A_483, %sub3A_491 : vector<16xi32>
    %jit3A_493 = arith.constant 0 : i32
    %broadcast_in_dim3A_494 = vector.broadcast %jit3A_493 : i32 to vector<16xi32>
    %select_n3A_495 = arith.select %lt3A_486, %broadcast_in_dim3A_494, %sub3A_492 : vector<16xi1>, vector<16xi32>
    %iota3A_496 = tpu.iota {dimensions = array<i32: 0>} : vector<16xi32>
    %add3A_497 = arith.constant 80 : i32
    %add3A_498 = arith.addi %mul3A_2, %add3A_497 : i32
    %add3A_499 = vector.broadcast %add3A_498 : i32 to vector<16xi32>
    %add3A_500 = arith.addi %iota3A_496, %add3A_499 : vector<16xi32>
    %sub3A_501 = arith.constant 2047 : i32
    %sub3A_502 = vector.broadcast %sub3A_501 : i32 to vector<16xi32>
    %sub3A_503 = arith.subi %add3A_500, %sub3A_502 : vector<16xi32>
    %add3A_504 = arith.addi %sub3A_503, %get3A_4 : vector<16xi32>
    %gt3A_505 = arith.constant 0 : i32
    %gt3A_506 = vector.broadcast %gt3A_505 : i32 to vector<16xi32>
    %gt3A_507 = arith.cmpi sgt, %add3A_504, %gt3A_506 : vector<16xi32>
    %jit3A_508 = arith.constant 16 : i32
    %jit3A_509 = arith.constant 0 : i32
    %broadcast_in_dim3A_510 = vector.broadcast %jit3A_508 : i32 to vector<16xi32>
    %broadcast_in_dim3A_511 = vector.broadcast %jit3A_509 : i32 to vector<16xi32>
    %select_n3A_512 = arith.select %gt3A_507, %broadcast_in_dim3A_510, %broadcast_in_dim3A_511 : vector<16xi1>, vector<16xi32>
    %abs3A_513 = math.absi %add3A_504 : vector<16xi32>
    %broadcast_in_dim3A_514 = arith.constant 8 : i32
    %broadcast_in_dim3A_515 = vector.broadcast %broadcast_in_dim3A_514 : i32 to vector<16xi32>
    %ge3A_516 = arith.constant 12 : i32
    %ge3A_517 = vector.broadcast %ge3A_516 : i32 to vector<16xi32>
    %ge3A_518 = arith.cmpi sge, %abs3A_513, %ge3A_517 : vector<16xi32>
    %jit3A_519 = arith.constant 1 : i32
    %jit3A_520 = arith.constant 0 : i32
    %broadcast_in_dim3A_521 = vector.broadcast %jit3A_519 : i32 to vector<16xi32>
    %broadcast_in_dim3A_522 = vector.broadcast %jit3A_520 : i32 to vector<16xi32>
    %select_n3A_523 = arith.select %ge3A_518, %broadcast_in_dim3A_521, %broadcast_in_dim3A_522 : vector<16xi1>, vector<16xi32>
    %add3A_524 = arith.addi %broadcast_in_dim3A_515, %select_n3A_523 : vector<16xi32>
    %ge3A_525 = arith.constant 16 : i32
    %ge3A_526 = vector.broadcast %ge3A_525 : i32 to vector<16xi32>
    %ge3A_527 = arith.cmpi sge, %abs3A_513, %ge3A_526 : vector<16xi32>
    %jit3A_528 = arith.constant 1 : i32
    %jit3A_529 = arith.constant 0 : i32
    %broadcast_in_dim3A_530 = vector.broadcast %jit3A_528 : i32 to vector<16xi32>
    %broadcast_in_dim3A_531 = vector.broadcast %jit3A_529 : i32 to vector<16xi32>
    %select_n3A_532 = arith.select %ge3A_527, %broadcast_in_dim3A_530, %broadcast_in_dim3A_531 : vector<16xi1>, vector<16xi32>
    %add3A_533 = arith.addi %add3A_524, %select_n3A_532 : vector<16xi32>
    %ge3A_534 = arith.constant 23 : i32
    %ge3A_535 = vector.broadcast %ge3A_534 : i32 to vector<16xi32>
    %ge3A_536 = arith.cmpi sge, %abs3A_513, %ge3A_535 : vector<16xi32>
    %jit3A_537 = arith.constant 1 : i32
    %jit3A_538 = arith.constant 0 : i32
    %broadcast_in_dim3A_539 = vector.broadcast %jit3A_537 : i32 to vector<16xi32>
    %broadcast_in_dim3A_540 = vector.broadcast %jit3A_538 : i32 to vector<16xi32>
    %select_n3A_541 = arith.select %ge3A_536, %broadcast_in_dim3A_539, %broadcast_in_dim3A_540 : vector<16xi1>, vector<16xi32>
    %add3A_542 = arith.addi %add3A_533, %select_n3A_541 : vector<16xi32>
    %ge3A_543 = arith.constant 32 : i32
    %ge3A_544 = vector.broadcast %ge3A_543 : i32 to vector<16xi32>
    %ge3A_545 = arith.cmpi sge, %abs3A_513, %ge3A_544 : vector<16xi32>
    %jit3A_546 = arith.constant 1 : i32
    %jit3A_547 = arith.constant 0 : i32
    %broadcast_in_dim3A_548 = vector.broadcast %jit3A_546 : i32 to vector<16xi32>
    %broadcast_in_dim3A_549 = vector.broadcast %jit3A_547 : i32 to vector<16xi32>
    %select_n3A_550 = arith.select %ge3A_545, %broadcast_in_dim3A_548, %broadcast_in_dim3A_549 : vector<16xi1>, vector<16xi32>
    %add3A_551 = arith.addi %add3A_542, %select_n3A_550 : vector<16xi32>
    %ge3A_552 = arith.constant 46 : i32
    %ge3A_553 = vector.broadcast %ge3A_552 : i32 to vector<16xi32>
    %ge3A_554 = arith.cmpi sge, %abs3A_513, %ge3A_553 : vector<16xi32>
    %jit3A_555 = arith.constant 1 : i32
    %jit3A_556 = arith.constant 0 : i32
    %broadcast_in_dim3A_557 = vector.broadcast %jit3A_555 : i32 to vector<16xi32>
    %broadcast_in_dim3A_558 = vector.broadcast %jit3A_556 : i32 to vector<16xi32>
    %select_n3A_559 = arith.select %ge3A_554, %broadcast_in_dim3A_557, %broadcast_in_dim3A_558 : vector<16xi1>, vector<16xi32>
    %add3A_560 = arith.addi %add3A_551, %select_n3A_559 : vector<16xi32>
    %ge3A_561 = arith.constant 64 : i32
    %ge3A_562 = vector.broadcast %ge3A_561 : i32 to vector<16xi32>
    %ge3A_563 = arith.cmpi sge, %abs3A_513, %ge3A_562 : vector<16xi32>
    %jit3A_564 = arith.constant 1 : i32
    %jit3A_565 = arith.constant 0 : i32
    %broadcast_in_dim3A_566 = vector.broadcast %jit3A_564 : i32 to vector<16xi32>
    %broadcast_in_dim3A_567 = vector.broadcast %jit3A_565 : i32 to vector<16xi32>
    %select_n3A_568 = arith.select %ge3A_563, %broadcast_in_dim3A_566, %broadcast_in_dim3A_567 : vector<16xi1>, vector<16xi32>
    %add3A_569 = arith.addi %add3A_560, %select_n3A_568 : vector<16xi32>
    %ge3A_570 = arith.constant 91 : i32
    %ge3A_571 = vector.broadcast %ge3A_570 : i32 to vector<16xi32>
    %ge3A_572 = arith.cmpi sge, %abs3A_513, %ge3A_571 : vector<16xi32>
    %jit3A_573 = arith.constant 1 : i32
    %jit3A_574 = arith.constant 0 : i32
    %broadcast_in_dim3A_575 = vector.broadcast %jit3A_573 : i32 to vector<16xi32>
    %broadcast_in_dim3A_576 = vector.broadcast %jit3A_574 : i32 to vector<16xi32>
    %select_n3A_577 = arith.select %ge3A_572, %broadcast_in_dim3A_575, %broadcast_in_dim3A_576 : vector<16xi1>, vector<16xi32>
    %add3A_578 = arith.addi %add3A_569, %select_n3A_577 : vector<16xi32>
    %lt3A_579 = arith.constant 8 : i32
    %lt3A_580 = vector.broadcast %lt3A_579 : i32 to vector<16xi32>
    %lt3A_581 = arith.cmpi slt, %abs3A_513, %lt3A_580 : vector<16xi32>
    %select_n3A_582 = arith.select %lt3A_581, %abs3A_513, %add3A_578 : vector<16xi1>, vector<16xi32>
    %add3A_583 = arith.addi %select_n3A_512, %select_n3A_582 : vector<16xi32>
    %lt3A_584 = arith.constant 16 : i32
    %lt3A_585 = vector.broadcast %lt3A_584 : i32 to vector<16xi32>
    %lt3A_586 = arith.cmpi slt, %add3A_583, %lt3A_585 : vector<16xi32>
    %jit3A_587 = arith.constant 0 : i32
    %broadcast_in_dim3A_588 = vector.broadcast %jit3A_587 : i32 to vector<16xi32>
    %select_n3A_589 = arith.select %lt3A_586, %add3A_583, %broadcast_in_dim3A_588 : vector<16xi1>, vector<16xi32>
    %sub3A_590 = arith.constant 16 : i32
    %sub3A_591 = vector.broadcast %sub3A_590 : i32 to vector<16xi32>
    %sub3A_592 = arith.subi %add3A_583, %sub3A_591 : vector<16xi32>
    %jit3A_593 = arith.constant 0 : i32
    %broadcast_in_dim3A_594 = vector.broadcast %jit3A_593 : i32 to vector<16xi32>
    %select_n3A_595 = arith.select %lt3A_586, %broadcast_in_dim3A_594, %sub3A_592 : vector<16xi1>, vector<16xi32>
    %iota3A_596 = tpu.iota {dimensions = array<i32: 0>} : vector<16xi32>
    %add3A_597 = arith.constant 96 : i32
    %add3A_598 = arith.addi %mul3A_2, %add3A_597 : i32
    %add3A_599 = vector.broadcast %add3A_598 : i32 to vector<16xi32>
    %add3A_600 = arith.addi %iota3A_596, %add3A_599 : vector<16xi32>
    %sub3A_601 = arith.constant 2047 : i32
    %sub3A_602 = vector.broadcast %sub3A_601 : i32 to vector<16xi32>
    %sub3A_603 = arith.subi %add3A_600, %sub3A_602 : vector<16xi32>
    %add3A_604 = arith.addi %sub3A_603, %get3A_4 : vector<16xi32>
    %gt3A_605 = arith.constant 0 : i32
    %gt3A_606 = vector.broadcast %gt3A_605 : i32 to vector<16xi32>
    %gt3A_607 = arith.cmpi sgt, %add3A_604, %gt3A_606 : vector<16xi32>
    %jit3A_608 = arith.constant 16 : i32
    %jit3A_609 = arith.constant 0 : i32
    %broadcast_in_dim3A_610 = vector.broadcast %jit3A_608 : i32 to vector<16xi32>
    %broadcast_in_dim3A_611 = vector.broadcast %jit3A_609 : i32 to vector<16xi32>
    %select_n3A_612 = arith.select %gt3A_607, %broadcast_in_dim3A_610, %broadcast_in_dim3A_611 : vector<16xi1>, vector<16xi32>
    %abs3A_613 = math.absi %add3A_604 : vector<16xi32>
    %broadcast_in_dim3A_614 = arith.constant 8 : i32
    %broadcast_in_dim3A_615 = vector.broadcast %broadcast_in_dim3A_614 : i32 to vector<16xi32>
    %ge3A_616 = arith.constant 12 : i32
    %ge3A_617 = vector.broadcast %ge3A_616 : i32 to vector<16xi32>
    %ge3A_618 = arith.cmpi sge, %abs3A_613, %ge3A_617 : vector<16xi32>
    %jit3A_619 = arith.constant 1 : i32
    %jit3A_620 = arith.constant 0 : i32
    %broadcast_in_dim3A_621 = vector.broadcast %jit3A_619 : i32 to vector<16xi32>
    %broadcast_in_dim3A_622 = vector.broadcast %jit3A_620 : i32 to vector<16xi32>
    %select_n3A_623 = arith.select %ge3A_618, %broadcast_in_dim3A_621, %broadcast_in_dim3A_622 : vector<16xi1>, vector<16xi32>
    %add3A_624 = arith.addi %broadcast_in_dim3A_615, %select_n3A_623 : vector<16xi32>
    %ge3A_625 = arith.constant 16 : i32
    %ge3A_626 = vector.broadcast %ge3A_625 : i32 to vector<16xi32>
    %ge3A_627 = arith.cmpi sge, %abs3A_613, %ge3A_626 : vector<16xi32>
    %jit3A_628 = arith.constant 1 : i32
    %jit3A_629 = arith.constant 0 : i32
    %broadcast_in_dim3A_630 = vector.broadcast %jit3A_628 : i32 to vector<16xi32>
    %broadcast_in_dim3A_631 = vector.broadcast %jit3A_629 : i32 to vector<16xi32>
    %select_n3A_632 = arith.select %ge3A_627, %broadcast_in_dim3A_630, %broadcast_in_dim3A_631 : vector<16xi1>, vector<16xi32>
    %add3A_633 = arith.addi %add3A_624, %select_n3A_632 : vector<16xi32>
    %ge3A_634 = arith.constant 23 : i32
    %ge3A_635 = vector.broadcast %ge3A_634 : i32 to vector<16xi32>
    %ge3A_636 = arith.cmpi sge, %abs3A_613, %ge3A_635 : vector<16xi32>
    %jit3A_637 = arith.constant 1 : i32
    %jit3A_638 = arith.constant 0 : i32
    %broadcast_in_dim3A_639 = vector.broadcast %jit3A_637 : i32 to vector<16xi32>
    %broadcast_in_dim3A_640 = vector.broadcast %jit3A_638 : i32 to vector<16xi32>
    %select_n3A_641 = arith.select %ge3A_636, %broadcast_in_dim3A_639, %broadcast_in_dim3A_640 : vector<16xi1>, vector<16xi32>
    %add3A_642 = arith.addi %add3A_633, %select_n3A_641 : vector<16xi32>
    %ge3A_643 = arith.constant 32 : i32
    %ge3A_644 = vector.broadcast %ge3A_643 : i32 to vector<16xi32>
    %ge3A_645 = arith.cmpi sge, %abs3A_613, %ge3A_644 : vector<16xi32>
    %jit3A_646 = arith.constant 1 : i32
    %jit3A_647 = arith.constant 0 : i32
    %broadcast_in_dim3A_648 = vector.broadcast %jit3A_646 : i32 to vector<16xi32>
    %broadcast_in_dim3A_649 = vector.broadcast %jit3A_647 : i32 to vector<16xi32>
    %select_n3A_650 = arith.select %ge3A_645, %broadcast_in_dim3A_648, %broadcast_in_dim3A_649 : vector<16xi1>, vector<16xi32>
    %add3A_651 = arith.addi %add3A_642, %select_n3A_650 : vector<16xi32>
    %ge3A_652 = arith.constant 46 : i32
    %ge3A_653 = vector.broadcast %ge3A_652 : i32 to vector<16xi32>
    %ge3A_654 = arith.cmpi sge, %abs3A_613, %ge3A_653 : vector<16xi32>
    %jit3A_655 = arith.constant 1 : i32
    %jit3A_656 = arith.constant 0 : i32
    %broadcast_in_dim3A_657 = vector.broadcast %jit3A_655 : i32 to vector<16xi32>
    %broadcast_in_dim3A_658 = vector.broadcast %jit3A_656 : i32 to vector<16xi32>
    %select_n3A_659 = arith.select %ge3A_654, %broadcast_in_dim3A_657, %broadcast_in_dim3A_658 : vector<16xi1>, vector<16xi32>
    %add3A_660 = arith.addi %add3A_651, %select_n3A_659 : vector<16xi32>
    %ge3A_661 = arith.constant 64 : i32
    %ge3A_662 = vector.broadcast %ge3A_661 : i32 to vector<16xi32>
    %ge3A_663 = arith.cmpi sge, %abs3A_613, %ge3A_662 : vector<16xi32>
    %jit3A_664 = arith.constant 1 : i32
    %jit3A_665 = arith.constant 0 : i32
    %broadcast_in_dim3A_666 = vector.broadcast %jit3A_664 : i32 to vector<16xi32>
    %broadcast_in_dim3A_667 = vector.broadcast %jit3A_665 : i32 to vector<16xi32>
    %select_n3A_668 = arith.select %ge3A_663, %broadcast_in_dim3A_666, %broadcast_in_dim3A_667 : vector<16xi1>, vector<16xi32>
    %add3A_669 = arith.addi %add3A_660, %select_n3A_668 : vector<16xi32>
    %ge3A_670 = arith.constant 91 : i32
    %ge3A_671 = vector.broadcast %ge3A_670 : i32 to vector<16xi32>
    %ge3A_672 = arith.cmpi sge, %abs3A_613, %ge3A_671 : vector<16xi32>
    %jit3A_673 = arith.constant 1 : i32
    %jit3A_674 = arith.constant 0 : i32
    %broadcast_in_dim3A_675 = vector.broadcast %jit3A_673 : i32 to vector<16xi32>
    %broadcast_in_dim3A_676 = vector.broadcast %jit3A_674 : i32 to vector<16xi32>
    %select_n3A_677 = arith.select %ge3A_672, %broadcast_in_dim3A_675, %broadcast_in_dim3A_676 : vector<16xi1>, vector<16xi32>
    %add3A_678 = arith.addi %add3A_669, %select_n3A_677 : vector<16xi32>
    %lt3A_679 = arith.constant 8 : i32
    %lt3A_680 = vector.broadcast %lt3A_679 : i32 to vector<16xi32>
    %lt3A_681 = arith.cmpi slt, %abs3A_613, %lt3A_680 : vector<16xi32>
    %select_n3A_682 = arith.select %lt3A_681, %abs3A_613, %add3A_678 : vector<16xi1>, vector<16xi32>
    %add3A_683 = arith.addi %select_n3A_612, %select_n3A_682 : vector<16xi32>
    %lt3A_684 = arith.constant 16 : i32
    %lt3A_685 = vector.broadcast %lt3A_684 : i32 to vector<16xi32>
    %lt3A_686 = arith.cmpi slt, %add3A_683, %lt3A_685 : vector<16xi32>
    %jit3A_687 = arith.constant 0 : i32
    %broadcast_in_dim3A_688 = vector.broadcast %jit3A_687 : i32 to vector<16xi32>
    %select_n3A_689 = arith.select %lt3A_686, %add3A_683, %broadcast_in_dim3A_688 : vector<16xi1>, vector<16xi32>
    %sub3A_690 = arith.constant 16 : i32
    %sub3A_691 = vector.broadcast %sub3A_690 : i32 to vector<16xi32>
    %sub3A_692 = arith.subi %add3A_683, %sub3A_691 : vector<16xi32>
    %jit3A_693 = arith.constant 0 : i32
    %broadcast_in_dim3A_694 = vector.broadcast %jit3A_693 : i32 to vector<16xi32>
    %select_n3A_695 = arith.select %lt3A_686, %broadcast_in_dim3A_694, %sub3A_692 : vector<16xi1>, vector<16xi32>
    %iota3A_696 = tpu.iota {dimensions = array<i32: 0>} : vector<16xi32>
    %add3A_697 = arith.constant 112 : i32
    %add3A_698 = arith.addi %mul3A_2, %add3A_697 : i32
    %add3A_699 = vector.broadcast %add3A_698 : i32 to vector<16xi32>
    %add3A_700 = arith.addi %iota3A_696, %add3A_699 : vector<16xi32>
    %sub3A_701 = arith.constant 2047 : i32
    %sub3A_702 = vector.broadcast %sub3A_701 : i32 to vector<16xi32>
    %sub3A_703 = arith.subi %add3A_700, %sub3A_702 : vector<16xi32>
    %add3A_704 = arith.addi %sub3A_703, %get3A_4 : vector<16xi32>
    %gt3A_705 = arith.constant 0 : i32
    %gt3A_706 = vector.broadcast %gt3A_705 : i32 to vector<16xi32>
    %gt3A_707 = arith.cmpi sgt, %add3A_704, %gt3A_706 : vector<16xi32>
    %jit3A_708 = arith.constant 16 : i32
    %jit3A_709 = arith.constant 0 : i32
    %broadcast_in_dim3A_710 = vector.broadcast %jit3A_708 : i32 to vector<16xi32>
    %broadcast_in_dim3A_711 = vector.broadcast %jit3A_709 : i32 to vector<16xi32>
    %select_n3A_712 = arith.select %gt3A_707, %broadcast_in_dim3A_710, %broadcast_in_dim3A_711 : vector<16xi1>, vector<16xi32>
    %abs3A_713 = math.absi %add3A_704 : vector<16xi32>
    %broadcast_in_dim3A_714 = arith.constant 8 : i32
    %broadcast_in_dim3A_715 = vector.broadcast %broadcast_in_dim3A_714 : i32 to vector<16xi32>
    %ge3A_716 = arith.constant 12 : i32
    %ge3A_717 = vector.broadcast %ge3A_716 : i32 to vector<16xi32>
    %ge3A_718 = arith.cmpi sge, %abs3A_713, %ge3A_717 : vector<16xi32>
    %jit3A_719 = arith.constant 1 : i32
    %jit3A_720 = arith.constant 0 : i32
    %broadcast_in_dim3A_721 = vector.broadcast %jit3A_719 : i32 to vector<16xi32>
    %broadcast_in_dim3A_722 = vector.broadcast %jit3A_720 : i32 to vector<16xi32>
    %select_n3A_723 = arith.select %ge3A_718, %broadcast_in_dim3A_721, %broadcast_in_dim3A_722 : vector<16xi1>, vector<16xi32>
    %add3A_724 = arith.addi %broadcast_in_dim3A_715, %select_n3A_723 : vector<16xi32>
    %ge3A_725 = arith.constant 16 : i32
    %ge3A_726 = vector.broadcast %ge3A_725 : i32 to vector<16xi32>
    %ge3A_727 = arith.cmpi sge, %abs3A_713, %ge3A_726 : vector<16xi32>
    %jit3A_728 = arith.constant 1 : i32
    %jit3A_729 = arith.constant 0 : i32
    %broadcast_in_dim3A_730 = vector.broadcast %jit3A_728 : i32 to vector<16xi32>
    %broadcast_in_dim3A_731 = vector.broadcast %jit3A_729 : i32 to vector<16xi32>
    %select_n3A_732 = arith.select %ge3A_727, %broadcast_in_dim3A_730, %broadcast_in_dim3A_731 : vector<16xi1>, vector<16xi32>
    %add3A_733 = arith.addi %add3A_724, %select_n3A_732 : vector<16xi32>
    %ge3A_734 = arith.constant 23 : i32
    %ge3A_735 = vector.broadcast %ge3A_734 : i32 to vector<16xi32>
    %ge3A_736 = arith.cmpi sge, %abs3A_713, %ge3A_735 : vector<16xi32>
    %jit3A_737 = arith.constant 1 : i32
    %jit3A_738 = arith.constant 0 : i32
    %broadcast_in_dim3A_739 = vector.broadcast %jit3A_737 : i32 to vector<16xi32>
    %broadcast_in_dim3A_740 = vector.broadcast %jit3A_738 : i32 to vector<16xi32>
    %select_n3A_741 = arith.select %ge3A_736, %broadcast_in_dim3A_739, %broadcast_in_dim3A_740 : vector<16xi1>, vector<16xi32>
    %add3A_742 = arith.addi %add3A_733, %select_n3A_741 : vector<16xi32>
    %ge3A_743 = arith.constant 32 : i32
    %ge3A_744 = vector.broadcast %ge3A_743 : i32 to vector<16xi32>
    %ge3A_745 = arith.cmpi sge, %abs3A_713, %ge3A_744 : vector<16xi32>
    %jit3A_746 = arith.constant 1 : i32
    %jit3A_747 = arith.constant 0 : i32
    %broadcast_in_dim3A_748 = vector.broadcast %jit3A_746 : i32 to vector<16xi32>
    %broadcast_in_dim3A_749 = vector.broadcast %jit3A_747 : i32 to vector<16xi32>
    %select_n3A_750 = arith.select %ge3A_745, %broadcast_in_dim3A_748, %broadcast_in_dim3A_749 : vector<16xi1>, vector<16xi32>
    %add3A_751 = arith.addi %add3A_742, %select_n3A_750 : vector<16xi32>
    %ge3A_752 = arith.constant 46 : i32
    %ge3A_753 = vector.broadcast %ge3A_752 : i32 to vector<16xi32>
    %ge3A_754 = arith.cmpi sge, %abs3A_713, %ge3A_753 : vector<16xi32>
    %jit3A_755 = arith.constant 1 : i32
    %jit3A_756 = arith.constant 0 : i32
    %broadcast_in_dim3A_757 = vector.broadcast %jit3A_755 : i32 to vector<16xi32>
    %broadcast_in_dim3A_758 = vector.broadcast %jit3A_756 : i32 to vector<16xi32>
    %select_n3A_759 = arith.select %ge3A_754, %broadcast_in_dim3A_757, %broadcast_in_dim3A_758 : vector<16xi1>, vector<16xi32>
    %add3A_760 = arith.addi %add3A_751, %select_n3A_759 : vector<16xi32>
    %ge3A_761 = arith.constant 64 : i32
    %ge3A_762 = vector.broadcast %ge3A_761 : i32 to vector<16xi32>
    %ge3A_763 = arith.cmpi sge, %abs3A_713, %ge3A_762 : vector<16xi32>
    %jit3A_764 = arith.constant 1 : i32
    %jit3A_765 = arith.constant 0 : i32
    %broadcast_in_dim3A_766 = vector.broadcast %jit3A_764 : i32 to vector<16xi32>
    %broadcast_in_dim3A_767 = vector.broadcast %jit3A_765 : i32 to vector<16xi32>
    %select_n3A_768 = arith.select %ge3A_763, %broadcast_in_dim3A_766, %broadcast_in_dim3A_767 : vector<16xi1>, vector<16xi32>
    %add3A_769 = arith.addi %add3A_760, %select_n3A_768 : vector<16xi32>
    %ge3A_770 = arith.constant 91 : i32
    %ge3A_771 = vector.broadcast %ge3A_770 : i32 to vector<16xi32>
    %ge3A_772 = arith.cmpi sge, %abs3A_713, %ge3A_771 : vector<16xi32>
    %jit3A_773 = arith.constant 1 : i32
    %jit3A_774 = arith.constant 0 : i32
    %broadcast_in_dim3A_775 = vector.broadcast %jit3A_773 : i32 to vector<16xi32>
    %broadcast_in_dim3A_776 = vector.broadcast %jit3A_774 : i32 to vector<16xi32>
    %select_n3A_777 = arith.select %ge3A_772, %broadcast_in_dim3A_775, %broadcast_in_dim3A_776 : vector<16xi1>, vector<16xi32>
    %add3A_778 = arith.addi %add3A_769, %select_n3A_777 : vector<16xi32>
    %lt3A_779 = arith.constant 8 : i32
    %lt3A_780 = vector.broadcast %lt3A_779 : i32 to vector<16xi32>
    %lt3A_781 = arith.cmpi slt, %abs3A_713, %lt3A_780 : vector<16xi32>
    %select_n3A_782 = arith.select %lt3A_781, %abs3A_713, %add3A_778 : vector<16xi1>, vector<16xi32>
    %add3A_783 = arith.addi %select_n3A_712, %select_n3A_782 : vector<16xi32>
    %lt3A_784 = arith.constant 16 : i32
    %lt3A_785 = vector.broadcast %lt3A_784 : i32 to vector<16xi32>
    %lt3A_786 = arith.cmpi slt, %add3A_783, %lt3A_785 : vector<16xi32>
    %jit3A_787 = arith.constant 0 : i32
    %broadcast_in_dim3A_788 = vector.broadcast %jit3A_787 : i32 to vector<16xi32>
    %select_n3A_789 = arith.select %lt3A_786, %add3A_783, %broadcast_in_dim3A_788 : vector<16xi1>, vector<16xi32>
    %sub3A_790 = arith.constant 16 : i32
    %sub3A_791 = vector.broadcast %sub3A_790 : i32 to vector<16xi32>
    %sub3A_792 = arith.subi %add3A_783, %sub3A_791 : vector<16xi32>
    %jit3A_793 = arith.constant 0 : i32
    %broadcast_in_dim3A_794 = vector.broadcast %jit3A_793 : i32 to vector<16xi32>
    %select_n3A_795 = arith.select %lt3A_786, %broadcast_in_dim3A_794, %sub3A_792 : vector<16xi1>, vector<16xi32>
    %get3A_796 = arith.constant 0 : index
    %get3A_797 = tpu.vector_load %arg5[%get3A_796] {strides = array<i32>} : memref<512xf32, #tpu.memory_space<vmem>>, vector<16xf32>,
    %get3A_798 = vector.shape_cast %get3A_797 : vector<16xf32> to vector<16xf32>
    %get3A_799 = arith.constant 16 : index
    %get3A_800 = tpu.vector_load %arg5[%get3A_799] {strides = array<i32>} : memref<512xf32, #tpu.memory_space<vmem>>, vector<16xf32>,
    %get3A_801 = vector.shape_cast %get3A_800 : vector<16xf32> to vector<16xf32>
    %broadcast_in_dim3A_802 = vector.shape_cast %select_n3A_89 : vector<16xi32> to vector<16x1xi32>
    %gather3A = vector.shape_cast %broadcast_in_dim3A_802 : vector<16x1xi32> to vector<16xi32>
    %gather3A_803 = tpu.dynamic_gather %get3A_798[%gather3A] in [0] : vector<16xf32>, vector<16xi32> -> vector<16xf32>
    %broadcast_in_dim3A_804 = vector.shape_cast %select_n3A_95 : vector<16xi32> to vector<16x1xi32>
    %gather3A_805 = vector.shape_cast %broadcast_in_dim3A_804 : vector<16x1xi32> to vector<16xi32>
    %gather3A_806 = tpu.dynamic_gather %get3A_801[%gather3A_805] in [0] : vector<16xf32>, vector<16xi32> -> vector<16xf32>
    %select_n3A_807 = arith.select %lt3A_86, %gather3A_803, %gather3A_806 : vector<16xi1>, vector<16xf32>
    %swap3A = arith.constant 0 : i32
    %swap3A_808 = arith.index_cast %swap3A : i32 to index
    %swap3A_809 = arith.constant 0 : index
    %swap3A_810 = tpu.vector_load %arg7[%swap3A_808, %swap3A_809] {strides = array<i32>} : memref<16x128xf32, #tpu.memory_space<vmem>>, vector<1x16xf32>,
    %swap3A_811 = vector.shape_cast %swap3A_810 : vector<1x16xf32> to vector<16xf32>
    %swap3A_812 = vector.shape_cast %select_n3A_807 : vector<16xf32> to vector<1x16xf32>
    tpu.vector_store %arg7[%swap3A_808, %swap3A_809], %swap3A_812 {strides = array<i32>} : memref<16x128xf32, #tpu.memory_space<vmem>>, vector<1x16xf32>,
    %broadcast_in_dim3A_813 = vector.shape_cast %select_n3A_189 : vector<16xi32> to vector<16x1xi32>
    %gather3A_814 = vector.shape_cast %broadcast_in_dim3A_813 : vector<16x1xi32> to vector<16xi32>
    %gather3A_815 = tpu.dynamic_gather %get3A_798[%gather3A_814] in [0] : vector<16xf32>, vector<16xi32> -> vector<16xf32>
    %broadcast_in_dim3A_816 = vector.shape_cast %select_n3A_195 : vector<16xi32> to vector<16x1xi32>
    %gather3A_817 = vector.shape_cast %broadcast_in_dim3A_816 : vector<16x1xi32> to vector<16xi32>
    %gather3A_818 = tpu.dynamic_gather %get3A_801[%gather3A_817] in [0] : vector<16xf32>, vector<16xi32> -> vector<16xf32>
    %select_n3A_819 = arith.select %lt3A_186, %gather3A_815, %gather3A_818 : vector<16xi1>, vector<16xf32>
    %swap3A_820 = arith.constant 0 : i32
    %swap3A_821 = arith.index_cast %swap3A_820 : i32 to index
    %swap3A_822 = arith.constant 16 : index
    %swap3A_823 = tpu.vector_load %arg7[%swap3A_821, %swap3A_822] {strides = array<i32>} : memref<16x128xf32, #tpu.memory_space<vmem>>, vector<1x16xf32>,
    %swap3A_824 = vector.shape_cast %swap3A_823 : vector<1x16xf32> to vector<16xf32>
    %swap3A_825 = vector.shape_cast %select_n3A_819 : vector<16xf32> to vector<1x16xf32>
    tpu.vector_store %arg7[%swap3A_821, %swap3A_822], %swap3A_825 {strides = array<i32>} : memref<16x128xf32, #tpu.memory_space<vmem>>, vector<1x16xf32>,
    %broadcast_in_dim3A_826 = vector.shape_cast %select_n3A_289 : vector<16xi32> to vector<16x1xi32>
    %gather3A_827 = vector.shape_cast %broadcast_in_dim3A_826 : vector<16x1xi32> to vector<16xi32>
    %gather3A_828 = tpu.dynamic_gather %get3A_798[%gather3A_827] in [0] : vector<16xf32>, vector<16xi32> -> vector<16xf32>
    %broadcast_in_dim3A_829 = vector.shape_cast %select_n3A_295 : vector<16xi32> to vector<16x1xi32>
    %gather3A_830 = vector.shape_cast %broadcast_in_dim3A_829 : vector<16x1xi32> to vector<16xi32>
    %gather3A_831 = tpu.dynamic_gather %get3A_801[%gather3A_830] in [0] : vector<16xf32>, vector<16xi32> -> vector<16xf32>
    %select_n3A_832 = arith.select %lt3A_286, %gather3A_828, %gather3A_831 : vector<16xi1>, vector<16xf32>
    %swap3A_833 = arith.constant 0 : i32
    %swap3A_834 = arith.index_cast %swap3A_833 : i32 to index
    %swap3A_835 = arith.constant 32 : index
    %swap3A_836 = tpu.vector_load %arg7[%swap3A_834, %swap3A_835] {strides = array<i32>} : memref<16x128xf32, #tpu.memory_space<vmem>>, vector<1x16xf32>,
    %swap3A_837 = vector.shape_cast %swap3A_836 : vector<1x16xf32> to vector<16xf32>
    %swap3A_838 = vector.shape_cast %select_n3A_832 : vector<16xf32> to vector<1x16xf32>
    tpu.vector_store %arg7[%swap3A_834, %swap3A_835], %swap3A_838 {strides = array<i32>} : memref<16x128xf32, #tpu.memory_space<vmem>>, vector<1x16xf32>,
    %broadcast_in_dim3A_839 = vector.shape_cast %select_n3A_389 : vector<16xi32> to vector<16x1xi32>
    %gather3A_840 = vector.shape_cast %broadcast_in_dim3A_839 : vector<16x1xi32> to vector<16xi32>
    %gather3A_841 = tpu.dynamic_gather %get3A_798[%gather3A_840] in [0] : vector<16xf32>, vector<16xi32> -> vector<16xf32>
    %broadcast_in_dim3A_842 = vector.shape_cast %select_n3A_395 : vector<16xi32> to vector<16x1xi32>
    %gather3A_843 = vector.shape_cast %broadcast_in_dim3A_842 : vector<16x1xi32> to vector<16xi32>
    %gather3A_844 = tpu.dynamic_gather %get3A_801[%gather3A_843] in [0] : vector<16xf32>, vector<16xi32> -> vector<16xf32>
    %select_n3A_845 = arith.select %lt3A_386, %gather3A_841, %gather3A_844 : vector<16xi1>, vector<16xf32>
    %swap3A_846 = arith.constant 0 : i32
    %swap3A_847 = arith.index_cast %swap3A_846 : i32 to index
    %swap3A_848 = arith.constant 48 : index
    %swap3A_849 = tpu.vector_load %arg7[%swap3A_847, %swap3A_848] {strides = array<i32>} : memref<16x128xf32, #tpu.memory_space<vmem>>, vector<1x16xf32>,
    %swap3A_850 = vector.shape_cast %swap3A_849 : vector<1x16xf32> to vector<16xf32>
    %swap3A_851 = vector.shape_cast %select_n3A_845 : vector<16xf32> to vector<1x16xf32>
    tpu.vector_store %arg7[%swap3A_847, %swap3A_848], %swap3A_851 {strides = array<i32>} : memref<16x128xf32, #tpu.memory_space<vmem>>, vector<1x16xf32>,
    %broadcast_in_dim3A_852 = vector.shape_cast %select_n3A_489 : vector<16xi32> to vector<16x1xi32>
    %gather3A_853 = vector.shape_cast %broadcast_in_dim3A_852 : vector<16x1xi32> to vector<16xi32>
    %gather3A_854 = tpu.dynamic_gather %get3A_798[%gather3A_853] in [0] : vector<16xf32>, vector<16xi32> -> vector<16xf32>
    %broadcast_in_dim3A_855 = vector.shape_cast %select_n3A_495 : vector<16xi32> to vector<16x1xi32>
    %gather3A_856 = vector.shape_cast %broadcast_in_dim3A_855 : vector<16x1xi32> to vector<16xi32>
    %gather3A_857 = tpu.dynamic_gather %get3A_801[%gather3A_856] in [0] : vector<16xf32>, vector<16xi32> -> vector<16xf32>
    %select_n3A_858 = arith.select %lt3A_486, %gather3A_854, %gather3A_857 : vector<16xi1>, vector<16xf32>
    %swap3A_859 = arith.constant 0 : i32
    %swap3A_860 = arith.index_cast %swap3A_859 : i32 to index
    %swap3A_861 = arith.constant 64 : index
    %swap3A_862 = tpu.vector_load %arg7[%swap3A_860, %swap3A_861] {strides = array<i32>} : memref<16x128xf32, #tpu.memory_space<vmem>>, vector<1x16xf32>,
    %swap3A_863 = vector.shape_cast %swap3A_862 : vector<1x16xf32> to vector<16xf32>
    %swap3A_864 = vector.shape_cast %select_n3A_858 : vector<16xf32> to vector<1x16xf32>
    tpu.vector_store %arg7[%swap3A_860, %swap3A_861], %swap3A_864 {strides = array<i32>} : memref<16x128xf32, #tpu.memory_space<vmem>>, vector<1x16xf32>,
    %broadcast_in_dim3A_865 = vector.shape_cast %select_n3A_589 : vector<16xi32> to vector<16x1xi32>
    %gather3A_866 = vector.shape_cast %broadcast_in_dim3A_865 : vector<16x1xi32> to vector<16xi32>
    %gather3A_867 = tpu.dynamic_gather %get3A_798[%gather3A_866] in [0] : vector<16xf32>, vector<16xi32> -> vector<16xf32>
    %broadcast_in_dim3A_868 = vector.shape_cast %select_n3A_595 : vector<16xi32> to vector<16x1xi32>
    %gather3A_869 = vector.shape_cast %broadcast_in_dim3A_868 : vector<16x1xi32> to vector<16xi32>
    %gather3A_870 = tpu.dynamic_gather %get3A_801[%gather3A_869] in [0] : vector<16xf32>, vector<16xi32> -> vector<16xf32>
    %select_n3A_871 = arith.select %lt3A_586, %gather3A_867, %gather3A_870 : vector<16xi1>, vector<16xf32>
    %swap3A_872 = arith.constant 0 : i32
    %swap3A_873 = arith.index_cast %swap3A_872 : i32 to index
    %swap3A_874 = arith.constant 80 : index
    %swap3A_875 = tpu.vector_load %arg7[%swap3A_873, %swap3A_874] {strides = array<i32>} : memref<16x128xf32, #tpu.memory_space<vmem>>, vector<1x16xf32>,
    %swap3A_876 = vector.shape_cast %swap3A_875 : vector<1x16xf32> to vector<16xf32>
    %swap3A_877 = vector.shape_cast %select_n3A_871 : vector<16xf32> to vector<1x16xf32>
    tpu.vector_store %arg7[%swap3A_873, %swap3A_874], %swap3A_877 {strides = array<i32>} : memref<16x128xf32, #tpu.memory_space<vmem>>, vector<1x16xf32>,
    %broadcast_in_dim3A_878 = vector.shape_cast %select_n3A_689 : vector<16xi32> to vector<16x1xi32>
    %gather3A_879 = vector.shape_cast %broadcast_in_dim3A_878 : vector<16x1xi32> to vector<16xi32>
    %gather3A_880 = tpu.dynamic_gather %get3A_798[%gather3A_879] in [0] : vector<16xf32>, vector<16xi32> -> vector<16xf32>
    %broadcast_in_dim3A_881 = vector.shape_cast %select_n3A_695 : vector<16xi32> to vector<16x1xi32>
    %gather3A_882 = vector.shape_cast %broadcast_in_dim3A_881 : vector<16x1xi32> to vector<16xi32>
    %gather3A_883 = tpu.dynamic_gather %get3A_801[%gather3A_882] in [0] : vector<16xf32>, vector<16xi32> -> vector<16xf32>
    %select_n3A_884 = arith.select %lt3A_686, %gather3A_880, %gather3A_883 : vector<16xi1>, vector<16xf32>
    %swap3A_885 = arith.constant 0 : i32
    %swap3A_886 = arith.index_cast %swap3A_885 : i32 to index
    %swap3A_887 = arith.constant 96 : index
    %swap3A_888 = tpu.vector_load %arg7[%swap3A_886, %swap3A_887] {strides = array<i32>} : memref<16x128xf32, #tpu.memory_space<vmem>>, vector<1x16xf32>,
    %swap3A_889 = vector.shape_cast %swap3A_888 : vector<1x16xf32> to vector<16xf32>
    %swap3A_890 = vector.shape_cast %select_n3A_884 : vector<16xf32> to vector<1x16xf32>
    tpu.vector_store %arg7[%swap3A_886, %swap3A_887], %swap3A_890 {strides = array<i32>} : memref<16x128xf32, #tpu.memory_space<vmem>>, vector<1x16xf32>,
    %broadcast_in_dim3A_891 = vector.shape_cast %select_n3A_789 : vector<16xi32> to vector<16x1xi32>
    %gather3A_892 = vector.shape_cast %broadcast_in_dim3A_891 : vector<16x1xi32> to vector<16xi32>
    %gather3A_893 = tpu.dynamic_gather %get3A_798[%gather3A_892] in [0] : vector<16xf32>, vector<16xi32> -> vector<16xf32>
    %broadcast_in_dim3A_894 = vector.shape_cast %select_n3A_795 : vector<16xi32> to vector<16x1xi32>
    %gather3A_895 = vector.shape_cast %broadcast_in_dim3A_894 : vector<16x1xi32> to vector<16xi32>
    %gather3A_896 = tpu.dynamic_gather %get3A_801[%gather3A_895] in [0] : vector<16xf32>, vector<16xi32> -> vector<16xf32>
    %select_n3A_897 = arith.select %lt3A_786, %gather3A_893, %gather3A_896 : vector<16xi1>, vector<16xf32>
    %swap3A_898 = arith.constant 0 : i32
    %swap3A_899 = arith.index_cast %swap3A_898 : i32 to index
    %swap3A_900 = arith.constant 112 : index
    %swap3A_901 = tpu.vector_load %arg7[%swap3A_899, %swap3A_900] {strides = array<i32>} : memref<16x128xf32, #tpu.memory_space<vmem>>, vector<1x16xf32>,
    %swap3A_902 = vector.shape_cast %swap3A_901 : vector<1x16xf32> to vector<16xf32>
    %swap3A_903 = vector.shape_cast %select_n3A_897 : vector<16xf32> to vector<1x16xf32>
    tpu.vector_store %arg7[%swap3A_899, %swap3A_900], %swap3A_903 {strides = array<i32>} : memref<16x128xf32, #tpu.memory_space<vmem>>, vector<1x16xf32>,
    %get3A_904 = arith.constant 32 : index
    %get3A_905 = tpu.vector_load %arg5[%get3A_904] {strides = array<i32>} : memref<512xf32, #tpu.memory_space<vmem>>, vector<16xf32>,
    %get3A_906 = vector.shape_cast %get3A_905 : vector<16xf32> to vector<16xf32>
    %get3A_907 = arith.constant 48 : index
    %get3A_908 = tpu.vector_load %arg5[%get3A_907] {strides = array<i32>} : memref<512xf32, #tpu.memory_space<vmem>>, vector<16xf32>,
    %get3A_909 = vector.shape_cast %get3A_908 : vector<16xf32> to vector<16xf32>
    %broadcast_in_dim3A_910 = vector.shape_cast %select_n3A_89 : vector<16xi32> to vector<16x1xi32>
    %gather3A_911 = vector.shape_cast %broadcast_in_dim3A_910 : vector<16x1xi32> to vector<16xi32>
    %gather3A_912 = tpu.dynamic_gather %get3A_906[%gather3A_911] in [0] : vector<16xf32>, vector<16xi32> -> vector<16xf32>
    %broadcast_in_dim3A_913 = vector.shape_cast %select_n3A_95 : vector<16xi32> to vector<16x1xi32>
    %gather3A_914 = vector.shape_cast %broadcast_in_dim3A_913 : vector<16x1xi32> to vector<16xi32>
    %gather3A_915 = tpu.dynamic_gather %get3A_909[%gather3A_914] in [0] : vector<16xf32>, vector<16xi32> -> vector<16xf32>
    %select_n3A_916 = arith.select %lt3A_86, %gather3A_912, %gather3A_915 : vector<16xi1>, vector<16xf32>
    %swap3A_917 = arith.constant 1 : i32
    %swap3A_918 = arith.index_cast %swap3A_917 : i32 to index
    %swap3A_919 = arith.constant 0 : index
    %swap3A_920 = tpu.vector_load %arg7[%swap3A_918, %swap3A_919] {strides = array<i32>} : memref<16x128xf32, #tpu.memory_space<vmem>>, vector<1x16xf32>,
    %swap3A_921 = vector.shape_cast %swap3A_920 : vector<1x16xf32> to vector<16xf32>
    %swap3A_922 = vector.shape_cast %select_n3A_916 : vector<16xf32> to vector<1x16xf32>
    tpu.vector_store %arg7[%swap3A_918, %swap3A_919], %swap3A_922 {strides = array<i32>} : memref<16x128xf32, #tpu.memory_space<vmem>>, vector<1x16xf32>,
    %broadcast_in_dim3A_923 = vector.shape_cast %select_n3A_189 : vector<16xi32> to vector<16x1xi32>
    %gather3A_924 = vector.shape_cast %broadcast_in_dim3A_923 : vector<16x1xi32> to vector<16xi32>
    %gather3A_925 = tpu.dynamic_gather %get3A_906[%gather3A_924] in [0] : vector<16xf32>, vector<16xi32> -> vector<16xf32>
    %broadcast_in_dim3A_926 = vector.shape_cast %select_n3A_195 : vector<16xi32> to vector<16x1xi32>
    %gather3A_927 = vector.shape_cast %broadcast_in_dim3A_926 : vector<16x1xi32> to vector<16xi32>
    %gather3A_928 = tpu.dynamic_gather %get3A_909[%gather3A_927] in [0] : vector<16xf32>, vector<16xi32> -> vector<16xf32>
    %select_n3A_929 = arith.select %lt3A_186, %gather3A_925, %gather3A_928 : vector<16xi1>, vector<16xf32>
    %swap3A_930 = arith.constant 1 : i32
    %swap3A_931 = arith.index_cast %swap3A_930 : i32 to index
    %swap3A_932 = arith.constant 16 : index
    %swap3A_933 = tpu.vector_load %arg7[%swap3A_931, %swap3A_932] {strides = array<i32>} : memref<16x128xf32, #tpu.memory_space<vmem>>, vector<1x16xf32>,
    %swap3A_934 = vector.shape_cast %swap3A_933 : vector<1x16xf32> to vector<16xf32>
    %swap3A_935 = vector.shape_cast %select_n3A_929 : vector<16xf32> to vector<1x16xf32>
    tpu.vector_store %arg7[%swap3A_931, %swap3A_932], %swap3A_935 {strides = array<i32>} : memref<16x128xf32, #tpu.memory_space<vmem>>, vector<1x16xf32>,
    %broadcast_in_dim3A_936 = vector.shape_cast %select_n3A_289 : vector<16xi32> to vector<16x1xi32>
    %gather3A_937 = vector.shape_cast %broadcast_in_dim3A_936 : vector<16x1xi32> to vector<16xi32>
    %gather3A_938 = tpu.dynamic_gather %get3A_906[%gather3A_937] in [0] : vector<16xf32>, vector<16xi32> -> vector<16xf32>
    %broadcast_in_dim3A_939 = vector.shape_cast %select_n3A_295 : vector<16xi32> to vector<16x1xi32>
    %gather3A_940 = vector.shape_cast %broadcast_in_dim3A_939 : vector<16x1xi32> to vector<16xi32>
    %gather3A_941 = tpu.dynamic_gather %get3A_909[%gather3A_940] in [0] : vector<16xf32>, vector<16xi32> -> vector<16xf32>
    %select_n3A_942 = arith.select %lt3A_286, %gather3A_938, %gather3A_941 : vector<16xi1>, vector<16xf32>
    %swap3A_943 = arith.constant 1 : i32
    %swap3A_944 = arith.index_cast %swap3A_943 : i32 to index
    %swap3A_945 = arith.constant 32 : index
    %swap3A_946 = tpu.vector_load %arg7[%swap3A_944, %swap3A_945] {strides = array<i32>} : memref<16x128xf32, #tpu.memory_space<vmem>>, vector<1x16xf32>,
    %swap3A_947 = vector.shape_cast %swap3A_946 : vector<1x16xf32> to vector<16xf32>
    %swap3A_948 = vector.shape_cast %select_n3A_942 : vector<16xf32> to vector<1x16xf32>
    tpu.vector_store %arg7[%swap3A_944, %swap3A_945], %swap3A_948 {strides = array<i32>} : memref<16x128xf32, #tpu.memory_space<vmem>>, vector<1x16xf32>,
    %broadcast_in_dim3A_949 = vector.shape_cast %select_n3A_389 : vector<16xi32> to vector<16x1xi32>
    %gather3A_950 = vector.shape_cast %broadcast_in_dim3A_949 : vector<16x1xi32> to vector<16xi32>
    %gather3A_951 = tpu.dynamic_gather %get3A_906[%gather3A_950] in [0] : vector<16xf32>, vector<16xi32> -> vector<16xf32>
    %broadcast_in_dim3A_952 = vector.shape_cast %select_n3A_395 : vector<16xi32> to vector<16x1xi32>
    %gather3A_953 = vector.shape_cast %broadcast_in_dim3A_952 : vector<16x1xi32> to vector<16xi32>
    %gather3A_954 = tpu.dynamic_gather %get3A_909[%gather3A_953] in [0] : vector<16xf32>, vector<16xi32> -> vector<16xf32>
    %select_n3A_955 = arith.select %lt3A_386, %gather3A_951, %gather3A_954 : vector<16xi1>, vector<16xf32>
    %swap3A_956 = arith.constant 1 : i32
    %swap3A_957 = arith.index_cast %swap3A_956 : i32 to index
    %swap3A_958 = arith.constant 48 : index
    %swap3A_959 = tpu.vector_load %arg7[%swap3A_957, %swap3A_958] {strides = array<i32>} : memref<16x128xf32, #tpu.memory_space<vmem>>, vector<1x16xf32>,
    %swap3A_960 = vector.shape_cast %swap3A_959 : vector<1x16xf32> to vector<16xf32>
    %swap3A_961 = vector.shape_cast %select_n3A_955 : vector<16xf32> to vector<1x16xf32>
    tpu.vector_store %arg7[%swap3A_957, %swap3A_958], %swap3A_961 {strides = array<i32>} : memref<16x128xf32, #tpu.memory_space<vmem>>, vector<1x16xf32>,
    %broadcast_in_dim3A_962 = vector.shape_cast %select_n3A_489 : vector<16xi32> to vector<16x1xi32>
    %gather3A_963 = vector.shape_cast %broadcast_in_dim3A_962 : vector<16x1xi32> to vector<16xi32>
    %gather3A_964 = tpu.dynamic_gather %get3A_906[%gather3A_963] in [0] : vector<16xf32>, vector<16xi32> -> vector<16xf32>
    %broadcast_in_dim3A_965 = vector.shape_cast %select_n3A_495 : vector<16xi32> to vector<16x1xi32>
    %gather3A_966 = vector.shape_cast %broadcast_in_dim3A_965 : vector<16x1xi32> to vector<16xi32>
    %gather3A_967 = tpu.dynamic_gather %get3A_909[%gather3A_966] in [0] : vector<16xf32>, vector<16xi32> -> vector<16xf32>
    %select_n3A_968 = arith.select %lt3A_486, %gather3A_964, %gather3A_967 : vector<16xi1>, vector<16xf32>
    %swap3A_969 = arith.constant 1 : i32
    %swap3A_970 = arith.index_cast %swap3A_969 : i32 to index
    %swap3A_971 = arith.constant 64 : index
    %swap3A_972 = tpu.vector_load %arg7[%swap3A_970, %swap3A_971] {strides = array<i32>} : memref<16x128xf32, #tpu.memory_space<vmem>>, vector<1x16xf32>,
    %swap3A_973 = vector.shape_cast %swap3A_972 : vector<1x16xf32> to vector<16xf32>
    %swap3A_974 = vector.shape_cast %select_n3A_968 : vector<16xf32> to vector<1x16xf32>
    tpu.vector_store %arg7[%swap3A_970, %swap3A_971], %swap3A_974 {strides = array<i32>} : memref<16x128xf32, #tpu.memory_space<vmem>>, vector<1x16xf32>,
    %broadcast_in_dim3A_975 = vector.shape_cast %select_n3A_589 : vector<16xi32> to vector<16x1xi32>
    %gather3A_976 = vector.shape_cast %broadcast_in_dim3A_975 : vector<16x1xi32> to vector<16xi32>
    %gather3A_977 = tpu.dynamic_gather %get3A_906[%gather3A_976] in [0] : vector<16xf32>, vector<16xi32> -> vector<16xf32>
    %broadcast_in_dim3A_978 = vector.shape_cast %select_n3A_595 : vector<16xi32> to vector<16x1xi32>
    %gather3A_979 = vector.shape_cast %broadcast_in_dim3A_978 : vector<16x1xi32> to vector<16xi32>
    %gather3A_980 = tpu.dynamic_gather %get3A_909[%gather3A_979] in [0] : vector<16xf32>, vector<16xi32> -> vector<16xf32>
    %select_n3A_981 = arith.select %lt3A_586, %gather3A_977, %gather3A_980 : vector<16xi1>, vector<16xf32>
    %swap3A_982 = arith.constant 1 : i32
    %swap3A_983 = arith.index_cast %swap3A_982 : i32 to index
    %swap3A_984 = arith.constant 80 : index
    %swap3A_985 = tpu.vector_load %arg7[%swap3A_983, %swap3A_984] {strides = array<i32>} : memref<16x128xf32, #tpu.memory_space<vmem>>, vector<1x16xf32>,
    %swap3A_986 = vector.shape_cast %swap3A_985 : vector<1x16xf32> to vector<16xf32>
    %swap3A_987 = vector.shape_cast %select_n3A_981 : vector<16xf32> to vector<1x16xf32>
    tpu.vector_store %arg7[%swap3A_983, %swap3A_984], %swap3A_987 {strides = array<i32>} : memref<16x128xf32, #tpu.memory_space<vmem>>, vector<1x16xf32>,
    %broadcast_in_dim3A_988 = vector.shape_cast %select_n3A_689 : vector<16xi32> to vector<16x1xi32>
    %gather3A_989 = vector.shape_cast %broadcast_in_dim3A_988 : vector<16x1xi32> to vector<16xi32>
    %gather3A_990 = tpu.dynamic_gather %get3A_906[%gather3A_989] in [0] : vector<16xf32>, vector<16xi32> -> vector<16xf32>
    %broadcast_in_dim3A_991 = vector.shape_cast %select_n3A_695 : vector<16xi32> to vector<16x1xi32>
    %gather3A_992 = vector.shape_cast %broadcast_in_dim3A_991 : vector<16x1xi32> to vector<16xi32>
    %gather3A_993 = tpu.dynamic_gather %get3A_909[%gather3A_992] in [0] : vector<16xf32>, vector<16xi32> -> vector<16xf32>
    %select_n3A_994 = arith.select %lt3A_686, %gather3A_990, %gather3A_993 : vector<16xi1>, vector<16xf32>
    %swap3A_995 = arith.constant 1 : i32
    %swap3A_996 = arith.index_cast %swap3A_995 : i32 to index
    %swap3A_997 = arith.constant 96 : index
    %swap3A_998 = tpu.vector_load %arg7[%swap3A_996, %swap3A_997] {strides = array<i32>} : memref<16x128xf32, #tpu.memory_space<vmem>>, vector<1x16xf32>,
    %swap3A_999 = vector.shape_cast %swap3A_998 : vector<1x16xf32> to vector<16xf32>
    %swap3A_1000 = vector.shape_cast %select_n3A_994 : vector<16xf32> to vector<1x16xf32>
    tpu.vector_store %arg7[%swap3A_996, %swap3A_997], %swap3A_1000 {strides = array<i32>} : memref<16x128xf32, #tpu.memory_space<vmem>>, vector<1x16xf32>,
    %broadcast_in_dim3A_1001 = vector.shape_cast %select_n3A_789 : vector<16xi32> to vector<16x1xi32>
    %gather3A_1002 = vector.shape_cast %broadcast_in_dim3A_1001 : vector<16x1xi32> to vector<16xi32>
    %gather3A_1003 = tpu.dynamic_gather %get3A_906[%gather3A_1002] in [0] : vector<16xf32>, vector<16xi32> -> vector<16xf32>
    %broadcast_in_dim3A_1004 = vector.shape_cast %select_n3A_795 : vector<16xi32> to vector<16x1xi32>
    %gather3A_1005 = vector.shape_cast %broadcast_in_dim3A_1004 : vector<16x1xi32> to vector<16xi32>
    %gather3A_1006 = tpu.dynamic_gather %get3A_909[%gather3A_1005] in [0] : vector<16xf32>, vector<16xi32> -> vector<16xf32>
    %select_n3A_1007 = arith.select %lt3A_786, %gather3A_1003, %gather3A_1006 : vector<16xi1>, vector<16xf32>
    %swap3A_1008 = arith.constant 1 : i32
    %swap3A_1009 = arith.index_cast %swap3A_1008 : i32 to index
    %swap3A_1010 = arith.constant 112 : index
    %swap3A_1011 = tpu.vector_load %arg7[%swap3A_1009, %swap3A_1010] {strides = array<i32>} : memref<16x128xf32, #tpu.memory_space<vmem>>, vector<1x16xf32>,
    %swap3A_1012 = vector.shape_cast %swap3A_1011 : vector<1x16xf32> to vector<16xf32>
    %swap3A_1013 = vector.shape_cast %select_n3A_1007 : vector<16xf32> to vector<1x16xf32>
    tpu.vector_store %arg7[%swap3A_1009, %swap3A_1010], %swap3A_1013 {strides = array<i32>} : memref<16x128xf32, #tpu.memory_space<vmem>>, vector<1x16xf32>,
    %get3A_1014 = arith.constant 64 : index
    %get3A_1015 = tpu.vector_load %arg5[%get3A_1014] {strides = array<i32>} : memref<512xf32, #tpu.memory_space<vmem>>, vector<16xf32>,
    %get3A_1016 = vector.shape_cast %get3A_1015 : vector<16xf32> to vector<16xf32>
    %get3A_1017 = arith.constant 80 : index
    %get3A_1018 = tpu.vector_load %arg5[%get3A_1017] {strides = array<i32>} : memref<512xf32, #tpu.memory_space<vmem>>, vector<16xf32>,
    %get3A_1019 = vector.shape_cast %get3A_1018 : vector<16xf32> to vector<16xf32>
    %broadcast_in_dim3A_1020 = vector.shape_cast %select_n3A_89 : vector<16xi32> to vector<16x1xi32>
    %gather3A_1021 = vector.shape_cast %broadcast_in_dim3A_1020 : vector<16x1xi32> to vector<16xi32>
    %gather3A_1022 = tpu.dynamic_gather %get3A_1016[%gather3A_1021] in [0] : vector<16xf32>, vector<16xi32> -> vector<16xf32>
    %broadcast_in_dim3A_1023 = vector.shape_cast %select_n3A_95 : vector<16xi32> to vector<16x1xi32>
    %gather3A_1024 = vector.shape_cast %broadcast_in_dim3A_1023 : vector<16x1xi32> to vector<16xi32>
    %gather3A_1025 = tpu.dynamic_gather %get3A_1019[%gather3A_1024] in [0] : vector<16xf32>, vector<16xi32> -> vector<16xf32>
    %select_n3A_1026 = arith.select %lt3A_86, %gather3A_1022, %gather3A_1025 : vector<16xi1>, vector<16xf32>
    %swap3A_1027 = arith.constant 2 : i32
    %swap3A_1028 = arith.index_cast %swap3A_1027 : i32 to index
    %swap3A_1029 = arith.constant 0 : index
    %swap3A_1030 = tpu.vector_load %arg7[%swap3A_1028, %swap3A_1029] {strides = array<i32>} : memref<16x128xf32, #tpu.memory_space<vmem>>, vector<1x16xf32>,
    %swap3A_1031 = vector.shape_cast %swap3A_1030 : vector<1x16xf32> to vector<16xf32>
    %swap3A_1032 = vector.shape_cast %select_n3A_1026 : vector<16xf32> to vector<1x16xf32>
    tpu.vector_store %arg7[%swap3A_1028, %swap3A_1029], %swap3A_1032 {strides = array<i32>} : memref<16x128xf32, #tpu.memory_space<vmem>>, vector<1x16xf32>,
    %broadcast_in_dim3A_1033 = vector.shape_cast %select_n3A_189 : vector<16xi32> to vector<16x1xi32>
    %gather3A_1034 = vector.shape_cast %broadcast_in_dim3A_1033 : vector<16x1xi32> to vector<16xi32>
    %gather3A_1035 = tpu.dynamic_gather %get3A_1016[%gather3A_1034] in [0] : vector<16xf32>, vector<16xi32> -> vector<16xf32>
    %broadcast_in_dim3A_1036 = vector.shape_cast %select_n3A_195 : vector<16xi32> to vector<16x1xi32>
    %gather3A_1037 = vector.shape_cast %broadcast_in_dim3A_1036 : vector<16x1xi32> to vector<16xi32>
    %gather3A_1038 = tpu.dynamic_gather %get3A_1019[%gather3A_1037] in [0] : vector<16xf32>, vector<16xi32> -> vector<16xf32>
    %select_n3A_1039 = arith.select %lt3A_186, %gather3A_1035, %gather3A_1038 : vector<16xi1>, vector<16xf32>
    %swap3A_1040 = arith.constant 2 : i32
    %swap3A_1041 = arith.index_cast %swap3A_1040 : i32 to index
    %swap3A_1042 = arith.constant 16 : index
    %swap3A_1043 = tpu.vector_load %arg7[%swap3A_1041, %swap3A_1042] {strides = array<i32>} : memref<16x128xf32, #tpu.memory_space<vmem>>, vector<1x16xf32>,
    %swap3A_1044 = vector.shape_cast %swap3A_1043 : vector<1x16xf32> to vector<16xf32>
    %swap3A_1045 = vector.shape_cast %select_n3A_1039 : vector<16xf32> to vector<1x16xf32>
    tpu.vector_store %arg7[%swap3A_1041, %swap3A_1042], %swap3A_1045 {strides = array<i32>} : memref<16x128xf32, #tpu.memory_space<vmem>>, vector<1x16xf32>,
    %broadcast_in_dim3A_1046 = vector.shape_cast %select_n3A_289 : vector<16xi32> to vector<16x1xi32>
    %gather3A_1047 = vector.shape_cast %broadcast_in_dim3A_1046 : vector<16x1xi32> to vector<16xi32>
    %gather3A_1048 = tpu.dynamic_gather %get3A_1016[%gather3A_1047] in [0] : vector<16xf32>, vector<16xi32> -> vector<16xf32>
    %broadcast_in_dim3A_1049 = vector.shape_cast %select_n3A_295 : vector<16xi32> to vector<16x1xi32>
    %gather3A_1050 = vector.shape_cast %broadcast_in_dim3A_1049 : vector<16x1xi32> to vector<16xi32>
    %gather3A_1051 = tpu.dynamic_gather %get3A_1019[%gather3A_1050] in [0] : vector<16xf32>, vector<16xi32> -> vector<16xf32>
    %select_n3A_1052 = arith.select %lt3A_286, %gather3A_1048, %gather3A_1051 : vector<16xi1>, vector<16xf32>
    %swap3A_1053 = arith.constant 2 : i32
    %swap3A_1054 = arith.index_cast %swap3A_1053 : i32 to index
    %swap3A_1055 = arith.constant 32 : index
    %swap3A_1056 = tpu.vector_load %arg7[%swap3A_1054, %swap3A_1055] {strides = array<i32>} : memref<16x128xf32, #tpu.memory_space<vmem>>, vector<1x16xf32>,
    %swap3A_1057 = vector.shape_cast %swap3A_1056 : vector<1x16xf32> to vector<16xf32>
    %swap3A_1058 = vector.shape_cast %select_n3A_1052 : vector<16xf32> to vector<1x16xf32>
    tpu.vector_store %arg7[%swap3A_1054, %swap3A_1055], %swap3A_1058 {strides = array<i32>} : memref<16x128xf32, #tpu.memory_space<vmem>>, vector<1x16xf32>,
    %broadcast_in_dim3A_1059 = vector.shape_cast %select_n3A_389 : vector<16xi32> to vector<16x1xi32>
    %gather3A_1060 = vector.shape_cast %broadcast_in_dim3A_1059 : vector<16x1xi32> to vector<16xi32>
    %gather3A_1061 = tpu.dynamic_gather %get3A_1016[%gather3A_1060] in [0] : vector<16xf32>, vector<16xi32> -> vector<16xf32>
    %broadcast_in_dim3A_1062 = vector.shape_cast %select_n3A_395 : vector<16xi32> to vector<16x1xi32>
    %gather3A_1063 = vector.shape_cast %broadcast_in_dim3A_1062 : vector<16x1xi32> to vector<16xi32>
    %gather3A_1064 = tpu.dynamic_gather %get3A_1019[%gather3A_1063] in [0] : vector<16xf32>, vector<16xi32> -> vector<16xf32>
    %select_n3A_1065 = arith.select %lt3A_386, %gather3A_1061, %gather3A_1064 : vector<16xi1>, vector<16xf32>
    %swap3A_1066 = arith.constant 2 : i32
    %swap3A_1067 = arith.index_cast %swap3A_1066 : i32 to index
    %swap3A_1068 = arith.constant 48 : index
    %swap3A_1069 = tpu.vector_load %arg7[%swap3A_1067, %swap3A_1068] {strides = array<i32>} : memref<16x128xf32, #tpu.memory_space<vmem>>, vector<1x16xf32>,
    %swap3A_1070 = vector.shape_cast %swap3A_1069 : vector<1x16xf32> to vector<16xf32>
    %swap3A_1071 = vector.shape_cast %select_n3A_1065 : vector<16xf32> to vector<1x16xf32>
    tpu.vector_store %arg7[%swap3A_1067, %swap3A_1068], %swap3A_1071 {strides = array<i32>} : memref<16x128xf32, #tpu.memory_space<vmem>>, vector<1x16xf32>,
    %broadcast_in_dim3A_1072 = vector.shape_cast %select_n3A_489 : vector<16xi32> to vector<16x1xi32>
    %gather3A_1073 = vector.shape_cast %broadcast_in_dim3A_1072 : vector<16x1xi32> to vector<16xi32>
    %gather3A_1074 = tpu.dynamic_gather %get3A_1016[%gather3A_1073] in [0] : vector<16xf32>, vector<16xi32> -> vector<16xf32>
    %broadcast_in_dim3A_1075 = vector.shape_cast %select_n3A_495 : vector<16xi32> to vector<16x1xi32>
    %gather3A_1076 = vector.shape_cast %broadcast_in_dim3A_1075 : vector<16x1xi32> to vector<16xi32>
    %gather3A_1077 = tpu.dynamic_gather %get3A_1019[%gather3A_1076] in [0] : vector<16xf32>, vector<16xi32> -> vector<16xf32>
    %select_n3A_1078 = arith.select %lt3A_486, %gather3A_1074, %gather3A_1077 : vector<16xi1>, vector<16xf32>
    %swap3A_1079 = arith.constant 2 : i32
    %swap3A_1080 = arith.index_cast %swap3A_1079 : i32 to index
    %swap3A_1081 = arith.constant 64 : index
    %swap3A_1082 = tpu.vector_load %arg7[%swap3A_1080, %swap3A_1081] {strides = array<i32>} : memref<16x128xf32, #tpu.memory_space<vmem>>, vector<1x16xf32>,
    %swap3A_1083 = vector.shape_cast %swap3A_1082 : vector<1x16xf32> to vector<16xf32>
    %swap3A_1084 = vector.shape_cast %select_n3A_1078 : vector<16xf32> to vector<1x16xf32>
    tpu.vector_store %arg7[%swap3A_1080, %swap3A_1081], %swap3A_1084 {strides = array<i32>} : memref<16x128xf32, #tpu.memory_space<vmem>>, vector<1x16xf32>,
    %broadcast_in_dim3A_1085 = vector.shape_cast %select_n3A_589 : vector<16xi32> to vector<16x1xi32>
    %gather3A_1086 = vector.shape_cast %broadcast_in_dim3A_1085 : vector<16x1xi32> to vector<16xi32>
    %gather3A_1087 = tpu.dynamic_gather %get3A_1016[%gather3A_1086] in [0] : vector<16xf32>, vector<16xi32> -> vector<16xf32>
    %broadcast_in_dim3A_1088 = vector.shape_cast %select_n3A_595 : vector<16xi32> to vector<16x1xi32>
    %gather3A_1089 = vector.shape_cast %broadcast_in_dim3A_1088 : vector<16x1xi32> to vector<16xi32>
    %gather3A_1090 = tpu.dynamic_gather %get3A_1019[%gather3A_1089] in [0] : vector<16xf32>, vector<16xi32> -> vector<16xf32>
    %select_n3A_1091 = arith.select %lt3A_586, %gather3A_1087, %gather3A_1090 : vector<16xi1>, vector<16xf32>
    %swap3A_1092 = arith.constant 2 : i32
    %swap3A_1093 = arith.index_cast %swap3A_1092 : i32 to index
    %swap3A_1094 = arith.constant 80 : index
    %swap3A_1095 = tpu.vector_load %arg7[%swap3A_1093, %swap3A_1094] {strides = array<i32>} : memref<16x128xf32, #tpu.memory_space<vmem>>, vector<1x16xf32>,
    %swap3A_1096 = vector.shape_cast %swap3A_1095 : vector<1x16xf32> to vector<16xf32>
    %swap3A_1097 = vector.shape_cast %select_n3A_1091 : vector<16xf32> to vector<1x16xf32>
    tpu.vector_store %arg7[%swap3A_1093, %swap3A_1094], %swap3A_1097 {strides = array<i32>} : memref<16x128xf32, #tpu.memory_space<vmem>>, vector<1x16xf32>,
    %broadcast_in_dim3A_1098 = vector.shape_cast %select_n3A_689 : vector<16xi32> to vector<16x1xi32>
    %gather3A_1099 = vector.shape_cast %broadcast_in_dim3A_1098 : vector<16x1xi32> to vector<16xi32>
    %gather3A_1100 = tpu.dynamic_gather %get3A_1016[%gather3A_1099] in [0] : vector<16xf32>, vector<16xi32> -> vector<16xf32>
    %broadcast_in_dim3A_1101 = vector.shape_cast %select_n3A_695 : vector<16xi32> to vector<16x1xi32>
    %gather3A_1102 = vector.shape_cast %broadcast_in_dim3A_1101 : vector<16x1xi32> to vector<16xi32>
    %gather3A_1103 = tpu.dynamic_gather %get3A_1019[%gather3A_1102] in [0] : vector<16xf32>, vector<16xi32> -> vector<16xf32>
    %select_n3A_1104 = arith.select %lt3A_686, %gather3A_1100, %gather3A_1103 : vector<16xi1>, vector<16xf32>
    %swap3A_1105 = arith.constant 2 : i32
    %swap3A_1106 = arith.index_cast %swap3A_1105 : i32 to index
    %swap3A_1107 = arith.constant 96 : index
    %swap3A_1108 = tpu.vector_load %arg7[%swap3A_1106, %swap3A_1107] {strides = array<i32>} : memref<16x128xf32, #tpu.memory_space<vmem>>, vector<1x16xf32>,
    %swap3A_1109 = vector.shape_cast %swap3A_1108 : vector<1x16xf32> to vector<16xf32>
    %swap3A_1110 = vector.shape_cast %select_n3A_1104 : vector<16xf32> to vector<1x16xf32>
    tpu.vector_store %arg7[%swap3A_1106, %swap3A_1107], %swap3A_1110 {strides = array<i32>} : memref<16x128xf32, #tpu.memory_space<vmem>>, vector<1x16xf32>,
    %broadcast_in_dim3A_1111 = vector.shape_cast %select_n3A_789 : vector<16xi32> to vector<16x1xi32>
    %gather3A_1112 = vector.shape_cast %broadcast_in_dim3A_1111 : vector<16x1xi32> to vector<16xi32>
    %gather3A_1113 = tpu.dynamic_gather %get3A_1016[%gather3A_1112] in [0] : vector<16xf32>, vector<16xi32> -> vector<16xf32>
    %broadcast_in_dim3A_1114 = vector.shape_cast %select_n3A_795 : vector<16xi32> to vector<16x1xi32>
    %gather3A_1115 = vector.shape_cast %broadcast_in_dim3A_1114 : vector<16x1xi32> to vector<16xi32>
    %gather3A_1116 = tpu.dynamic_gather %get3A_1019[%gather3A_1115] in [0] : vector<16xf32>, vector<16xi32> -> vector<16xf32>
    %select_n3A_1117 = arith.select %lt3A_786, %gather3A_1113, %gather3A_1116 : vector<16xi1>, vector<16xf32>
    %swap3A_1118 = arith.constant 2 : i32
    %swap3A_1119 = arith.index_cast %swap3A_1118 : i32 to index
    %swap3A_1120 = arith.constant 112 : index
    %swap3A_1121 = tpu.vector_load %arg7[%swap3A_1119, %swap3A_1120] {strides = array<i32>} : memref<16x128xf32, #tpu.memory_space<vmem>>, vector<1x16xf32>,
    %swap3A_1122 = vector.shape_cast %swap3A_1121 : vector<1x16xf32> to vector<16xf32>
    %swap3A_1123 = vector.shape_cast %select_n3A_1117 : vector<16xf32> to vector<1x16xf32>
    tpu.vector_store %arg7[%swap3A_1119, %swap3A_1120], %swap3A_1123 {strides = array<i32>} : memref<16x128xf32, #tpu.memory_space<vmem>>, vector<1x16xf32>,
    %get3A_1124 = arith.constant 96 : index
    %get3A_1125 = tpu.vector_load %arg5[%get3A_1124] {strides = array<i32>} : memref<512xf32, #tpu.memory_space<vmem>>, vector<16xf32>,
    %get3A_1126 = vector.shape_cast %get3A_1125 : vector<16xf32> to vector<16xf32>
    %get3A_1127 = arith.constant 112 : index
    %get3A_1128 = tpu.vector_load %arg5[%get3A_1127] {strides = array<i32>} : memref<512xf32, #tpu.memory_space<vmem>>, vector<16xf32>,
    %get3A_1129 = vector.shape_cast %get3A_1128 : vector<16xf32> to vector<16xf32>
    %broadcast_in_dim3A_1130 = vector.shape_cast %select_n3A_89 : vector<16xi32> to vector<16x1xi32>
    %gather3A_1131 = vector.shape_cast %broadcast_in_dim3A_1130 : vector<16x1xi32> to vector<16xi32>
    %gather3A_1132 = tpu.dynamic_gather %get3A_1126[%gather3A_1131] in [0] : vector<16xf32>, vector<16xi32> -> vector<16xf32>
    %broadcast_in_dim3A_1133 = vector.shape_cast %select_n3A_95 : vector<16xi32> to vector<16x1xi32>
    %gather3A_1134 = vector.shape_cast %broadcast_in_dim3A_1133 : vector<16x1xi32> to vector<16xi32>
    %gather3A_1135 = tpu.dynamic_gather %get3A_1129[%gather3A_1134] in [0] : vector<16xf32>, vector<16xi32> -> vector<16xf32>
    %select_n3A_1136 = arith.select %lt3A_86, %gather3A_1132, %gather3A_1135 : vector<16xi1>, vector<16xf32>
    %swap3A_1137 = arith.constant 3 : i32
    %swap3A_1138 = arith.index_cast %swap3A_1137 : i32 to index
    %swap3A_1139 = arith.constant 0 : index
    %swap3A_1140 = tpu.vector_load %arg7[%swap3A_1138, %swap3A_1139] {strides = array<i32>} : memref<16x128xf32, #tpu.memory_space<vmem>>, vector<1x16xf32>,
    %swap3A_1141 = vector.shape_cast %swap3A_1140 : vector<1x16xf32> to vector<16xf32>
    %swap3A_1142 = vector.shape_cast %select_n3A_1136 : vector<16xf32> to vector<1x16xf32>
    tpu.vector_store %arg7[%swap3A_1138, %swap3A_1139], %swap3A_1142 {strides = array<i32>} : memref<16x128xf32, #tpu.memory_space<vmem>>, vector<1x16xf32>,
    %broadcast_in_dim3A_1143 = vector.shape_cast %select_n3A_189 : vector<16xi32> to vector<16x1xi32>
    %gather3A_1144 = vector.shape_cast %broadcast_in_dim3A_1143 : vector<16x1xi32> to vector<16xi32>
    %gather3A_1145 = tpu.dynamic_gather %get3A_1126[%gather3A_1144] in [0] : vector<16xf32>, vector<16xi32> -> vector<16xf32>
    %broadcast_in_dim3A_1146 = vector.shape_cast %select_n3A_195 : vector<16xi32> to vector<16x1xi32>
    %gather3A_1147 = vector.shape_cast %broadcast_in_dim3A_1146 : vector<16x1xi32> to vector<16xi32>
    %gather3A_1148 = tpu.dynamic_gather %get3A_1129[%gather3A_1147] in [0] : vector<16xf32>, vector<16xi32> -> vector<16xf32>
    %select_n3A_1149 = arith.select %lt3A_186, %gather3A_1145, %gather3A_1148 : vector<16xi1>, vector<16xf32>
    %swap3A_1150 = arith.constant 3 : i32
    %swap3A_1151 = arith.index_cast %swap3A_1150 : i32 to index
    %swap3A_1152 = arith.constant 16 : index
    %swap3A_1153 = tpu.vector_load %arg7[%swap3A_1151, %swap3A_1152] {strides = array<i32>} : memref<16x128xf32, #tpu.memory_space<vmem>>, vector<1x16xf32>,
    %swap3A_1154 = vector.shape_cast %swap3A_1153 : vector<1x16xf32> to vector<16xf32>
    %swap3A_1155 = vector.shape_cast %select_n3A_1149 : vector<16xf32> to vector<1x16xf32>
    tpu.vector_store %arg7[%swap3A_1151, %swap3A_1152], %swap3A_1155 {strides = array<i32>} : memref<16x128xf32, #tpu.memory_space<vmem>>, vector<1x16xf32>,
    %broadcast_in_dim3A_1156 = vector.shape_cast %select_n3A_289 : vector<16xi32> to vector<16x1xi32>
    %gather3A_1157 = vector.shape_cast %broadcast_in_dim3A_1156 : vector<16x1xi32> to vector<16xi32>
    %gather3A_1158 = tpu.dynamic_gather %get3A_1126[%gather3A_1157] in [0] : vector<16xf32>, vector<16xi32> -> vector<16xf32>
    %broadcast_in_dim3A_1159 = vector.shape_cast %select_n3A_295 : vector<16xi32> to vector<16x1xi32>
    %gather3A_1160 = vector.shape_cast %broadcast_in_dim3A_1159 : vector<16x1xi32> to vector<16xi32>
    %gather3A_1161 = tpu.dynamic_gather %get3A_1129[%gather3A_1160] in [0] : vector<16xf32>, vector<16xi32> -> vector<16xf32>
    %select_n3A_1162 = arith.select %lt3A_286, %gather3A_1158, %gather3A_1161 : vector<16xi1>, vector<16xf32>
    %swap3A_1163 = arith.constant 3 : i32
    %swap3A_1164 = arith.index_cast %swap3A_1163 : i32 to index
    %swap3A_1165 = arith.constant 32 : index
    %swap3A_1166 = tpu.vector_load %arg7[%swap3A_1164, %swap3A_1165] {strides = array<i32>} : memref<16x128xf32, #tpu.memory_space<vmem>>, vector<1x16xf32>,
    %swap3A_1167 = vector.shape_cast %swap3A_1166 : vector<1x16xf32> to vector<16xf32>
    %swap3A_1168 = vector.shape_cast %select_n3A_1162 : vector<16xf32> to vector<1x16xf32>
    tpu.vector_store %arg7[%swap3A_1164, %swap3A_1165], %swap3A_1168 {strides = array<i32>} : memref<16x128xf32, #tpu.memory_space<vmem>>, vector<1x16xf32>,
    %broadcast_in_dim3A_1169 = vector.shape_cast %select_n3A_389 : vector<16xi32> to vector<16x1xi32>
    %gather3A_1170 = vector.shape_cast %broadcast_in_dim3A_1169 : vector<16x1xi32> to vector<16xi32>
    %gather3A_1171 = tpu.dynamic_gather %get3A_1126[%gather3A_1170] in [0] : vector<16xf32>, vector<16xi32> -> vector<16xf32>
    %broadcast_in_dim3A_1172 = vector.shape_cast %select_n3A_395 : vector<16xi32> to vector<16x1xi32>
    %gather3A_1173 = vector.shape_cast %broadcast_in_dim3A_1172 : vector<16x1xi32> to vector<16xi32>
    %gather3A_1174 = tpu.dynamic_gather %get3A_1129[%gather3A_1173] in [0] : vector<16xf32>, vector<16xi32> -> vector<16xf32>
    %select_n3A_1175 = arith.select %lt3A_386, %gather3A_1171, %gather3A_1174 : vector<16xi1>, vector<16xf32>
    %swap3A_1176 = arith.constant 3 : i32
    %swap3A_1177 = arith.index_cast %swap3A_1176 : i32 to index
    %swap3A_1178 = arith.constant 48 : index
    %swap3A_1179 = tpu.vector_load %arg7[%swap3A_1177, %swap3A_1178] {strides = array<i32>} : memref<16x128xf32, #tpu.memory_space<vmem>>, vector<1x16xf32>,
    %swap3A_1180 = vector.shape_cast %swap3A_1179 : vector<1x16xf32> to vector<16xf32>
    %swap3A_1181 = vector.shape_cast %select_n3A_1175 : vector<16xf32> to vector<1x16xf32>
    tpu.vector_store %arg7[%swap3A_1177, %swap3A_1178], %swap3A_1181 {strides = array<i32>} : memref<16x128xf32, #tpu.memory_space<vmem>>, vector<1x16xf32>,
    %broadcast_in_dim3A_1182 = vector.shape_cast %select_n3A_489 : vector<16xi32> to vector<16x1xi32>
    %gather3A_1183 = vector.shape_cast %broadcast_in_dim3A_1182 : vector<16x1xi32> to vector<16xi32>
    %gather3A_1184 = tpu.dynamic_gather %get3A_1126[%gather3A_1183] in [0] : vector<16xf32>, vector<16xi32> -> vector<16xf32>
    %broadcast_in_dim3A_1185 = vector.shape_cast %select_n3A_495 : vector<16xi32> to vector<16x1xi32>
    %gather3A_1186 = vector.shape_cast %broadcast_in_dim3A_1185 : vector<16x1xi32> to vector<16xi32>
    %gather3A_1187 = tpu.dynamic_gather %get3A_1129[%gather3A_1186] in [0] : vector<16xf32>, vector<16xi32> -> vector<16xf32>
    %select_n3A_1188 = arith.select %lt3A_486, %gather3A_1184, %gather3A_1187 : vector<16xi1>, vector<16xf32>
    %swap3A_1189 = arith.constant 3 : i32
    %swap3A_1190 = arith.index_cast %swap3A_1189 : i32 to index
    %swap3A_1191 = arith.constant 64 : index
    %swap3A_1192 = tpu.vector_load %arg7[%swap3A_1190, %swap3A_1191] {strides = array<i32>} : memref<16x128xf32, #tpu.memory_space<vmem>>, vector<1x16xf32>,
    %swap3A_1193 = vector.shape_cast %swap3A_1192 : vector<1x16xf32> to vector<16xf32>
    %swap3A_1194 = vector.shape_cast %select_n3A_1188 : vector<16xf32> to vector<1x16xf32>
    tpu.vector_store %arg7[%swap3A_1190, %swap3A_1191], %swap3A_1194 {strides = array<i32>} : memref<16x128xf32, #tpu.memory_space<vmem>>, vector<1x16xf32>,
    %broadcast_in_dim3A_1195 = vector.shape_cast %select_n3A_589 : vector<16xi32> to vector<16x1xi32>
    %gather3A_1196 = vector.shape_cast %broadcast_in_dim3A_1195 : vector<16x1xi32> to vector<16xi32>
    %gather3A_1197 = tpu.dynamic_gather %get3A_1126[%gather3A_1196] in [0] : vector<16xf32>, vector<16xi32> -> vector<16xf32>
    %broadcast_in_dim3A_1198 = vector.shape_cast %select_n3A_595 : vector<16xi32> to vector<16x1xi32>
    %gather3A_1199 = vector.shape_cast %broadcast_in_dim3A_1198 : vector<16x1xi32> to vector<16xi32>
    %gather3A_1200 = tpu.dynamic_gather %get3A_1129[%gather3A_1199] in [0] : vector<16xf32>, vector<16xi32> -> vector<16xf32>
    %select_n3A_1201 = arith.select %lt3A_586, %gather3A_1197, %gather3A_1200 : vector<16xi1>, vector<16xf32>
    %swap3A_1202 = arith.constant 3 : i32
    %swap3A_1203 = arith.index_cast %swap3A_1202 : i32 to index
    %swap3A_1204 = arith.constant 80 : index
    %swap3A_1205 = tpu.vector_load %arg7[%swap3A_1203, %swap3A_1204] {strides = array<i32>} : memref<16x128xf32, #tpu.memory_space<vmem>>, vector<1x16xf32>,
    %swap3A_1206 = vector.shape_cast %swap3A_1205 : vector<1x16xf32> to vector<16xf32>
    %swap3A_1207 = vector.shape_cast %select_n3A_1201 : vector<16xf32> to vector<1x16xf32>
    tpu.vector_store %arg7[%swap3A_1203, %swap3A_1204], %swap3A_1207 {strides = array<i32>} : memref<16x128xf32, #tpu.memory_space<vmem>>, vector<1x16xf32>,
    %broadcast_in_dim3A_1208 = vector.shape_cast %select_n3A_689 : vector<16xi32> to vector<16x1xi32>
    %gather3A_1209 = vector.shape_cast %broadcast_in_dim3A_1208 : vector<16x1xi32> to vector<16xi32>
    %gather3A_1210 = tpu.dynamic_gather %get3A_1126[%gather3A_1209] in [0] : vector<16xf32>, vector<16xi32> -> vector<16xf32>
    %broadcast_in_dim3A_1211 = vector.shape_cast %select_n3A_695 : vector<16xi32> to vector<16x1xi32>
    %gather3A_1212 = vector.shape_cast %broadcast_in_dim3A_1211 : vector<16x1xi32> to vector<16xi32>
    %gather3A_1213 = tpu.dynamic_gather %get3A_1129[%gather3A_1212] in [0] : vector<16xf32>, vector<16xi32> -> vector<16xf32>
    %select_n3A_1214 = arith.select %lt3A_686, %gather3A_1210, %gather3A_1213 : vector<16xi1>, vector<16xf32>
    %swap3A_1215 = arith.constant 3 : i32
    %swap3A_1216 = arith.index_cast %swap3A_1215 : i32 to index
    %swap3A_1217 = arith.constant 96 : index
    %swap3A_1218 = tpu.vector_load %arg7[%swap3A_1216, %swap3A_1217] {strides = array<i32>} : memref<16x128xf32, #tpu.memory_space<vmem>>, vector<1x16xf32>,
    %swap3A_1219 = vector.shape_cast %swap3A_1218 : vector<1x16xf32> to vector<16xf32>
    %swap3A_1220 = vector.shape_cast %select_n3A_1214 : vector<16xf32> to vector<1x16xf32>
    tpu.vector_store %arg7[%swap3A_1216, %swap3A_1217], %swap3A_1220 {strides = array<i32>} : memref<16x128xf32, #tpu.memory_space<vmem>>, vector<1x16xf32>,
    %broadcast_in_dim3A_1221 = vector.shape_cast %select_n3A_789 : vector<16xi32> to vector<16x1xi32>
    %gather3A_1222 = vector.shape_cast %broadcast_in_dim3A_1221 : vector<16x1xi32> to vector<16xi32>
    %gather3A_1223 = tpu.dynamic_gather %get3A_1126[%gather3A_1222] in [0] : vector<16xf32>, vector<16xi32> -> vector<16xf32>
    %broadcast_in_dim3A_1224 = vector.shape_cast %select_n3A_795 : vector<16xi32> to vector<16x1xi32>
    %gather3A_1225 = vector.shape_cast %broadcast_in_dim3A_1224 : vector<16x1xi32> to vector<16xi32>
    %gather3A_1226 = tpu.dynamic_gather %get3A_1129[%gather3A_1225] in [0] : vector<16xf32>, vector<16xi32> -> vector<16xf32>
    %select_n3A_1227 = arith.select %lt3A_786, %gather3A_1223, %gather3A_1226 : vector<16xi1>, vector<16xf32>
    %swap3A_1228 = arith.constant 3 : i32
    %swap3A_1229 = arith.index_cast %swap3A_1228 : i32 to index
    %swap3A_1230 = arith.constant 112 : index
    %swap3A_1231 = tpu.vector_load %arg7[%swap3A_1229, %swap3A_1230] {strides = array<i32>} : memref<16x128xf32, #tpu.memory_space<vmem>>, vector<1x16xf32>,
    %swap3A_1232 = vector.shape_cast %swap3A_1231 : vector<1x16xf32> to vector<16xf32>
    %swap3A_1233 = vector.shape_cast %select_n3A_1227 : vector<16xf32> to vector<1x16xf32>
    tpu.vector_store %arg7[%swap3A_1229, %swap3A_1230], %swap3A_1233 {strides = array<i32>} : memref<16x128xf32, #tpu.memory_space<vmem>>, vector<1x16xf32>,
    %get3A_1234 = arith.constant 128 : index
    %get3A_1235 = tpu.vector_load %arg5[%get3A_1234] {strides = array<i32>} : memref<512xf32, #tpu.memory_space<vmem>>, vector<16xf32>,
    %get3A_1236 = vector.shape_cast %get3A_1235 : vector<16xf32> to vector<16xf32>
    %get3A_1237 = arith.constant 144 : index
    %get3A_1238 = tpu.vector_load %arg5[%get3A_1237] {strides = array<i32>} : memref<512xf32, #tpu.memory_space<vmem>>, vector<16xf32>,
    %get3A_1239 = vector.shape_cast %get3A_1238 : vector<16xf32> to vector<16xf32>
    %broadcast_in_dim3A_1240 = vector.shape_cast %select_n3A_89 : vector<16xi32> to vector<16x1xi32>
    %gather3A_1241 = vector.shape_cast %broadcast_in_dim3A_1240 : vector<16x1xi32> to vector<16xi32>
    %gather3A_1242 = tpu.dynamic_gather %get3A_1236[%gather3A_1241] in [0] : vector<16xf32>, vector<16xi32> -> vector<16xf32>
    %broadcast_in_dim3A_1243 = vector.shape_cast %select_n3A_95 : vector<16xi32> to vector<16x1xi32>
    %gather3A_1244 = vector.shape_cast %broadcast_in_dim3A_1243 : vector<16x1xi32> to vector<16xi32>
    %gather3A_1245 = tpu.dynamic_gather %get3A_1239[%gather3A_1244] in [0] : vector<16xf32>, vector<16xi32> -> vector<16xf32>
    %select_n3A_1246 = arith.select %lt3A_86, %gather3A_1242, %gather3A_1245 : vector<16xi1>, vector<16xf32>
    %swap3A_1247 = arith.constant 4 : i32
    %swap3A_1248 = arith.index_cast %swap3A_1247 : i32 to index
    %swap3A_1249 = arith.constant 0 : index
    %swap3A_1250 = tpu.vector_load %arg7[%swap3A_1248, %swap3A_1249] {strides = array<i32>} : memref<16x128xf32, #tpu.memory_space<vmem>>, vector<1x16xf32>,
    %swap3A_1251 = vector.shape_cast %swap3A_1250 : vector<1x16xf32> to vector<16xf32>
    %swap3A_1252 = vector.shape_cast %select_n3A_1246 : vector<16xf32> to vector<1x16xf32>
    tpu.vector_store %arg7[%swap3A_1248, %swap3A_1249], %swap3A_1252 {strides = array<i32>} : memref<16x128xf32, #tpu.memory_space<vmem>>, vector<1x16xf32>,
    %broadcast_in_dim3A_1253 = vector.shape_cast %select_n3A_189 : vector<16xi32> to vector<16x1xi32>
    %gather3A_1254 = vector.shape_cast %broadcast_in_dim3A_1253 : vector<16x1xi32> to vector<16xi32>
    %gather3A_1255 = tpu.dynamic_gather %get3A_1236[%gather3A_1254] in [0] : vector<16xf32>, vector<16xi32> -> vector<16xf32>
    %broadcast_in_dim3A_1256 = vector.shape_cast %select_n3A_195 : vector<16xi32> to vector<16x1xi32>
    %gather3A_1257 = vector.shape_cast %broadcast_in_dim3A_1256 : vector<16x1xi32> to vector<16xi32>
    %gather3A_1258 = tpu.dynamic_gather %get3A_1239[%gather3A_1257] in [0] : vector<16xf32>, vector<16xi32> -> vector<16xf32>
    %select_n3A_1259 = arith.select %lt3A_186, %gather3A_1255, %gather3A_1258 : vector<16xi1>, vector<16xf32>
    %swap3A_1260 = arith.constant 4 : i32
    %swap3A_1261 = arith.index_cast %swap3A_1260 : i32 to index
    %swap3A_1262 = arith.constant 16 : index
    %swap3A_1263 = tpu.vector_load %arg7[%swap3A_1261, %swap3A_1262] {strides = array<i32>} : memref<16x128xf32, #tpu.memory_space<vmem>>, vector<1x16xf32>,
    %swap3A_1264 = vector.shape_cast %swap3A_1263 : vector<1x16xf32> to vector<16xf32>
    %swap3A_1265 = vector.shape_cast %select_n3A_1259 : vector<16xf32> to vector<1x16xf32>
    tpu.vector_store %arg7[%swap3A_1261, %swap3A_1262], %swap3A_1265 {strides = array<i32>} : memref<16x128xf32, #tpu.memory_space<vmem>>, vector<1x16xf32>,
    %broadcast_in_dim3A_1266 = vector.shape_cast %select_n3A_289 : vector<16xi32> to vector<16x1xi32>
    %gather3A_1267 = vector.shape_cast %broadcast_in_dim3A_1266 : vector<16x1xi32> to vector<16xi32>
    %gather3A_1268 = tpu.dynamic_gather %get3A_1236[%gather3A_1267] in [0] : vector<16xf32>, vector<16xi32> -> vector<16xf32>
    %broadcast_in_dim3A_1269 = vector.shape_cast %select_n3A_295 : vector<16xi32> to vector<16x1xi32>
    %gather3A_1270 = vector.shape_cast %broadcast_in_dim3A_1269 : vector<16x1xi32> to vector<16xi32>
    %gather3A_1271 = tpu.dynamic_gather %get3A_1239[%gather3A_1270] in [0] : vector<16xf32>, vector<16xi32> -> vector<16xf32>
    %select_n3A_1272 = arith.select %lt3A_286, %gather3A_1268, %gather3A_1271 : vector<16xi1>, vector<16xf32>
    %swap3A_1273 = arith.constant 4 : i32
    %swap3A_1274 = arith.index_cast %swap3A_1273 : i32 to index
    %swap3A_1275 = arith.constant 32 : index
    %swap3A_1276 = tpu.vector_load %arg7[%swap3A_1274, %swap3A_1275] {strides = array<i32>} : memref<16x128xf32, #tpu.memory_space<vmem>>, vector<1x16xf32>,
    %swap3A_1277 = vector.shape_cast %swap3A_1276 : vector<1x16xf32> to vector<16xf32>
    %swap3A_1278 = vector.shape_cast %select_n3A_1272 : vector<16xf32> to vector<1x16xf32>
    tpu.vector_store %arg7[%swap3A_1274, %swap3A_1275], %swap3A_1278 {strides = array<i32>} : memref<16x128xf32, #tpu.memory_space<vmem>>, vector<1x16xf32>,
    %broadcast_in_dim3A_1279 = vector.shape_cast %select_n3A_389 : vector<16xi32> to vector<16x1xi32>
    %gather3A_1280 = vector.shape_cast %broadcast_in_dim3A_1279 : vector<16x1xi32> to vector<16xi32>
    %gather3A_1281 = tpu.dynamic_gather %get3A_1236[%gather3A_1280] in [0] : vector<16xf32>, vector<16xi32> -> vector<16xf32>
    %broadcast_in_dim3A_1282 = vector.shape_cast %select_n3A_395 : vector<16xi32> to vector<16x1xi32>
    %gather3A_1283 = vector.shape_cast %broadcast_in_dim3A_1282 : vector<16x1xi32> to vector<16xi32>
    %gather3A_1284 = tpu.dynamic_gather %get3A_1239[%gather3A_1283] in [0] : vector<16xf32>, vector<16xi32> -> vector<16xf32>
    %select_n3A_1285 = arith.select %lt3A_386, %gather3A_1281, %gather3A_1284 : vector<16xi1>, vector<16xf32>
    %swap3A_1286 = arith.constant 4 : i32
    %swap3A_1287 = arith.index_cast %swap3A_1286 : i32 to index
    %swap3A_1288 = arith.constant 48 : index
    %swap3A_1289 = tpu.vector_load %arg7[%swap3A_1287, %swap3A_1288] {strides = array<i32>} : memref<16x128xf32, #tpu.memory_space<vmem>>, vector<1x16xf32>,
    %swap3A_1290 = vector.shape_cast %swap3A_1289 : vector<1x16xf32> to vector<16xf32>
    %swap3A_1291 = vector.shape_cast %select_n3A_1285 : vector<16xf32> to vector<1x16xf32>
    tpu.vector_store %arg7[%swap3A_1287, %swap3A_1288], %swap3A_1291 {strides = array<i32>} : memref<16x128xf32, #tpu.memory_space<vmem>>, vector<1x16xf32>,
    %broadcast_in_dim3A_1292 = vector.shape_cast %select_n3A_489 : vector<16xi32> to vector<16x1xi32>
    %gather3A_1293 = vector.shape_cast %broadcast_in_dim3A_1292 : vector<16x1xi32> to vector<16xi32>
    %gather3A_1294 = tpu.dynamic_gather %get3A_1236[%gather3A_1293] in [0] : vector<16xf32>, vector<16xi32> -> vector<16xf32>
    %broadcast_in_dim3A_1295 = vector.shape_cast %select_n3A_495 : vector<16xi32> to vector<16x1xi32>
    %gather3A_1296 = vector.shape_cast %broadcast_in_dim3A_1295 : vector<16x1xi32> to vector<16xi32>
    %gather3A_1297 = tpu.dynamic_gather %get3A_1239[%gather3A_1296] in [0] : vector<16xf32>, vector<16xi32> -> vector<16xf32>
    %select_n3A_1298 = arith.select %lt3A_486, %gather3A_1294, %gather3A_1297 : vector<16xi1>, vector<16xf32>
    %swap3A_1299 = arith.constant 4 : i32
    %swap3A_1300 = arith.index_cast %swap3A_1299 : i32 to index
    %swap3A_1301 = arith.constant 64 : index
    %swap3A_1302 = tpu.vector_load %arg7[%swap3A_1300, %swap3A_1301] {strides = array<i32>} : memref<16x128xf32, #tpu.memory_space<vmem>>, vector<1x16xf32>,
    %swap3A_1303 = vector.shape_cast %swap3A_1302 : vector<1x16xf32> to vector<16xf32>
    %swap3A_1304 = vector.shape_cast %select_n3A_1298 : vector<16xf32> to vector<1x16xf32>
    tpu.vector_store %arg7[%swap3A_1300, %swap3A_1301], %swap3A_1304 {strides = array<i32>} : memref<16x128xf32, #tpu.memory_space<vmem>>, vector<1x16xf32>,
    %broadcast_in_dim3A_1305 = vector.shape_cast %select_n3A_589 : vector<16xi32> to vector<16x1xi32>
    %gather3A_1306 = vector.shape_cast %broadcast_in_dim3A_1305 : vector<16x1xi32> to vector<16xi32>
    %gather3A_1307 = tpu.dynamic_gather %get3A_1236[%gather3A_1306] in [0] : vector<16xf32>, vector<16xi32> -> vector<16xf32>
    %broadcast_in_dim3A_1308 = vector.shape_cast %select_n3A_595 : vector<16xi32> to vector<16x1xi32>
    %gather3A_1309 = vector.shape_cast %broadcast_in_dim3A_1308 : vector<16x1xi32> to vector<16xi32>
    %gather3A_1310 = tpu.dynamic_gather %get3A_1239[%gather3A_1309] in [0] : vector<16xf32>, vector<16xi32> -> vector<16xf32>
    %select_n3A_1311 = arith.select %lt3A_586, %gather3A_1307, %gather3A_1310 : vector<16xi1>, vector<16xf32>
    %swap3A_1312 = arith.constant 4 : i32
    %swap3A_1313 = arith.index_cast %swap3A_1312 : i32 to index
    %swap3A_1314 = arith.constant 80 : index
    %swap3A_1315 = tpu.vector_load %arg7[%swap3A_1313, %swap3A_1314] {strides = array<i32>} : memref<16x128xf32, #tpu.memory_space<vmem>>, vector<1x16xf32>,
    %swap3A_1316 = vector.shape_cast %swap3A_1315 : vector<1x16xf32> to vector<16xf32>
    %swap3A_1317 = vector.shape_cast %select_n3A_1311 : vector<16xf32> to vector<1x16xf32>
    tpu.vector_store %arg7[%swap3A_1313, %swap3A_1314], %swap3A_1317 {strides = array<i32>} : memref<16x128xf32, #tpu.memory_space<vmem>>, vector<1x16xf32>,
    %broadcast_in_dim3A_1318 = vector.shape_cast %select_n3A_689 : vector<16xi32> to vector<16x1xi32>
    %gather3A_1319 = vector.shape_cast %broadcast_in_dim3A_1318 : vector<16x1xi32> to vector<16xi32>
    %gather3A_1320 = tpu.dynamic_gather %get3A_1236[%gather3A_1319] in [0] : vector<16xf32>, vector<16xi32> -> vector<16xf32>
    %broadcast_in_dim3A_1321 = vector.shape_cast %select_n3A_695 : vector<16xi32> to vector<16x1xi32>
    %gather3A_1322 = vector.shape_cast %broadcast_in_dim3A_1321 : vector<16x1xi32> to vector<16xi32>
    %gather3A_1323 = tpu.dynamic_gather %get3A_1239[%gather3A_1322] in [0] : vector<16xf32>, vector<16xi32> -> vector<16xf32>
    %select_n3A_1324 = arith.select %lt3A_686, %gather3A_1320, %gather3A_1323 : vector<16xi1>, vector<16xf32>
    %swap3A_1325 = arith.constant 4 : i32
    %swap3A_1326 = arith.index_cast %swap3A_1325 : i32 to index
    %swap3A_1327 = arith.constant 96 : index
    %swap3A_1328 = tpu.vector_load %arg7[%swap3A_1326, %swap3A_1327] {strides = array<i32>} : memref<16x128xf32, #tpu.memory_space<vmem>>, vector<1x16xf32>,
    %swap3A_1329 = vector.shape_cast %swap3A_1328 : vector<1x16xf32> to vector<16xf32>
    %swap3A_1330 = vector.shape_cast %select_n3A_1324 : vector<16xf32> to vector<1x16xf32>
    tpu.vector_store %arg7[%swap3A_1326, %swap3A_1327], %swap3A_1330 {strides = array<i32>} : memref<16x128xf32, #tpu.memory_space<vmem>>, vector<1x16xf32>,
    %broadcast_in_dim3A_1331 = vector.shape_cast %select_n3A_789 : vector<16xi32> to vector<16x1xi32>
    %gather3A_1332 = vector.shape_cast %broadcast_in_dim3A_1331 : vector<16x1xi32> to vector<16xi32>
    %gather3A_1333 = tpu.dynamic_gather %get3A_1236[%gather3A_1332] in [0] : vector<16xf32>, vector<16xi32> -> vector<16xf32>
    %broadcast_in_dim3A_1334 = vector.shape_cast %select_n3A_795 : vector<16xi32> to vector<16x1xi32>
    %gather3A_1335 = vector.shape_cast %broadcast_in_dim3A_1334 : vector<16x1xi32> to vector<16xi32>
    %gather3A_1336 = tpu.dynamic_gather %get3A_1239[%gather3A_1335] in [0] : vector<16xf32>, vector<16xi32> -> vector<16xf32>
    %select_n3A_1337 = arith.select %lt3A_786, %gather3A_1333, %gather3A_1336 : vector<16xi1>, vector<16xf32>
    %swap3A_1338 = arith.constant 4 : i32
    %swap3A_1339 = arith.index_cast %swap3A_1338 : i32 to index
    %swap3A_1340 = arith.constant 112 : index
    %swap3A_1341 = tpu.vector_load %arg7[%swap3A_1339, %swap3A_1340] {strides = array<i32>} : memref<16x128xf32, #tpu.memory_space<vmem>>, vector<1x16xf32>,
    %swap3A_1342 = vector.shape_cast %swap3A_1341 : vector<1x16xf32> to vector<16xf32>
    %swap3A_1343 = vector.shape_cast %select_n3A_1337 : vector<16xf32> to vector<1x16xf32>
    tpu.vector_store %arg7[%swap3A_1339, %swap3A_1340], %swap3A_1343 {strides = array<i32>} : memref<16x128xf32, #tpu.memory_space<vmem>>, vector<1x16xf32>,
    %get3A_1344 = arith.constant 160 : index
    %get3A_1345 = tpu.vector_load %arg5[%get3A_1344] {strides = array<i32>} : memref<512xf32, #tpu.memory_space<vmem>>, vector<16xf32>,
    %get3A_1346 = vector.shape_cast %get3A_1345 : vector<16xf32> to vector<16xf32>
    %get3A_1347 = arith.constant 176 : index
    %get3A_1348 = tpu.vector_load %arg5[%get3A_1347] {strides = array<i32>} : memref<512xf32, #tpu.memory_space<vmem>>, vector<16xf32>,
    %get3A_1349 = vector.shape_cast %get3A_1348 : vector<16xf32> to vector<16xf32>
    %broadcast_in_dim3A_1350 = vector.shape_cast %select_n3A_89 : vector<16xi32> to vector<16x1xi32>
    %gather3A_1351 = vector.shape_cast %broadcast_in_dim3A_1350 : vector<16x1xi32> to vector<16xi32>
    %gather3A_1352 = tpu.dynamic_gather %get3A_1346[%gather3A_1351] in [0] : vector<16xf32>, vector<16xi32> -> vector<16xf32>
    %broadcast_in_dim3A_1353 = vector.shape_cast %select_n3A_95 : vector<16xi32> to vector<16x1xi32>
    %gather3A_1354 = vector.shape_cast %broadcast_in_dim3A_1353 : vector<16x1xi32> to vector<16xi32>
    %gather3A_1355 = tpu.dynamic_gather %get3A_1349[%gather3A_1354] in [0] : vector<16xf32>, vector<16xi32> -> vector<16xf32>
    %select_n3A_1356 = arith.select %lt3A_86, %gather3A_1352, %gather3A_1355 : vector<16xi1>, vector<16xf32>
    %swap3A_1357 = arith.constant 5 : i32
    %swap3A_1358 = arith.index_cast %swap3A_1357 : i32 to index
    %swap3A_1359 = arith.constant 0 : index
    %swap3A_1360 = tpu.vector_load %arg7[%swap3A_1358, %swap3A_1359] {strides = array<i32>} : memref<16x128xf32, #tpu.memory_space<vmem>>, vector<1x16xf32>,
    %swap3A_1361 = vector.shape_cast %swap3A_1360 : vector<1x16xf32> to vector<16xf32>
    %swap3A_1362 = vector.shape_cast %select_n3A_1356 : vector<16xf32> to vector<1x16xf32>
    tpu.vector_store %arg7[%swap3A_1358, %swap3A_1359], %swap3A_1362 {strides = array<i32>} : memref<16x128xf32, #tpu.memory_space<vmem>>, vector<1x16xf32>,
    %broadcast_in_dim3A_1363 = vector.shape_cast %select_n3A_189 : vector<16xi32> to vector<16x1xi32>
    %gather3A_1364 = vector.shape_cast %broadcast_in_dim3A_1363 : vector<16x1xi32> to vector<16xi32>
    %gather3A_1365 = tpu.dynamic_gather %get3A_1346[%gather3A_1364] in [0] : vector<16xf32>, vector<16xi32> -> vector<16xf32>
    %broadcast_in_dim3A_1366 = vector.shape_cast %select_n3A_195 : vector<16xi32> to vector<16x1xi32>
    %gather3A_1367 = vector.shape_cast %broadcast_in_dim3A_1366 : vector<16x1xi32> to vector<16xi32>
    %gather3A_1368 = tpu.dynamic_gather %get3A_1349[%gather3A_1367] in [0] : vector<16xf32>, vector<16xi32> -> vector<16xf32>
    %select_n3A_1369 = arith.select %lt3A_186, %gather3A_1365, %gather3A_1368 : vector<16xi1>, vector<16xf32>
    %swap3A_1370 = arith.constant 5 : i32
    %swap3A_1371 = arith.index_cast %swap3A_1370 : i32 to index
    %swap3A_1372 = arith.constant 16 : index
    %swap3A_1373 = tpu.vector_load %arg7[%swap3A_1371, %swap3A_1372] {strides = array<i32>} : memref<16x128xf32, #tpu.memory_space<vmem>>, vector<1x16xf32>,
    %swap3A_1374 = vector.shape_cast %swap3A_1373 : vector<1x16xf32> to vector<16xf32>
    %swap3A_1375 = vector.shape_cast %select_n3A_1369 : vector<16xf32> to vector<1x16xf32>
    tpu.vector_store %arg7[%swap3A_1371, %swap3A_1372], %swap3A_1375 {strides = array<i32>} : memref<16x128xf32, #tpu.memory_space<vmem>>, vector<1x16xf32>,
    %broadcast_in_dim3A_1376 = vector.shape_cast %select_n3A_289 : vector<16xi32> to vector<16x1xi32>
    %gather3A_1377 = vector.shape_cast %broadcast_in_dim3A_1376 : vector<16x1xi32> to vector<16xi32>
    %gather3A_1378 = tpu.dynamic_gather %get3A_1346[%gather3A_1377] in [0] : vector<16xf32>, vector<16xi32> -> vector<16xf32>
    %broadcast_in_dim3A_1379 = vector.shape_cast %select_n3A_295 : vector<16xi32> to vector<16x1xi32>
    %gather3A_1380 = vector.shape_cast %broadcast_in_dim3A_1379 : vector<16x1xi32> to vector<16xi32>
    %gather3A_1381 = tpu.dynamic_gather %get3A_1349[%gather3A_1380] in [0] : vector<16xf32>, vector<16xi32> -> vector<16xf32>
    %select_n3A_1382 = arith.select %lt3A_286, %gather3A_1378, %gather3A_1381 : vector<16xi1>, vector<16xf32>
    %swap3A_1383 = arith.constant 5 : i32
    %swap3A_1384 = arith.index_cast %swap3A_1383 : i32 to index
    %swap3A_1385 = arith.constant 32 : index
    %swap3A_1386 = tpu.vector_load %arg7[%swap3A_1384, %swap3A_1385] {strides = array<i32>} : memref<16x128xf32, #tpu.memory_space<vmem>>, vector<1x16xf32>,
    %swap3A_1387 = vector.shape_cast %swap3A_1386 : vector<1x16xf32> to vector<16xf32>
    %swap3A_1388 = vector.shape_cast %select_n3A_1382 : vector<16xf32> to vector<1x16xf32>
    tpu.vector_store %arg7[%swap3A_1384, %swap3A_1385], %swap3A_1388 {strides = array<i32>} : memref<16x128xf32, #tpu.memory_space<vmem>>, vector<1x16xf32>,
    %broadcast_in_dim3A_1389 = vector.shape_cast %select_n3A_389 : vector<16xi32> to vector<16x1xi32>
    %gather3A_1390 = vector.shape_cast %broadcast_in_dim3A_1389 : vector<16x1xi32> to vector<16xi32>
    %gather3A_1391 = tpu.dynamic_gather %get3A_1346[%gather3A_1390] in [0] : vector<16xf32>, vector<16xi32> -> vector<16xf32>
    %broadcast_in_dim3A_1392 = vector.shape_cast %select_n3A_395 : vector<16xi32> to vector<16x1xi32>
    %gather3A_1393 = vector.shape_cast %broadcast_in_dim3A_1392 : vector<16x1xi32> to vector<16xi32>
    %gather3A_1394 = tpu.dynamic_gather %get3A_1349[%gather3A_1393] in [0] : vector<16xf32>, vector<16xi32> -> vector<16xf32>
    %select_n3A_1395 = arith.select %lt3A_386, %gather3A_1391, %gather3A_1394 : vector<16xi1>, vector<16xf32>
    %swap3A_1396 = arith.constant 5 : i32
    %swap3A_1397 = arith.index_cast %swap3A_1396 : i32 to index
    %swap3A_1398 = arith.constant 48 : index
    %swap3A_1399 = tpu.vector_load %arg7[%swap3A_1397, %swap3A_1398] {strides = array<i32>} : memref<16x128xf32, #tpu.memory_space<vmem>>, vector<1x16xf32>,
    %swap3A_1400 = vector.shape_cast %swap3A_1399 : vector<1x16xf32> to vector<16xf32>
    %swap3A_1401 = vector.shape_cast %select_n3A_1395 : vector<16xf32> to vector<1x16xf32>
    tpu.vector_store %arg7[%swap3A_1397, %swap3A_1398], %swap3A_1401 {strides = array<i32>} : memref<16x128xf32, #tpu.memory_space<vmem>>, vector<1x16xf32>,
    %broadcast_in_dim3A_1402 = vector.shape_cast %select_n3A_489 : vector<16xi32> to vector<16x1xi32>
    %gather3A_1403 = vector.shape_cast %broadcast_in_dim3A_1402 : vector<16x1xi32> to vector<16xi32>
    %gather3A_1404 = tpu.dynamic_gather %get3A_1346[%gather3A_1403] in [0] : vector<16xf32>, vector<16xi32> -> vector<16xf32>
    %broadcast_in_dim3A_1405 = vector.shape_cast %select_n3A_495 : vector<16xi32> to vector<16x1xi32>
    %gather3A_1406 = vector.shape_cast %broadcast_in_dim3A_1405 : vector<16x1xi32> to vector<16xi32>
    %gather3A_1407 = tpu.dynamic_gather %get3A_1349[%gather3A_1406] in [0] : vector<16xf32>, vector<16xi32> -> vector<16xf32>
    %select_n3A_1408 = arith.select %lt3A_486, %gather3A_1404, %gather3A_1407 : vector<16xi1>, vector<16xf32>
    %swap3A_1409 = arith.constant 5 : i32
    %swap3A_1410 = arith.index_cast %swap3A_1409 : i32 to index
    %swap3A_1411 = arith.constant 64 : index
    %swap3A_1412 = tpu.vector_load %arg7[%swap3A_1410, %swap3A_1411] {strides = array<i32>} : memref<16x128xf32, #tpu.memory_space<vmem>>, vector<1x16xf32>,
    %swap3A_1413 = vector.shape_cast %swap3A_1412 : vector<1x16xf32> to vector<16xf32>
    %swap3A_1414 = vector.shape_cast %select_n3A_1408 : vector<16xf32> to vector<1x16xf32>
    tpu.vector_store %arg7[%swap3A_1410, %swap3A_1411], %swap3A_1414 {strides = array<i32>} : memref<16x128xf32, #tpu.memory_space<vmem>>, vector<1x16xf32>,
    %broadcast_in_dim3A_1415 = vector.shape_cast %select_n3A_589 : vector<16xi32> to vector<16x1xi32>
    %gather3A_1416 = vector.shape_cast %broadcast_in_dim3A_1415 : vector<16x1xi32> to vector<16xi32>
    %gather3A_1417 = tpu.dynamic_gather %get3A_1346[%gather3A_1416] in [0] : vector<16xf32>, vector<16xi32> -> vector<16xf32>
    %broadcast_in_dim3A_1418 = vector.shape_cast %select_n3A_595 : vector<16xi32> to vector<16x1xi32>
    %gather3A_1419 = vector.shape_cast %broadcast_in_dim3A_1418 : vector<16x1xi32> to vector<16xi32>
    %gather3A_1420 = tpu.dynamic_gather %get3A_1349[%gather3A_1419] in [0] : vector<16xf32>, vector<16xi32> -> vector<16xf32>
    %select_n3A_1421 = arith.select %lt3A_586, %gather3A_1417, %gather3A_1420 : vector<16xi1>, vector<16xf32>
    %swap3A_1422 = arith.constant 5 : i32
    %swap3A_1423 = arith.index_cast %swap3A_1422 : i32 to index
    %swap3A_1424 = arith.constant 80 : index
    %swap3A_1425 = tpu.vector_load %arg7[%swap3A_1423, %swap3A_1424] {strides = array<i32>} : memref<16x128xf32, #tpu.memory_space<vmem>>, vector<1x16xf32>,
    %swap3A_1426 = vector.shape_cast %swap3A_1425 : vector<1x16xf32> to vector<16xf32>
    %swap3A_1427 = vector.shape_cast %select_n3A_1421 : vector<16xf32> to vector<1x16xf32>
    tpu.vector_store %arg7[%swap3A_1423, %swap3A_1424], %swap3A_1427 {strides = array<i32>} : memref<16x128xf32, #tpu.memory_space<vmem>>, vector<1x16xf32>,
    %broadcast_in_dim3A_1428 = vector.shape_cast %select_n3A_689 : vector<16xi32> to vector<16x1xi32>
    %gather3A_1429 = vector.shape_cast %broadcast_in_dim3A_1428 : vector<16x1xi32> to vector<16xi32>
    %gather3A_1430 = tpu.dynamic_gather %get3A_1346[%gather3A_1429] in [0] : vector<16xf32>, vector<16xi32> -> vector<16xf32>
    %broadcast_in_dim3A_1431 = vector.shape_cast %select_n3A_695 : vector<16xi32> to vector<16x1xi32>
    %gather3A_1432 = vector.shape_cast %broadcast_in_dim3A_1431 : vector<16x1xi32> to vector<16xi32>
    %gather3A_1433 = tpu.dynamic_gather %get3A_1349[%gather3A_1432] in [0] : vector<16xf32>, vector<16xi32> -> vector<16xf32>
    %select_n3A_1434 = arith.select %lt3A_686, %gather3A_1430, %gather3A_1433 : vector<16xi1>, vector<16xf32>
    %swap3A_1435 = arith.constant 5 : i32
    %swap3A_1436 = arith.index_cast %swap3A_1435 : i32 to index
    %swap3A_1437 = arith.constant 96 : index
    %swap3A_1438 = tpu.vector_load %arg7[%swap3A_1436, %swap3A_1437] {strides = array<i32>} : memref<16x128xf32, #tpu.memory_space<vmem>>, vector<1x16xf32>,
    %swap3A_1439 = vector.shape_cast %swap3A_1438 : vector<1x16xf32> to vector<16xf32>
    %swap3A_1440 = vector.shape_cast %select_n3A_1434 : vector<16xf32> to vector<1x16xf32>
    tpu.vector_store %arg7[%swap3A_1436, %swap3A_1437], %swap3A_1440 {strides = array<i32>} : memref<16x128xf32, #tpu.memory_space<vmem>>, vector<1x16xf32>,
    %broadcast_in_dim3A_1441 = vector.shape_cast %select_n3A_789 : vector<16xi32> to vector<16x1xi32>
    %gather3A_1442 = vector.shape_cast %broadcast_in_dim3A_1441 : vector<16x1xi32> to vector<16xi32>
    %gather3A_1443 = tpu.dynamic_gather %get3A_1346[%gather3A_1442] in [0] : vector<16xf32>, vector<16xi32> -> vector<16xf32>
    %broadcast_in_dim3A_1444 = vector.shape_cast %select_n3A_795 : vector<16xi32> to vector<16x1xi32>
    %gather3A_1445 = vector.shape_cast %broadcast_in_dim3A_1444 : vector<16x1xi32> to vector<16xi32>
    %gather3A_1446 = tpu.dynamic_gather %get3A_1349[%gather3A_1445] in [0] : vector<16xf32>, vector<16xi32> -> vector<16xf32>
    %select_n3A_1447 = arith.select %lt3A_786, %gather3A_1443, %gather3A_1446 : vector<16xi1>, vector<16xf32>
    %swap3A_1448 = arith.constant 5 : i32
    %swap3A_1449 = arith.index_cast %swap3A_1448 : i32 to index
    %swap3A_1450 = arith.constant 112 : index
    %swap3A_1451 = tpu.vector_load %arg7[%swap3A_1449, %swap3A_1450] {strides = array<i32>} : memref<16x128xf32, #tpu.memory_space<vmem>>, vector<1x16xf32>,
    %swap3A_1452 = vector.shape_cast %swap3A_1451 : vector<1x16xf32> to vector<16xf32>
    %swap3A_1453 = vector.shape_cast %select_n3A_1447 : vector<16xf32> to vector<1x16xf32>
    tpu.vector_store %arg7[%swap3A_1449, %swap3A_1450], %swap3A_1453 {strides = array<i32>} : memref<16x128xf32, #tpu.memory_space<vmem>>, vector<1x16xf32>,
    %get3A_1454 = arith.constant 192 : index
    %get3A_1455 = tpu.vector_load %arg5[%get3A_1454] {strides = array<i32>} : memref<512xf32, #tpu.memory_space<vmem>>, vector<16xf32>,
    %get3A_1456 = vector.shape_cast %get3A_1455 : vector<16xf32> to vector<16xf32>
    %get3A_1457 = arith.constant 208 : index
    %get3A_1458 = tpu.vector_load %arg5[%get3A_1457] {strides = array<i32>} : memref<512xf32, #tpu.memory_space<vmem>>, vector<16xf32>,
    %get3A_1459 = vector.shape_cast %get3A_1458 : vector<16xf32> to vector<16xf32>
    %broadcast_in_dim3A_1460 = vector.shape_cast %select_n3A_89 : vector<16xi32> to vector<16x1xi32>
    %gather3A_1461 = vector.shape_cast %broadcast_in_dim3A_1460 : vector<16x1xi32> to vector<16xi32>
    %gather3A_1462 = tpu.dynamic_gather %get3A_1456[%gather3A_1461] in [0] : vector<16xf32>, vector<16xi32> -> vector<16xf32>
    %broadcast_in_dim3A_1463 = vector.shape_cast %select_n3A_95 : vector<16xi32> to vector<16x1xi32>
    %gather3A_1464 = vector.shape_cast %broadcast_in_dim3A_1463 : vector<16x1xi32> to vector<16xi32>
    %gather3A_1465 = tpu.dynamic_gather %get3A_1459[%gather3A_1464] in [0] : vector<16xf32>, vector<16xi32> -> vector<16xf32>
    %select_n3A_1466 = arith.select %lt3A_86, %gather3A_1462, %gather3A_1465 : vector<16xi1>, vector<16xf32>
    %swap3A_1467 = arith.constant 6 : i32
    %swap3A_1468 = arith.index_cast %swap3A_1467 : i32 to index
    %swap3A_1469 = arith.constant 0 : index
    %swap3A_1470 = tpu.vector_load %arg7[%swap3A_1468, %swap3A_1469] {strides = array<i32>} : memref<16x128xf32, #tpu.memory_space<vmem>>, vector<1x16xf32>,
    %swap3A_1471 = vector.shape_cast %swap3A_1470 : vector<1x16xf32> to vector<16xf32>
    %swap3A_1472 = vector.shape_cast %select_n3A_1466 : vector<16xf32> to vector<1x16xf32>
    tpu.vector_store %arg7[%swap3A_1468, %swap3A_1469], %swap3A_1472 {strides = array<i32>} : memref<16x128xf32, #tpu.memory_space<vmem>>, vector<1x16xf32>,
    %broadcast_in_dim3A_1473 = vector.shape_cast %select_n3A_189 : vector<16xi32> to vector<16x1xi32>
    %gather3A_1474 = vector.shape_cast %broadcast_in_dim3A_1473 : vector<16x1xi32> to vector<16xi32>
    %gather3A_1475 = tpu.dynamic_gather %get3A_1456[%gather3A_1474] in [0] : vector<16xf32>, vector<16xi32> -> vector<16xf32>
    %broadcast_in_dim3A_1476 = vector.shape_cast %select_n3A_195 : vector<16xi32> to vector<16x1xi32>
    %gather3A_1477 = vector.shape_cast %broadcast_in_dim3A_1476 : vector<16x1xi32> to vector<16xi32>
    %gather3A_1478 = tpu.dynamic_gather %get3A_1459[%gather3A_1477] in [0] : vector<16xf32>, vector<16xi32> -> vector<16xf32>
    %select_n3A_1479 = arith.select %lt3A_186, %gather3A_1475, %gather3A_1478 : vector<16xi1>, vector<16xf32>
    %swap3A_1480 = arith.constant 6 : i32
    %swap3A_1481 = arith.index_cast %swap3A_1480 : i32 to index
    %swap3A_1482 = arith.constant 16 : index
    %swap3A_1483 = tpu.vector_load %arg7[%swap3A_1481, %swap3A_1482] {strides = array<i32>} : memref<16x128xf32, #tpu.memory_space<vmem>>, vector<1x16xf32>,
    %swap3A_1484 = vector.shape_cast %swap3A_1483 : vector<1x16xf32> to vector<16xf32>
    %swap3A_1485 = vector.shape_cast %select_n3A_1479 : vector<16xf32> to vector<1x16xf32>
    tpu.vector_store %arg7[%swap3A_1481, %swap3A_1482], %swap3A_1485 {strides = array<i32>} : memref<16x128xf32, #tpu.memory_space<vmem>>, vector<1x16xf32>,
    %broadcast_in_dim3A_1486 = vector.shape_cast %select_n3A_289 : vector<16xi32> to vector<16x1xi32>
    %gather3A_1487 = vector.shape_cast %broadcast_in_dim3A_1486 : vector<16x1xi32> to vector<16xi32>
    %gather3A_1488 = tpu.dynamic_gather %get3A_1456[%gather3A_1487] in [0] : vector<16xf32>, vector<16xi32> -> vector<16xf32>
    %broadcast_in_dim3A_1489 = vector.shape_cast %select_n3A_295 : vector<16xi32> to vector<16x1xi32>
    %gather3A_1490 = vector.shape_cast %broadcast_in_dim3A_1489 : vector<16x1xi32> to vector<16xi32>
    %gather3A_1491 = tpu.dynamic_gather %get3A_1459[%gather3A_1490] in [0] : vector<16xf32>, vector<16xi32> -> vector<16xf32>
    %select_n3A_1492 = arith.select %lt3A_286, %gather3A_1488, %gather3A_1491 : vector<16xi1>, vector<16xf32>
    %swap3A_1493 = arith.constant 6 : i32
    %swap3A_1494 = arith.index_cast %swap3A_1493 : i32 to index
    %swap3A_1495 = arith.constant 32 : index
    %swap3A_1496 = tpu.vector_load %arg7[%swap3A_1494, %swap3A_1495] {strides = array<i32>} : memref<16x128xf32, #tpu.memory_space<vmem>>, vector<1x16xf32>,
    %swap3A_1497 = vector.shape_cast %swap3A_1496 : vector<1x16xf32> to vector<16xf32>
    %swap3A_1498 = vector.shape_cast %select_n3A_1492 : vector<16xf32> to vector<1x16xf32>
    tpu.vector_store %arg7[%swap3A_1494, %swap3A_1495], %swap3A_1498 {strides = array<i32>} : memref<16x128xf32, #tpu.memory_space<vmem>>, vector<1x16xf32>,
    %broadcast_in_dim3A_1499 = vector.shape_cast %select_n3A_389 : vector<16xi32> to vector<16x1xi32>
    %gather3A_1500 = vector.shape_cast %broadcast_in_dim3A_1499 : vector<16x1xi32> to vector<16xi32>
    %gather3A_1501 = tpu.dynamic_gather %get3A_1456[%gather3A_1500] in [0] : vector<16xf32>, vector<16xi32> -> vector<16xf32>
    %broadcast_in_dim3A_1502 = vector.shape_cast %select_n3A_395 : vector<16xi32> to vector<16x1xi32>
    %gather3A_1503 = vector.shape_cast %broadcast_in_dim3A_1502 : vector<16x1xi32> to vector<16xi32>
    %gather3A_1504 = tpu.dynamic_gather %get3A_1459[%gather3A_1503] in [0] : vector<16xf32>, vector<16xi32> -> vector<16xf32>
    %select_n3A_1505 = arith.select %lt3A_386, %gather3A_1501, %gather3A_1504 : vector<16xi1>, vector<16xf32>
    %swap3A_1506 = arith.constant 6 : i32
    %swap3A_1507 = arith.index_cast %swap3A_1506 : i32 to index
    %swap3A_1508 = arith.constant 48 : index
    %swap3A_1509 = tpu.vector_load %arg7[%swap3A_1507, %swap3A_1508] {strides = array<i32>} : memref<16x128xf32, #tpu.memory_space<vmem>>, vector<1x16xf32>,
    %swap3A_1510 = vector.shape_cast %swap3A_1509 : vector<1x16xf32> to vector<16xf32>
    %swap3A_1511 = vector.shape_cast %select_n3A_1505 : vector<16xf32> to vector<1x16xf32>
    tpu.vector_store %arg7[%swap3A_1507, %swap3A_1508], %swap3A_1511 {strides = array<i32>} : memref<16x128xf32, #tpu.memory_space<vmem>>, vector<1x16xf32>,
    %broadcast_in_dim3A_1512 = vector.shape_cast %select_n3A_489 : vector<16xi32> to vector<16x1xi32>
    %gather3A_1513 = vector.shape_cast %broadcast_in_dim3A_1512 : vector<16x1xi32> to vector<16xi32>
    %gather3A_1514 = tpu.dynamic_gather %get3A_1456[%gather3A_1513] in [0] : vector<16xf32>, vector<16xi32> -> vector<16xf32>
    %broadcast_in_dim3A_1515 = vector.shape_cast %select_n3A_495 : vector<16xi32> to vector<16x1xi32>
    %gather3A_1516 = vector.shape_cast %broadcast_in_dim3A_1515 : vector<16x1xi32> to vector<16xi32>
    %gather3A_1517 = tpu.dynamic_gather %get3A_1459[%gather3A_1516] in [0] : vector<16xf32>, vector<16xi32> -> vector<16xf32>
    %select_n3A_1518 = arith.select %lt3A_486, %gather3A_1514, %gather3A_1517 : vector<16xi1>, vector<16xf32>
    %swap3A_1519 = arith.constant 6 : i32
    %swap3A_1520 = arith.index_cast %swap3A_1519 : i32 to index
    %swap3A_1521 = arith.constant 64 : index
    %swap3A_1522 = tpu.vector_load %arg7[%swap3A_1520, %swap3A_1521] {strides = array<i32>} : memref<16x128xf32, #tpu.memory_space<vmem>>, vector<1x16xf32>,
    %swap3A_1523 = vector.shape_cast %swap3A_1522 : vector<1x16xf32> to vector<16xf32>
    %swap3A_1524 = vector.shape_cast %select_n3A_1518 : vector<16xf32> to vector<1x16xf32>
    tpu.vector_store %arg7[%swap3A_1520, %swap3A_1521], %swap3A_1524 {strides = array<i32>} : memref<16x128xf32, #tpu.memory_space<vmem>>, vector<1x16xf32>,
    %broadcast_in_dim3A_1525 = vector.shape_cast %select_n3A_589 : vector<16xi32> to vector<16x1xi32>
    %gather3A_1526 = vector.shape_cast %broadcast_in_dim3A_1525 : vector<16x1xi32> to vector<16xi32>
    %gather3A_1527 = tpu.dynamic_gather %get3A_1456[%gather3A_1526] in [0] : vector<16xf32>, vector<16xi32> -> vector<16xf32>
    %broadcast_in_dim3A_1528 = vector.shape_cast %select_n3A_595 : vector<16xi32> to vector<16x1xi32>
    %gather3A_1529 = vector.shape_cast %broadcast_in_dim3A_1528 : vector<16x1xi32> to vector<16xi32>
    %gather3A_1530 = tpu.dynamic_gather %get3A_1459[%gather3A_1529] in [0] : vector<16xf32>, vector<16xi32> -> vector<16xf32>
    %select_n3A_1531 = arith.select %lt3A_586, %gather3A_1527, %gather3A_1530 : vector<16xi1>, vector<16xf32>
    %swap3A_1532 = arith.constant 6 : i32
    %swap3A_1533 = arith.index_cast %swap3A_1532 : i32 to index
    %swap3A_1534 = arith.constant 80 : index
    %swap3A_1535 = tpu.vector_load %arg7[%swap3A_1533, %swap3A_1534] {strides = array<i32>} : memref<16x128xf32, #tpu.memory_space<vmem>>, vector<1x16xf32>,
    %swap3A_1536 = vector.shape_cast %swap3A_1535 : vector<1x16xf32> to vector<16xf32>
    %swap3A_1537 = vector.shape_cast %select_n3A_1531 : vector<16xf32> to vector<1x16xf32>
    tpu.vector_store %arg7[%swap3A_1533, %swap3A_1534], %swap3A_1537 {strides = array<i32>} : memref<16x128xf32, #tpu.memory_space<vmem>>, vector<1x16xf32>,
    %broadcast_in_dim3A_1538 = vector.shape_cast %select_n3A_689 : vector<16xi32> to vector<16x1xi32>
    %gather3A_1539 = vector.shape_cast %broadcast_in_dim3A_1538 : vector<16x1xi32> to vector<16xi32>
    %gather3A_1540 = tpu.dynamic_gather %get3A_1456[%gather3A_1539] in [0] : vector<16xf32>, vector<16xi32> -> vector<16xf32>
    %broadcast_in_dim3A_1541 = vector.shape_cast %select_n3A_695 : vector<16xi32> to vector<16x1xi32>
    %gather3A_1542 = vector.shape_cast %broadcast_in_dim3A_1541 : vector<16x1xi32> to vector<16xi32>
    %gather3A_1543 = tpu.dynamic_gather %get3A_1459[%gather3A_1542] in [0] : vector<16xf32>, vector<16xi32> -> vector<16xf32>
    %select_n3A_1544 = arith.select %lt3A_686, %gather3A_1540, %gather3A_1543 : vector<16xi1>, vector<16xf32>
    %swap3A_1545 = arith.constant 6 : i32
    %swap3A_1546 = arith.index_cast %swap3A_1545 : i32 to index
    %swap3A_1547 = arith.constant 96 : index
    %swap3A_1548 = tpu.vector_load %arg7[%swap3A_1546, %swap3A_1547] {strides = array<i32>} : memref<16x128xf32, #tpu.memory_space<vmem>>, vector<1x16xf32>,
    %swap3A_1549 = vector.shape_cast %swap3A_1548 : vector<1x16xf32> to vector<16xf32>
    %swap3A_1550 = vector.shape_cast %select_n3A_1544 : vector<16xf32> to vector<1x16xf32>
    tpu.vector_store %arg7[%swap3A_1546, %swap3A_1547], %swap3A_1550 {strides = array<i32>} : memref<16x128xf32, #tpu.memory_space<vmem>>, vector<1x16xf32>,
    %broadcast_in_dim3A_1551 = vector.shape_cast %select_n3A_789 : vector<16xi32> to vector<16x1xi32>
    %gather3A_1552 = vector.shape_cast %broadcast_in_dim3A_1551 : vector<16x1xi32> to vector<16xi32>
    %gather3A_1553 = tpu.dynamic_gather %get3A_1456[%gather3A_1552] in [0] : vector<16xf32>, vector<16xi32> -> vector<16xf32>
    %broadcast_in_dim3A_1554 = vector.shape_cast %select_n3A_795 : vector<16xi32> to vector<16x1xi32>
    %gather3A_1555 = vector.shape_cast %broadcast_in_dim3A_1554 : vector<16x1xi32> to vector<16xi32>
    %gather3A_1556 = tpu.dynamic_gather %get3A_1459[%gather3A_1555] in [0] : vector<16xf32>, vector<16xi32> -> vector<16xf32>
    %select_n3A_1557 = arith.select %lt3A_786, %gather3A_1553, %gather3A_1556 : vector<16xi1>, vector<16xf32>
    %swap3A_1558 = arith.constant 6 : i32
    %swap3A_1559 = arith.index_cast %swap3A_1558 : i32 to index
    %swap3A_1560 = arith.constant 112 : index
    %swap3A_1561 = tpu.vector_load %arg7[%swap3A_1559, %swap3A_1560] {strides = array<i32>} : memref<16x128xf32, #tpu.memory_space<vmem>>, vector<1x16xf32>,
    %swap3A_1562 = vector.shape_cast %swap3A_1561 : vector<1x16xf32> to vector<16xf32>
    %swap3A_1563 = vector.shape_cast %select_n3A_1557 : vector<16xf32> to vector<1x16xf32>
    tpu.vector_store %arg7[%swap3A_1559, %swap3A_1560], %swap3A_1563 {strides = array<i32>} : memref<16x128xf32, #tpu.memory_space<vmem>>, vector<1x16xf32>,
    %get3A_1564 = arith.constant 224 : index
    %get3A_1565 = tpu.vector_load %arg5[%get3A_1564] {strides = array<i32>} : memref<512xf32, #tpu.memory_space<vmem>>, vector<16xf32>,
    %get3A_1566 = vector.shape_cast %get3A_1565 : vector<16xf32> to vector<16xf32>
    %get3A_1567 = arith.constant 240 : index
    %get3A_1568 = tpu.vector_load %arg5[%get3A_1567] {strides = array<i32>} : memref<512xf32, #tpu.memory_space<vmem>>, vector<16xf32>,
    %get3A_1569 = vector.shape_cast %get3A_1568 : vector<16xf32> to vector<16xf32>
    %broadcast_in_dim3A_1570 = vector.shape_cast %select_n3A_89 : vector<16xi32> to vector<16x1xi32>
    %gather3A_1571 = vector.shape_cast %broadcast_in_dim3A_1570 : vector<16x1xi32> to vector<16xi32>
    %gather3A_1572 = tpu.dynamic_gather %get3A_1566[%gather3A_1571] in [0] : vector<16xf32>, vector<16xi32> -> vector<16xf32>
    %broadcast_in_dim3A_1573 = vector.shape_cast %select_n3A_95 : vector<16xi32> to vector<16x1xi32>
    %gather3A_1574 = vector.shape_cast %broadcast_in_dim3A_1573 : vector<16x1xi32> to vector<16xi32>
    %gather3A_1575 = tpu.dynamic_gather %get3A_1569[%gather3A_1574] in [0] : vector<16xf32>, vector<16xi32> -> vector<16xf32>
    %select_n3A_1576 = arith.select %lt3A_86, %gather3A_1572, %gather3A_1575 : vector<16xi1>, vector<16xf32>
    %swap3A_1577 = arith.constant 7 : i32
    %swap3A_1578 = arith.index_cast %swap3A_1577 : i32 to index
    %swap3A_1579 = arith.constant 0 : index
    %swap3A_1580 = tpu.vector_load %arg7[%swap3A_1578, %swap3A_1579] {strides = array<i32>} : memref<16x128xf32, #tpu.memory_space<vmem>>, vector<1x16xf32>,
    %swap3A_1581 = vector.shape_cast %swap3A_1580 : vector<1x16xf32> to vector<16xf32>
    %swap3A_1582 = vector.shape_cast %select_n3A_1576 : vector<16xf32> to vector<1x16xf32>
    tpu.vector_store %arg7[%swap3A_1578, %swap3A_1579], %swap3A_1582 {strides = array<i32>} : memref<16x128xf32, #tpu.memory_space<vmem>>, vector<1x16xf32>,
    %broadcast_in_dim3A_1583 = vector.shape_cast %select_n3A_189 : vector<16xi32> to vector<16x1xi32>
    %gather3A_1584 = vector.shape_cast %broadcast_in_dim3A_1583 : vector<16x1xi32> to vector<16xi32>
    %gather3A_1585 = tpu.dynamic_gather %get3A_1566[%gather3A_1584] in [0] : vector<16xf32>, vector<16xi32> -> vector<16xf32>
    %broadcast_in_dim3A_1586 = vector.shape_cast %select_n3A_195 : vector<16xi32> to vector<16x1xi32>
    %gather3A_1587 = vector.shape_cast %broadcast_in_dim3A_1586 : vector<16x1xi32> to vector<16xi32>
    %gather3A_1588 = tpu.dynamic_gather %get3A_1569[%gather3A_1587] in [0] : vector<16xf32>, vector<16xi32> -> vector<16xf32>
    %select_n3A_1589 = arith.select %lt3A_186, %gather3A_1585, %gather3A_1588 : vector<16xi1>, vector<16xf32>
    %swap3A_1590 = arith.constant 7 : i32
    %swap3A_1591 = arith.index_cast %swap3A_1590 : i32 to index
    %swap3A_1592 = arith.constant 16 : index
    %swap3A_1593 = tpu.vector_load %arg7[%swap3A_1591, %swap3A_1592] {strides = array<i32>} : memref<16x128xf32, #tpu.memory_space<vmem>>, vector<1x16xf32>,
    %swap3A_1594 = vector.shape_cast %swap3A_1593 : vector<1x16xf32> to vector<16xf32>
    %swap3A_1595 = vector.shape_cast %select_n3A_1589 : vector<16xf32> to vector<1x16xf32>
    tpu.vector_store %arg7[%swap3A_1591, %swap3A_1592], %swap3A_1595 {strides = array<i32>} : memref<16x128xf32, #tpu.memory_space<vmem>>, vector<1x16xf32>,
    %broadcast_in_dim3A_1596 = vector.shape_cast %select_n3A_289 : vector<16xi32> to vector<16x1xi32>
    %gather3A_1597 = vector.shape_cast %broadcast_in_dim3A_1596 : vector<16x1xi32> to vector<16xi32>
    %gather3A_1598 = tpu.dynamic_gather %get3A_1566[%gather3A_1597] in [0] : vector<16xf32>, vector<16xi32> -> vector<16xf32>
    %broadcast_in_dim3A_1599 = vector.shape_cast %select_n3A_295 : vector<16xi32> to vector<16x1xi32>
    %gather3A_1600 = vector.shape_cast %broadcast_in_dim3A_1599 : vector<16x1xi32> to vector<16xi32>
    %gather3A_1601 = tpu.dynamic_gather %get3A_1569[%gather3A_1600] in [0] : vector<16xf32>, vector<16xi32> -> vector<16xf32>
    %select_n3A_1602 = arith.select %lt3A_286, %gather3A_1598, %gather3A_1601 : vector<16xi1>, vector<16xf32>
    %swap3A_1603 = arith.constant 7 : i32
    %swap3A_1604 = arith.index_cast %swap3A_1603 : i32 to index
    %swap3A_1605 = arith.constant 32 : index
    %swap3A_1606 = tpu.vector_load %arg7[%swap3A_1604, %swap3A_1605] {strides = array<i32>} : memref<16x128xf32, #tpu.memory_space<vmem>>, vector<1x16xf32>,
    %swap3A_1607 = vector.shape_cast %swap3A_1606 : vector<1x16xf32> to vector<16xf32>
    %swap3A_1608 = vector.shape_cast %select_n3A_1602 : vector<16xf32> to vector<1x16xf32>
    tpu.vector_store %arg7[%swap3A_1604, %swap3A_1605], %swap3A_1608 {strides = array<i32>} : memref<16x128xf32, #tpu.memory_space<vmem>>, vector<1x16xf32>,
    %broadcast_in_dim3A_1609 = vector.shape_cast %select_n3A_389 : vector<16xi32> to vector<16x1xi32>
    %gather3A_1610 = vector.shape_cast %broadcast_in_dim3A_1609 : vector<16x1xi32> to vector<16xi32>
    %gather3A_1611 = tpu.dynamic_gather %get3A_1566[%gather3A_1610] in [0] : vector<16xf32>, vector<16xi32> -> vector<16xf32>
    %broadcast_in_dim3A_1612 = vector.shape_cast %select_n3A_395 : vector<16xi32> to vector<16x1xi32>
    %gather3A_1613 = vector.shape_cast %broadcast_in_dim3A_1612 : vector<16x1xi32> to vector<16xi32>
    %gather3A_1614 = tpu.dynamic_gather %get3A_1569[%gather3A_1613] in [0] : vector<16xf32>, vector<16xi32> -> vector<16xf32>
    %select_n3A_1615 = arith.select %lt3A_386, %gather3A_1611, %gather3A_1614 : vector<16xi1>, vector<16xf32>
    %swap3A_1616 = arith.constant 7 : i32
    %swap3A_1617 = arith.index_cast %swap3A_1616 : i32 to index
    %swap3A_1618 = arith.constant 48 : index
    %swap3A_1619 = tpu.vector_load %arg7[%swap3A_1617, %swap3A_1618] {strides = array<i32>} : memref<16x128xf32, #tpu.memory_space<vmem>>, vector<1x16xf32>,
    %swap3A_1620 = vector.shape_cast %swap3A_1619 : vector<1x16xf32> to vector<16xf32>
    %swap3A_1621 = vector.shape_cast %select_n3A_1615 : vector<16xf32> to vector<1x16xf32>
    tpu.vector_store %arg7[%swap3A_1617, %swap3A_1618], %swap3A_1621 {strides = array<i32>} : memref<16x128xf32, #tpu.memory_space<vmem>>, vector<1x16xf32>,
    %broadcast_in_dim3A_1622 = vector.shape_cast %select_n3A_489 : vector<16xi32> to vector<16x1xi32>
    %gather3A_1623 = vector.shape_cast %broadcast_in_dim3A_1622 : vector<16x1xi32> to vector<16xi32>
    %gather3A_1624 = tpu.dynamic_gather %get3A_1566[%gather3A_1623] in [0] : vector<16xf32>, vector<16xi32> -> vector<16xf32>
    %broadcast_in_dim3A_1625 = vector.shape_cast %select_n3A_495 : vector<16xi32> to vector<16x1xi32>
    %gather3A_1626 = vector.shape_cast %broadcast_in_dim3A_1625 : vector<16x1xi32> to vector<16xi32>
    %gather3A_1627 = tpu.dynamic_gather %get3A_1569[%gather3A_1626] in [0] : vector<16xf32>, vector<16xi32> -> vector<16xf32>
    %select_n3A_1628 = arith.select %lt3A_486, %gather3A_1624, %gather3A_1627 : vector<16xi1>, vector<16xf32>
    %swap3A_1629 = arith.constant 7 : i32
    %swap3A_1630 = arith.index_cast %swap3A_1629 : i32 to index
    %swap3A_1631 = arith.constant 64 : index
    %swap3A_1632 = tpu.vector_load %arg7[%swap3A_1630, %swap3A_1631] {strides = array<i32>} : memref<16x128xf32, #tpu.memory_space<vmem>>, vector<1x16xf32>,
    %swap3A_1633 = vector.shape_cast %swap3A_1632 : vector<1x16xf32> to vector<16xf32>
    %swap3A_1634 = vector.shape_cast %select_n3A_1628 : vector<16xf32> to vector<1x16xf32>
    tpu.vector_store %arg7[%swap3A_1630, %swap3A_1631], %swap3A_1634 {strides = array<i32>} : memref<16x128xf32, #tpu.memory_space<vmem>>, vector<1x16xf32>,
    %broadcast_in_dim3A_1635 = vector.shape_cast %select_n3A_589 : vector<16xi32> to vector<16x1xi32>
    %gather3A_1636 = vector.shape_cast %broadcast_in_dim3A_1635 : vector<16x1xi32> to vector<16xi32>
    %gather3A_1637 = tpu.dynamic_gather %get3A_1566[%gather3A_1636] in [0] : vector<16xf32>, vector<16xi32> -> vector<16xf32>
    %broadcast_in_dim3A_1638 = vector.shape_cast %select_n3A_595 : vector<16xi32> to vector<16x1xi32>
    %gather3A_1639 = vector.shape_cast %broadcast_in_dim3A_1638 : vector<16x1xi32> to vector<16xi32>
    %gather3A_1640 = tpu.dynamic_gather %get3A_1569[%gather3A_1639] in [0] : vector<16xf32>, vector<16xi32> -> vector<16xf32>
    %select_n3A_1641 = arith.select %lt3A_586, %gather3A_1637, %gather3A_1640 : vector<16xi1>, vector<16xf32>
    %swap3A_1642 = arith.constant 7 : i32
    %swap3A_1643 = arith.index_cast %swap3A_1642 : i32 to index
    %swap3A_1644 = arith.constant 80 : index
    %swap3A_1645 = tpu.vector_load %arg7[%swap3A_1643, %swap3A_1644] {strides = array<i32>} : memref<16x128xf32, #tpu.memory_space<vmem>>, vector<1x16xf32>,
    %swap3A_1646 = vector.shape_cast %swap3A_1645 : vector<1x16xf32> to vector<16xf32>
    %swap3A_1647 = vector.shape_cast %select_n3A_1641 : vector<16xf32> to vector<1x16xf32>
    tpu.vector_store %arg7[%swap3A_1643, %swap3A_1644], %swap3A_1647 {strides = array<i32>} : memref<16x128xf32, #tpu.memory_space<vmem>>, vector<1x16xf32>,
    %broadcast_in_dim3A_1648 = vector.shape_cast %select_n3A_689 : vector<16xi32> to vector<16x1xi32>
    %gather3A_1649 = vector.shape_cast %broadcast_in_dim3A_1648 : vector<16x1xi32> to vector<16xi32>
    %gather3A_1650 = tpu.dynamic_gather %get3A_1566[%gather3A_1649] in [0] : vector<16xf32>, vector<16xi32> -> vector<16xf32>
    %broadcast_in_dim3A_1651 = vector.shape_cast %select_n3A_695 : vector<16xi32> to vector<16x1xi32>
    %gather3A_1652 = vector.shape_cast %broadcast_in_dim3A_1651 : vector<16x1xi32> to vector<16xi32>
    %gather3A_1653 = tpu.dynamic_gather %get3A_1569[%gather3A_1652] in [0] : vector<16xf32>, vector<16xi32> -> vector<16xf32>
    %select_n3A_1654 = arith.select %lt3A_686, %gather3A_1650, %gather3A_1653 : vector<16xi1>, vector<16xf32>
    %swap3A_1655 = arith.constant 7 : i32
    %swap3A_1656 = arith.index_cast %swap3A_1655 : i32 to index
    %swap3A_1657 = arith.constant 96 : index
    %swap3A_1658 = tpu.vector_load %arg7[%swap3A_1656, %swap3A_1657] {strides = array<i32>} : memref<16x128xf32, #tpu.memory_space<vmem>>, vector<1x16xf32>,
    %swap3A_1659 = vector.shape_cast %swap3A_1658 : vector<1x16xf32> to vector<16xf32>
    %swap3A_1660 = vector.shape_cast %select_n3A_1654 : vector<16xf32> to vector<1x16xf32>
    tpu.vector_store %arg7[%swap3A_1656, %swap3A_1657], %swap3A_1660 {strides = array<i32>} : memref<16x128xf32, #tpu.memory_space<vmem>>, vector<1x16xf32>,
    %broadcast_in_dim3A_1661 = vector.shape_cast %select_n3A_789 : vector<16xi32> to vector<16x1xi32>
    %gather3A_1662 = vector.shape_cast %broadcast_in_dim3A_1661 : vector<16x1xi32> to vector<16xi32>
    %gather3A_1663 = tpu.dynamic_gather %get3A_1566[%gather3A_1662] in [0] : vector<16xf32>, vector<16xi32> -> vector<16xf32>
    %broadcast_in_dim3A_1664 = vector.shape_cast %select_n3A_795 : vector<16xi32> to vector<16x1xi32>
    %gather3A_1665 = vector.shape_cast %broadcast_in_dim3A_1664 : vector<16x1xi32> to vector<16xi32>
    %gather3A_1666 = tpu.dynamic_gather %get3A_1569[%gather3A_1665] in [0] : vector<16xf32>, vector<16xi32> -> vector<16xf32>
    %select_n3A_1667 = arith.select %lt3A_786, %gather3A_1663, %gather3A_1666 : vector<16xi1>, vector<16xf32>
    %swap3A_1668 = arith.constant 7 : i32
    %swap3A_1669 = arith.index_cast %swap3A_1668 : i32 to index
    %swap3A_1670 = arith.constant 112 : index
    %swap3A_1671 = tpu.vector_load %arg7[%swap3A_1669, %swap3A_1670] {strides = array<i32>} : memref<16x128xf32, #tpu.memory_space<vmem>>, vector<1x16xf32>,
    %swap3A_1672 = vector.shape_cast %swap3A_1671 : vector<1x16xf32> to vector<16xf32>
    %swap3A_1673 = vector.shape_cast %select_n3A_1667 : vector<16xf32> to vector<1x16xf32>
    tpu.vector_store %arg7[%swap3A_1669, %swap3A_1670], %swap3A_1673 {strides = array<i32>} : memref<16x128xf32, #tpu.memory_space<vmem>>, vector<1x16xf32>,
    %get3A_1674 = arith.constant 256 : index
    %get3A_1675 = tpu.vector_load %arg5[%get3A_1674] {strides = array<i32>} : memref<512xf32, #tpu.memory_space<vmem>>, vector<16xf32>,
    %get3A_1676 = vector.shape_cast %get3A_1675 : vector<16xf32> to vector<16xf32>
    %get3A_1677 = arith.constant 272 : index
    %get3A_1678 = tpu.vector_load %arg5[%get3A_1677] {strides = array<i32>} : memref<512xf32, #tpu.memory_space<vmem>>, vector<16xf32>,
    %get3A_1679 = vector.shape_cast %get3A_1678 : vector<16xf32> to vector<16xf32>
    %broadcast_in_dim3A_1680 = vector.shape_cast %select_n3A_89 : vector<16xi32> to vector<16x1xi32>
    %gather3A_1681 = vector.shape_cast %broadcast_in_dim3A_1680 : vector<16x1xi32> to vector<16xi32>
    %gather3A_1682 = tpu.dynamic_gather %get3A_1676[%gather3A_1681] in [0] : vector<16xf32>, vector<16xi32> -> vector<16xf32>
    %broadcast_in_dim3A_1683 = vector.shape_cast %select_n3A_95 : vector<16xi32> to vector<16x1xi32>
    %gather3A_1684 = vector.shape_cast %broadcast_in_dim3A_1683 : vector<16x1xi32> to vector<16xi32>
    %gather3A_1685 = tpu.dynamic_gather %get3A_1679[%gather3A_1684] in [0] : vector<16xf32>, vector<16xi32> -> vector<16xf32>
    %select_n3A_1686 = arith.select %lt3A_86, %gather3A_1682, %gather3A_1685 : vector<16xi1>, vector<16xf32>
    %swap3A_1687 = arith.constant 8 : i32
    %swap3A_1688 = arith.index_cast %swap3A_1687 : i32 to index
    %swap3A_1689 = arith.constant 0 : index
    %swap3A_1690 = tpu.vector_load %arg7[%swap3A_1688, %swap3A_1689] {strides = array<i32>} : memref<16x128xf32, #tpu.memory_space<vmem>>, vector<1x16xf32>,
    %swap3A_1691 = vector.shape_cast %swap3A_1690 : vector<1x16xf32> to vector<16xf32>
    %swap3A_1692 = vector.shape_cast %select_n3A_1686 : vector<16xf32> to vector<1x16xf32>
    tpu.vector_store %arg7[%swap3A_1688, %swap3A_1689], %swap3A_1692 {strides = array<i32>} : memref<16x128xf32, #tpu.memory_space<vmem>>, vector<1x16xf32>,
    %broadcast_in_dim3A_1693 = vector.shape_cast %select_n3A_189 : vector<16xi32> to vector<16x1xi32>
    %gather3A_1694 = vector.shape_cast %broadcast_in_dim3A_1693 : vector<16x1xi32> to vector<16xi32>
    %gather3A_1695 = tpu.dynamic_gather %get3A_1676[%gather3A_1694] in [0] : vector<16xf32>, vector<16xi32> -> vector<16xf32>
    %broadcast_in_dim3A_1696 = vector.shape_cast %select_n3A_195 : vector<16xi32> to vector<16x1xi32>
    %gather3A_1697 = vector.shape_cast %broadcast_in_dim3A_1696 : vector<16x1xi32> to vector<16xi32>
    %gather3A_1698 = tpu.dynamic_gather %get3A_1679[%gather3A_1697] in [0] : vector<16xf32>, vector<16xi32> -> vector<16xf32>
    %select_n3A_1699 = arith.select %lt3A_186, %gather3A_1695, %gather3A_1698 : vector<16xi1>, vector<16xf32>
    %swap3A_1700 = arith.constant 8 : i32
    %swap3A_1701 = arith.index_cast %swap3A_1700 : i32 to index
    %swap3A_1702 = arith.constant 16 : index
    %swap3A_1703 = tpu.vector_load %arg7[%swap3A_1701, %swap3A_1702] {strides = array<i32>} : memref<16x128xf32, #tpu.memory_space<vmem>>, vector<1x16xf32>,
    %swap3A_1704 = vector.shape_cast %swap3A_1703 : vector<1x16xf32> to vector<16xf32>
    %swap3A_1705 = vector.shape_cast %select_n3A_1699 : vector<16xf32> to vector<1x16xf32>
    tpu.vector_store %arg7[%swap3A_1701, %swap3A_1702], %swap3A_1705 {strides = array<i32>} : memref<16x128xf32, #tpu.memory_space<vmem>>, vector<1x16xf32>,
    %broadcast_in_dim3A_1706 = vector.shape_cast %select_n3A_289 : vector<16xi32> to vector<16x1xi32>
    %gather3A_1707 = vector.shape_cast %broadcast_in_dim3A_1706 : vector<16x1xi32> to vector<16xi32>
    %gather3A_1708 = tpu.dynamic_gather %get3A_1676[%gather3A_1707] in [0] : vector<16xf32>, vector<16xi32> -> vector<16xf32>
    %broadcast_in_dim3A_1709 = vector.shape_cast %select_n3A_295 : vector<16xi32> to vector<16x1xi32>
    %gather3A_1710 = vector.shape_cast %broadcast_in_dim3A_1709 : vector<16x1xi32> to vector<16xi32>
    %gather3A_1711 = tpu.dynamic_gather %get3A_1679[%gather3A_1710] in [0] : vector<16xf32>, vector<16xi32> -> vector<16xf32>
    %select_n3A_1712 = arith.select %lt3A_286, %gather3A_1708, %gather3A_1711 : vector<16xi1>, vector<16xf32>
    %swap3A_1713 = arith.constant 8 : i32
    %swap3A_1714 = arith.index_cast %swap3A_1713 : i32 to index
    %swap3A_1715 = arith.constant 32 : index
    %swap3A_1716 = tpu.vector_load %arg7[%swap3A_1714, %swap3A_1715] {strides = array<i32>} : memref<16x128xf32, #tpu.memory_space<vmem>>, vector<1x16xf32>,
    %swap3A_1717 = vector.shape_cast %swap3A_1716 : vector<1x16xf32> to vector<16xf32>
    %swap3A_1718 = vector.shape_cast %select_n3A_1712 : vector<16xf32> to vector<1x16xf32>
    tpu.vector_store %arg7[%swap3A_1714, %swap3A_1715], %swap3A_1718 {strides = array<i32>} : memref<16x128xf32, #tpu.memory_space<vmem>>, vector<1x16xf32>,
    %broadcast_in_dim3A_1719 = vector.shape_cast %select_n3A_389 : vector<16xi32> to vector<16x1xi32>
    %gather3A_1720 = vector.shape_cast %broadcast_in_dim3A_1719 : vector<16x1xi32> to vector<16xi32>
    %gather3A_1721 = tpu.dynamic_gather %get3A_1676[%gather3A_1720] in [0] : vector<16xf32>, vector<16xi32> -> vector<16xf32>
    %broadcast_in_dim3A_1722 = vector.shape_cast %select_n3A_395 : vector<16xi32> to vector<16x1xi32>
    %gather3A_1723 = vector.shape_cast %broadcast_in_dim3A_1722 : vector<16x1xi32> to vector<16xi32>
    %gather3A_1724 = tpu.dynamic_gather %get3A_1679[%gather3A_1723] in [0] : vector<16xf32>, vector<16xi32> -> vector<16xf32>
    %select_n3A_1725 = arith.select %lt3A_386, %gather3A_1721, %gather3A_1724 : vector<16xi1>, vector<16xf32>
    %swap3A_1726 = arith.constant 8 : i32
    %swap3A_1727 = arith.index_cast %swap3A_1726 : i32 to index
    %swap3A_1728 = arith.constant 48 : index
    %swap3A_1729 = tpu.vector_load %arg7[%swap3A_1727, %swap3A_1728] {strides = array<i32>} : memref<16x128xf32, #tpu.memory_space<vmem>>, vector<1x16xf32>,
    %swap3A_1730 = vector.shape_cast %swap3A_1729 : vector<1x16xf32> to vector<16xf32>
    %swap3A_1731 = vector.shape_cast %select_n3A_1725 : vector<16xf32> to vector<1x16xf32>
    tpu.vector_store %arg7[%swap3A_1727, %swap3A_1728], %swap3A_1731 {strides = array<i32>} : memref<16x128xf32, #tpu.memory_space<vmem>>, vector<1x16xf32>,
    %broadcast_in_dim3A_1732 = vector.shape_cast %select_n3A_489 : vector<16xi32> to vector<16x1xi32>
    %gather3A_1733 = vector.shape_cast %broadcast_in_dim3A_1732 : vector<16x1xi32> to vector<16xi32>
    %gather3A_1734 = tpu.dynamic_gather %get3A_1676[%gather3A_1733] in [0] : vector<16xf32>, vector<16xi32> -> vector<16xf32>
    %broadcast_in_dim3A_1735 = vector.shape_cast %select_n3A_495 : vector<16xi32> to vector<16x1xi32>
    %gather3A_1736 = vector.shape_cast %broadcast_in_dim3A_1735 : vector<16x1xi32> to vector<16xi32>
    %gather3A_1737 = tpu.dynamic_gather %get3A_1679[%gather3A_1736] in [0] : vector<16xf32>, vector<16xi32> -> vector<16xf32>
    %select_n3A_1738 = arith.select %lt3A_486, %gather3A_1734, %gather3A_1737 : vector<16xi1>, vector<16xf32>
    %swap3A_1739 = arith.constant 8 : i32
    %swap3A_1740 = arith.index_cast %swap3A_1739 : i32 to index
    %swap3A_1741 = arith.constant 64 : index
    %swap3A_1742 = tpu.vector_load %arg7[%swap3A_1740, %swap3A_1741] {strides = array<i32>} : memref<16x128xf32, #tpu.memory_space<vmem>>, vector<1x16xf32>,
    %swap3A_1743 = vector.shape_cast %swap3A_1742 : vector<1x16xf32> to vector<16xf32>
    %swap3A_1744 = vector.shape_cast %select_n3A_1738 : vector<16xf32> to vector<1x16xf32>
    tpu.vector_store %arg7[%swap3A_1740, %swap3A_1741], %swap3A_1744 {strides = array<i32>} : memref<16x128xf32, #tpu.memory_space<vmem>>, vector<1x16xf32>,
    %broadcast_in_dim3A_1745 = vector.shape_cast %select_n3A_589 : vector<16xi32> to vector<16x1xi32>
    %gather3A_1746 = vector.shape_cast %broadcast_in_dim3A_1745 : vector<16x1xi32> to vector<16xi32>
    %gather3A_1747 = tpu.dynamic_gather %get3A_1676[%gather3A_1746] in [0] : vector<16xf32>, vector<16xi32> -> vector<16xf32>
    %broadcast_in_dim3A_1748 = vector.shape_cast %select_n3A_595 : vector<16xi32> to vector<16x1xi32>
    %gather3A_1749 = vector.shape_cast %broadcast_in_dim3A_1748 : vector<16x1xi32> to vector<16xi32>
    %gather3A_1750 = tpu.dynamic_gather %get3A_1679[%gather3A_1749] in [0] : vector<16xf32>, vector<16xi32> -> vector<16xf32>
    %select_n3A_1751 = arith.select %lt3A_586, %gather3A_1747, %gather3A_1750 : vector<16xi1>, vector<16xf32>
    %swap3A_1752 = arith.constant 8 : i32
    %swap3A_1753 = arith.index_cast %swap3A_1752 : i32 to index
    %swap3A_1754 = arith.constant 80 : index
    %swap3A_1755 = tpu.vector_load %arg7[%swap3A_1753, %swap3A_1754] {strides = array<i32>} : memref<16x128xf32, #tpu.memory_space<vmem>>, vector<1x16xf32>,
    %swap3A_1756 = vector.shape_cast %swap3A_1755 : vector<1x16xf32> to vector<16xf32>
    %swap3A_1757 = vector.shape_cast %select_n3A_1751 : vector<16xf32> to vector<1x16xf32>
    tpu.vector_store %arg7[%swap3A_1753, %swap3A_1754], %swap3A_1757 {strides = array<i32>} : memref<16x128xf32, #tpu.memory_space<vmem>>, vector<1x16xf32>,
    %broadcast_in_dim3A_1758 = vector.shape_cast %select_n3A_689 : vector<16xi32> to vector<16x1xi32>
    %gather3A_1759 = vector.shape_cast %broadcast_in_dim3A_1758 : vector<16x1xi32> to vector<16xi32>
    %gather3A_1760 = tpu.dynamic_gather %get3A_1676[%gather3A_1759] in [0] : vector<16xf32>, vector<16xi32> -> vector<16xf32>
    %broadcast_in_dim3A_1761 = vector.shape_cast %select_n3A_695 : vector<16xi32> to vector<16x1xi32>
    %gather3A_1762 = vector.shape_cast %broadcast_in_dim3A_1761 : vector<16x1xi32> to vector<16xi32>
    %gather3A_1763 = tpu.dynamic_gather %get3A_1679[%gather3A_1762] in [0] : vector<16xf32>, vector<16xi32> -> vector<16xf32>
    %select_n3A_1764 = arith.select %lt3A_686, %gather3A_1760, %gather3A_1763 : vector<16xi1>, vector<16xf32>
    %swap3A_1765 = arith.constant 8 : i32
    %swap3A_1766 = arith.index_cast %swap3A_1765 : i32 to index
    %swap3A_1767 = arith.constant 96 : index
    %swap3A_1768 = tpu.vector_load %arg7[%swap3A_1766, %swap3A_1767] {strides = array<i32>} : memref<16x128xf32, #tpu.memory_space<vmem>>, vector<1x16xf32>,
    %swap3A_1769 = vector.shape_cast %swap3A_1768 : vector<1x16xf32> to vector<16xf32>
    %swap3A_1770 = vector.shape_cast %select_n3A_1764 : vector<16xf32> to vector<1x16xf32>
    tpu.vector_store %arg7[%swap3A_1766, %swap3A_1767], %swap3A_1770 {strides = array<i32>} : memref<16x128xf32, #tpu.memory_space<vmem>>, vector<1x16xf32>,
    %broadcast_in_dim3A_1771 = vector.shape_cast %select_n3A_789 : vector<16xi32> to vector<16x1xi32>
    %gather3A_1772 = vector.shape_cast %broadcast_in_dim3A_1771 : vector<16x1xi32> to vector<16xi32>
    %gather3A_1773 = tpu.dynamic_gather %get3A_1676[%gather3A_1772] in [0] : vector<16xf32>, vector<16xi32> -> vector<16xf32>
    %broadcast_in_dim3A_1774 = vector.shape_cast %select_n3A_795 : vector<16xi32> to vector<16x1xi32>
    %gather3A_1775 = vector.shape_cast %broadcast_in_dim3A_1774 : vector<16x1xi32> to vector<16xi32>
    %gather3A_1776 = tpu.dynamic_gather %get3A_1679[%gather3A_1775] in [0] : vector<16xf32>, vector<16xi32> -> vector<16xf32>
    %select_n3A_1777 = arith.select %lt3A_786, %gather3A_1773, %gather3A_1776 : vector<16xi1>, vector<16xf32>
    %swap3A_1778 = arith.constant 8 : i32
    %swap3A_1779 = arith.index_cast %swap3A_1778 : i32 to index
    %swap3A_1780 = arith.constant 112 : index
    %swap3A_1781 = tpu.vector_load %arg7[%swap3A_1779, %swap3A_1780] {strides = array<i32>} : memref<16x128xf32, #tpu.memory_space<vmem>>, vector<1x16xf32>,
    %swap3A_1782 = vector.shape_cast %swap3A_1781 : vector<1x16xf32> to vector<16xf32>
    %swap3A_1783 = vector.shape_cast %select_n3A_1777 : vector<16xf32> to vector<1x16xf32>
    tpu.vector_store %arg7[%swap3A_1779, %swap3A_1780], %swap3A_1783 {strides = array<i32>} : memref<16x128xf32, #tpu.memory_space<vmem>>, vector<1x16xf32>,
    %get3A_1784 = arith.constant 288 : index
    %get3A_1785 = tpu.vector_load %arg5[%get3A_1784] {strides = array<i32>} : memref<512xf32, #tpu.memory_space<vmem>>, vector<16xf32>,
    %get3A_1786 = vector.shape_cast %get3A_1785 : vector<16xf32> to vector<16xf32>
    %get3A_1787 = arith.constant 304 : index
    %get3A_1788 = tpu.vector_load %arg5[%get3A_1787] {strides = array<i32>} : memref<512xf32, #tpu.memory_space<vmem>>, vector<16xf32>,
    %get3A_1789 = vector.shape_cast %get3A_1788 : vector<16xf32> to vector<16xf32>
    %broadcast_in_dim3A_1790 = vector.shape_cast %select_n3A_89 : vector<16xi32> to vector<16x1xi32>
    %gather3A_1791 = vector.shape_cast %broadcast_in_dim3A_1790 : vector<16x1xi32> to vector<16xi32>
    %gather3A_1792 = tpu.dynamic_gather %get3A_1786[%gather3A_1791] in [0] : vector<16xf32>, vector<16xi32> -> vector<16xf32>
    %broadcast_in_dim3A_1793 = vector.shape_cast %select_n3A_95 : vector<16xi32> to vector<16x1xi32>
    %gather3A_1794 = vector.shape_cast %broadcast_in_dim3A_1793 : vector<16x1xi32> to vector<16xi32>
    %gather3A_1795 = tpu.dynamic_gather %get3A_1789[%gather3A_1794] in [0] : vector<16xf32>, vector<16xi32> -> vector<16xf32>
    %select_n3A_1796 = arith.select %lt3A_86, %gather3A_1792, %gather3A_1795 : vector<16xi1>, vector<16xf32>
    %swap3A_1797 = arith.constant 9 : i32
    %swap3A_1798 = arith.index_cast %swap3A_1797 : i32 to index
    %swap3A_1799 = arith.constant 0 : index
    %swap3A_1800 = tpu.vector_load %arg7[%swap3A_1798, %swap3A_1799] {strides = array<i32>} : memref<16x128xf32, #tpu.memory_space<vmem>>, vector<1x16xf32>,
    %swap3A_1801 = vector.shape_cast %swap3A_1800 : vector<1x16xf32> to vector<16xf32>
    %swap3A_1802 = vector.shape_cast %select_n3A_1796 : vector<16xf32> to vector<1x16xf32>
    tpu.vector_store %arg7[%swap3A_1798, %swap3A_1799], %swap3A_1802 {strides = array<i32>} : memref<16x128xf32, #tpu.memory_space<vmem>>, vector<1x16xf32>,
    %broadcast_in_dim3A_1803 = vector.shape_cast %select_n3A_189 : vector<16xi32> to vector<16x1xi32>
    %gather3A_1804 = vector.shape_cast %broadcast_in_dim3A_1803 : vector<16x1xi32> to vector<16xi32>
    %gather3A_1805 = tpu.dynamic_gather %get3A_1786[%gather3A_1804] in [0] : vector<16xf32>, vector<16xi32> -> vector<16xf32>
    %broadcast_in_dim3A_1806 = vector.shape_cast %select_n3A_195 : vector<16xi32> to vector<16x1xi32>
    %gather3A_1807 = vector.shape_cast %broadcast_in_dim3A_1806 : vector<16x1xi32> to vector<16xi32>
    %gather3A_1808 = tpu.dynamic_gather %get3A_1789[%gather3A_1807] in [0] : vector<16xf32>, vector<16xi32> -> vector<16xf32>
    %select_n3A_1809 = arith.select %lt3A_186, %gather3A_1805, %gather3A_1808 : vector<16xi1>, vector<16xf32>
    %swap3A_1810 = arith.constant 9 : i32
    %swap3A_1811 = arith.index_cast %swap3A_1810 : i32 to index
    %swap3A_1812 = arith.constant 16 : index
    %swap3A_1813 = tpu.vector_load %arg7[%swap3A_1811, %swap3A_1812] {strides = array<i32>} : memref<16x128xf32, #tpu.memory_space<vmem>>, vector<1x16xf32>,
    %swap3A_1814 = vector.shape_cast %swap3A_1813 : vector<1x16xf32> to vector<16xf32>
    %swap3A_1815 = vector.shape_cast %select_n3A_1809 : vector<16xf32> to vector<1x16xf32>
    tpu.vector_store %arg7[%swap3A_1811, %swap3A_1812], %swap3A_1815 {strides = array<i32>} : memref<16x128xf32, #tpu.memory_space<vmem>>, vector<1x16xf32>,
    %broadcast_in_dim3A_1816 = vector.shape_cast %select_n3A_289 : vector<16xi32> to vector<16x1xi32>
    %gather3A_1817 = vector.shape_cast %broadcast_in_dim3A_1816 : vector<16x1xi32> to vector<16xi32>
    %gather3A_1818 = tpu.dynamic_gather %get3A_1786[%gather3A_1817] in [0] : vector<16xf32>, vector<16xi32> -> vector<16xf32>
    %broadcast_in_dim3A_1819 = vector.shape_cast %select_n3A_295 : vector<16xi32> to vector<16x1xi32>
    %gather3A_1820 = vector.shape_cast %broadcast_in_dim3A_1819 : vector<16x1xi32> to vector<16xi32>
    %gather3A_1821 = tpu.dynamic_gather %get3A_1789[%gather3A_1820] in [0] : vector<16xf32>, vector<16xi32> -> vector<16xf32>
    %select_n3A_1822 = arith.select %lt3A_286, %gather3A_1818, %gather3A_1821 : vector<16xi1>, vector<16xf32>
    %swap3A_1823 = arith.constant 9 : i32
    %swap3A_1824 = arith.index_cast %swap3A_1823 : i32 to index
    %swap3A_1825 = arith.constant 32 : index
    %swap3A_1826 = tpu.vector_load %arg7[%swap3A_1824, %swap3A_1825] {strides = array<i32>} : memref<16x128xf32, #tpu.memory_space<vmem>>, vector<1x16xf32>,
    %swap3A_1827 = vector.shape_cast %swap3A_1826 : vector<1x16xf32> to vector<16xf32>
    %swap3A_1828 = vector.shape_cast %select_n3A_1822 : vector<16xf32> to vector<1x16xf32>
    tpu.vector_store %arg7[%swap3A_1824, %swap3A_1825], %swap3A_1828 {strides = array<i32>} : memref<16x128xf32, #tpu.memory_space<vmem>>, vector<1x16xf32>,
    %broadcast_in_dim3A_1829 = vector.shape_cast %select_n3A_389 : vector<16xi32> to vector<16x1xi32>
    %gather3A_1830 = vector.shape_cast %broadcast_in_dim3A_1829 : vector<16x1xi32> to vector<16xi32>
    %gather3A_1831 = tpu.dynamic_gather %get3A_1786[%gather3A_1830] in [0] : vector<16xf32>, vector<16xi32> -> vector<16xf32>
    %broadcast_in_dim3A_1832 = vector.shape_cast %select_n3A_395 : vector<16xi32> to vector<16x1xi32>
    %gather3A_1833 = vector.shape_cast %broadcast_in_dim3A_1832 : vector<16x1xi32> to vector<16xi32>
    %gather3A_1834 = tpu.dynamic_gather %get3A_1789[%gather3A_1833] in [0] : vector<16xf32>, vector<16xi32> -> vector<16xf32>
    %select_n3A_1835 = arith.select %lt3A_386, %gather3A_1831, %gather3A_1834 : vector<16xi1>, vector<16xf32>
    %swap3A_1836 = arith.constant 9 : i32
    %swap3A_1837 = arith.index_cast %swap3A_1836 : i32 to index
    %swap3A_1838 = arith.constant 48 : index
    %swap3A_1839 = tpu.vector_load %arg7[%swap3A_1837, %swap3A_1838] {strides = array<i32>} : memref<16x128xf32, #tpu.memory_space<vmem>>, vector<1x16xf32>,
    %swap3A_1840 = vector.shape_cast %swap3A_1839 : vector<1x16xf32> to vector<16xf32>
    %swap3A_1841 = vector.shape_cast %select_n3A_1835 : vector<16xf32> to vector<1x16xf32>
    tpu.vector_store %arg7[%swap3A_1837, %swap3A_1838], %swap3A_1841 {strides = array<i32>} : memref<16x128xf32, #tpu.memory_space<vmem>>, vector<1x16xf32>,
    %broadcast_in_dim3A_1842 = vector.shape_cast %select_n3A_489 : vector<16xi32> to vector<16x1xi32>
    %gather3A_1843 = vector.shape_cast %broadcast_in_dim3A_1842 : vector<16x1xi32> to vector<16xi32>
    %gather3A_1844 = tpu.dynamic_gather %get3A_1786[%gather3A_1843] in [0] : vector<16xf32>, vector<16xi32> -> vector<16xf32>
    %broadcast_in_dim3A_1845 = vector.shape_cast %select_n3A_495 : vector<16xi32> to vector<16x1xi32>
    %gather3A_1846 = vector.shape_cast %broadcast_in_dim3A_1845 : vector<16x1xi32> to vector<16xi32>
    %gather3A_1847 = tpu.dynamic_gather %get3A_1789[%gather3A_1846] in [0] : vector<16xf32>, vector<16xi32> -> vector<16xf32>
    %select_n3A_1848 = arith.select %lt3A_486, %gather3A_1844, %gather3A_1847 : vector<16xi1>, vector<16xf32>
    %swap3A_1849 = arith.constant 9 : i32
    %swap3A_1850 = arith.index_cast %swap3A_1849 : i32 to index
    %swap3A_1851 = arith.constant 64 : index
    %swap3A_1852 = tpu.vector_load %arg7[%swap3A_1850, %swap3A_1851] {strides = array<i32>} : memref<16x128xf32, #tpu.memory_space<vmem>>, vector<1x16xf32>,
    %swap3A_1853 = vector.shape_cast %swap3A_1852 : vector<1x16xf32> to vector<16xf32>
    %swap3A_1854 = vector.shape_cast %select_n3A_1848 : vector<16xf32> to vector<1x16xf32>
    tpu.vector_store %arg7[%swap3A_1850, %swap3A_1851], %swap3A_1854 {strides = array<i32>} : memref<16x128xf32, #tpu.memory_space<vmem>>, vector<1x16xf32>,
    %broadcast_in_dim3A_1855 = vector.shape_cast %select_n3A_589 : vector<16xi32> to vector<16x1xi32>
    %gather3A_1856 = vector.shape_cast %broadcast_in_dim3A_1855 : vector<16x1xi32> to vector<16xi32>
    %gather3A_1857 = tpu.dynamic_gather %get3A_1786[%gather3A_1856] in [0] : vector<16xf32>, vector<16xi32> -> vector<16xf32>
    %broadcast_in_dim3A_1858 = vector.shape_cast %select_n3A_595 : vector<16xi32> to vector<16x1xi32>
    %gather3A_1859 = vector.shape_cast %broadcast_in_dim3A_1858 : vector<16x1xi32> to vector<16xi32>
    %gather3A_1860 = tpu.dynamic_gather %get3A_1789[%gather3A_1859] in [0] : vector<16xf32>, vector<16xi32> -> vector<16xf32>
    %select_n3A_1861 = arith.select %lt3A_586, %gather3A_1857, %gather3A_1860 : vector<16xi1>, vector<16xf32>
    %swap3A_1862 = arith.constant 9 : i32
    %swap3A_1863 = arith.index_cast %swap3A_1862 : i32 to index
    %swap3A_1864 = arith.constant 80 : index
    %swap3A_1865 = tpu.vector_load %arg7[%swap3A_1863, %swap3A_1864] {strides = array<i32>} : memref<16x128xf32, #tpu.memory_space<vmem>>, vector<1x16xf32>,
    %swap3A_1866 = vector.shape_cast %swap3A_1865 : vector<1x16xf32> to vector<16xf32>
    %swap3A_1867 = vector.shape_cast %select_n3A_1861 : vector<16xf32> to vector<1x16xf32>
    tpu.vector_store %arg7[%swap3A_1863, %swap3A_1864], %swap3A_1867 {strides = array<i32>} : memref<16x128xf32, #tpu.memory_space<vmem>>, vector<1x16xf32>,
    %broadcast_in_dim3A_1868 = vector.shape_cast %select_n3A_689 : vector<16xi32> to vector<16x1xi32>
    %gather3A_1869 = vector.shape_cast %broadcast_in_dim3A_1868 : vector<16x1xi32> to vector<16xi32>
    %gather3A_1870 = tpu.dynamic_gather %get3A_1786[%gather3A_1869] in [0] : vector<16xf32>, vector<16xi32> -> vector<16xf32>
    %broadcast_in_dim3A_1871 = vector.shape_cast %select_n3A_695 : vector<16xi32> to vector<16x1xi32>
    %gather3A_1872 = vector.shape_cast %broadcast_in_dim3A_1871 : vector<16x1xi32> to vector<16xi32>
    %gather3A_1873 = tpu.dynamic_gather %get3A_1789[%gather3A_1872] in [0] : vector<16xf32>, vector<16xi32> -> vector<16xf32>
    %select_n3A_1874 = arith.select %lt3A_686, %gather3A_1870, %gather3A_1873 : vector<16xi1>, vector<16xf32>
    %swap3A_1875 = arith.constant 9 : i32
    %swap3A_1876 = arith.index_cast %swap3A_1875 : i32 to index
    %swap3A_1877 = arith.constant 96 : index
    %swap3A_1878 = tpu.vector_load %arg7[%swap3A_1876, %swap3A_1877] {strides = array<i32>} : memref<16x128xf32, #tpu.memory_space<vmem>>, vector<1x16xf32>,
    %swap3A_1879 = vector.shape_cast %swap3A_1878 : vector<1x16xf32> to vector<16xf32>
    %swap3A_1880 = vector.shape_cast %select_n3A_1874 : vector<16xf32> to vector<1x16xf32>
    tpu.vector_store %arg7[%swap3A_1876, %swap3A_1877], %swap3A_1880 {strides = array<i32>} : memref<16x128xf32, #tpu.memory_space<vmem>>, vector<1x16xf32>,
    %broadcast_in_dim3A_1881 = vector.shape_cast %select_n3A_789 : vector<16xi32> to vector<16x1xi32>
    %gather3A_1882 = vector.shape_cast %broadcast_in_dim3A_1881 : vector<16x1xi32> to vector<16xi32>
    %gather3A_1883 = tpu.dynamic_gather %get3A_1786[%gather3A_1882] in [0] : vector<16xf32>, vector<16xi32> -> vector<16xf32>
    %broadcast_in_dim3A_1884 = vector.shape_cast %select_n3A_795 : vector<16xi32> to vector<16x1xi32>
    %gather3A_1885 = vector.shape_cast %broadcast_in_dim3A_1884 : vector<16x1xi32> to vector<16xi32>
    %gather3A_1886 = tpu.dynamic_gather %get3A_1789[%gather3A_1885] in [0] : vector<16xf32>, vector<16xi32> -> vector<16xf32>
    %select_n3A_1887 = arith.select %lt3A_786, %gather3A_1883, %gather3A_1886 : vector<16xi1>, vector<16xf32>
    %swap3A_1888 = arith.constant 9 : i32
    %swap3A_1889 = arith.index_cast %swap3A_1888 : i32 to index
    %swap3A_1890 = arith.constant 112 : index
    %swap3A_1891 = tpu.vector_load %arg7[%swap3A_1889, %swap3A_1890] {strides = array<i32>} : memref<16x128xf32, #tpu.memory_space<vmem>>, vector<1x16xf32>,
    %swap3A_1892 = vector.shape_cast %swap3A_1891 : vector<1x16xf32> to vector<16xf32>
    %swap3A_1893 = vector.shape_cast %select_n3A_1887 : vector<16xf32> to vector<1x16xf32>
    tpu.vector_store %arg7[%swap3A_1889, %swap3A_1890], %swap3A_1893 {strides = array<i32>} : memref<16x128xf32, #tpu.memory_space<vmem>>, vector<1x16xf32>,
    %get3A_1894 = arith.constant 320 : index
    %get3A_1895 = tpu.vector_load %arg5[%get3A_1894] {strides = array<i32>} : memref<512xf32, #tpu.memory_space<vmem>>, vector<16xf32>,
    %get3A_1896 = vector.shape_cast %get3A_1895 : vector<16xf32> to vector<16xf32>
    %get3A_1897 = arith.constant 336 : index
    %get3A_1898 = tpu.vector_load %arg5[%get3A_1897] {strides = array<i32>} : memref<512xf32, #tpu.memory_space<vmem>>, vector<16xf32>,
    %get3A_1899 = vector.shape_cast %get3A_1898 : vector<16xf32> to vector<16xf32>
    %broadcast_in_dim3A_1900 = vector.shape_cast %select_n3A_89 : vector<16xi32> to vector<16x1xi32>
    %gather3A_1901 = vector.shape_cast %broadcast_in_dim3A_1900 : vector<16x1xi32> to vector<16xi32>
    %gather3A_1902 = tpu.dynamic_gather %get3A_1896[%gather3A_1901] in [0] : vector<16xf32>, vector<16xi32> -> vector<16xf32>
    %broadcast_in_dim3A_1903 = vector.shape_cast %select_n3A_95 : vector<16xi32> to vector<16x1xi32>
    %gather3A_1904 = vector.shape_cast %broadcast_in_dim3A_1903 : vector<16x1xi32> to vector<16xi32>
    %gather3A_1905 = tpu.dynamic_gather %get3A_1899[%gather3A_1904] in [0] : vector<16xf32>, vector<16xi32> -> vector<16xf32>
    %select_n3A_1906 = arith.select %lt3A_86, %gather3A_1902, %gather3A_1905 : vector<16xi1>, vector<16xf32>
    %swap3A_1907 = arith.constant 10 : i32
    %swap3A_1908 = arith.index_cast %swap3A_1907 : i32 to index
    %swap3A_1909 = arith.constant 0 : index
    %swap3A_1910 = tpu.vector_load %arg7[%swap3A_1908, %swap3A_1909] {strides = array<i32>} : memref<16x128xf32, #tpu.memory_space<vmem>>, vector<1x16xf32>,
    %swap3A_1911 = vector.shape_cast %swap3A_1910 : vector<1x16xf32> to vector<16xf32>
    %swap3A_1912 = vector.shape_cast %select_n3A_1906 : vector<16xf32> to vector<1x16xf32>
    tpu.vector_store %arg7[%swap3A_1908, %swap3A_1909], %swap3A_1912 {strides = array<i32>} : memref<16x128xf32, #tpu.memory_space<vmem>>, vector<1x16xf32>,
    %broadcast_in_dim3A_1913 = vector.shape_cast %select_n3A_189 : vector<16xi32> to vector<16x1xi32>
    %gather3A_1914 = vector.shape_cast %broadcast_in_dim3A_1913 : vector<16x1xi32> to vector<16xi32>
    %gather3A_1915 = tpu.dynamic_gather %get3A_1896[%gather3A_1914] in [0] : vector<16xf32>, vector<16xi32> -> vector<16xf32>
    %broadcast_in_dim3A_1916 = vector.shape_cast %select_n3A_195 : vector<16xi32> to vector<16x1xi32>
    %gather3A_1917 = vector.shape_cast %broadcast_in_dim3A_1916 : vector<16x1xi32> to vector<16xi32>
    %gather3A_1918 = tpu.dynamic_gather %get3A_1899[%gather3A_1917] in [0] : vector<16xf32>, vector<16xi32> -> vector<16xf32>
    %select_n3A_1919 = arith.select %lt3A_186, %gather3A_1915, %gather3A_1918 : vector<16xi1>, vector<16xf32>
    %swap3A_1920 = arith.constant 10 : i32
    %swap3A_1921 = arith.index_cast %swap3A_1920 : i32 to index
    %swap3A_1922 = arith.constant 16 : index
    %swap3A_1923 = tpu.vector_load %arg7[%swap3A_1921, %swap3A_1922] {strides = array<i32>} : memref<16x128xf32, #tpu.memory_space<vmem>>, vector<1x16xf32>,
    %swap3A_1924 = vector.shape_cast %swap3A_1923 : vector<1x16xf32> to vector<16xf32>
    %swap3A_1925 = vector.shape_cast %select_n3A_1919 : vector<16xf32> to vector<1x16xf32>
    tpu.vector_store %arg7[%swap3A_1921, %swap3A_1922], %swap3A_1925 {strides = array<i32>} : memref<16x128xf32, #tpu.memory_space<vmem>>, vector<1x16xf32>,
    %broadcast_in_dim3A_1926 = vector.shape_cast %select_n3A_289 : vector<16xi32> to vector<16x1xi32>
    %gather3A_1927 = vector.shape_cast %broadcast_in_dim3A_1926 : vector<16x1xi32> to vector<16xi32>
    %gather3A_1928 = tpu.dynamic_gather %get3A_1896[%gather3A_1927] in [0] : vector<16xf32>, vector<16xi32> -> vector<16xf32>
    %broadcast_in_dim3A_1929 = vector.shape_cast %select_n3A_295 : vector<16xi32> to vector<16x1xi32>
    %gather3A_1930 = vector.shape_cast %broadcast_in_dim3A_1929 : vector<16x1xi32> to vector<16xi32>
    %gather3A_1931 = tpu.dynamic_gather %get3A_1899[%gather3A_1930] in [0] : vector<16xf32>, vector<16xi32> -> vector<16xf32>
    %select_n3A_1932 = arith.select %lt3A_286, %gather3A_1928, %gather3A_1931 : vector<16xi1>, vector<16xf32>
    %swap3A_1933 = arith.constant 10 : i32
    %swap3A_1934 = arith.index_cast %swap3A_1933 : i32 to index
    %swap3A_1935 = arith.constant 32 : index
    %swap3A_1936 = tpu.vector_load %arg7[%swap3A_1934, %swap3A_1935] {strides = array<i32>} : memref<16x128xf32, #tpu.memory_space<vmem>>, vector<1x16xf32>,
    %swap3A_1937 = vector.shape_cast %swap3A_1936 : vector<1x16xf32> to vector<16xf32>
    %swap3A_1938 = vector.shape_cast %select_n3A_1932 : vector<16xf32> to vector<1x16xf32>
    tpu.vector_store %arg7[%swap3A_1934, %swap3A_1935], %swap3A_1938 {strides = array<i32>} : memref<16x128xf32, #tpu.memory_space<vmem>>, vector<1x16xf32>,
    %broadcast_in_dim3A_1939 = vector.shape_cast %select_n3A_389 : vector<16xi32> to vector<16x1xi32>
    %gather3A_1940 = vector.shape_cast %broadcast_in_dim3A_1939 : vector<16x1xi32> to vector<16xi32>
    %gather3A_1941 = tpu.dynamic_gather %get3A_1896[%gather3A_1940] in [0] : vector<16xf32>, vector<16xi32> -> vector<16xf32>
    %broadcast_in_dim3A_1942 = vector.shape_cast %select_n3A_395 : vector<16xi32> to vector<16x1xi32>
    %gather3A_1943 = vector.shape_cast %broadcast_in_dim3A_1942 : vector<16x1xi32> to vector<16xi32>
    %gather3A_1944 = tpu.dynamic_gather %get3A_1899[%gather3A_1943] in [0] : vector<16xf32>, vector<16xi32> -> vector<16xf32>
    %select_n3A_1945 = arith.select %lt3A_386, %gather3A_1941, %gather3A_1944 : vector<16xi1>, vector<16xf32>
    %swap3A_1946 = arith.constant 10 : i32
    %swap3A_1947 = arith.index_cast %swap3A_1946 : i32 to index
    %swap3A_1948 = arith.constant 48 : index
    %swap3A_1949 = tpu.vector_load %arg7[%swap3A_1947, %swap3A_1948] {strides = array<i32>} : memref<16x128xf32, #tpu.memory_space<vmem>>, vector<1x16xf32>,
    %swap3A_1950 = vector.shape_cast %swap3A_1949 : vector<1x16xf32> to vector<16xf32>
    %swap3A_1951 = vector.shape_cast %select_n3A_1945 : vector<16xf32> to vector<1x16xf32>
    tpu.vector_store %arg7[%swap3A_1947, %swap3A_1948], %swap3A_1951 {strides = array<i32>} : memref<16x128xf32, #tpu.memory_space<vmem>>, vector<1x16xf32>,
    %broadcast_in_dim3A_1952 = vector.shape_cast %select_n3A_489 : vector<16xi32> to vector<16x1xi32>
    %gather3A_1953 = vector.shape_cast %broadcast_in_dim3A_1952 : vector<16x1xi32> to vector<16xi32>
    %gather3A_1954 = tpu.dynamic_gather %get3A_1896[%gather3A_1953] in [0] : vector<16xf32>, vector<16xi32> -> vector<16xf32>
    %broadcast_in_dim3A_1955 = vector.shape_cast %select_n3A_495 : vector<16xi32> to vector<16x1xi32>
    %gather3A_1956 = vector.shape_cast %broadcast_in_dim3A_1955 : vector<16x1xi32> to vector<16xi32>
    %gather3A_1957 = tpu.dynamic_gather %get3A_1899[%gather3A_1956] in [0] : vector<16xf32>, vector<16xi32> -> vector<16xf32>
    %select_n3A_1958 = arith.select %lt3A_486, %gather3A_1954, %gather3A_1957 : vector<16xi1>, vector<16xf32>
    %swap3A_1959 = arith.constant 10 : i32
    %swap3A_1960 = arith.index_cast %swap3A_1959 : i32 to index
    %swap3A_1961 = arith.constant 64 : index
    %swap3A_1962 = tpu.vector_load %arg7[%swap3A_1960, %swap3A_1961] {strides = array<i32>} : memref<16x128xf32, #tpu.memory_space<vmem>>, vector<1x16xf32>,
    %swap3A_1963 = vector.shape_cast %swap3A_1962 : vector<1x16xf32> to vector<16xf32>
    %swap3A_1964 = vector.shape_cast %select_n3A_1958 : vector<16xf32> to vector<1x16xf32>
    tpu.vector_store %arg7[%swap3A_1960, %swap3A_1961], %swap3A_1964 {strides = array<i32>} : memref<16x128xf32, #tpu.memory_space<vmem>>, vector<1x16xf32>,
    %broadcast_in_dim3A_1965 = vector.shape_cast %select_n3A_589 : vector<16xi32> to vector<16x1xi32>
    %gather3A_1966 = vector.shape_cast %broadcast_in_dim3A_1965 : vector<16x1xi32> to vector<16xi32>
    %gather3A_1967 = tpu.dynamic_gather %get3A_1896[%gather3A_1966] in [0] : vector<16xf32>, vector<16xi32> -> vector<16xf32>
    %broadcast_in_dim3A_1968 = vector.shape_cast %select_n3A_595 : vector<16xi32> to vector<16x1xi32>
    %gather3A_1969 = vector.shape_cast %broadcast_in_dim3A_1968 : vector<16x1xi32> to vector<16xi32>
    %gather3A_1970 = tpu.dynamic_gather %get3A_1899[%gather3A_1969] in [0] : vector<16xf32>, vector<16xi32> -> vector<16xf32>
    %select_n3A_1971 = arith.select %lt3A_586, %gather3A_1967, %gather3A_1970 : vector<16xi1>, vector<16xf32>
    %swap3A_1972 = arith.constant 10 : i32
    %swap3A_1973 = arith.index_cast %swap3A_1972 : i32 to index
    %swap3A_1974 = arith.constant 80 : index
    %swap3A_1975 = tpu.vector_load %arg7[%swap3A_1973, %swap3A_1974] {strides = array<i32>} : memref<16x128xf32, #tpu.memory_space<vmem>>, vector<1x16xf32>,
    %swap3A_1976 = vector.shape_cast %swap3A_1975 : vector<1x16xf32> to vector<16xf32>
    %swap3A_1977 = vector.shape_cast %select_n3A_1971 : vector<16xf32> to vector<1x16xf32>
    tpu.vector_store %arg7[%swap3A_1973, %swap3A_1974], %swap3A_1977 {strides = array<i32>} : memref<16x128xf32, #tpu.memory_space<vmem>>, vector<1x16xf32>,
    %broadcast_in_dim3A_1978 = vector.shape_cast %select_n3A_689 : vector<16xi32> to vector<16x1xi32>
    %gather3A_1979 = vector.shape_cast %broadcast_in_dim3A_1978 : vector<16x1xi32> to vector<16xi32>
    %gather3A_1980 = tpu.dynamic_gather %get3A_1896[%gather3A_1979] in [0] : vector<16xf32>, vector<16xi32> -> vector<16xf32>
    %broadcast_in_dim3A_1981 = vector.shape_cast %select_n3A_695 : vector<16xi32> to vector<16x1xi32>
    %gather3A_1982 = vector.shape_cast %broadcast_in_dim3A_1981 : vector<16x1xi32> to vector<16xi32>
    %gather3A_1983 = tpu.dynamic_gather %get3A_1899[%gather3A_1982] in [0] : vector<16xf32>, vector<16xi32> -> vector<16xf32>
    %select_n3A_1984 = arith.select %lt3A_686, %gather3A_1980, %gather3A_1983 : vector<16xi1>, vector<16xf32>
    %swap3A_1985 = arith.constant 10 : i32
    %swap3A_1986 = arith.index_cast %swap3A_1985 : i32 to index
    %swap3A_1987 = arith.constant 96 : index
    %swap3A_1988 = tpu.vector_load %arg7[%swap3A_1986, %swap3A_1987] {strides = array<i32>} : memref<16x128xf32, #tpu.memory_space<vmem>>, vector<1x16xf32>,
    %swap3A_1989 = vector.shape_cast %swap3A_1988 : vector<1x16xf32> to vector<16xf32>
    %swap3A_1990 = vector.shape_cast %select_n3A_1984 : vector<16xf32> to vector<1x16xf32>
    tpu.vector_store %arg7[%swap3A_1986, %swap3A_1987], %swap3A_1990 {strides = array<i32>} : memref<16x128xf32, #tpu.memory_space<vmem>>, vector<1x16xf32>,
    %broadcast_in_dim3A_1991 = vector.shape_cast %select_n3A_789 : vector<16xi32> to vector<16x1xi32>
    %gather3A_1992 = vector.shape_cast %broadcast_in_dim3A_1991 : vector<16x1xi32> to vector<16xi32>
    %gather3A_1993 = tpu.dynamic_gather %get3A_1896[%gather3A_1992] in [0] : vector<16xf32>, vector<16xi32> -> vector<16xf32>
    %broadcast_in_dim3A_1994 = vector.shape_cast %select_n3A_795 : vector<16xi32> to vector<16x1xi32>
    %gather3A_1995 = vector.shape_cast %broadcast_in_dim3A_1994 : vector<16x1xi32> to vector<16xi32>
    %gather3A_1996 = tpu.dynamic_gather %get3A_1899[%gather3A_1995] in [0] : vector<16xf32>, vector<16xi32> -> vector<16xf32>
    %select_n3A_1997 = arith.select %lt3A_786, %gather3A_1993, %gather3A_1996 : vector<16xi1>, vector<16xf32>
    %swap3A_1998 = arith.constant 10 : i32
    %swap3A_1999 = arith.index_cast %swap3A_1998 : i32 to index
    %swap3A_2000 = arith.constant 112 : index
    %swap3A_2001 = tpu.vector_load %arg7[%swap3A_1999, %swap3A_2000] {strides = array<i32>} : memref<16x128xf32, #tpu.memory_space<vmem>>, vector<1x16xf32>,
    %swap3A_2002 = vector.shape_cast %swap3A_2001 : vector<1x16xf32> to vector<16xf32>
    %swap3A_2003 = vector.shape_cast %select_n3A_1997 : vector<16xf32> to vector<1x16xf32>
    tpu.vector_store %arg7[%swap3A_1999, %swap3A_2000], %swap3A_2003 {strides = array<i32>} : memref<16x128xf32, #tpu.memory_space<vmem>>, vector<1x16xf32>,
    %get3A_2004 = arith.constant 352 : index
    %get3A_2005 = tpu.vector_load %arg5[%get3A_2004] {strides = array<i32>} : memref<512xf32, #tpu.memory_space<vmem>>, vector<16xf32>,
    %get3A_2006 = vector.shape_cast %get3A_2005 : vector<16xf32> to vector<16xf32>
    %get3A_2007 = arith.constant 368 : index
    %get3A_2008 = tpu.vector_load %arg5[%get3A_2007] {strides = array<i32>} : memref<512xf32, #tpu.memory_space<vmem>>, vector<16xf32>,
    %get3A_2009 = vector.shape_cast %get3A_2008 : vector<16xf32> to vector<16xf32>
    %broadcast_in_dim3A_2010 = vector.shape_cast %select_n3A_89 : vector<16xi32> to vector<16x1xi32>
    %gather3A_2011 = vector.shape_cast %broadcast_in_dim3A_2010 : vector<16x1xi32> to vector<16xi32>
    %gather3A_2012 = tpu.dynamic_gather %get3A_2006[%gather3A_2011] in [0] : vector<16xf32>, vector<16xi32> -> vector<16xf32>
    %broadcast_in_dim3A_2013 = vector.shape_cast %select_n3A_95 : vector<16xi32> to vector<16x1xi32>
    %gather3A_2014 = vector.shape_cast %broadcast_in_dim3A_2013 : vector<16x1xi32> to vector<16xi32>
    %gather3A_2015 = tpu.dynamic_gather %get3A_2009[%gather3A_2014] in [0] : vector<16xf32>, vector<16xi32> -> vector<16xf32>
    %select_n3A_2016 = arith.select %lt3A_86, %gather3A_2012, %gather3A_2015 : vector<16xi1>, vector<16xf32>
    %swap3A_2017 = arith.constant 11 : i32
    %swap3A_2018 = arith.index_cast %swap3A_2017 : i32 to index
    %swap3A_2019 = arith.constant 0 : index
    %swap3A_2020 = tpu.vector_load %arg7[%swap3A_2018, %swap3A_2019] {strides = array<i32>} : memref<16x128xf32, #tpu.memory_space<vmem>>, vector<1x16xf32>,
    %swap3A_2021 = vector.shape_cast %swap3A_2020 : vector<1x16xf32> to vector<16xf32>
    %swap3A_2022 = vector.shape_cast %select_n3A_2016 : vector<16xf32> to vector<1x16xf32>
    tpu.vector_store %arg7[%swap3A_2018, %swap3A_2019], %swap3A_2022 {strides = array<i32>} : memref<16x128xf32, #tpu.memory_space<vmem>>, vector<1x16xf32>,
    %broadcast_in_dim3A_2023 = vector.shape_cast %select_n3A_189 : vector<16xi32> to vector<16x1xi32>
    %gather3A_2024 = vector.shape_cast %broadcast_in_dim3A_2023 : vector<16x1xi32> to vector<16xi32>
    %gather3A_2025 = tpu.dynamic_gather %get3A_2006[%gather3A_2024] in [0] : vector<16xf32>, vector<16xi32> -> vector<16xf32>
    %broadcast_in_dim3A_2026 = vector.shape_cast %select_n3A_195 : vector<16xi32> to vector<16x1xi32>
    %gather3A_2027 = vector.shape_cast %broadcast_in_dim3A_2026 : vector<16x1xi32> to vector<16xi32>
    %gather3A_2028 = tpu.dynamic_gather %get3A_2009[%gather3A_2027] in [0] : vector<16xf32>, vector<16xi32> -> vector<16xf32>
    %select_n3A_2029 = arith.select %lt3A_186, %gather3A_2025, %gather3A_2028 : vector<16xi1>, vector<16xf32>
    %swap3A_2030 = arith.constant 11 : i32
    %swap3A_2031 = arith.index_cast %swap3A_2030 : i32 to index
    %swap3A_2032 = arith.constant 16 : index
    %swap3A_2033 = tpu.vector_load %arg7[%swap3A_2031, %swap3A_2032] {strides = array<i32>} : memref<16x128xf32, #tpu.memory_space<vmem>>, vector<1x16xf32>,
    %swap3A_2034 = vector.shape_cast %swap3A_2033 : vector<1x16xf32> to vector<16xf32>
    %swap3A_2035 = vector.shape_cast %select_n3A_2029 : vector<16xf32> to vector<1x16xf32>
    tpu.vector_store %arg7[%swap3A_2031, %swap3A_2032], %swap3A_2035 {strides = array<i32>} : memref<16x128xf32, #tpu.memory_space<vmem>>, vector<1x16xf32>,
    %broadcast_in_dim3A_2036 = vector.shape_cast %select_n3A_289 : vector<16xi32> to vector<16x1xi32>
    %gather3A_2037 = vector.shape_cast %broadcast_in_dim3A_2036 : vector<16x1xi32> to vector<16xi32>
    %gather3A_2038 = tpu.dynamic_gather %get3A_2006[%gather3A_2037] in [0] : vector<16xf32>, vector<16xi32> -> vector<16xf32>
    %broadcast_in_dim3A_2039 = vector.shape_cast %select_n3A_295 : vector<16xi32> to vector<16x1xi32>
    %gather3A_2040 = vector.shape_cast %broadcast_in_dim3A_2039 : vector<16x1xi32> to vector<16xi32>
    %gather3A_2041 = tpu.dynamic_gather %get3A_2009[%gather3A_2040] in [0] : vector<16xf32>, vector<16xi32> -> vector<16xf32>
    %select_n3A_2042 = arith.select %lt3A_286, %gather3A_2038, %gather3A_2041 : vector<16xi1>, vector<16xf32>
    %swap3A_2043 = arith.constant 11 : i32
    %swap3A_2044 = arith.index_cast %swap3A_2043 : i32 to index
    %swap3A_2045 = arith.constant 32 : index
    %swap3A_2046 = tpu.vector_load %arg7[%swap3A_2044, %swap3A_2045] {strides = array<i32>} : memref<16x128xf32, #tpu.memory_space<vmem>>, vector<1x16xf32>,
    %swap3A_2047 = vector.shape_cast %swap3A_2046 : vector<1x16xf32> to vector<16xf32>
    %swap3A_2048 = vector.shape_cast %select_n3A_2042 : vector<16xf32> to vector<1x16xf32>
    tpu.vector_store %arg7[%swap3A_2044, %swap3A_2045], %swap3A_2048 {strides = array<i32>} : memref<16x128xf32, #tpu.memory_space<vmem>>, vector<1x16xf32>,
    %broadcast_in_dim3A_2049 = vector.shape_cast %select_n3A_389 : vector<16xi32> to vector<16x1xi32>
    %gather3A_2050 = vector.shape_cast %broadcast_in_dim3A_2049 : vector<16x1xi32> to vector<16xi32>
    %gather3A_2051 = tpu.dynamic_gather %get3A_2006[%gather3A_2050] in [0] : vector<16xf32>, vector<16xi32> -> vector<16xf32>
    %broadcast_in_dim3A_2052 = vector.shape_cast %select_n3A_395 : vector<16xi32> to vector<16x1xi32>
    %gather3A_2053 = vector.shape_cast %broadcast_in_dim3A_2052 : vector<16x1xi32> to vector<16xi32>
    %gather3A_2054 = tpu.dynamic_gather %get3A_2009[%gather3A_2053] in [0] : vector<16xf32>, vector<16xi32> -> vector<16xf32>
    %select_n3A_2055 = arith.select %lt3A_386, %gather3A_2051, %gather3A_2054 : vector<16xi1>, vector<16xf32>
    %swap3A_2056 = arith.constant 11 : i32
    %swap3A_2057 = arith.index_cast %swap3A_2056 : i32 to index
    %swap3A_2058 = arith.constant 48 : index
    %swap3A_2059 = tpu.vector_load %arg7[%swap3A_2057, %swap3A_2058] {strides = array<i32>} : memref<16x128xf32, #tpu.memory_space<vmem>>, vector<1x16xf32>,
    %swap3A_2060 = vector.shape_cast %swap3A_2059 : vector<1x16xf32> to vector<16xf32>
    %swap3A_2061 = vector.shape_cast %select_n3A_2055 : vector<16xf32> to vector<1x16xf32>
    tpu.vector_store %arg7[%swap3A_2057, %swap3A_2058], %swap3A_2061 {strides = array<i32>} : memref<16x128xf32, #tpu.memory_space<vmem>>, vector<1x16xf32>,
    %broadcast_in_dim3A_2062 = vector.shape_cast %select_n3A_489 : vector<16xi32> to vector<16x1xi32>
    %gather3A_2063 = vector.shape_cast %broadcast_in_dim3A_2062 : vector<16x1xi32> to vector<16xi32>
    %gather3A_2064 = tpu.dynamic_gather %get3A_2006[%gather3A_2063] in [0] : vector<16xf32>, vector<16xi32> -> vector<16xf32>
    %broadcast_in_dim3A_2065 = vector.shape_cast %select_n3A_495 : vector<16xi32> to vector<16x1xi32>
    %gather3A_2066 = vector.shape_cast %broadcast_in_dim3A_2065 : vector<16x1xi32> to vector<16xi32>
    %gather3A_2067 = tpu.dynamic_gather %get3A_2009[%gather3A_2066] in [0] : vector<16xf32>, vector<16xi32> -> vector<16xf32>
    %select_n3A_2068 = arith.select %lt3A_486, %gather3A_2064, %gather3A_2067 : vector<16xi1>, vector<16xf32>
    %swap3A_2069 = arith.constant 11 : i32
    %swap3A_2070 = arith.index_cast %swap3A_2069 : i32 to index
    %swap3A_2071 = arith.constant 64 : index
    %swap3A_2072 = tpu.vector_load %arg7[%swap3A_2070, %swap3A_2071] {strides = array<i32>} : memref<16x128xf32, #tpu.memory_space<vmem>>, vector<1x16xf32>,
    %swap3A_2073 = vector.shape_cast %swap3A_2072 : vector<1x16xf32> to vector<16xf32>
    %swap3A_2074 = vector.shape_cast %select_n3A_2068 : vector<16xf32> to vector<1x16xf32>
    tpu.vector_store %arg7[%swap3A_2070, %swap3A_2071], %swap3A_2074 {strides = array<i32>} : memref<16x128xf32, #tpu.memory_space<vmem>>, vector<1x16xf32>,
    %broadcast_in_dim3A_2075 = vector.shape_cast %select_n3A_589 : vector<16xi32> to vector<16x1xi32>
    %gather3A_2076 = vector.shape_cast %broadcast_in_dim3A_2075 : vector<16x1xi32> to vector<16xi32>
    %gather3A_2077 = tpu.dynamic_gather %get3A_2006[%gather3A_2076] in [0] : vector<16xf32>, vector<16xi32> -> vector<16xf32>
    %broadcast_in_dim3A_2078 = vector.shape_cast %select_n3A_595 : vector<16xi32> to vector<16x1xi32>
    %gather3A_2079 = vector.shape_cast %broadcast_in_dim3A_2078 : vector<16x1xi32> to vector<16xi32>
    %gather3A_2080 = tpu.dynamic_gather %get3A_2009[%gather3A_2079] in [0] : vector<16xf32>, vector<16xi32> -> vector<16xf32>
    %select_n3A_2081 = arith.select %lt3A_586, %gather3A_2077, %gather3A_2080 : vector<16xi1>, vector<16xf32>
    %swap3A_2082 = arith.constant 11 : i32
    %swap3A_2083 = arith.index_cast %swap3A_2082 : i32 to index
    %swap3A_2084 = arith.constant 80 : index
    %swap3A_2085 = tpu.vector_load %arg7[%swap3A_2083, %swap3A_2084] {strides = array<i32>} : memref<16x128xf32, #tpu.memory_space<vmem>>, vector<1x16xf32>,
    %swap3A_2086 = vector.shape_cast %swap3A_2085 : vector<1x16xf32> to vector<16xf32>
    %swap3A_2087 = vector.shape_cast %select_n3A_2081 : vector<16xf32> to vector<1x16xf32>
    tpu.vector_store %arg7[%swap3A_2083, %swap3A_2084], %swap3A_2087 {strides = array<i32>} : memref<16x128xf32, #tpu.memory_space<vmem>>, vector<1x16xf32>,
    %broadcast_in_dim3A_2088 = vector.shape_cast %select_n3A_689 : vector<16xi32> to vector<16x1xi32>
    %gather3A_2089 = vector.shape_cast %broadcast_in_dim3A_2088 : vector<16x1xi32> to vector<16xi32>
    %gather3A_2090 = tpu.dynamic_gather %get3A_2006[%gather3A_2089] in [0] : vector<16xf32>, vector<16xi32> -> vector<16xf32>
    %broadcast_in_dim3A_2091 = vector.shape_cast %select_n3A_695 : vector<16xi32> to vector<16x1xi32>
    %gather3A_2092 = vector.shape_cast %broadcast_in_dim3A_2091 : vector<16x1xi32> to vector<16xi32>
    %gather3A_2093 = tpu.dynamic_gather %get3A_2009[%gather3A_2092] in [0] : vector<16xf32>, vector<16xi32> -> vector<16xf32>
    %select_n3A_2094 = arith.select %lt3A_686, %gather3A_2090, %gather3A_2093 : vector<16xi1>, vector<16xf32>
    %swap3A_2095 = arith.constant 11 : i32
    %swap3A_2096 = arith.index_cast %swap3A_2095 : i32 to index
    %swap3A_2097 = arith.constant 96 : index
    %swap3A_2098 = tpu.vector_load %arg7[%swap3A_2096, %swap3A_2097] {strides = array<i32>} : memref<16x128xf32, #tpu.memory_space<vmem>>, vector<1x16xf32>,
    %swap3A_2099 = vector.shape_cast %swap3A_2098 : vector<1x16xf32> to vector<16xf32>
    %swap3A_2100 = vector.shape_cast %select_n3A_2094 : vector<16xf32> to vector<1x16xf32>
    tpu.vector_store %arg7[%swap3A_2096, %swap3A_2097], %swap3A_2100 {strides = array<i32>} : memref<16x128xf32, #tpu.memory_space<vmem>>, vector<1x16xf32>,
    %broadcast_in_dim3A_2101 = vector.shape_cast %select_n3A_789 : vector<16xi32> to vector<16x1xi32>
    %gather3A_2102 = vector.shape_cast %broadcast_in_dim3A_2101 : vector<16x1xi32> to vector<16xi32>
    %gather3A_2103 = tpu.dynamic_gather %get3A_2006[%gather3A_2102] in [0] : vector<16xf32>, vector<16xi32> -> vector<16xf32>
    %broadcast_in_dim3A_2104 = vector.shape_cast %select_n3A_795 : vector<16xi32> to vector<16x1xi32>
    %gather3A_2105 = vector.shape_cast %broadcast_in_dim3A_2104 : vector<16x1xi32> to vector<16xi32>
    %gather3A_2106 = tpu.dynamic_gather %get3A_2009[%gather3A_2105] in [0] : vector<16xf32>, vector<16xi32> -> vector<16xf32>
    %select_n3A_2107 = arith.select %lt3A_786, %gather3A_2103, %gather3A_2106 : vector<16xi1>, vector<16xf32>
    %swap3A_2108 = arith.constant 11 : i32
    %swap3A_2109 = arith.index_cast %swap3A_2108 : i32 to index
    %swap3A_2110 = arith.constant 112 : index
    %swap3A_2111 = tpu.vector_load %arg7[%swap3A_2109, %swap3A_2110] {strides = array<i32>} : memref<16x128xf32, #tpu.memory_space<vmem>>, vector<1x16xf32>,
    %swap3A_2112 = vector.shape_cast %swap3A_2111 : vector<1x16xf32> to vector<16xf32>
    %swap3A_2113 = vector.shape_cast %select_n3A_2107 : vector<16xf32> to vector<1x16xf32>
    tpu.vector_store %arg7[%swap3A_2109, %swap3A_2110], %swap3A_2113 {strides = array<i32>} : memref<16x128xf32, #tpu.memory_space<vmem>>, vector<1x16xf32>,
    %get3A_2114 = arith.constant 384 : index
    %get3A_2115 = tpu.vector_load %arg5[%get3A_2114] {strides = array<i32>} : memref<512xf32, #tpu.memory_space<vmem>>, vector<16xf32>,
    %get3A_2116 = vector.shape_cast %get3A_2115 : vector<16xf32> to vector<16xf32>
    %get3A_2117 = arith.constant 400 : index
    %get3A_2118 = tpu.vector_load %arg5[%get3A_2117] {strides = array<i32>} : memref<512xf32, #tpu.memory_space<vmem>>, vector<16xf32>,
    %get3A_2119 = vector.shape_cast %get3A_2118 : vector<16xf32> to vector<16xf32>
    %broadcast_in_dim3A_2120 = vector.shape_cast %select_n3A_89 : vector<16xi32> to vector<16x1xi32>
    %gather3A_2121 = vector.shape_cast %broadcast_in_dim3A_2120 : vector<16x1xi32> to vector<16xi32>
    %gather3A_2122 = tpu.dynamic_gather %get3A_2116[%gather3A_2121] in [0] : vector<16xf32>, vector<16xi32> -> vector<16xf32>
    %broadcast_in_dim3A_2123 = vector.shape_cast %select_n3A_95 : vector<16xi32> to vector<16x1xi32>
    %gather3A_2124 = vector.shape_cast %broadcast_in_dim3A_2123 : vector<16x1xi32> to vector<16xi32>
    %gather3A_2125 = tpu.dynamic_gather %get3A_2119[%gather3A_2124] in [0] : vector<16xf32>, vector<16xi32> -> vector<16xf32>
    %select_n3A_2126 = arith.select %lt3A_86, %gather3A_2122, %gather3A_2125 : vector<16xi1>, vector<16xf32>
    %swap3A_2127 = arith.constant 12 : i32
    %swap3A_2128 = arith.index_cast %swap3A_2127 : i32 to index
    %swap3A_2129 = arith.constant 0 : index
    %swap3A_2130 = tpu.vector_load %arg7[%swap3A_2128, %swap3A_2129] {strides = array<i32>} : memref<16x128xf32, #tpu.memory_space<vmem>>, vector<1x16xf32>,
    %swap3A_2131 = vector.shape_cast %swap3A_2130 : vector<1x16xf32> to vector<16xf32>
    %swap3A_2132 = vector.shape_cast %select_n3A_2126 : vector<16xf32> to vector<1x16xf32>
    tpu.vector_store %arg7[%swap3A_2128, %swap3A_2129], %swap3A_2132 {strides = array<i32>} : memref<16x128xf32, #tpu.memory_space<vmem>>, vector<1x16xf32>,
    %broadcast_in_dim3A_2133 = vector.shape_cast %select_n3A_189 : vector<16xi32> to vector<16x1xi32>
    %gather3A_2134 = vector.shape_cast %broadcast_in_dim3A_2133 : vector<16x1xi32> to vector<16xi32>
    %gather3A_2135 = tpu.dynamic_gather %get3A_2116[%gather3A_2134] in [0] : vector<16xf32>, vector<16xi32> -> vector<16xf32>
    %broadcast_in_dim3A_2136 = vector.shape_cast %select_n3A_195 : vector<16xi32> to vector<16x1xi32>
    %gather3A_2137 = vector.shape_cast %broadcast_in_dim3A_2136 : vector<16x1xi32> to vector<16xi32>
    %gather3A_2138 = tpu.dynamic_gather %get3A_2119[%gather3A_2137] in [0] : vector<16xf32>, vector<16xi32> -> vector<16xf32>
    %select_n3A_2139 = arith.select %lt3A_186, %gather3A_2135, %gather3A_2138 : vector<16xi1>, vector<16xf32>
    %swap3A_2140 = arith.constant 12 : i32
    %swap3A_2141 = arith.index_cast %swap3A_2140 : i32 to index
    %swap3A_2142 = arith.constant 16 : index
    %swap3A_2143 = tpu.vector_load %arg7[%swap3A_2141, %swap3A_2142] {strides = array<i32>} : memref<16x128xf32, #tpu.memory_space<vmem>>, vector<1x16xf32>,
    %swap3A_2144 = vector.shape_cast %swap3A_2143 : vector<1x16xf32> to vector<16xf32>
    %swap3A_2145 = vector.shape_cast %select_n3A_2139 : vector<16xf32> to vector<1x16xf32>
    tpu.vector_store %arg7[%swap3A_2141, %swap3A_2142], %swap3A_2145 {strides = array<i32>} : memref<16x128xf32, #tpu.memory_space<vmem>>, vector<1x16xf32>,
    %broadcast_in_dim3A_2146 = vector.shape_cast %select_n3A_289 : vector<16xi32> to vector<16x1xi32>
    %gather3A_2147 = vector.shape_cast %broadcast_in_dim3A_2146 : vector<16x1xi32> to vector<16xi32>
    %gather3A_2148 = tpu.dynamic_gather %get3A_2116[%gather3A_2147] in [0] : vector<16xf32>, vector<16xi32> -> vector<16xf32>
    %broadcast_in_dim3A_2149 = vector.shape_cast %select_n3A_295 : vector<16xi32> to vector<16x1xi32>
    %gather3A_2150 = vector.shape_cast %broadcast_in_dim3A_2149 : vector<16x1xi32> to vector<16xi32>
    %gather3A_2151 = tpu.dynamic_gather %get3A_2119[%gather3A_2150] in [0] : vector<16xf32>, vector<16xi32> -> vector<16xf32>
    %select_n3A_2152 = arith.select %lt3A_286, %gather3A_2148, %gather3A_2151 : vector<16xi1>, vector<16xf32>
    %swap3A_2153 = arith.constant 12 : i32
    %swap3A_2154 = arith.index_cast %swap3A_2153 : i32 to index
    %swap3A_2155 = arith.constant 32 : index
    %swap3A_2156 = tpu.vector_load %arg7[%swap3A_2154, %swap3A_2155] {strides = array<i32>} : memref<16x128xf32, #tpu.memory_space<vmem>>, vector<1x16xf32>,
    %swap3A_2157 = vector.shape_cast %swap3A_2156 : vector<1x16xf32> to vector<16xf32>
    %swap3A_2158 = vector.shape_cast %select_n3A_2152 : vector<16xf32> to vector<1x16xf32>
    tpu.vector_store %arg7[%swap3A_2154, %swap3A_2155], %swap3A_2158 {strides = array<i32>} : memref<16x128xf32, #tpu.memory_space<vmem>>, vector<1x16xf32>,
    %broadcast_in_dim3A_2159 = vector.shape_cast %select_n3A_389 : vector<16xi32> to vector<16x1xi32>
    %gather3A_2160 = vector.shape_cast %broadcast_in_dim3A_2159 : vector<16x1xi32> to vector<16xi32>
    %gather3A_2161 = tpu.dynamic_gather %get3A_2116[%gather3A_2160] in [0] : vector<16xf32>, vector<16xi32> -> vector<16xf32>
    %broadcast_in_dim3A_2162 = vector.shape_cast %select_n3A_395 : vector<16xi32> to vector<16x1xi32>
    %gather3A_2163 = vector.shape_cast %broadcast_in_dim3A_2162 : vector<16x1xi32> to vector<16xi32>
    %gather3A_2164 = tpu.dynamic_gather %get3A_2119[%gather3A_2163] in [0] : vector<16xf32>, vector<16xi32> -> vector<16xf32>
    %select_n3A_2165 = arith.select %lt3A_386, %gather3A_2161, %gather3A_2164 : vector<16xi1>, vector<16xf32>
    %swap3A_2166 = arith.constant 12 : i32
    %swap3A_2167 = arith.index_cast %swap3A_2166 : i32 to index
    %swap3A_2168 = arith.constant 48 : index
    %swap3A_2169 = tpu.vector_load %arg7[%swap3A_2167, %swap3A_2168] {strides = array<i32>} : memref<16x128xf32, #tpu.memory_space<vmem>>, vector<1x16xf32>,
    %swap3A_2170 = vector.shape_cast %swap3A_2169 : vector<1x16xf32> to vector<16xf32>
    %swap3A_2171 = vector.shape_cast %select_n3A_2165 : vector<16xf32> to vector<1x16xf32>
    tpu.vector_store %arg7[%swap3A_2167, %swap3A_2168], %swap3A_2171 {strides = array<i32>} : memref<16x128xf32, #tpu.memory_space<vmem>>, vector<1x16xf32>,
    %broadcast_in_dim3A_2172 = vector.shape_cast %select_n3A_489 : vector<16xi32> to vector<16x1xi32>
    %gather3A_2173 = vector.shape_cast %broadcast_in_dim3A_2172 : vector<16x1xi32> to vector<16xi32>
    %gather3A_2174 = tpu.dynamic_gather %get3A_2116[%gather3A_2173] in [0] : vector<16xf32>, vector<16xi32> -> vector<16xf32>
    %broadcast_in_dim3A_2175 = vector.shape_cast %select_n3A_495 : vector<16xi32> to vector<16x1xi32>
    %gather3A_2176 = vector.shape_cast %broadcast_in_dim3A_2175 : vector<16x1xi32> to vector<16xi32>
    %gather3A_2177 = tpu.dynamic_gather %get3A_2119[%gather3A_2176] in [0] : vector<16xf32>, vector<16xi32> -> vector<16xf32>
    %select_n3A_2178 = arith.select %lt3A_486, %gather3A_2174, %gather3A_2177 : vector<16xi1>, vector<16xf32>
    %swap3A_2179 = arith.constant 12 : i32
    %swap3A_2180 = arith.index_cast %swap3A_2179 : i32 to index
    %swap3A_2181 = arith.constant 64 : index
    %swap3A_2182 = tpu.vector_load %arg7[%swap3A_2180, %swap3A_2181] {strides = array<i32>} : memref<16x128xf32, #tpu.memory_space<vmem>>, vector<1x16xf32>,
    %swap3A_2183 = vector.shape_cast %swap3A_2182 : vector<1x16xf32> to vector<16xf32>
    %swap3A_2184 = vector.shape_cast %select_n3A_2178 : vector<16xf32> to vector<1x16xf32>
    tpu.vector_store %arg7[%swap3A_2180, %swap3A_2181], %swap3A_2184 {strides = array<i32>} : memref<16x128xf32, #tpu.memory_space<vmem>>, vector<1x16xf32>,
    %broadcast_in_dim3A_2185 = vector.shape_cast %select_n3A_589 : vector<16xi32> to vector<16x1xi32>
    %gather3A_2186 = vector.shape_cast %broadcast_in_dim3A_2185 : vector<16x1xi32> to vector<16xi32>
    %gather3A_2187 = tpu.dynamic_gather %get3A_2116[%gather3A_2186] in [0] : vector<16xf32>, vector<16xi32> -> vector<16xf32>
    %broadcast_in_dim3A_2188 = vector.shape_cast %select_n3A_595 : vector<16xi32> to vector<16x1xi32>
    %gather3A_2189 = vector.shape_cast %broadcast_in_dim3A_2188 : vector<16x1xi32> to vector<16xi32>
    %gather3A_2190 = tpu.dynamic_gather %get3A_2119[%gather3A_2189] in [0] : vector<16xf32>, vector<16xi32> -> vector<16xf32>
    %select_n3A_2191 = arith.select %lt3A_586, %gather3A_2187, %gather3A_2190 : vector<16xi1>, vector<16xf32>
    %swap3A_2192 = arith.constant 12 : i32
    %swap3A_2193 = arith.index_cast %swap3A_2192 : i32 to index
    %swap3A_2194 = arith.constant 80 : index
    %swap3A_2195 = tpu.vector_load %arg7[%swap3A_2193, %swap3A_2194] {strides = array<i32>} : memref<16x128xf32, #tpu.memory_space<vmem>>, vector<1x16xf32>,
    %swap3A_2196 = vector.shape_cast %swap3A_2195 : vector<1x16xf32> to vector<16xf32>
    %swap3A_2197 = vector.shape_cast %select_n3A_2191 : vector<16xf32> to vector<1x16xf32>
    tpu.vector_store %arg7[%swap3A_2193, %swap3A_2194], %swap3A_2197 {strides = array<i32>} : memref<16x128xf32, #tpu.memory_space<vmem>>, vector<1x16xf32>,
    %broadcast_in_dim3A_2198 = vector.shape_cast %select_n3A_689 : vector<16xi32> to vector<16x1xi32>
    %gather3A_2199 = vector.shape_cast %broadcast_in_dim3A_2198 : vector<16x1xi32> to vector<16xi32>
    %gather3A_2200 = tpu.dynamic_gather %get3A_2116[%gather3A_2199] in [0] : vector<16xf32>, vector<16xi32> -> vector<16xf32>
    %broadcast_in_dim3A_2201 = vector.shape_cast %select_n3A_695 : vector<16xi32> to vector<16x1xi32>
    %gather3A_2202 = vector.shape_cast %broadcast_in_dim3A_2201 : vector<16x1xi32> to vector<16xi32>
    %gather3A_2203 = tpu.dynamic_gather %get3A_2119[%gather3A_2202] in [0] : vector<16xf32>, vector<16xi32> -> vector<16xf32>
    %select_n3A_2204 = arith.select %lt3A_686, %gather3A_2200, %gather3A_2203 : vector<16xi1>, vector<16xf32>
    %swap3A_2205 = arith.constant 12 : i32
    %swap3A_2206 = arith.index_cast %swap3A_2205 : i32 to index
    %swap3A_2207 = arith.constant 96 : index
    %swap3A_2208 = tpu.vector_load %arg7[%swap3A_2206, %swap3A_2207] {strides = array<i32>} : memref<16x128xf32, #tpu.memory_space<vmem>>, vector<1x16xf32>,
    %swap3A_2209 = vector.shape_cast %swap3A_2208 : vector<1x16xf32> to vector<16xf32>
    %swap3A_2210 = vector.shape_cast %select_n3A_2204 : vector<16xf32> to vector<1x16xf32>
    tpu.vector_store %arg7[%swap3A_2206, %swap3A_2207], %swap3A_2210 {strides = array<i32>} : memref<16x128xf32, #tpu.memory_space<vmem>>, vector<1x16xf32>,
    %broadcast_in_dim3A_2211 = vector.shape_cast %select_n3A_789 : vector<16xi32> to vector<16x1xi32>
    %gather3A_2212 = vector.shape_cast %broadcast_in_dim3A_2211 : vector<16x1xi32> to vector<16xi32>
    %gather3A_2213 = tpu.dynamic_gather %get3A_2116[%gather3A_2212] in [0] : vector<16xf32>, vector<16xi32> -> vector<16xf32>
    %broadcast_in_dim3A_2214 = vector.shape_cast %select_n3A_795 : vector<16xi32> to vector<16x1xi32>
    %gather3A_2215 = vector.shape_cast %broadcast_in_dim3A_2214 : vector<16x1xi32> to vector<16xi32>
    %gather3A_2216 = tpu.dynamic_gather %get3A_2119[%gather3A_2215] in [0] : vector<16xf32>, vector<16xi32> -> vector<16xf32>
    %select_n3A_2217 = arith.select %lt3A_786, %gather3A_2213, %gather3A_2216 : vector<16xi1>, vector<16xf32>
    %swap3A_2218 = arith.constant 12 : i32
    %swap3A_2219 = arith.index_cast %swap3A_2218 : i32 to index
    %swap3A_2220 = arith.constant 112 : index
    %swap3A_2221 = tpu.vector_load %arg7[%swap3A_2219, %swap3A_2220] {strides = array<i32>} : memref<16x128xf32, #tpu.memory_space<vmem>>, vector<1x16xf32>,
    %swap3A_2222 = vector.shape_cast %swap3A_2221 : vector<1x16xf32> to vector<16xf32>
    %swap3A_2223 = vector.shape_cast %select_n3A_2217 : vector<16xf32> to vector<1x16xf32>
    tpu.vector_store %arg7[%swap3A_2219, %swap3A_2220], %swap3A_2223 {strides = array<i32>} : memref<16x128xf32, #tpu.memory_space<vmem>>, vector<1x16xf32>,
    %get3A_2224 = arith.constant 416 : index
    %get3A_2225 = tpu.vector_load %arg5[%get3A_2224] {strides = array<i32>} : memref<512xf32, #tpu.memory_space<vmem>>, vector<16xf32>,
    %get3A_2226 = vector.shape_cast %get3A_2225 : vector<16xf32> to vector<16xf32>
    %get3A_2227 = arith.constant 432 : index
    %get3A_2228 = tpu.vector_load %arg5[%get3A_2227] {strides = array<i32>} : memref<512xf32, #tpu.memory_space<vmem>>, vector<16xf32>,
    %get3A_2229 = vector.shape_cast %get3A_2228 : vector<16xf32> to vector<16xf32>
    %broadcast_in_dim3A_2230 = vector.shape_cast %select_n3A_89 : vector<16xi32> to vector<16x1xi32>
    %gather3A_2231 = vector.shape_cast %broadcast_in_dim3A_2230 : vector<16x1xi32> to vector<16xi32>
    %gather3A_2232 = tpu.dynamic_gather %get3A_2226[%gather3A_2231] in [0] : vector<16xf32>, vector<16xi32> -> vector<16xf32>
    %broadcast_in_dim3A_2233 = vector.shape_cast %select_n3A_95 : vector<16xi32> to vector<16x1xi32>
    %gather3A_2234 = vector.shape_cast %broadcast_in_dim3A_2233 : vector<16x1xi32> to vector<16xi32>
    %gather3A_2235 = tpu.dynamic_gather %get3A_2229[%gather3A_2234] in [0] : vector<16xf32>, vector<16xi32> -> vector<16xf32>
    %select_n3A_2236 = arith.select %lt3A_86, %gather3A_2232, %gather3A_2235 : vector<16xi1>, vector<16xf32>
    %swap3A_2237 = arith.constant 13 : i32
    %swap3A_2238 = arith.index_cast %swap3A_2237 : i32 to index
    %swap3A_2239 = arith.constant 0 : index
    %swap3A_2240 = tpu.vector_load %arg7[%swap3A_2238, %swap3A_2239] {strides = array<i32>} : memref<16x128xf32, #tpu.memory_space<vmem>>, vector<1x16xf32>,
    %swap3A_2241 = vector.shape_cast %swap3A_2240 : vector<1x16xf32> to vector<16xf32>
    %swap3A_2242 = vector.shape_cast %select_n3A_2236 : vector<16xf32> to vector<1x16xf32>
    tpu.vector_store %arg7[%swap3A_2238, %swap3A_2239], %swap3A_2242 {strides = array<i32>} : memref<16x128xf32, #tpu.memory_space<vmem>>, vector<1x16xf32>,
    %broadcast_in_dim3A_2243 = vector.shape_cast %select_n3A_189 : vector<16xi32> to vector<16x1xi32>
    %gather3A_2244 = vector.shape_cast %broadcast_in_dim3A_2243 : vector<16x1xi32> to vector<16xi32>
    %gather3A_2245 = tpu.dynamic_gather %get3A_2226[%gather3A_2244] in [0] : vector<16xf32>, vector<16xi32> -> vector<16xf32>
    %broadcast_in_dim3A_2246 = vector.shape_cast %select_n3A_195 : vector<16xi32> to vector<16x1xi32>
    %gather3A_2247 = vector.shape_cast %broadcast_in_dim3A_2246 : vector<16x1xi32> to vector<16xi32>
    %gather3A_2248 = tpu.dynamic_gather %get3A_2229[%gather3A_2247] in [0] : vector<16xf32>, vector<16xi32> -> vector<16xf32>
    %select_n3A_2249 = arith.select %lt3A_186, %gather3A_2245, %gather3A_2248 : vector<16xi1>, vector<16xf32>
    %swap3A_2250 = arith.constant 13 : i32
    %swap3A_2251 = arith.index_cast %swap3A_2250 : i32 to index
    %swap3A_2252 = arith.constant 16 : index
    %swap3A_2253 = tpu.vector_load %arg7[%swap3A_2251, %swap3A_2252] {strides = array<i32>} : memref<16x128xf32, #tpu.memory_space<vmem>>, vector<1x16xf32>,
    %swap3A_2254 = vector.shape_cast %swap3A_2253 : vector<1x16xf32> to vector<16xf32>
    %swap3A_2255 = vector.shape_cast %select_n3A_2249 : vector<16xf32> to vector<1x16xf32>
    tpu.vector_store %arg7[%swap3A_2251, %swap3A_2252], %swap3A_2255 {strides = array<i32>} : memref<16x128xf32, #tpu.memory_space<vmem>>, vector<1x16xf32>,
    %broadcast_in_dim3A_2256 = vector.shape_cast %select_n3A_289 : vector<16xi32> to vector<16x1xi32>
    %gather3A_2257 = vector.shape_cast %broadcast_in_dim3A_2256 : vector<16x1xi32> to vector<16xi32>
    %gather3A_2258 = tpu.dynamic_gather %get3A_2226[%gather3A_2257] in [0] : vector<16xf32>, vector<16xi32> -> vector<16xf32>
    %broadcast_in_dim3A_2259 = vector.shape_cast %select_n3A_295 : vector<16xi32> to vector<16x1xi32>
    %gather3A_2260 = vector.shape_cast %broadcast_in_dim3A_2259 : vector<16x1xi32> to vector<16xi32>
    %gather3A_2261 = tpu.dynamic_gather %get3A_2229[%gather3A_2260] in [0] : vector<16xf32>, vector<16xi32> -> vector<16xf32>
    %select_n3A_2262 = arith.select %lt3A_286, %gather3A_2258, %gather3A_2261 : vector<16xi1>, vector<16xf32>
    %swap3A_2263 = arith.constant 13 : i32
    %swap3A_2264 = arith.index_cast %swap3A_2263 : i32 to index
    %swap3A_2265 = arith.constant 32 : index
    %swap3A_2266 = tpu.vector_load %arg7[%swap3A_2264, %swap3A_2265] {strides = array<i32>} : memref<16x128xf32, #tpu.memory_space<vmem>>, vector<1x16xf32>,
    %swap3A_2267 = vector.shape_cast %swap3A_2266 : vector<1x16xf32> to vector<16xf32>
    %swap3A_2268 = vector.shape_cast %select_n3A_2262 : vector<16xf32> to vector<1x16xf32>
    tpu.vector_store %arg7[%swap3A_2264, %swap3A_2265], %swap3A_2268 {strides = array<i32>} : memref<16x128xf32, #tpu.memory_space<vmem>>, vector<1x16xf32>,
    %broadcast_in_dim3A_2269 = vector.shape_cast %select_n3A_389 : vector<16xi32> to vector<16x1xi32>
    %gather3A_2270 = vector.shape_cast %broadcast_in_dim3A_2269 : vector<16x1xi32> to vector<16xi32>
    %gather3A_2271 = tpu.dynamic_gather %get3A_2226[%gather3A_2270] in [0] : vector<16xf32>, vector<16xi32> -> vector<16xf32>
    %broadcast_in_dim3A_2272 = vector.shape_cast %select_n3A_395 : vector<16xi32> to vector<16x1xi32>
    %gather3A_2273 = vector.shape_cast %broadcast_in_dim3A_2272 : vector<16x1xi32> to vector<16xi32>
    %gather3A_2274 = tpu.dynamic_gather %get3A_2229[%gather3A_2273] in [0] : vector<16xf32>, vector<16xi32> -> vector<16xf32>
    %select_n3A_2275 = arith.select %lt3A_386, %gather3A_2271, %gather3A_2274 : vector<16xi1>, vector<16xf32>
    %swap3A_2276 = arith.constant 13 : i32
    %swap3A_2277 = arith.index_cast %swap3A_2276 : i32 to index
    %swap3A_2278 = arith.constant 48 : index
    %swap3A_2279 = tpu.vector_load %arg7[%swap3A_2277, %swap3A_2278] {strides = array<i32>} : memref<16x128xf32, #tpu.memory_space<vmem>>, vector<1x16xf32>,
    %swap3A_2280 = vector.shape_cast %swap3A_2279 : vector<1x16xf32> to vector<16xf32>
    %swap3A_2281 = vector.shape_cast %select_n3A_2275 : vector<16xf32> to vector<1x16xf32>
    tpu.vector_store %arg7[%swap3A_2277, %swap3A_2278], %swap3A_2281 {strides = array<i32>} : memref<16x128xf32, #tpu.memory_space<vmem>>, vector<1x16xf32>,
    %broadcast_in_dim3A_2282 = vector.shape_cast %select_n3A_489 : vector<16xi32> to vector<16x1xi32>
    %gather3A_2283 = vector.shape_cast %broadcast_in_dim3A_2282 : vector<16x1xi32> to vector<16xi32>
    %gather3A_2284 = tpu.dynamic_gather %get3A_2226[%gather3A_2283] in [0] : vector<16xf32>, vector<16xi32> -> vector<16xf32>
    %broadcast_in_dim3A_2285 = vector.shape_cast %select_n3A_495 : vector<16xi32> to vector<16x1xi32>
    %gather3A_2286 = vector.shape_cast %broadcast_in_dim3A_2285 : vector<16x1xi32> to vector<16xi32>
    %gather3A_2287 = tpu.dynamic_gather %get3A_2229[%gather3A_2286] in [0] : vector<16xf32>, vector<16xi32> -> vector<16xf32>
    %select_n3A_2288 = arith.select %lt3A_486, %gather3A_2284, %gather3A_2287 : vector<16xi1>, vector<16xf32>
    %swap3A_2289 = arith.constant 13 : i32
    %swap3A_2290 = arith.index_cast %swap3A_2289 : i32 to index
    %swap3A_2291 = arith.constant 64 : index
    %swap3A_2292 = tpu.vector_load %arg7[%swap3A_2290, %swap3A_2291] {strides = array<i32>} : memref<16x128xf32, #tpu.memory_space<vmem>>, vector<1x16xf32>,
    %swap3A_2293 = vector.shape_cast %swap3A_2292 : vector<1x16xf32> to vector<16xf32>
    %swap3A_2294 = vector.shape_cast %select_n3A_2288 : vector<16xf32> to vector<1x16xf32>
    tpu.vector_store %arg7[%swap3A_2290, %swap3A_2291], %swap3A_2294 {strides = array<i32>} : memref<16x128xf32, #tpu.memory_space<vmem>>, vector<1x16xf32>,
    %broadcast_in_dim3A_2295 = vector.shape_cast %select_n3A_589 : vector<16xi32> to vector<16x1xi32>
    %gather3A_2296 = vector.shape_cast %broadcast_in_dim3A_2295 : vector<16x1xi32> to vector<16xi32>
    %gather3A_2297 = tpu.dynamic_gather %get3A_2226[%gather3A_2296] in [0] : vector<16xf32>, vector<16xi32> -> vector<16xf32>
    %broadcast_in_dim3A_2298 = vector.shape_cast %select_n3A_595 : vector<16xi32> to vector<16x1xi32>
    %gather3A_2299 = vector.shape_cast %broadcast_in_dim3A_2298 : vector<16x1xi32> to vector<16xi32>
    %gather3A_2300 = tpu.dynamic_gather %get3A_2229[%gather3A_2299] in [0] : vector<16xf32>, vector<16xi32> -> vector<16xf32>
    %select_n3A_2301 = arith.select %lt3A_586, %gather3A_2297, %gather3A_2300 : vector<16xi1>, vector<16xf32>
    %swap3A_2302 = arith.constant 13 : i32
    %swap3A_2303 = arith.index_cast %swap3A_2302 : i32 to index
    %swap3A_2304 = arith.constant 80 : index
    %swap3A_2305 = tpu.vector_load %arg7[%swap3A_2303, %swap3A_2304] {strides = array<i32>} : memref<16x128xf32, #tpu.memory_space<vmem>>, vector<1x16xf32>,
    %swap3A_2306 = vector.shape_cast %swap3A_2305 : vector<1x16xf32> to vector<16xf32>
    %swap3A_2307 = vector.shape_cast %select_n3A_2301 : vector<16xf32> to vector<1x16xf32>
    tpu.vector_store %arg7[%swap3A_2303, %swap3A_2304], %swap3A_2307 {strides = array<i32>} : memref<16x128xf32, #tpu.memory_space<vmem>>, vector<1x16xf32>,
    %broadcast_in_dim3A_2308 = vector.shape_cast %select_n3A_689 : vector<16xi32> to vector<16x1xi32>
    %gather3A_2309 = vector.shape_cast %broadcast_in_dim3A_2308 : vector<16x1xi32> to vector<16xi32>
    %gather3A_2310 = tpu.dynamic_gather %get3A_2226[%gather3A_2309] in [0] : vector<16xf32>, vector<16xi32> -> vector<16xf32>
    %broadcast_in_dim3A_2311 = vector.shape_cast %select_n3A_695 : vector<16xi32> to vector<16x1xi32>
    %gather3A_2312 = vector.shape_cast %broadcast_in_dim3A_2311 : vector<16x1xi32> to vector<16xi32>
    %gather3A_2313 = tpu.dynamic_gather %get3A_2229[%gather3A_2312] in [0] : vector<16xf32>, vector<16xi32> -> vector<16xf32>
    %select_n3A_2314 = arith.select %lt3A_686, %gather3A_2310, %gather3A_2313 : vector<16xi1>, vector<16xf32>
    %swap3A_2315 = arith.constant 13 : i32
    %swap3A_2316 = arith.index_cast %swap3A_2315 : i32 to index
    %swap3A_2317 = arith.constant 96 : index
    %swap3A_2318 = tpu.vector_load %arg7[%swap3A_2316, %swap3A_2317] {strides = array<i32>} : memref<16x128xf32, #tpu.memory_space<vmem>>, vector<1x16xf32>,
    %swap3A_2319 = vector.shape_cast %swap3A_2318 : vector<1x16xf32> to vector<16xf32>
    %swap3A_2320 = vector.shape_cast %select_n3A_2314 : vector<16xf32> to vector<1x16xf32>
    tpu.vector_store %arg7[%swap3A_2316, %swap3A_2317], %swap3A_2320 {strides = array<i32>} : memref<16x128xf32, #tpu.memory_space<vmem>>, vector<1x16xf32>,
    %broadcast_in_dim3A_2321 = vector.shape_cast %select_n3A_789 : vector<16xi32> to vector<16x1xi32>
    %gather3A_2322 = vector.shape_cast %broadcast_in_dim3A_2321 : vector<16x1xi32> to vector<16xi32>
    %gather3A_2323 = tpu.dynamic_gather %get3A_2226[%gather3A_2322] in [0] : vector<16xf32>, vector<16xi32> -> vector<16xf32>
    %broadcast_in_dim3A_2324 = vector.shape_cast %select_n3A_795 : vector<16xi32> to vector<16x1xi32>
    %gather3A_2325 = vector.shape_cast %broadcast_in_dim3A_2324 : vector<16x1xi32> to vector<16xi32>
    %gather3A_2326 = tpu.dynamic_gather %get3A_2229[%gather3A_2325] in [0] : vector<16xf32>, vector<16xi32> -> vector<16xf32>
    %select_n3A_2327 = arith.select %lt3A_786, %gather3A_2323, %gather3A_2326 : vector<16xi1>, vector<16xf32>
    %swap3A_2328 = arith.constant 13 : i32
    %swap3A_2329 = arith.index_cast %swap3A_2328 : i32 to index
    %swap3A_2330 = arith.constant 112 : index
    %swap3A_2331 = tpu.vector_load %arg7[%swap3A_2329, %swap3A_2330] {strides = array<i32>} : memref<16x128xf32, #tpu.memory_space<vmem>>, vector<1x16xf32>,
    %swap3A_2332 = vector.shape_cast %swap3A_2331 : vector<1x16xf32> to vector<16xf32>
    %swap3A_2333 = vector.shape_cast %select_n3A_2327 : vector<16xf32> to vector<1x16xf32>
    tpu.vector_store %arg7[%swap3A_2329, %swap3A_2330], %swap3A_2333 {strides = array<i32>} : memref<16x128xf32, #tpu.memory_space<vmem>>, vector<1x16xf32>,
    %get3A_2334 = arith.constant 448 : index
    %get3A_2335 = tpu.vector_load %arg5[%get3A_2334] {strides = array<i32>} : memref<512xf32, #tpu.memory_space<vmem>>, vector<16xf32>,
    %get3A_2336 = vector.shape_cast %get3A_2335 : vector<16xf32> to vector<16xf32>
    %get3A_2337 = arith.constant 464 : index
    %get3A_2338 = tpu.vector_load %arg5[%get3A_2337] {strides = array<i32>} : memref<512xf32, #tpu.memory_space<vmem>>, vector<16xf32>,
    %get3A_2339 = vector.shape_cast %get3A_2338 : vector<16xf32> to vector<16xf32>
    %broadcast_in_dim3A_2340 = vector.shape_cast %select_n3A_89 : vector<16xi32> to vector<16x1xi32>
    %gather3A_2341 = vector.shape_cast %broadcast_in_dim3A_2340 : vector<16x1xi32> to vector<16xi32>
    %gather3A_2342 = tpu.dynamic_gather %get3A_2336[%gather3A_2341] in [0] : vector<16xf32>, vector<16xi32> -> vector<16xf32>
    %broadcast_in_dim3A_2343 = vector.shape_cast %select_n3A_95 : vector<16xi32> to vector<16x1xi32>
    %gather3A_2344 = vector.shape_cast %broadcast_in_dim3A_2343 : vector<16x1xi32> to vector<16xi32>
    %gather3A_2345 = tpu.dynamic_gather %get3A_2339[%gather3A_2344] in [0] : vector<16xf32>, vector<16xi32> -> vector<16xf32>
    %select_n3A_2346 = arith.select %lt3A_86, %gather3A_2342, %gather3A_2345 : vector<16xi1>, vector<16xf32>
    %swap3A_2347 = arith.constant 14 : i32
    %swap3A_2348 = arith.index_cast %swap3A_2347 : i32 to index
    %swap3A_2349 = arith.constant 0 : index
    %swap3A_2350 = tpu.vector_load %arg7[%swap3A_2348, %swap3A_2349] {strides = array<i32>} : memref<16x128xf32, #tpu.memory_space<vmem>>, vector<1x16xf32>,
    %swap3A_2351 = vector.shape_cast %swap3A_2350 : vector<1x16xf32> to vector<16xf32>
    %swap3A_2352 = vector.shape_cast %select_n3A_2346 : vector<16xf32> to vector<1x16xf32>
    tpu.vector_store %arg7[%swap3A_2348, %swap3A_2349], %swap3A_2352 {strides = array<i32>} : memref<16x128xf32, #tpu.memory_space<vmem>>, vector<1x16xf32>,
    %broadcast_in_dim3A_2353 = vector.shape_cast %select_n3A_189 : vector<16xi32> to vector<16x1xi32>
    %gather3A_2354 = vector.shape_cast %broadcast_in_dim3A_2353 : vector<16x1xi32> to vector<16xi32>
    %gather3A_2355 = tpu.dynamic_gather %get3A_2336[%gather3A_2354] in [0] : vector<16xf32>, vector<16xi32> -> vector<16xf32>
    %broadcast_in_dim3A_2356 = vector.shape_cast %select_n3A_195 : vector<16xi32> to vector<16x1xi32>
    %gather3A_2357 = vector.shape_cast %broadcast_in_dim3A_2356 : vector<16x1xi32> to vector<16xi32>
    %gather3A_2358 = tpu.dynamic_gather %get3A_2339[%gather3A_2357] in [0] : vector<16xf32>, vector<16xi32> -> vector<16xf32>
    %select_n3A_2359 = arith.select %lt3A_186, %gather3A_2355, %gather3A_2358 : vector<16xi1>, vector<16xf32>
    %swap3A_2360 = arith.constant 14 : i32
    %swap3A_2361 = arith.index_cast %swap3A_2360 : i32 to index
    %swap3A_2362 = arith.constant 16 : index
    %swap3A_2363 = tpu.vector_load %arg7[%swap3A_2361, %swap3A_2362] {strides = array<i32>} : memref<16x128xf32, #tpu.memory_space<vmem>>, vector<1x16xf32>,
    %swap3A_2364 = vector.shape_cast %swap3A_2363 : vector<1x16xf32> to vector<16xf32>
    %swap3A_2365 = vector.shape_cast %select_n3A_2359 : vector<16xf32> to vector<1x16xf32>
    tpu.vector_store %arg7[%swap3A_2361, %swap3A_2362], %swap3A_2365 {strides = array<i32>} : memref<16x128xf32, #tpu.memory_space<vmem>>, vector<1x16xf32>,
    %broadcast_in_dim3A_2366 = vector.shape_cast %select_n3A_289 : vector<16xi32> to vector<16x1xi32>
    %gather3A_2367 = vector.shape_cast %broadcast_in_dim3A_2366 : vector<16x1xi32> to vector<16xi32>
    %gather3A_2368 = tpu.dynamic_gather %get3A_2336[%gather3A_2367] in [0] : vector<16xf32>, vector<16xi32> -> vector<16xf32>
    %broadcast_in_dim3A_2369 = vector.shape_cast %select_n3A_295 : vector<16xi32> to vector<16x1xi32>
    %gather3A_2370 = vector.shape_cast %broadcast_in_dim3A_2369 : vector<16x1xi32> to vector<16xi32>
    %gather3A_2371 = tpu.dynamic_gather %get3A_2339[%gather3A_2370] in [0] : vector<16xf32>, vector<16xi32> -> vector<16xf32>
    %select_n3A_2372 = arith.select %lt3A_286, %gather3A_2368, %gather3A_2371 : vector<16xi1>, vector<16xf32>
    %swap3A_2373 = arith.constant 14 : i32
    %swap3A_2374 = arith.index_cast %swap3A_2373 : i32 to index
    %swap3A_2375 = arith.constant 32 : index
    %swap3A_2376 = tpu.vector_load %arg7[%swap3A_2374, %swap3A_2375] {strides = array<i32>} : memref<16x128xf32, #tpu.memory_space<vmem>>, vector<1x16xf32>,
    %swap3A_2377 = vector.shape_cast %swap3A_2376 : vector<1x16xf32> to vector<16xf32>
    %swap3A_2378 = vector.shape_cast %select_n3A_2372 : vector<16xf32> to vector<1x16xf32>
    tpu.vector_store %arg7[%swap3A_2374, %swap3A_2375], %swap3A_2378 {strides = array<i32>} : memref<16x128xf32, #tpu.memory_space<vmem>>, vector<1x16xf32>,
    %broadcast_in_dim3A_2379 = vector.shape_cast %select_n3A_389 : vector<16xi32> to vector<16x1xi32>
    %gather3A_2380 = vector.shape_cast %broadcast_in_dim3A_2379 : vector<16x1xi32> to vector<16xi32>
    %gather3A_2381 = tpu.dynamic_gather %get3A_2336[%gather3A_2380] in [0] : vector<16xf32>, vector<16xi32> -> vector<16xf32>
    %broadcast_in_dim3A_2382 = vector.shape_cast %select_n3A_395 : vector<16xi32> to vector<16x1xi32>
    %gather3A_2383 = vector.shape_cast %broadcast_in_dim3A_2382 : vector<16x1xi32> to vector<16xi32>
    %gather3A_2384 = tpu.dynamic_gather %get3A_2339[%gather3A_2383] in [0] : vector<16xf32>, vector<16xi32> -> vector<16xf32>
    %select_n3A_2385 = arith.select %lt3A_386, %gather3A_2381, %gather3A_2384 : vector<16xi1>, vector<16xf32>
    %swap3A_2386 = arith.constant 14 : i32
    %swap3A_2387 = arith.index_cast %swap3A_2386 : i32 to index
    %swap3A_2388 = arith.constant 48 : index
    %swap3A_2389 = tpu.vector_load %arg7[%swap3A_2387, %swap3A_2388] {strides = array<i32>} : memref<16x128xf32, #tpu.memory_space<vmem>>, vector<1x16xf32>,
    %swap3A_2390 = vector.shape_cast %swap3A_2389 : vector<1x16xf32> to vector<16xf32>
    %swap3A_2391 = vector.shape_cast %select_n3A_2385 : vector<16xf32> to vector<1x16xf32>
    tpu.vector_store %arg7[%swap3A_2387, %swap3A_2388], %swap3A_2391 {strides = array<i32>} : memref<16x128xf32, #tpu.memory_space<vmem>>, vector<1x16xf32>,
    %broadcast_in_dim3A_2392 = vector.shape_cast %select_n3A_489 : vector<16xi32> to vector<16x1xi32>
    %gather3A_2393 = vector.shape_cast %broadcast_in_dim3A_2392 : vector<16x1xi32> to vector<16xi32>
    %gather3A_2394 = tpu.dynamic_gather %get3A_2336[%gather3A_2393] in [0] : vector<16xf32>, vector<16xi32> -> vector<16xf32>
    %broadcast_in_dim3A_2395 = vector.shape_cast %select_n3A_495 : vector<16xi32> to vector<16x1xi32>
    %gather3A_2396 = vector.shape_cast %broadcast_in_dim3A_2395 : vector<16x1xi32> to vector<16xi32>
    %gather3A_2397 = tpu.dynamic_gather %get3A_2339[%gather3A_2396] in [0] : vector<16xf32>, vector<16xi32> -> vector<16xf32>
    %select_n3A_2398 = arith.select %lt3A_486, %gather3A_2394, %gather3A_2397 : vector<16xi1>, vector<16xf32>
    %swap3A_2399 = arith.constant 14 : i32
    %swap3A_2400 = arith.index_cast %swap3A_2399 : i32 to index
    %swap3A_2401 = arith.constant 64 : index
    %swap3A_2402 = tpu.vector_load %arg7[%swap3A_2400, %swap3A_2401] {strides = array<i32>} : memref<16x128xf32, #tpu.memory_space<vmem>>, vector<1x16xf32>,
    %swap3A_2403 = vector.shape_cast %swap3A_2402 : vector<1x16xf32> to vector<16xf32>
    %swap3A_2404 = vector.shape_cast %select_n3A_2398 : vector<16xf32> to vector<1x16xf32>
    tpu.vector_store %arg7[%swap3A_2400, %swap3A_2401], %swap3A_2404 {strides = array<i32>} : memref<16x128xf32, #tpu.memory_space<vmem>>, vector<1x16xf32>,
    %broadcast_in_dim3A_2405 = vector.shape_cast %select_n3A_589 : vector<16xi32> to vector<16x1xi32>
    %gather3A_2406 = vector.shape_cast %broadcast_in_dim3A_2405 : vector<16x1xi32> to vector<16xi32>
    %gather3A_2407 = tpu.dynamic_gather %get3A_2336[%gather3A_2406] in [0] : vector<16xf32>, vector<16xi32> -> vector<16xf32>
    %broadcast_in_dim3A_2408 = vector.shape_cast %select_n3A_595 : vector<16xi32> to vector<16x1xi32>
    %gather3A_2409 = vector.shape_cast %broadcast_in_dim3A_2408 : vector<16x1xi32> to vector<16xi32>
    %gather3A_2410 = tpu.dynamic_gather %get3A_2339[%gather3A_2409] in [0] : vector<16xf32>, vector<16xi32> -> vector<16xf32>
    %select_n3A_2411 = arith.select %lt3A_586, %gather3A_2407, %gather3A_2410 : vector<16xi1>, vector<16xf32>
    %swap3A_2412 = arith.constant 14 : i32
    %swap3A_2413 = arith.index_cast %swap3A_2412 : i32 to index
    %swap3A_2414 = arith.constant 80 : index
    %swap3A_2415 = tpu.vector_load %arg7[%swap3A_2413, %swap3A_2414] {strides = array<i32>} : memref<16x128xf32, #tpu.memory_space<vmem>>, vector<1x16xf32>,
    %swap3A_2416 = vector.shape_cast %swap3A_2415 : vector<1x16xf32> to vector<16xf32>
    %swap3A_2417 = vector.shape_cast %select_n3A_2411 : vector<16xf32> to vector<1x16xf32>
    tpu.vector_store %arg7[%swap3A_2413, %swap3A_2414], %swap3A_2417 {strides = array<i32>} : memref<16x128xf32, #tpu.memory_space<vmem>>, vector<1x16xf32>,
    %broadcast_in_dim3A_2418 = vector.shape_cast %select_n3A_689 : vector<16xi32> to vector<16x1xi32>
    %gather3A_2419 = vector.shape_cast %broadcast_in_dim3A_2418 : vector<16x1xi32> to vector<16xi32>
    %gather3A_2420 = tpu.dynamic_gather %get3A_2336[%gather3A_2419] in [0] : vector<16xf32>, vector<16xi32> -> vector<16xf32>
    %broadcast_in_dim3A_2421 = vector.shape_cast %select_n3A_695 : vector<16xi32> to vector<16x1xi32>
    %gather3A_2422 = vector.shape_cast %broadcast_in_dim3A_2421 : vector<16x1xi32> to vector<16xi32>
    %gather3A_2423 = tpu.dynamic_gather %get3A_2339[%gather3A_2422] in [0] : vector<16xf32>, vector<16xi32> -> vector<16xf32>
    %select_n3A_2424 = arith.select %lt3A_686, %gather3A_2420, %gather3A_2423 : vector<16xi1>, vector<16xf32>
    %swap3A_2425 = arith.constant 14 : i32
    %swap3A_2426 = arith.index_cast %swap3A_2425 : i32 to index
    %swap3A_2427 = arith.constant 96 : index
    %swap3A_2428 = tpu.vector_load %arg7[%swap3A_2426, %swap3A_2427] {strides = array<i32>} : memref<16x128xf32, #tpu.memory_space<vmem>>, vector<1x16xf32>,
    %swap3A_2429 = vector.shape_cast %swap3A_2428 : vector<1x16xf32> to vector<16xf32>
    %swap3A_2430 = vector.shape_cast %select_n3A_2424 : vector<16xf32> to vector<1x16xf32>
    tpu.vector_store %arg7[%swap3A_2426, %swap3A_2427], %swap3A_2430 {strides = array<i32>} : memref<16x128xf32, #tpu.memory_space<vmem>>, vector<1x16xf32>,
    %broadcast_in_dim3A_2431 = vector.shape_cast %select_n3A_789 : vector<16xi32> to vector<16x1xi32>
    %gather3A_2432 = vector.shape_cast %broadcast_in_dim3A_2431 : vector<16x1xi32> to vector<16xi32>
    %gather3A_2433 = tpu.dynamic_gather %get3A_2336[%gather3A_2432] in [0] : vector<16xf32>, vector<16xi32> -> vector<16xf32>
    %broadcast_in_dim3A_2434 = vector.shape_cast %select_n3A_795 : vector<16xi32> to vector<16x1xi32>
    %gather3A_2435 = vector.shape_cast %broadcast_in_dim3A_2434 : vector<16x1xi32> to vector<16xi32>
    %gather3A_2436 = tpu.dynamic_gather %get3A_2339[%gather3A_2435] in [0] : vector<16xf32>, vector<16xi32> -> vector<16xf32>
    %select_n3A_2437 = arith.select %lt3A_786, %gather3A_2433, %gather3A_2436 : vector<16xi1>, vector<16xf32>
    %swap3A_2438 = arith.constant 14 : i32
    %swap3A_2439 = arith.index_cast %swap3A_2438 : i32 to index
    %swap3A_2440 = arith.constant 112 : index
    %swap3A_2441 = tpu.vector_load %arg7[%swap3A_2439, %swap3A_2440] {strides = array<i32>} : memref<16x128xf32, #tpu.memory_space<vmem>>, vector<1x16xf32>,
    %swap3A_2442 = vector.shape_cast %swap3A_2441 : vector<1x16xf32> to vector<16xf32>
    %swap3A_2443 = vector.shape_cast %select_n3A_2437 : vector<16xf32> to vector<1x16xf32>
    tpu.vector_store %arg7[%swap3A_2439, %swap3A_2440], %swap3A_2443 {strides = array<i32>} : memref<16x128xf32, #tpu.memory_space<vmem>>, vector<1x16xf32>,
    %get3A_2444 = arith.constant 480 : index
    %get3A_2445 = tpu.vector_load %arg5[%get3A_2444] {strides = array<i32>} : memref<512xf32, #tpu.memory_space<vmem>>, vector<16xf32>,
    %get3A_2446 = vector.shape_cast %get3A_2445 : vector<16xf32> to vector<16xf32>
    %get3A_2447 = arith.constant 496 : index
    %get3A_2448 = tpu.vector_load %arg5[%get3A_2447] {strides = array<i32>} : memref<512xf32, #tpu.memory_space<vmem>>, vector<16xf32>,
    %get3A_2449 = vector.shape_cast %get3A_2448 : vector<16xf32> to vector<16xf32>
    %broadcast_in_dim3A_2450 = vector.shape_cast %select_n3A_89 : vector<16xi32> to vector<16x1xi32>
    %gather3A_2451 = vector.shape_cast %broadcast_in_dim3A_2450 : vector<16x1xi32> to vector<16xi32>
    %gather3A_2452 = tpu.dynamic_gather %get3A_2446[%gather3A_2451] in [0] : vector<16xf32>, vector<16xi32> -> vector<16xf32>
    %broadcast_in_dim3A_2453 = vector.shape_cast %select_n3A_95 : vector<16xi32> to vector<16x1xi32>
    %gather3A_2454 = vector.shape_cast %broadcast_in_dim3A_2453 : vector<16x1xi32> to vector<16xi32>
    %gather3A_2455 = tpu.dynamic_gather %get3A_2449[%gather3A_2454] in [0] : vector<16xf32>, vector<16xi32> -> vector<16xf32>
    %select_n3A_2456 = arith.select %lt3A_86, %gather3A_2452, %gather3A_2455 : vector<16xi1>, vector<16xf32>
    %swap3A_2457 = arith.constant 15 : i32
    %swap3A_2458 = arith.index_cast %swap3A_2457 : i32 to index
    %swap3A_2459 = arith.constant 0 : index
    %swap3A_2460 = tpu.vector_load %arg7[%swap3A_2458, %swap3A_2459] {strides = array<i32>} : memref<16x128xf32, #tpu.memory_space<vmem>>, vector<1x16xf32>,
    %swap3A_2461 = vector.shape_cast %swap3A_2460 : vector<1x16xf32> to vector<16xf32>
    %swap3A_2462 = vector.shape_cast %select_n3A_2456 : vector<16xf32> to vector<1x16xf32>
    tpu.vector_store %arg7[%swap3A_2458, %swap3A_2459], %swap3A_2462 {strides = array<i32>} : memref<16x128xf32, #tpu.memory_space<vmem>>, vector<1x16xf32>,
    %broadcast_in_dim3A_2463 = vector.shape_cast %select_n3A_189 : vector<16xi32> to vector<16x1xi32>
    %gather3A_2464 = vector.shape_cast %broadcast_in_dim3A_2463 : vector<16x1xi32> to vector<16xi32>
    %gather3A_2465 = tpu.dynamic_gather %get3A_2446[%gather3A_2464] in [0] : vector<16xf32>, vector<16xi32> -> vector<16xf32>
    %broadcast_in_dim3A_2466 = vector.shape_cast %select_n3A_195 : vector<16xi32> to vector<16x1xi32>
    %gather3A_2467 = vector.shape_cast %broadcast_in_dim3A_2466 : vector<16x1xi32> to vector<16xi32>
    %gather3A_2468 = tpu.dynamic_gather %get3A_2449[%gather3A_2467] in [0] : vector<16xf32>, vector<16xi32> -> vector<16xf32>
    %select_n3A_2469 = arith.select %lt3A_186, %gather3A_2465, %gather3A_2468 : vector<16xi1>, vector<16xf32>
    %swap3A_2470 = arith.constant 15 : i32
    %swap3A_2471 = arith.index_cast %swap3A_2470 : i32 to index
    %swap3A_2472 = arith.constant 16 : index
    %swap3A_2473 = tpu.vector_load %arg7[%swap3A_2471, %swap3A_2472] {strides = array<i32>} : memref<16x128xf32, #tpu.memory_space<vmem>>, vector<1x16xf32>,
    %swap3A_2474 = vector.shape_cast %swap3A_2473 : vector<1x16xf32> to vector<16xf32>
    %swap3A_2475 = vector.shape_cast %select_n3A_2469 : vector<16xf32> to vector<1x16xf32>
    tpu.vector_store %arg7[%swap3A_2471, %swap3A_2472], %swap3A_2475 {strides = array<i32>} : memref<16x128xf32, #tpu.memory_space<vmem>>, vector<1x16xf32>,
    %broadcast_in_dim3A_2476 = vector.shape_cast %select_n3A_289 : vector<16xi32> to vector<16x1xi32>
    %gather3A_2477 = vector.shape_cast %broadcast_in_dim3A_2476 : vector<16x1xi32> to vector<16xi32>
    %gather3A_2478 = tpu.dynamic_gather %get3A_2446[%gather3A_2477] in [0] : vector<16xf32>, vector<16xi32> -> vector<16xf32>
    %broadcast_in_dim3A_2479 = vector.shape_cast %select_n3A_295 : vector<16xi32> to vector<16x1xi32>
    %gather3A_2480 = vector.shape_cast %broadcast_in_dim3A_2479 : vector<16x1xi32> to vector<16xi32>
    %gather3A_2481 = tpu.dynamic_gather %get3A_2449[%gather3A_2480] in [0] : vector<16xf32>, vector<16xi32> -> vector<16xf32>
    %select_n3A_2482 = arith.select %lt3A_286, %gather3A_2478, %gather3A_2481 : vector<16xi1>, vector<16xf32>
    %swap3A_2483 = arith.constant 15 : i32
    %swap3A_2484 = arith.index_cast %swap3A_2483 : i32 to index
    %swap3A_2485 = arith.constant 32 : index
    %swap3A_2486 = tpu.vector_load %arg7[%swap3A_2484, %swap3A_2485] {strides = array<i32>} : memref<16x128xf32, #tpu.memory_space<vmem>>, vector<1x16xf32>,
    %swap3A_2487 = vector.shape_cast %swap3A_2486 : vector<1x16xf32> to vector<16xf32>
    %swap3A_2488 = vector.shape_cast %select_n3A_2482 : vector<16xf32> to vector<1x16xf32>
    tpu.vector_store %arg7[%swap3A_2484, %swap3A_2485], %swap3A_2488 {strides = array<i32>} : memref<16x128xf32, #tpu.memory_space<vmem>>, vector<1x16xf32>,
    %broadcast_in_dim3A_2489 = vector.shape_cast %select_n3A_389 : vector<16xi32> to vector<16x1xi32>
    %gather3A_2490 = vector.shape_cast %broadcast_in_dim3A_2489 : vector<16x1xi32> to vector<16xi32>
    %gather3A_2491 = tpu.dynamic_gather %get3A_2446[%gather3A_2490] in [0] : vector<16xf32>, vector<16xi32> -> vector<16xf32>
    %broadcast_in_dim3A_2492 = vector.shape_cast %select_n3A_395 : vector<16xi32> to vector<16x1xi32>
    %gather3A_2493 = vector.shape_cast %broadcast_in_dim3A_2492 : vector<16x1xi32> to vector<16xi32>
    %gather3A_2494 = tpu.dynamic_gather %get3A_2449[%gather3A_2493] in [0] : vector<16xf32>, vector<16xi32> -> vector<16xf32>
    %select_n3A_2495 = arith.select %lt3A_386, %gather3A_2491, %gather3A_2494 : vector<16xi1>, vector<16xf32>
    %swap3A_2496 = arith.constant 15 : i32
    %swap3A_2497 = arith.index_cast %swap3A_2496 : i32 to index
    %swap3A_2498 = arith.constant 48 : index
    %swap3A_2499 = tpu.vector_load %arg7[%swap3A_2497, %swap3A_2498] {strides = array<i32>} : memref<16x128xf32, #tpu.memory_space<vmem>>, vector<1x16xf32>,
    %swap3A_2500 = vector.shape_cast %swap3A_2499 : vector<1x16xf32> to vector<16xf32>
    %swap3A_2501 = vector.shape_cast %select_n3A_2495 : vector<16xf32> to vector<1x16xf32>
    tpu.vector_store %arg7[%swap3A_2497, %swap3A_2498], %swap3A_2501 {strides = array<i32>} : memref<16x128xf32, #tpu.memory_space<vmem>>, vector<1x16xf32>,
    %broadcast_in_dim3A_2502 = vector.shape_cast %select_n3A_489 : vector<16xi32> to vector<16x1xi32>
    %gather3A_2503 = vector.shape_cast %broadcast_in_dim3A_2502 : vector<16x1xi32> to vector<16xi32>
    %gather3A_2504 = tpu.dynamic_gather %get3A_2446[%gather3A_2503] in [0] : vector<16xf32>, vector<16xi32> -> vector<16xf32>
    %broadcast_in_dim3A_2505 = vector.shape_cast %select_n3A_495 : vector<16xi32> to vector<16x1xi32>
    %gather3A_2506 = vector.shape_cast %broadcast_in_dim3A_2505 : vector<16x1xi32> to vector<16xi32>
    %gather3A_2507 = tpu.dynamic_gather %get3A_2449[%gather3A_2506] in [0] : vector<16xf32>, vector<16xi32> -> vector<16xf32>
    %select_n3A_2508 = arith.select %lt3A_486, %gather3A_2504, %gather3A_2507 : vector<16xi1>, vector<16xf32>
    %swap3A_2509 = arith.constant 15 : i32
    %swap3A_2510 = arith.index_cast %swap3A_2509 : i32 to index
    %swap3A_2511 = arith.constant 64 : index
    %swap3A_2512 = tpu.vector_load %arg7[%swap3A_2510, %swap3A_2511] {strides = array<i32>} : memref<16x128xf32, #tpu.memory_space<vmem>>, vector<1x16xf32>,
    %swap3A_2513 = vector.shape_cast %swap3A_2512 : vector<1x16xf32> to vector<16xf32>
    %swap3A_2514 = vector.shape_cast %select_n3A_2508 : vector<16xf32> to vector<1x16xf32>
    tpu.vector_store %arg7[%swap3A_2510, %swap3A_2511], %swap3A_2514 {strides = array<i32>} : memref<16x128xf32, #tpu.memory_space<vmem>>, vector<1x16xf32>,
    %broadcast_in_dim3A_2515 = vector.shape_cast %select_n3A_589 : vector<16xi32> to vector<16x1xi32>
    %gather3A_2516 = vector.shape_cast %broadcast_in_dim3A_2515 : vector<16x1xi32> to vector<16xi32>
    %gather3A_2517 = tpu.dynamic_gather %get3A_2446[%gather3A_2516] in [0] : vector<16xf32>, vector<16xi32> -> vector<16xf32>
    %broadcast_in_dim3A_2518 = vector.shape_cast %select_n3A_595 : vector<16xi32> to vector<16x1xi32>
    %gather3A_2519 = vector.shape_cast %broadcast_in_dim3A_2518 : vector<16x1xi32> to vector<16xi32>
    %gather3A_2520 = tpu.dynamic_gather %get3A_2449[%gather3A_2519] in [0] : vector<16xf32>, vector<16xi32> -> vector<16xf32>
    %select_n3A_2521 = arith.select %lt3A_586, %gather3A_2517, %gather3A_2520 : vector<16xi1>, vector<16xf32>
    %swap3A_2522 = arith.constant 15 : i32
    %swap3A_2523 = arith.index_cast %swap3A_2522 : i32 to index
    %swap3A_2524 = arith.constant 80 : index
    %swap3A_2525 = tpu.vector_load %arg7[%swap3A_2523, %swap3A_2524] {strides = array<i32>} : memref<16x128xf32, #tpu.memory_space<vmem>>, vector<1x16xf32>,
    %swap3A_2526 = vector.shape_cast %swap3A_2525 : vector<1x16xf32> to vector<16xf32>
    %swap3A_2527 = vector.shape_cast %select_n3A_2521 : vector<16xf32> to vector<1x16xf32>
    tpu.vector_store %arg7[%swap3A_2523, %swap3A_2524], %swap3A_2527 {strides = array<i32>} : memref<16x128xf32, #tpu.memory_space<vmem>>, vector<1x16xf32>,
    %broadcast_in_dim3A_2528 = vector.shape_cast %select_n3A_689 : vector<16xi32> to vector<16x1xi32>
    %gather3A_2529 = vector.shape_cast %broadcast_in_dim3A_2528 : vector<16x1xi32> to vector<16xi32>
    %gather3A_2530 = tpu.dynamic_gather %get3A_2446[%gather3A_2529] in [0] : vector<16xf32>, vector<16xi32> -> vector<16xf32>
    %broadcast_in_dim3A_2531 = vector.shape_cast %select_n3A_695 : vector<16xi32> to vector<16x1xi32>
    %gather3A_2532 = vector.shape_cast %broadcast_in_dim3A_2531 : vector<16x1xi32> to vector<16xi32>
    %gather3A_2533 = tpu.dynamic_gather %get3A_2449[%gather3A_2532] in [0] : vector<16xf32>, vector<16xi32> -> vector<16xf32>
    %select_n3A_2534 = arith.select %lt3A_686, %gather3A_2530, %gather3A_2533 : vector<16xi1>, vector<16xf32>
    %swap3A_2535 = arith.constant 15 : i32
    %swap3A_2536 = arith.index_cast %swap3A_2535 : i32 to index
    %swap3A_2537 = arith.constant 96 : index
    %swap3A_2538 = tpu.vector_load %arg7[%swap3A_2536, %swap3A_2537] {strides = array<i32>} : memref<16x128xf32, #tpu.memory_space<vmem>>, vector<1x16xf32>,
    %swap3A_2539 = vector.shape_cast %swap3A_2538 : vector<1x16xf32> to vector<16xf32>
    %swap3A_2540 = vector.shape_cast %select_n3A_2534 : vector<16xf32> to vector<1x16xf32>
    tpu.vector_store %arg7[%swap3A_2536, %swap3A_2537], %swap3A_2540 {strides = array<i32>} : memref<16x128xf32, #tpu.memory_space<vmem>>, vector<1x16xf32>,
    %broadcast_in_dim3A_2541 = vector.shape_cast %select_n3A_789 : vector<16xi32> to vector<16x1xi32>
    %gather3A_2542 = vector.shape_cast %broadcast_in_dim3A_2541 : vector<16x1xi32> to vector<16xi32>
    %gather3A_2543 = tpu.dynamic_gather %get3A_2446[%gather3A_2542] in [0] : vector<16xf32>, vector<16xi32> -> vector<16xf32>
    %broadcast_in_dim3A_2544 = vector.shape_cast %select_n3A_795 : vector<16xi32> to vector<16x1xi32>
    %gather3A_2545 = vector.shape_cast %broadcast_in_dim3A_2544 : vector<16x1xi32> to vector<16xi32>
    %gather3A_2546 = tpu.dynamic_gather %get3A_2449[%gather3A_2545] in [0] : vector<16xf32>, vector<16xi32> -> vector<16xf32>
    %select_n3A_2547 = arith.select %lt3A_786, %gather3A_2543, %gather3A_2546 : vector<16xi1>, vector<16xf32>
    %swap3A_2548 = arith.constant 15 : i32
    %swap3A_2549 = arith.index_cast %swap3A_2548 : i32 to index
    %swap3A_2550 = arith.constant 112 : index
    %swap3A_2551 = tpu.vector_load %arg7[%swap3A_2549, %swap3A_2550] {strides = array<i32>} : memref<16x128xf32, #tpu.memory_space<vmem>>, vector<1x16xf32>,
    %swap3A_2552 = vector.shape_cast %swap3A_2551 : vector<1x16xf32> to vector<16xf32>
    %swap3A_2553 = vector.shape_cast %select_n3A_2547 : vector<16xf32> to vector<1x16xf32>
    tpu.vector_store %arg7[%swap3A_2549, %swap3A_2550], %swap3A_2553 {strides = array<i32>} : memref<16x128xf32, #tpu.memory_space<vmem>>, vector<1x16xf32>,
    "tpu.region"() ({
      %run_scoped3A = tpu.sem_alloc : memref<!tpu.dma_semaphore, #tpu.memory_space<semaphore_mem>>
      %dma_start3A = arith.constant 0 : i32
      %dma_start3A_2554 = tpu.memref_slice %arg4[%dma_start3A, %mul3A_2] : memref<16x4096xf32, #tpu.memory_space<hbm>> -> memref<16x128xf32, #tpu.memory_space<hbm>>
      %dma_start3A_2555 = arith.constant 0 : i32
      %dma_start3A_2556 = tpu.memref_slice %arg4[%dma_start3A_2555, %mul3A_2] : memref<16x4096xf32, #tpu.memory_space<hbm>> -> memref<16x128xf32, #tpu.memory_space<hbm>>
      tpu.enqueue_dma source(%arg7 : memref<16x128xf32, #tpu.memory_space<vmem>>) target(%dma_start3A_2556 : memref<16x128xf32, #tpu.memory_space<hbm>>) target_semaphore(%run_scoped3A : memref<!tpu.dma_semaphore, #tpu.memory_space<semaphore_mem>>)
      %dma_wait3A = arith.constant 0 : i32
      %dma_wait3A_2557 = tpu.memref_slice %arg4[%dma_wait3A, %mul3A_2] : memref<16x4096xf32, #tpu.memory_space<hbm>> -> memref<16x128xf32, #tpu.memory_space<hbm>>
      %dma_wait3A_2558 = arith.constant 0 : i32
      %dma_wait3A_2559 = tpu.memref_slice %arg4[%dma_wait3A_2558, %mul3A_2] : memref<16x4096xf32, #tpu.memory_space<hbm>> -> memref<16x128xf32, #tpu.memory_space<hbm>>
      tpu.wait_dma2 semaphore(%run_scoped3A : memref<!tpu.dma_semaphore, #tpu.memory_space<semaphore_mem>>) src(%arg7 : memref<16x128xf32, #tpu.memory_space<vmem>>) dst(%dma_wait3A_2559 : memref<16x128xf32, #tpu.memory_space<hbm>>)
      tpu.yield
    }) : () -> ()
    return
  }
}

module attributes {stable_mosaic.version = 14 : i64} {
  func.func @_stream_kernel(%arg0: i32, %arg1: memref<1x1x4096xf32, #tpu.memory_space<vmem>>, %arg2: memref<1x16x2048x2048xf32, #tpu.memory_space<any>>, %arg3: memref<2x512x4096xf32, #tpu.memory_space<vmem>>, %arg4: memref<2x!tpu.dma_semaphore, #tpu.memory_space<semaphore_mem>>) attributes {dimension_semantics = [#tpu.dimension_semantics<arbitrary>], iteration_bounds = array<i64: 16>, scalar_prefetch = 0 : i64, scratch_operands = 2 : i64, tpu.core_type = #tpu.core_type<tc>, window_params = [{transform_indices = @transform_0, window_bounds = array<i64: 1, 1, 4096>}, {}]} {
    %jit3A = arith.constant 2 : i32
    %eq3A = arith.constant 0 : i32
    %eq3A_0 = arith.cmpi eq, %jit3A, %eq3A : i32
    %jit3A_1 = arith.constant 1 : i32
    %select_n3A = arith.select %eq3A_0, %jit3A_1, %jit3A : i32
    %rem3A = arith.remsi %arg0, %select_n3A : i32
    %ne3A = arith.constant 0 : i32
    %ne3A_2 = arith.cmpi ne, %rem3A, %ne3A : i32
    %lt3A = arith.constant 0 : i32
    %lt3A_3 = arith.cmpi slt, %rem3A, %lt3A : i32
    %lt3A_4 = arith.constant 0 : i32
    %lt3A_5 = arith.cmpi slt, %select_n3A, %lt3A_4 : i32
    %ne3A_6 = arith.xori %lt3A_3, %lt3A_5 : i1
    %and3A = arith.andi %ne3A_6, %ne3A_2 : i1
    %add3A = arith.addi %rem3A, %select_n3A : i32
    %select_n3A_7 = arith.select %and3A, %add3A, %rem3A : i32
    %ge3A = arith.constant 2 : i32
    %ge3A_8 = arith.cmpi sge, %arg0, %ge3A : i32
    %convert_element_type3A = arith.extui %ge3A_8 : i1 to i32
    %cond3A = arith.constant 0 : i32
    %cond3A_9 = arith.cmpi ne, %convert_element_type3A, %cond3A : i32
    scf.if %cond3A_9 {
      %sub3A = arith.constant 2 : i32
      %sub3A_68 = arith.subi %arg0, %sub3A : i32
      %dma_wait3A = arith.constant 0 : i32
      %dma_wait3A_69 = tpu.memref_slice %arg4[%select_n3A_7] : memref<2x!tpu.dma_semaphore, #tpu.memory_space<semaphore_mem>> -> memref<1x!tpu.dma_semaphore, #tpu.memory_space<semaphore_mem>>
      %dma_wait3A_70 = tpu.memref_squeeze %dma_wait3A_69 : memref<1x!tpu.dma_semaphore, #tpu.memory_space<semaphore_mem>> -> memref<!tpu.dma_semaphore, #tpu.memory_space<semaphore_mem>>
      %dma_wait3A_71 = arith.constant 0 : i32
      %dma_wait3A_72 = arith.constant 0 : i32
      %dma_wait3A_73 = tpu.memref_slice %arg2[%dma_wait3A, %sub3A_68, %dma_wait3A_71, %dma_wait3A_72] : memref<1x16x2048x2048xf32, #tpu.memory_space<any>> -> memref<1x1x512x2048xf32, #tpu.memory_space<any>>
      %dma_wait3A_74 = tpu.memref_squeeze %dma_wait3A_73 : memref<1x1x512x2048xf32, #tpu.memory_space<any>> -> memref<512x2048xf32, #tpu.memory_space<any>>
      %dma_wait3A_75 = arith.constant 0 : i32
      %dma_wait3A_76 = arith.constant 1536 : i32
      %dma_wait3A_77 = tpu.memref_slice %arg3[%select_n3A_7, %dma_wait3A_75, %dma_wait3A_76] : memref<2x512x4096xf32, #tpu.memory_space<vmem>> -> memref<1x512x2048xf32, #tpu.memory_space<vmem>>
      %dma_wait3A_78 = tpu.memref_squeeze %dma_wait3A_77 : memref<1x512x2048xf32, #tpu.memory_space<vmem>> -> memref<512x2048xf32, #tpu.memory_space<vmem>>
      tpu.wait_dma2 semaphore(%dma_wait3A_70 : memref<!tpu.dma_semaphore, #tpu.memory_space<semaphore_mem>>) src(%dma_wait3A_78 : memref<512x2048xf32, #tpu.memory_space<vmem>>) dst(%dma_wait3A_74 : memref<512x2048xf32, #tpu.memory_space<any>>)
      %dma_wait3A_79 = arith.constant 0 : i32
      %dma_wait3A_80 = tpu.memref_slice %arg4[%select_n3A_7] : memref<2x!tpu.dma_semaphore, #tpu.memory_space<semaphore_mem>> -> memref<1x!tpu.dma_semaphore, #tpu.memory_space<semaphore_mem>>
      %dma_wait3A_81 = tpu.memref_squeeze %dma_wait3A_80 : memref<1x!tpu.dma_semaphore, #tpu.memory_space<semaphore_mem>> -> memref<!tpu.dma_semaphore, #tpu.memory_space<semaphore_mem>>
      %dma_wait3A_82 = arith.constant 512 : i32
      %dma_wait3A_83 = arith.constant 0 : i32
      %dma_wait3A_84 = tpu.memref_slice %arg2[%dma_wait3A_79, %sub3A_68, %dma_wait3A_82, %dma_wait3A_83] : memref<1x16x2048x2048xf32, #tpu.memory_space<any>> -> memref<1x1x512x2048xf32, #tpu.memory_space<any>>
      %dma_wait3A_85 = tpu.memref_squeeze %dma_wait3A_84 : memref<1x1x512x2048xf32, #tpu.memory_space<any>> -> memref<512x2048xf32, #tpu.memory_space<any>>
      %dma_wait3A_86 = arith.constant 0 : i32
      %dma_wait3A_87 = arith.constant 1024 : i32
      %dma_wait3A_88 = tpu.memref_slice %arg3[%select_n3A_7, %dma_wait3A_86, %dma_wait3A_87] : memref<2x512x4096xf32, #tpu.memory_space<vmem>> -> memref<1x512x2048xf32, #tpu.memory_space<vmem>>
      %dma_wait3A_89 = tpu.memref_squeeze %dma_wait3A_88 : memref<1x512x2048xf32, #tpu.memory_space<vmem>> -> memref<512x2048xf32, #tpu.memory_space<vmem>>
      tpu.wait_dma2 semaphore(%dma_wait3A_81 : memref<!tpu.dma_semaphore, #tpu.memory_space<semaphore_mem>>) src(%dma_wait3A_89 : memref<512x2048xf32, #tpu.memory_space<vmem>>) dst(%dma_wait3A_85 : memref<512x2048xf32, #tpu.memory_space<any>>)
      %dma_wait3A_90 = arith.constant 0 : i32
      %dma_wait3A_91 = tpu.memref_slice %arg4[%select_n3A_7] : memref<2x!tpu.dma_semaphore, #tpu.memory_space<semaphore_mem>> -> memref<1x!tpu.dma_semaphore, #tpu.memory_space<semaphore_mem>>
      %dma_wait3A_92 = tpu.memref_squeeze %dma_wait3A_91 : memref<1x!tpu.dma_semaphore, #tpu.memory_space<semaphore_mem>> -> memref<!tpu.dma_semaphore, #tpu.memory_space<semaphore_mem>>
      %dma_wait3A_93 = arith.constant 1024 : i32
      %dma_wait3A_94 = arith.constant 0 : i32
      %dma_wait3A_95 = tpu.memref_slice %arg2[%dma_wait3A_90, %sub3A_68, %dma_wait3A_93, %dma_wait3A_94] : memref<1x16x2048x2048xf32, #tpu.memory_space<any>> -> memref<1x1x512x2048xf32, #tpu.memory_space<any>>
      %dma_wait3A_96 = tpu.memref_squeeze %dma_wait3A_95 : memref<1x1x512x2048xf32, #tpu.memory_space<any>> -> memref<512x2048xf32, #tpu.memory_space<any>>
      %dma_wait3A_97 = arith.constant 0 : i32
      %dma_wait3A_98 = arith.constant 512 : i32
      %dma_wait3A_99 = tpu.memref_slice %arg3[%select_n3A_7, %dma_wait3A_97, %dma_wait3A_98] : memref<2x512x4096xf32, #tpu.memory_space<vmem>> -> memref<1x512x2048xf32, #tpu.memory_space<vmem>>
      %dma_wait3A_100 = tpu.memref_squeeze %dma_wait3A_99 : memref<1x512x2048xf32, #tpu.memory_space<vmem>> -> memref<512x2048xf32, #tpu.memory_space<vmem>>
      tpu.wait_dma2 semaphore(%dma_wait3A_92 : memref<!tpu.dma_semaphore, #tpu.memory_space<semaphore_mem>>) src(%dma_wait3A_100 : memref<512x2048xf32, #tpu.memory_space<vmem>>) dst(%dma_wait3A_96 : memref<512x2048xf32, #tpu.memory_space<any>>)
      %dma_wait3A_101 = arith.constant 0 : i32
      %dma_wait3A_102 = tpu.memref_slice %arg4[%select_n3A_7] : memref<2x!tpu.dma_semaphore, #tpu.memory_space<semaphore_mem>> -> memref<1x!tpu.dma_semaphore, #tpu.memory_space<semaphore_mem>>
      %dma_wait3A_103 = tpu.memref_squeeze %dma_wait3A_102 : memref<1x!tpu.dma_semaphore, #tpu.memory_space<semaphore_mem>> -> memref<!tpu.dma_semaphore, #tpu.memory_space<semaphore_mem>>
      %dma_wait3A_104 = arith.constant 1536 : i32
      %dma_wait3A_105 = arith.constant 0 : i32
      %dma_wait3A_106 = tpu.memref_slice %arg2[%dma_wait3A_101, %sub3A_68, %dma_wait3A_104, %dma_wait3A_105] : memref<1x16x2048x2048xf32, #tpu.memory_space<any>> -> memref<1x1x512x2048xf32, #tpu.memory_space<any>>
      %dma_wait3A_107 = tpu.memref_squeeze %dma_wait3A_106 : memref<1x1x512x2048xf32, #tpu.memory_space<any>> -> memref<512x2048xf32, #tpu.memory_space<any>>
      %dma_wait3A_108 = arith.constant 0 : i32
      %dma_wait3A_109 = arith.constant 0 : i32
      %dma_wait3A_110 = tpu.memref_slice %arg3[%select_n3A_7, %dma_wait3A_108, %dma_wait3A_109] : memref<2x512x4096xf32, #tpu.memory_space<vmem>> -> memref<1x512x2048xf32, #tpu.memory_space<vmem>>
      %dma_wait3A_111 = tpu.memref_squeeze %dma_wait3A_110 : memref<1x512x2048xf32, #tpu.memory_space<vmem>> -> memref<512x2048xf32, #tpu.memory_space<vmem>>
      tpu.wait_dma2 semaphore(%dma_wait3A_103 : memref<!tpu.dma_semaphore, #tpu.memory_space<semaphore_mem>>) src(%dma_wait3A_111 : memref<512x2048xf32, #tpu.memory_space<vmem>>) dst(%dma_wait3A_107 : memref<512x2048xf32, #tpu.memory_space<any>>)
    } else {
    }
    %get3A = arith.constant 0 : index
    %get3A_10 = arith.constant 0 : index
    %get3A_11 = arith.constant 0 : index
    %get3A_12 = vector.load %arg1[%get3A, %get3A_10, %get3A_11] : memref<1x1x4096xf32, #tpu.memory_space<vmem>>, vector<1x1x4096xf32>
    %reshape3A = vector.shape_cast %get3A_12 : vector<1x1x4096xf32> to vector<1x4096xf32>
    %broadcast_in_dim3A = vector.shape_cast %reshape3A : vector<1x4096xf32> to vector<1x4096xf32>
    %broadcast_in_dim3A_13 = vector.broadcast %broadcast_in_dim3A : vector<1x4096xf32> to vector<512x4096xf32>
    %roll3A = arith.constant 3585 : i32
    %roll3A_14 = tpu.dynamic_rotate %broadcast_in_dim3A_13 by %roll3A dim 1 {stride = 1 : si32, stride_dimension = 0 : si32} : vector<512x4096xf32>, i32 -> vector<512x4096xf32>
    %swap3A = arith.index_cast %select_n3A_7 : i32 to index
    %swap3A_15 = arith.constant 0 : index
    %swap3A_16 = arith.constant 0 : index
    %swap3A_17 = vector.load %arg3[%swap3A, %swap3A_15, %swap3A_16] : memref<2x512x4096xf32, #tpu.memory_space<vmem>>, vector<1x512x4096xf32>
    %swap3A_18 = vector.shape_cast %swap3A_17 : vector<1x512x4096xf32> to vector<512x4096xf32>
    %swap3A_19 = vector.shape_cast %roll3A_14 : vector<512x4096xf32> to vector<1x512x4096xf32>
    tpu.vector_store %arg3[%swap3A, %swap3A_15, %swap3A_16], %swap3A_19 {strides = array<i32>} : memref<2x512x4096xf32, #tpu.memory_space<vmem>>, vector<1x512x4096xf32>,
    %dma_start3A = arith.constant 0 : i32
    %dma_start3A_20 = tpu.memref_slice %arg4[%select_n3A_7] : memref<2x!tpu.dma_semaphore, #tpu.memory_space<semaphore_mem>> -> memref<1x!tpu.dma_semaphore, #tpu.memory_space<semaphore_mem>>
    %dma_start3A_21 = tpu.memref_squeeze %dma_start3A_20 : memref<1x!tpu.dma_semaphore, #tpu.memory_space<semaphore_mem>> -> memref<!tpu.dma_semaphore, #tpu.memory_space<semaphore_mem>>
    %dma_start3A_22 = arith.constant 0 : i32
    %dma_start3A_23 = arith.constant 0 : i32
    %dma_start3A_24 = tpu.memref_slice %arg2[%dma_start3A, %arg0, %dma_start3A_22, %dma_start3A_23] : memref<1x16x2048x2048xf32, #tpu.memory_space<any>> -> memref<1x1x512x2048xf32, #tpu.memory_space<any>>
    %dma_start3A_25 = tpu.memref_squeeze %dma_start3A_24 : memref<1x1x512x2048xf32, #tpu.memory_space<any>> -> memref<512x2048xf32, #tpu.memory_space<any>>
    %dma_start3A_26 = arith.constant 0 : i32
    %dma_start3A_27 = arith.constant 1536 : i32
    %dma_start3A_28 = tpu.memref_slice %arg3[%select_n3A_7, %dma_start3A_26, %dma_start3A_27] : memref<2x512x4096xf32, #tpu.memory_space<vmem>> -> memref<1x512x2048xf32, #tpu.memory_space<vmem>>
    %dma_start3A_29 = tpu.memref_squeeze %dma_start3A_28 : memref<1x512x2048xf32, #tpu.memory_space<vmem>> -> memref<512x2048xf32, #tpu.memory_space<vmem>>
    tpu.enqueue_dma source(%dma_start3A_29 : memref<512x2048xf32, #tpu.memory_space<vmem>>) target(%dma_start3A_25 : memref<512x2048xf32, #tpu.memory_space<any>>) target_semaphore(%dma_start3A_21 : memref<!tpu.dma_semaphore, #tpu.memory_space<semaphore_mem>>)
    %dma_start3A_30 = arith.constant 0 : i32
    %dma_start3A_31 = tpu.memref_slice %arg4[%select_n3A_7] : memref<2x!tpu.dma_semaphore, #tpu.memory_space<semaphore_mem>> -> memref<1x!tpu.dma_semaphore, #tpu.memory_space<semaphore_mem>>
    %dma_start3A_32 = tpu.memref_squeeze %dma_start3A_31 : memref<1x!tpu.dma_semaphore, #tpu.memory_space<semaphore_mem>> -> memref<!tpu.dma_semaphore, #tpu.memory_space<semaphore_mem>>
    %dma_start3A_33 = arith.constant 512 : i32
    %dma_start3A_34 = arith.constant 0 : i32
    %dma_start3A_35 = tpu.memref_slice %arg2[%dma_start3A_30, %arg0, %dma_start3A_33, %dma_start3A_34] : memref<1x16x2048x2048xf32, #tpu.memory_space<any>> -> memref<1x1x512x2048xf32, #tpu.memory_space<any>>
    %dma_start3A_36 = tpu.memref_squeeze %dma_start3A_35 : memref<1x1x512x2048xf32, #tpu.memory_space<any>> -> memref<512x2048xf32, #tpu.memory_space<any>>
    %dma_start3A_37 = arith.constant 0 : i32
    %dma_start3A_38 = arith.constant 1024 : i32
    %dma_start3A_39 = tpu.memref_slice %arg3[%select_n3A_7, %dma_start3A_37, %dma_start3A_38] : memref<2x512x4096xf32, #tpu.memory_space<vmem>> -> memref<1x512x2048xf32, #tpu.memory_space<vmem>>
    %dma_start3A_40 = tpu.memref_squeeze %dma_start3A_39 : memref<1x512x2048xf32, #tpu.memory_space<vmem>> -> memref<512x2048xf32, #tpu.memory_space<vmem>>
    tpu.enqueue_dma source(%dma_start3A_40 : memref<512x2048xf32, #tpu.memory_space<vmem>>) target(%dma_start3A_36 : memref<512x2048xf32, #tpu.memory_space<any>>) target_semaphore(%dma_start3A_32 : memref<!tpu.dma_semaphore, #tpu.memory_space<semaphore_mem>>)
    %dma_start3A_41 = arith.constant 0 : i32
    %dma_start3A_42 = tpu.memref_slice %arg4[%select_n3A_7] : memref<2x!tpu.dma_semaphore, #tpu.memory_space<semaphore_mem>> -> memref<1x!tpu.dma_semaphore, #tpu.memory_space<semaphore_mem>>
    %dma_start3A_43 = tpu.memref_squeeze %dma_start3A_42 : memref<1x!tpu.dma_semaphore, #tpu.memory_space<semaphore_mem>> -> memref<!tpu.dma_semaphore, #tpu.memory_space<semaphore_mem>>
    %dma_start3A_44 = arith.constant 1024 : i32
    %dma_start3A_45 = arith.constant 0 : i32
    %dma_start3A_46 = tpu.memref_slice %arg2[%dma_start3A_41, %arg0, %dma_start3A_44, %dma_start3A_45] : memref<1x16x2048x2048xf32, #tpu.memory_space<any>> -> memref<1x1x512x2048xf32, #tpu.memory_space<any>>
    %dma_start3A_47 = tpu.memref_squeeze %dma_start3A_46 : memref<1x1x512x2048xf32, #tpu.memory_space<any>> -> memref<512x2048xf32, #tpu.memory_space<any>>
    %dma_start3A_48 = arith.constant 0 : i32
    %dma_start3A_49 = arith.constant 512 : i32
    %dma_start3A_50 = tpu.memref_slice %arg3[%select_n3A_7, %dma_start3A_48, %dma_start3A_49] : memref<2x512x4096xf32, #tpu.memory_space<vmem>> -> memref<1x512x2048xf32, #tpu.memory_space<vmem>>
    %dma_start3A_51 = tpu.memref_squeeze %dma_start3A_50 : memref<1x512x2048xf32, #tpu.memory_space<vmem>> -> memref<512x2048xf32, #tpu.memory_space<vmem>>
    tpu.enqueue_dma source(%dma_start3A_51 : memref<512x2048xf32, #tpu.memory_space<vmem>>) target(%dma_start3A_47 : memref<512x2048xf32, #tpu.memory_space<any>>) target_semaphore(%dma_start3A_43 : memref<!tpu.dma_semaphore, #tpu.memory_space<semaphore_mem>>)
    %dma_start3A_52 = arith.constant 0 : i32
    %dma_start3A_53 = tpu.memref_slice %arg4[%select_n3A_7] : memref<2x!tpu.dma_semaphore, #tpu.memory_space<semaphore_mem>> -> memref<1x!tpu.dma_semaphore, #tpu.memory_space<semaphore_mem>>
    %dma_start3A_54 = tpu.memref_squeeze %dma_start3A_53 : memref<1x!tpu.dma_semaphore, #tpu.memory_space<semaphore_mem>> -> memref<!tpu.dma_semaphore, #tpu.memory_space<semaphore_mem>>
    %dma_start3A_55 = arith.constant 1536 : i32
    %dma_start3A_56 = arith.constant 0 : i32
    %dma_start3A_57 = tpu.memref_slice %arg2[%dma_start3A_52, %arg0, %dma_start3A_55, %dma_start3A_56] : memref<1x16x2048x2048xf32, #tpu.memory_space<any>> -> memref<1x1x512x2048xf32, #tpu.memory_space<any>>
    %dma_start3A_58 = tpu.memref_squeeze %dma_start3A_57 : memref<1x1x512x2048xf32, #tpu.memory_space<any>> -> memref<512x2048xf32, #tpu.memory_space<any>>
    %dma_start3A_59 = arith.constant 0 : i32
    %dma_start3A_60 = arith.constant 0 : i32
    %dma_start3A_61 = tpu.memref_slice %arg3[%select_n3A_7, %dma_start3A_59, %dma_start3A_60] : memref<2x512x4096xf32, #tpu.memory_space<vmem>> -> memref<1x512x2048xf32, #tpu.memory_space<vmem>>
    %dma_start3A_62 = tpu.memref_squeeze %dma_start3A_61 : memref<1x512x2048xf32, #tpu.memory_space<vmem>> -> memref<512x2048xf32, #tpu.memory_space<vmem>>
    tpu.enqueue_dma source(%dma_start3A_62 : memref<512x2048xf32, #tpu.memory_space<vmem>>) target(%dma_start3A_58 : memref<512x2048xf32, #tpu.memory_space<any>>) target_semaphore(%dma_start3A_54 : memref<!tpu.dma_semaphore, #tpu.memory_space<semaphore_mem>>)
    %eq3A_63 = arith.constant 15 : i32
    %eq3A_64 = arith.cmpi eq, %arg0, %eq3A_63 : i32
    %convert_element_type3A_65 = arith.extui %eq3A_64 : i1 to i32
    %cond3A_66 = arith.constant 0 : i32
    %cond3A_67 = arith.cmpi ne, %convert_element_type3A_65, %cond3A_66 : i32
    scf.if %cond3A_67 {
      %dma_wait3A = arith.constant 0 : i32
      %dma_wait3A_68 = tpu.memref_slice %arg4[%select_n3A_7] : memref<2x!tpu.dma_semaphore, #tpu.memory_space<semaphore_mem>> -> memref<1x!tpu.dma_semaphore, #tpu.memory_space<semaphore_mem>>
      %dma_wait3A_69 = tpu.memref_squeeze %dma_wait3A_68 : memref<1x!tpu.dma_semaphore, #tpu.memory_space<semaphore_mem>> -> memref<!tpu.dma_semaphore, #tpu.memory_space<semaphore_mem>>
      %dma_wait3A_70 = arith.constant 0 : i32
      %dma_wait3A_71 = arith.constant 0 : i32
      %dma_wait3A_72 = tpu.memref_slice %arg2[%dma_wait3A, %arg0, %dma_wait3A_70, %dma_wait3A_71] : memref<1x16x2048x2048xf32, #tpu.memory_space<any>> -> memref<1x1x512x2048xf32, #tpu.memory_space<any>>
      %dma_wait3A_73 = tpu.memref_squeeze %dma_wait3A_72 : memref<1x1x512x2048xf32, #tpu.memory_space<any>> -> memref<512x2048xf32, #tpu.memory_space<any>>
      %dma_wait3A_74 = arith.constant 0 : i32
      %dma_wait3A_75 = arith.constant 1536 : i32
      %dma_wait3A_76 = tpu.memref_slice %arg3[%select_n3A_7, %dma_wait3A_74, %dma_wait3A_75] : memref<2x512x4096xf32, #tpu.memory_space<vmem>> -> memref<1x512x2048xf32, #tpu.memory_space<vmem>>
      %dma_wait3A_77 = tpu.memref_squeeze %dma_wait3A_76 : memref<1x512x2048xf32, #tpu.memory_space<vmem>> -> memref<512x2048xf32, #tpu.memory_space<vmem>>
      tpu.wait_dma2 semaphore(%dma_wait3A_69 : memref<!tpu.dma_semaphore, #tpu.memory_space<semaphore_mem>>) src(%dma_wait3A_77 : memref<512x2048xf32, #tpu.memory_space<vmem>>) dst(%dma_wait3A_73 : memref<512x2048xf32, #tpu.memory_space<any>>)
      %dma_wait3A_78 = arith.constant 0 : i32
      %dma_wait3A_79 = tpu.memref_slice %arg4[%select_n3A_7] : memref<2x!tpu.dma_semaphore, #tpu.memory_space<semaphore_mem>> -> memref<1x!tpu.dma_semaphore, #tpu.memory_space<semaphore_mem>>
      %dma_wait3A_80 = tpu.memref_squeeze %dma_wait3A_79 : memref<1x!tpu.dma_semaphore, #tpu.memory_space<semaphore_mem>> -> memref<!tpu.dma_semaphore, #tpu.memory_space<semaphore_mem>>
      %dma_wait3A_81 = arith.constant 512 : i32
      %dma_wait3A_82 = arith.constant 0 : i32
      %dma_wait3A_83 = tpu.memref_slice %arg2[%dma_wait3A_78, %arg0, %dma_wait3A_81, %dma_wait3A_82] : memref<1x16x2048x2048xf32, #tpu.memory_space<any>> -> memref<1x1x512x2048xf32, #tpu.memory_space<any>>
      %dma_wait3A_84 = tpu.memref_squeeze %dma_wait3A_83 : memref<1x1x512x2048xf32, #tpu.memory_space<any>> -> memref<512x2048xf32, #tpu.memory_space<any>>
      %dma_wait3A_85 = arith.constant 0 : i32
      %dma_wait3A_86 = arith.constant 1024 : i32
      %dma_wait3A_87 = tpu.memref_slice %arg3[%select_n3A_7, %dma_wait3A_85, %dma_wait3A_86] : memref<2x512x4096xf32, #tpu.memory_space<vmem>> -> memref<1x512x2048xf32, #tpu.memory_space<vmem>>
      %dma_wait3A_88 = tpu.memref_squeeze %dma_wait3A_87 : memref<1x512x2048xf32, #tpu.memory_space<vmem>> -> memref<512x2048xf32, #tpu.memory_space<vmem>>
      tpu.wait_dma2 semaphore(%dma_wait3A_80 : memref<!tpu.dma_semaphore, #tpu.memory_space<semaphore_mem>>) src(%dma_wait3A_88 : memref<512x2048xf32, #tpu.memory_space<vmem>>) dst(%dma_wait3A_84 : memref<512x2048xf32, #tpu.memory_space<any>>)
      %dma_wait3A_89 = arith.constant 0 : i32
      %dma_wait3A_90 = tpu.memref_slice %arg4[%select_n3A_7] : memref<2x!tpu.dma_semaphore, #tpu.memory_space<semaphore_mem>> -> memref<1x!tpu.dma_semaphore, #tpu.memory_space<semaphore_mem>>
      %dma_wait3A_91 = tpu.memref_squeeze %dma_wait3A_90 : memref<1x!tpu.dma_semaphore, #tpu.memory_space<semaphore_mem>> -> memref<!tpu.dma_semaphore, #tpu.memory_space<semaphore_mem>>
      %dma_wait3A_92 = arith.constant 1024 : i32
      %dma_wait3A_93 = arith.constant 0 : i32
      %dma_wait3A_94 = tpu.memref_slice %arg2[%dma_wait3A_89, %arg0, %dma_wait3A_92, %dma_wait3A_93] : memref<1x16x2048x2048xf32, #tpu.memory_space<any>> -> memref<1x1x512x2048xf32, #tpu.memory_space<any>>
      %dma_wait3A_95 = tpu.memref_squeeze %dma_wait3A_94 : memref<1x1x512x2048xf32, #tpu.memory_space<any>> -> memref<512x2048xf32, #tpu.memory_space<any>>
      %dma_wait3A_96 = arith.constant 0 : i32
      %dma_wait3A_97 = arith.constant 512 : i32
      %dma_wait3A_98 = tpu.memref_slice %arg3[%select_n3A_7, %dma_wait3A_96, %dma_wait3A_97] : memref<2x512x4096xf32, #tpu.memory_space<vmem>> -> memref<1x512x2048xf32, #tpu.memory_space<vmem>>
      %dma_wait3A_99 = tpu.memref_squeeze %dma_wait3A_98 : memref<1x512x2048xf32, #tpu.memory_space<vmem>> -> memref<512x2048xf32, #tpu.memory_space<vmem>>
      tpu.wait_dma2 semaphore(%dma_wait3A_91 : memref<!tpu.dma_semaphore, #tpu.memory_space<semaphore_mem>>) src(%dma_wait3A_99 : memref<512x2048xf32, #tpu.memory_space<vmem>>) dst(%dma_wait3A_95 : memref<512x2048xf32, #tpu.memory_space<any>>)
      %dma_wait3A_100 = arith.constant 0 : i32
      %dma_wait3A_101 = tpu.memref_slice %arg4[%select_n3A_7] : memref<2x!tpu.dma_semaphore, #tpu.memory_space<semaphore_mem>> -> memref<1x!tpu.dma_semaphore, #tpu.memory_space<semaphore_mem>>
      %dma_wait3A_102 = tpu.memref_squeeze %dma_wait3A_101 : memref<1x!tpu.dma_semaphore, #tpu.memory_space<semaphore_mem>> -> memref<!tpu.dma_semaphore, #tpu.memory_space<semaphore_mem>>
      %dma_wait3A_103 = arith.constant 1536 : i32
      %dma_wait3A_104 = arith.constant 0 : i32
      %dma_wait3A_105 = tpu.memref_slice %arg2[%dma_wait3A_100, %arg0, %dma_wait3A_103, %dma_wait3A_104] : memref<1x16x2048x2048xf32, #tpu.memory_space<any>> -> memref<1x1x512x2048xf32, #tpu.memory_space<any>>
      %dma_wait3A_106 = tpu.memref_squeeze %dma_wait3A_105 : memref<1x1x512x2048xf32, #tpu.memory_space<any>> -> memref<512x2048xf32, #tpu.memory_space<any>>
      %dma_wait3A_107 = arith.constant 0 : i32
      %dma_wait3A_108 = arith.constant 0 : i32
      %dma_wait3A_109 = tpu.memref_slice %arg3[%select_n3A_7, %dma_wait3A_107, %dma_wait3A_108] : memref<2x512x4096xf32, #tpu.memory_space<vmem>> -> memref<1x512x2048xf32, #tpu.memory_space<vmem>>
      %dma_wait3A_110 = tpu.memref_squeeze %dma_wait3A_109 : memref<1x512x2048xf32, #tpu.memory_space<vmem>> -> memref<512x2048xf32, #tpu.memory_space<vmem>>
      tpu.wait_dma2 semaphore(%dma_wait3A_102 : memref<!tpu.dma_semaphore, #tpu.memory_space<semaphore_mem>>) src(%dma_wait3A_110 : memref<512x2048xf32, #tpu.memory_space<vmem>>) dst(%dma_wait3A_106 : memref<512x2048xf32, #tpu.memory_space<any>>)
      %sub3A = arith.constant 1 : i32
      %sub3A_111 = arith.subi %sub3A, %select_n3A_7 : i32
      %sub3A_112 = arith.constant 1 : i32
      %sub3A_113 = arith.subi %arg0, %sub3A_112 : i32
      %dma_wait3A_114 = arith.constant 0 : i32
      %dma_wait3A_115 = tpu.memref_slice %arg4[%sub3A_111] : memref<2x!tpu.dma_semaphore, #tpu.memory_space<semaphore_mem>> -> memref<1x!tpu.dma_semaphore, #tpu.memory_space<semaphore_mem>>
      %dma_wait3A_116 = tpu.memref_squeeze %dma_wait3A_115 : memref<1x!tpu.dma_semaphore, #tpu.memory_space<semaphore_mem>> -> memref<!tpu.dma_semaphore, #tpu.memory_space<semaphore_mem>>
      %dma_wait3A_117 = arith.constant 0 : i32
      %dma_wait3A_118 = arith.constant 0 : i32
      %dma_wait3A_119 = tpu.memref_slice %arg2[%dma_wait3A_114, %sub3A_113, %dma_wait3A_117, %dma_wait3A_118] : memref<1x16x2048x2048xf32, #tpu.memory_space<any>> -> memref<1x1x512x2048xf32, #tpu.memory_space<any>>
      %dma_wait3A_120 = tpu.memref_squeeze %dma_wait3A_119 : memref<1x1x512x2048xf32, #tpu.memory_space<any>> -> memref<512x2048xf32, #tpu.memory_space<any>>
      %dma_wait3A_121 = arith.constant 0 : i32
      %dma_wait3A_122 = arith.constant 1536 : i32
      %dma_wait3A_123 = tpu.memref_slice %arg3[%sub3A_111, %dma_wait3A_121, %dma_wait3A_122] : memref<2x512x4096xf32, #tpu.memory_space<vmem>> -> memref<1x512x2048xf32, #tpu.memory_space<vmem>>
      %dma_wait3A_124 = tpu.memref_squeeze %dma_wait3A_123 : memref<1x512x2048xf32, #tpu.memory_space<vmem>> -> memref<512x2048xf32, #tpu.memory_space<vmem>>
      tpu.wait_dma2 semaphore(%dma_wait3A_116 : memref<!tpu.dma_semaphore, #tpu.memory_space<semaphore_mem>>) src(%dma_wait3A_124 : memref<512x2048xf32, #tpu.memory_space<vmem>>) dst(%dma_wait3A_120 : memref<512x2048xf32, #tpu.memory_space<any>>)
      %dma_wait3A_125 = arith.constant 0 : i32
      %dma_wait3A_126 = tpu.memref_slice %arg4[%sub3A_111] : memref<2x!tpu.dma_semaphore, #tpu.memory_space<semaphore_mem>> -> memref<1x!tpu.dma_semaphore, #tpu.memory_space<semaphore_mem>>
      %dma_wait3A_127 = tpu.memref_squeeze %dma_wait3A_126 : memref<1x!tpu.dma_semaphore, #tpu.memory_space<semaphore_mem>> -> memref<!tpu.dma_semaphore, #tpu.memory_space<semaphore_mem>>
      %dma_wait3A_128 = arith.constant 512 : i32
      %dma_wait3A_129 = arith.constant 0 : i32
      %dma_wait3A_130 = tpu.memref_slice %arg2[%dma_wait3A_125, %sub3A_113, %dma_wait3A_128, %dma_wait3A_129] : memref<1x16x2048x2048xf32, #tpu.memory_space<any>> -> memref<1x1x512x2048xf32, #tpu.memory_space<any>>
      %dma_wait3A_131 = tpu.memref_squeeze %dma_wait3A_130 : memref<1x1x512x2048xf32, #tpu.memory_space<any>> -> memref<512x2048xf32, #tpu.memory_space<any>>
      %dma_wait3A_132 = arith.constant 0 : i32
      %dma_wait3A_133 = arith.constant 1024 : i32
      %dma_wait3A_134 = tpu.memref_slice %arg3[%sub3A_111, %dma_wait3A_132, %dma_wait3A_133] : memref<2x512x4096xf32, #tpu.memory_space<vmem>> -> memref<1x512x2048xf32, #tpu.memory_space<vmem>>
      %dma_wait3A_135 = tpu.memref_squeeze %dma_wait3A_134 : memref<1x512x2048xf32, #tpu.memory_space<vmem>> -> memref<512x2048xf32, #tpu.memory_space<vmem>>
      tpu.wait_dma2 semaphore(%dma_wait3A_127 : memref<!tpu.dma_semaphore, #tpu.memory_space<semaphore_mem>>) src(%dma_wait3A_135 : memref<512x2048xf32, #tpu.memory_space<vmem>>) dst(%dma_wait3A_131 : memref<512x2048xf32, #tpu.memory_space<any>>)
      %dma_wait3A_136 = arith.constant 0 : i32
      %dma_wait3A_137 = tpu.memref_slice %arg4[%sub3A_111] : memref<2x!tpu.dma_semaphore, #tpu.memory_space<semaphore_mem>> -> memref<1x!tpu.dma_semaphore, #tpu.memory_space<semaphore_mem>>
      %dma_wait3A_138 = tpu.memref_squeeze %dma_wait3A_137 : memref<1x!tpu.dma_semaphore, #tpu.memory_space<semaphore_mem>> -> memref<!tpu.dma_semaphore, #tpu.memory_space<semaphore_mem>>
      %dma_wait3A_139 = arith.constant 1024 : i32
      %dma_wait3A_140 = arith.constant 0 : i32
      %dma_wait3A_141 = tpu.memref_slice %arg2[%dma_wait3A_136, %sub3A_113, %dma_wait3A_139, %dma_wait3A_140] : memref<1x16x2048x2048xf32, #tpu.memory_space<any>> -> memref<1x1x512x2048xf32, #tpu.memory_space<any>>
      %dma_wait3A_142 = tpu.memref_squeeze %dma_wait3A_141 : memref<1x1x512x2048xf32, #tpu.memory_space<any>> -> memref<512x2048xf32, #tpu.memory_space<any>>
      %dma_wait3A_143 = arith.constant 0 : i32
      %dma_wait3A_144 = arith.constant 512 : i32
      %dma_wait3A_145 = tpu.memref_slice %arg3[%sub3A_111, %dma_wait3A_143, %dma_wait3A_144] : memref<2x512x4096xf32, #tpu.memory_space<vmem>> -> memref<1x512x2048xf32, #tpu.memory_space<vmem>>
      %dma_wait3A_146 = tpu.memref_squeeze %dma_wait3A_145 : memref<1x512x2048xf32, #tpu.memory_space<vmem>> -> memref<512x2048xf32, #tpu.memory_space<vmem>>
      tpu.wait_dma2 semaphore(%dma_wait3A_138 : memref<!tpu.dma_semaphore, #tpu.memory_space<semaphore_mem>>) src(%dma_wait3A_146 : memref<512x2048xf32, #tpu.memory_space<vmem>>) dst(%dma_wait3A_142 : memref<512x2048xf32, #tpu.memory_space<any>>)
      %dma_wait3A_147 = arith.constant 0 : i32
      %dma_wait3A_148 = tpu.memref_slice %arg4[%sub3A_111] : memref<2x!tpu.dma_semaphore, #tpu.memory_space<semaphore_mem>> -> memref<1x!tpu.dma_semaphore, #tpu.memory_space<semaphore_mem>>
      %dma_wait3A_149 = tpu.memref_squeeze %dma_wait3A_148 : memref<1x!tpu.dma_semaphore, #tpu.memory_space<semaphore_mem>> -> memref<!tpu.dma_semaphore, #tpu.memory_space<semaphore_mem>>
      %dma_wait3A_150 = arith.constant 1536 : i32
      %dma_wait3A_151 = arith.constant 0 : i32
      %dma_wait3A_152 = tpu.memref_slice %arg2[%dma_wait3A_147, %sub3A_113, %dma_wait3A_150, %dma_wait3A_151] : memref<1x16x2048x2048xf32, #tpu.memory_space<any>> -> memref<1x1x512x2048xf32, #tpu.memory_space<any>>
      %dma_wait3A_153 = tpu.memref_squeeze %dma_wait3A_152 : memref<1x1x512x2048xf32, #tpu.memory_space<any>> -> memref<512x2048xf32, #tpu.memory_space<any>>
      %dma_wait3A_154 = arith.constant 0 : i32
      %dma_wait3A_155 = arith.constant 0 : i32
      %dma_wait3A_156 = tpu.memref_slice %arg3[%sub3A_111, %dma_wait3A_154, %dma_wait3A_155] : memref<2x512x4096xf32, #tpu.memory_space<vmem>> -> memref<1x512x2048xf32, #tpu.memory_space<vmem>>
      %dma_wait3A_157 = tpu.memref_squeeze %dma_wait3A_156 : memref<1x512x2048xf32, #tpu.memory_space<vmem>> -> memref<512x2048xf32, #tpu.memory_space<vmem>>
      tpu.wait_dma2 semaphore(%dma_wait3A_149 : memref<!tpu.dma_semaphore, #tpu.memory_space<semaphore_mem>>) src(%dma_wait3A_157 : memref<512x2048xf32, #tpu.memory_space<vmem>>) dst(%dma_wait3A_153 : memref<512x2048xf32, #tpu.memory_space<any>>)
    } else {
    }
    return
  }
  func.func @transform_0(%arg0: i32) -> (i32, i32, i32) {
    %c0_i32 = arith.constant 0 : i32
    %c0_i32_0 = arith.constant 0 : i32
    %c0_i32_1 = arith.constant 0 : i32
    return %arg0, %c0_i32, %c0_i32_0 : i32, i32, i32
  }
}

</mosaic_0001>

<sc_bundles>
// kernel: kernel.4.cloned.1.call-start
scs
__scs_entry_jumppad:
0x0: {  	(pc) =	sbr.rel $0x88, $3  }
0x1: {  	(tag) =	ssettag $0x0;
	lr =	simm.s32 $0x1  }
0x2: {  	[smem:$0x3F9E] =	sst lr;
	_ =	strace $0xD0000000  }
0x3: {  	_ = 	snop  }
0x4: {  	_ = 	snop  }
0x5: {  	_ = 	snop  }
0x6: {  	_ = 	snop  }
0x7: {  	_ = 	snop  }
__scs_overlays_trampoline_lowered:
0x8: {  	[smem:$0x3FAD] =	sst s0  }
0x9: {  	[smem:$0x3FAE] =	sst s1  }
0xa: {  	[smem:$0x3FAF] =	sst s2  }
0xb: {  	[smem:$0x3FB0] =	sst s3  }
0xc: {  	[smem:$0x3FB1] =	sst s4  }
0xd: {  	[smem:$0x3FB2] =	sst s5  }
0xe: {  	[smem:$0x3FB3] =	sst s6  }
0xf: {  	[smem:$0x3FB4] =	sst s7  }
0x10: {  	[smem:$0x3FB5] =	sst s8  }
0x11: {  	[smem:$0x3FB6] =	sst s9;
	s0 =	simm.s32 @!p0 $0x0  }
0x12: {  	s1 =	sld [smem:$0x3F9C];
	s0 =	simm.s32 @p0 $0x1  }
0x13: {  	[smem:$0x3FB7] =	sst s0;
	s0 =	simm.s32 @!p1 $0x0  }
0x14: {  	s2 =	sld [smem:$0x3F9B];
	s0 =	simm.s32 @p1 $0x1  }
0x15: {  	[smem:$0x3FB8] =	sst s0;
	s0 =	simm.s32 @!p2 $0x0  }
0x16: {  	s3 =	sld [smem:$0x3FDB];
	s0 =	simm.s32 @p2 $0x1  }
0x17: {  	s4 =	simm.s32 $0x1BF5;
	[smem:$0x3FBA] =	sst s0  }
0x18: {  	s0 =	sld [smem:$0x3F9D];
	_ =	swait.ge [sflag:s4], $0x0  }
0x19: {  	s7 =	sld [smem:$0x3F9E]  }
0x1a: {  	s8 =	sadd.s32 $0xFFFFE003, lr  }
0x1b: {  	s9 =	sadd.s32 $0xFFFFFEF7, lr;
	s5 =	simm.s32 $0xFFFFFFFF;
	p2 =	slt.u32 s8, $0xFFFFF086  }
0x1c: {  	p1 =	slt.u32 s9, $0xF7A;
	s5 =	simm.s32 @!p2 $0x0  }
0x1d: {  	s5 =	simm.s32 @p1 $0x1;
	p0 =	seq.s32 s7, s2  }
0x1e: {  	s7 =	smul.u32 @!p0 $0xF7A, s2;
	p2 =	seq.s32 @!p0 s5, $0x0  }
0x1f: {  	s9 =	smul.u32 $0xF7A, s1;
	s8 =	simm.s32 @!p0 $0x1BF5;
	p2 =	por !p2, p0  }
0x20: {  	[sflag:s8] =	ssyncset.s32 @!p0 $0xFFFFF086;
	s6 =	sadd.s32 @!p0 s3, s7;
	s7 =	simm.s32 @!p0 $0x108  }
0x21: {  	s3 =	sadd.s32 s3, s9;
	s6 =	sadd.s32 @!p0 $0x88, s6;
	s7 =	simm.s32 @p2 $0x1082  }
0x22: {  	[simem:s7], [sflag:s8] =	dma.local @!p0 [hbm:s6], $0xF7A  }
0x23: {  	s9 =	sor.u32 $0xD0000000, s2;
	s6 =	simm.s32 $0x108;
	_ =	swait.ge @!p0 [sflag:s8], $0x0  }
0x24: {  	s3 =	sadd.s32 $0x88, s3;
	s6 =	simm.s32 @!p1 $0x1082;
	[sflag:s4] =	ssyncset.s32 $0xFFFFF086  }
0x25: {  	[simem:s6], [sflag:s4] =	dma.local [hbm:s3], $0xF7A  }
0x26: {  	[smem:$0x3F9E] =	sst s1;
	(tag) =	ssettag s2;
	_ =	strace s9  }
0x27: {  	s1 =	sld [smem:$0x3FAE]  }
0x28: {  	s2 =	sld [smem:$0x3FAF]  }
0x29: {  	s4 =	sld [smem:$0x3FB1]  }
0x2a: {  	p0 =	seq.s32 s5, $0x0;
	s5 =	sld [smem:$0x3FB2]  }
0x2b: {  	s6 =	sld [smem:$0x3FB3]  }
0x2c: {  	s7 =	sld [smem:$0x3FB4]  }
0x2d: {  	s3 =	simm.s32 $0x108;
	s8 =	sld [smem:$0x3FB5]  }
0x2e: {  	s3 =	simm.s32 @!p0 $0x1082;
	s9 =	sld [smem:$0x3FB6]  }
0x2f: {  	lr =	sadd.s32 s0, s3;
	s0 =	sld [smem:$0x3FAD]  }
0x30: {  	s3 =	sld [smem:$0x3FB0]  }
0x31: {  	[smem:$0x3FB9] =	sst s10  }
0x32: {  	s10 =	sld [smem:$0x3FB7];
	_ =	sdelay $0x3  }
0x33: {  	p0 =	seq.s32 s10, $0x1;
	s10 =	sld [smem:$0x3FB9];
	_ =	sdelay $0x3  }
0x34: {  	[smem:$0x3FB9] =	sst s10  }
0x35: {  	s10 =	sld [smem:$0x3FB8];
	_ =	sdelay $0x3  }
0x36: {  	p1 =	seq.s32 s10, $0x1;
	s10 =	sld [smem:$0x3FB9];
	_ =	sdelay $0x3  }
0x37: {  	[smem:$0x3FB9] =	sst s10  }
0x38: {  	s10 =	sld [smem:$0x3FBA]  }
0x39: {  	_ = 	snop;
	(pc) =	sbr.ind lr, $3  }
0x3a: {  	_ = 	snop  }
0x3b: {  	_ = 	snop  }
0x3c: {  	p2 =	seq.s32 s10, $0x1;
	s10 =	sld [smem:$0x3FB9]  }
0x3d: {  	_ =	shalt  }
0x3e: {  	_ =	shalt  }
0x3f: {  	_ =	shalt  }
0x40: {  	_ =	shalt  }
0x41: {  	_ =	shalt  }
0x42: {  	_ =	shalt  }
0x43: {  	_ =	shalt  }
0x44: {  	_ =	shalt  }
0x45: {  	_ =	shalt  }
0x46: {  	_ =	shalt  }
0x47: {  	_ =	shalt  }
0x48: {  	_ =	shalt  }
0x49: {  	_ =	shalt  }
0x4a: {  	_ =	shalt  }
0x4b: {  	_ =	shalt  }
0x4c: {  	_ =	shalt  }
0x4d: {  	_ =	shalt  }
0x4e: {  	_ =	shalt  }
0x4f: {  	_ =	shalt  }
0x50: {  	_ =	shalt  }
0x51: {  	_ =	shalt  }
0x52: {  	_ =	shalt  }
0x53: {  	_ =	shalt  }
0x54: {  	_ =	shalt  }
0x55: {  	_ =	shalt  }
0x56: {  	_ =	shalt  }
0x57: {  	_ =	shalt  }
0x58: {  	_ =	shalt  }
0x59: {  	_ =	shalt  }
0x5a: {  	_ =	shalt  }
0x5b: {  	_ =	shalt  }
0x5c: {  	_ =	shalt  }
0x5d: {  	_ =	shalt  }
0x5e: {  	_ =	shalt  }
0x5f: {  	_ =	shalt  }
0x60: {  	_ =	shalt  }
0x61: {  	_ =	shalt  }
0x62: {  	_ =	shalt  }
0x63: {  	_ =	shalt  }
0x64: {  	_ =	shalt  }
0x65: {  	_ =	shalt  }
0x66: {  	_ =	shalt  }
0x67: {  	_ =	shalt  }
0x68: {  	_ =	shalt  }
0x69: {  	_ =	shalt  }
0x6a: {  	_ =	shalt  }
0x6b: {  	_ =	shalt  }
0x6c: {  	_ =	shalt  }
0x6d: {  	_ =	shalt  }
0x6e: {  	_ =	shalt  }
0x6f: {  	_ =	shalt  }
0x70: {  	_ =	shalt  }
0x71: {  	_ =	shalt  }
0x72: {  	_ =	shalt  }
0x73: {  	_ =	shalt  }
0x74: {  	_ =	shalt  }
0x75: {  	_ =	shalt  }
0x76: {  	_ =	shalt  }
0x77: {  	_ =	shalt  }
0x78: {  	_ =	shalt  }
0x79: {  	_ =	shalt  }
0x7a: {  	_ =	shalt  }
0x7b: {  	_ =	shalt  }
0x7c: {  	_ =	shalt  }
0x7d: {  	_ =	shalt  }
0x7e: {  	_ =	shalt  }
0x7f: {  	_ =	shalt  }
0x80: {  	_ =	shalt  }
0x81: {  	_ =	shalt  }
0x82: {  	_ =	shalt  }
0x83: {  	_ =	shalt  }
0x84: {  	_ =	shalt  }
0x85: {  	_ =	shalt  }
0x86: {  	_ =	shalt  }
0x87: {  	_ =	shalt  }
.Lfunc_end0:
.L_simem_size_0:
called_computation_lowered:
.L_overlay_start_0:
0x88: {  	s2 =	sld [smem:$0x3FD9]  }
0x89: {  	s3 =	sld [smem:$0x3FFE];
	_ =	sdelay $0x1  }
0x8a: {  	s1 =	srdreg.scid  }
0x8b: {  	s0 =	sand.u32 $0x1, s1  }
0x8c: {  	s17 =	sshll.u32 s0, $0xA;
	s2 =	sadd.s32 s3, s2  }
0x8d: {  	s2 =	sadd.s32 s2, s17  }
0x8e: {  	[smem:$0x3FC5] =	sst s2  }
0x8f: {  	_ = 	snop  }
0x90: {  	s2 =	sld [smem:$0x3FD0];
	(tm) =	ssettm $0x1  }
0x91: {  	s18 =	sld [smem:$0x3FFB];
	_ =	sdelay $0x3  }
0x92: {  	_ =	strace s18  }
0x93: {  	s3 =	sld [smem:$0x3FFC];
	_ =	sdelay $0x3  }
0x94: {  	_ =	strace s3  }
0x95: {  	s3 =	sld [smem:$0x3FFD];
	_ =	sdelay $0x3  }
0x96: {  	_ =	strace s3  }
0x97: {  	_ =	strace $0x8FFFFFFF  }
0x98: {  	s19 =	sld [smem:$0x3FDB];
	_ =	sdelay $0x1  }
0x99: {  	s4 =	simm.s32 $_scs_section_size  }
0x9a: {  	s5 =	simm.s32 $_size__tile_overlayer_lowered;
	s6 =	simm.s32 $_tile_overlayer_lowered  }
0x9b: {  	s22 =	simm.s32 $0x1BFF;
	s21 =	sshll.u32 s6, $0x1;
	s3 =	sadd.s32 s4, s19  }
0x9c: {  	s7 =	simm.s32 $0x0;
	s20 =	sshll.u32 s5, $0x1;
	s5 =	sadd.s32 s21, s3  }
0x9d: {  	[timem:s7], [sflag:s22] =	dma.local [hbm:s5], s20  }
0x9e: {  	_ =	swait.ge [sflag:s22], s20  }
0x9f: {  	s4 =	ssub.s32 $0x0, s20;
	[sflag:s22] =	ssyncset.done $0x0  }
0xa0: {  	[sflag:s22] =	ssyncadd.s32 s4;
	_ =	sdelay $0x1  }
0xa1: {  	s23 =	simm.s32 $0x1B8B  }
0xa2: {  	_ =	swait.ge [sflag:s23], $0x1  }
0xa3: {  	[sflag:s23] =	ssyncset.done $0x0  }
0xa4: {  	s25 =	simm.s32 $0x1B8E;
	s24 =	sld [smem:$0x3FFE];
	[sflag:s23] =	ssyncadd.s32 $0xFFFFFFFF  }
0xa5: {  	s26 =	simm.s32 $execute0_lowered;
	[smem:$0x3FD2] =	sst s25  }
0xa6: {  	s5 =	sshll.u32 s26, $0x1;
	_ =	strace $0x80000046;
	[dreg:$0x1] =	wrdreg $0xFFFFFFFF  }
0xa7: {  	s28 =	simm.s32 $_size_execute0_lowered;
	s3 =	sadd.s32 s3, s5;
	[dreg:$0x0] =	wrdreg $0x0  }
0xa8: {  	s5 =	sshll.u32 s28, $0x1;
	[dreg:$0x2] =	wrdreg s3  }
0xa9: {  	[dreg:$0x3] =	wrdreg s5  }
0xaa: {  	[dreg:$0x4] =	wrdreg $0xC0  }
0xab: {  	_ =	task [dreg:s7], $0x5FFFF  }
0xac: {  	[dreg:$0x1] =	wrdreg $0xFFFFFFFF  }
0xad: {  	[dreg:$0x0] =	wrdreg $0x60  }
0xae: {  	[dreg:$0x2] =	wrdreg s24  }
0xaf: {  	[dreg:$0x3] =	wrdreg s2  }
0xb0: {  	[dreg:$0x4] =	wrdreg $0x9  }
0xb1: {  	_ =	task.clear_ibuf [dreg:s7], $0x5FFFF;
	_ =	strace $0x90000046  }
0xb2: {  	s29 =	simm.s32 $0x9;
	_ =	strace $0x80000048  }
0xb3: {  	_ =	swait.ge [sflag:s29], $0x1  }
0xb4: {  	[sflag:s29] =	ssyncadd.s32 $0xFFFFFFFF  }
0xb5: {  	_ =	strace $0x90000048  }
0xb6: {  	_ =	sfence  }
0xb7: {  	s30 =	sld [smem:$0x0];
	_ =	sdelay $0x2  }
0xb8: {  	s31 =	sshll.u32 s1, $0xD;
	s1 =	sshrl.u32 s1, $0x2  }
0xb9: {  	s3 =	sand.u32 $0x4000, s31;
	s1 =	sadd.s32 s1, s30  }
0xba: {  	s0 =	sor.u32 s3, s0;
	s1 =	sshll.u32 s1, $0x11  }
0xbb: {  	s0 =	sor.u32 s1, s0  }
0xbc: {  	s0 =	sadd.s32 $0x8F2B, s0  }
0xbd: {  	[sflag:s0] =	ssyncadd.remote.s32 $0x1  }
0xbe: {  	_ =	sfence.sel $0xFFFF  }
0xbf: {  	[dreg:$0x0] =	wrdreg $0xFFFFFFFF;
	(pc) =	sbr.abs _section_cstart, $3  }
0xc0: {  	[dreg:$0x1] =	wrdreg $0xFFFFFFFF  }
0xc1: {  	_ =	task.clear_ibuf [dreg:s7], $0x2FFFF;
	_ =	strace $0x9FFFFFFF  }
0xc2: {  	(tm) =	ssettm $0x7FFFFFFF  }
0xc3: {  	_ =	shalt  }
tec
execute0_lowered:
.L_overlay_start_1:
0x0: {  	(tag) =	ssettag $0x1  }
0x1: {  	s4 =	rddreg [dreg:$0x0]  }
0x2: {  	s5 =	rddreg [dreg:$0x1]  }
0x3: {  	s0 =	rddreg [dreg:$0x2];
	s1 =	simm.s32 $0x0;
	s6 =	srdreg.scid  }
0x4: {  	s2 =	stileid.u32;
	[smem:$0x7FF] =	sst s1  }
0x5: {  	s3 =	sadd.s32 $0x400, s4;
	s6 =	sand.u32 $0x1, s6;
	s8 =	sshll.u32 s2, $0x8  }
0x6: {  	s4 =	sadd.s32 $0x600, s4;
	s7 =	ssub.s32 $0x2, s6;
	s6 =	sshll.u32 s6, $0x7  }
0x7: {  	_ =	strace $0x80000047;
	s9 =	sshrl.u32 s7, $0x1;
	s6 =	sor.u32 s6, s8  }
0x8: {  	v0 =	vlaneseq.u32;
	s7 =	ssub.s32 s7, s9;
	s8 =	sor.u32 $0x10, s6;
	s28 =	sor.u32 $0x20, s6  }
0x9: {  	v8 =	vimm.s32 $0x0;
	v7 =	vadd.s32 $0xFFFFF801, v0;
	s29 =	sor.u32 $0x30, s6;
	s10 =	sor.u32 $0x40, s6;
	s11 =	sor.u32 $0x50, s6  }
0xa: {  	v9 =	vimm.s32 $0x8;
	v1 =	vadd.s32 s6, v7;
	s30 =	sor.u32 $0x60, s6;
	s31 =	sor.u32 $0x70, s6;
	s5 =	sadd.s32 s5, s6;
	v0 =	vadd.s32 s8, v7  }
0xb: {  	s9 =	simm.s32 $0x400;
	v2 =	vadd.s32 s28, v7;
	v3 =	vadd.s32 s29, v7;
	v4 =	vadd.s32 s10, v7;
	s6 =	smax.u32 s7, $0x1;
	s7 =	simm.s32 $0x1  }
0xc: {  	v5 =	vadd.s32 s11, v7;
	v6 =	vadd.s32 s30, v7;
	s8 =	simm.s32 $0x200;
	v7 =	vadd.s32 s31, v7;
	s10 =	simm.s32 $0x8000;
	s11 =	simm.s32 $0x280  }
.LBB2_1:
0xd: {  	[tilespmem:s1], [sflag:$0x1] =	stream.linear.gather [hbm4b:s3+s1], $0x200, $0x38;
	[tilespmem:$0xA80] =	vst v63  }
0xe: {  	_ =	swait.ge [sflag:s7], $0x200  }
0xf: {  	[sflag:s7] =	ssyncset.done $0x0  }
0x10: {  	[sflag:s7] =	ssyncadd.s32 $0xFFFFFE00  }
0x11: {  	[tilespmem:s8], [sflag:$0x1] =	stream.linear.gather [hbm4b:s4+s1], $0x80, $0x38;
	[tilespmem:$0xA80] =	vst v63  }
0x12: {  	_ =	swait.ge [sflag:s7], $0x80  }
0x13: {  	[sflag:s7] =	ssyncset.done $0x0  }
0x14: {  	[sflag:s7] =	ssyncadd.s32 $0xFFFFFF80  }
0x15: {  	v11 =	vld [tilespmem:$0x200];
	_ =	sdelay $0x4  }
0x16: {  	v10 =	vadd.s32 v1, v11  }
0x17: {  	v58 =	vadd.s32 v0, v11;
	v23 =	vadd.s32 v2, v11;
	v33 =	vadd.s32 v3, v11  }
0x18: {  	v43 =	vadd.s32 v4, v11;
	v12 =	vsub.s32 $0x0, v10;
	vm8 =	vlt.s32 v8, v10  }
0x19: {  	v60 =	vsub.s32 $0x0, v58;
	v17 =	vsub.s32 $0x0, v23;
	v19 =	vsub.s32 $0x0, v33  }
0x1a: {  	v12 =	vmin.u32 v10, v12;
	v59 =	vsel vm8, $0x10, v8;
	v25 =	vmin.u32 v23, v17  }
0x1b: {  	v35 =	vmin.u32 v33, v19;
	vm0 =	vgt.s32 v12, $0xB;
	vm1 =	vgt.s32 v12, $0xF  }
0x1c: {  	vm15 =	vgt.s32 v12, $0x16;
	vm4 =	vgt.s32 v12, $0x1F;
	vm5 =	vgt.s32 v12, $0x2D  }
0x1d: {  	vm6 =	vgt.s32 v12, $0x3F;
	vm7 =	vgt.s32 v12, $0x5A;
	vm9 =	vlt.s32 v12, $0x8  }
0x1e: {  	vm3 =	vgt.s32 v25, $0xF;
	vm8 =	vgt.s32 v25, $0x1F;
	v13 =	vsel vm0, $0x9, v9  }
0x1f: {  	v14 =	vsel vm1, $0x1, v8;
	v53 =	vsel vm15, $0x1, v8;
	v54 =	vsel vm4, $0x1, v8  }
0x20: {  	v55 =	vsel vm5, $0x1, v8;
	v56 =	vsel vm6, $0x1, v8;
	v57 =	vsel vm7, $0x1, v8  }
0x21: {  	vm4 =	vlt.s32 v8, v58;
	vm6 =	vgt.s32 v25, $0xB;
	v18 =	vsel vm3, $0x1, v8  }
0x22: {  	vm7 =	vgt.s32 v25, $0x16;
	v28 =	vsel vm8, $0x1, v8;
	vm8 =	vgt.s32 v35, $0x3F  }
0x23: {  	v13 =	vadd.s32 v14, v13;
	v24 =	vsel vm4, $0x10, v8;
	v26 =	vsel vm6, $0x9, v9  }
0x24: {  	v27 =	vsel vm7, $0x1, v8;
	vm4 =	vgt.s32 v35, $0xF;
	v13 =	vadd.s32 v53, v13  }
0x25: {  	vm6 =	vgt.s32 v35, $0x1F;
	vm7 =	vgt.s32 v35, $0x2D;
	v13 =	vadd.s32 v54, v13  }
0x26: {  	v40 =	vsel vm8, $0x1, v8;
	v17 =	vadd.s32 v18, v26;
	v13 =	vadd.s32 v55, v13  }
0x27: {  	v38 =	vsel vm6, $0x1, v8;
	v39 =	vsel vm7, $0x1, v8;
	v10 =	vadd.s32 v56, v13  }
0x28: {  	v17 =	vadd.s32 v27, v17;
	v54 =	vadd.s32 v5, v11;
	v10 =	vadd.s32 v57, v10  }
0x29: {  	v17 =	vadd.s32 v28, v17;
	v56 =	vsub.s32 $0x0, v54;
	v10 =	vsel vm9, v12, v10  }
0x2a: {  	v12 =	vmin.u32 v58, v60;
	vm9 =	vgt.s32 v25, $0x2D;
	v14 =	vadd.s32 v59, v10  }
0x2b: {  	vm10 =	vgt.s32 v12, $0xB;
	vm2 =	vgt.s32 v12, $0xF;
	vm11 =	vgt.s32 v12, $0x16  }
0x2c: {  	vm12 =	vgt.s32 v12, $0x1F;
	vm13 =	vgt.s32 v12, $0x2D;
	vm14 =	vgt.s32 v12, $0x3F  }
0x2d: {  	vm15 =	vgt.s32 v12, $0x5A;
	vm5 =	vlt.s32 v12, $0x8;
	v29 =	vsel vm9, $0x1, v8  }
0x2e: {  	vm9 =	vgt.s32 v35, $0x5A;
	v10 =	vand.u32 $0xF, v10;
	vm0 =	vlt.s32 v14, $0x10  }
0x2f: {  	v15 =	vsel vm10, $0x9, v9;
	v16 =	vsel vm2, $0x1, v8;
	v61 =	vsel vm11, $0x1, v8  }
0x30: {  	v62 =	vsel vm12, $0x1, v8;
	v63 =	vsel vm13, $0x1, v8;
	v20 =	vsel vm14, $0x1, v8  }
0x31: {  	v22 =	vsel vm15, $0x1, v8;
	vm10 =	vgt.s32 v25, $0x3F;
	v17 =	vadd.s32 v29, v17  }
0x32: {  	vm11 =	vgt.s32 v25, $0x5A;
	vm12 =	vlt.s32 v8, v23;
	vm13 =	vlt.s32 v25, $0x8  }
0x33: {  	vm14 =	vgt.s32 v35, $0xB;
	vm15 =	vgt.s32 v35, $0x16;
	v42 =	vsel vm9, $0x1, v8  }
0x34: {  	v15 =	vadd.s32 v16, v15;
	v30 =	vsel vm10, $0x1, v8;
	v32 =	vsel vm11, $0x1, v8  }
0x35: {  	v34 =	vsel vm12, $0x10, v8;
	v36 =	vsel vm14, $0x9, v9;
	v37 =	vsel vm15, $0x1, v8  }
0x36: {  	vm10 =	vlt.s32 v8, v33;
	vm11 =	vlt.s32 v35, $0x8;
	v10 =	vnsel vm0, $0x0, v10  }
0x37: {  	v15 =	vadd.s32 v61, v15;
	v44 =	vsel vm10, $0x10, v8;
	vm10 =	vlt.s32 v8, v43  }
0x38: {  	v31 =	vadd.s32 v30, v17;
	v15 =	vadd.s32 v62, v15;
	v55 =	vsel vm10, $0x10, v8  }
0x39: {  	vm10 =	vlt.s32 v8, v54;
	v15 =	vadd.s32 v63, v15;
	v63 =	vadd.s32 v6, v11  }
0x3a: {  	v28 =	vsel vm10, $0x10, v8;
	v11 =	vadd.s32 v7, v11;
	v21 =	vadd.s32 v20, v15  }
0x3b: {  	v15 =	vadd.s32 v32, v31;
	v20 =	vsel vm4, $0x1, v8;
	v29 =	vsub.s32 $0x0, v63  }
0x3c: {  	v13 =	vadd.s32 v22, v21;
	v19 =	vadd.s32 v20, v36;
	v21 =	vsub.s32 $0x0, v43  }
0x3d: {  	v20 =	vmin.u32 v54, v56;
	v36 =	vsub.s32 $0x0, v11;
	v12 =	vsel vm5, v12, v13  }
0x3e: {  	v13 =	vsel vm0, $0x10, v14;
	v14 =	vsel vm13, v25, v15;
	v19 =	vadd.s32 v37, v19  }
0x3f: {  	v46 =	vmin.u32 v43, v21;
	vm6 =	vgt.s32 v20, $0xF;
	v37 =	vmin.u32 v11, v36  }
0x40: {  	v16 =	vadd.s32 v24, v12;
	v18 =	vadd.s32 v34, v14;
	v19 =	vadd.s32 v38, v19  }
0x41: {  	vm12 =	vgt.s32 v46, $0xB;
	vm5 =	vgt.s32 v46, $0xF;
	vm13 =	vgt.s32 v46, $0x16  }
0x42: {  	vm14 =	vgt.s32 v46, $0x1F;
	vm15 =	vgt.s32 v46, $0x2D;
	vm8 =	vgt.s32 v46, $0x3F  }
0x43: {  	vm9 =	vgt.s32 v46, $0x5A;
	v24 =	vsel vm6, $0x1, v8;
	v12 =	vand.u32 $0xF, v12  }
0x44: {  	v14 =	vand.u32 $0xF, v14;
	vm1 =	vlt.s32 v16, $0x10;
	vm2 =	vlt.s32 v18, $0x10  }
0x45: {  	v19 =	vadd.s32 v39, v19;
	v47 =	vsel vm12, $0x9, v9;
	v22 =	vsel vm5, $0x1, v8  }
0x46: {  	v48 =	vsel vm13, $0x1, v8;
	v49 =	vsel vm14, $0x1, v8;
	v50 =	vsel vm15, $0x1, v8  }
0x47: {  	v51 =	vsel vm8, $0x1, v8;
	v53 =	vsel vm9, $0x1, v8;
	vm12 =	vgt.s32 v20, $0xB  }
0x48: {  	vm13 =	vgt.s32 v20, $0x16;
	vm14 =	vgt.s32 v20, $0x1F;
	vm15 =	vgt.s32 v20, $0x2D  }
0x49: {  	vm8 =	vgt.s32 v20, $0x3F;
	vm9 =	vgt.s32 v20, $0x5A;
	vm5 =	vlt.s32 v8, v63  }
0x4a: {  	v15 =	vsel vm1, $0x10, v16;
	v41 =	vadd.s32 v40, v19;
	v21 =	vadd.s32 v22, v47  }
0x4b: {  	v23 =	vsel vm12, $0x9, v9;
	v57 =	vsel vm13, $0x1, v8;
	v58 =	vsel vm14, $0x1, v8  }
0x4c: {  	v59 =	vsel vm15, $0x1, v8;
	v60 =	vsel vm8, $0x1, v8;
	v62 =	vsel vm9, $0x1, v8  }
0x4d: {  	v26 =	vsel vm5, $0x10, v8;
	vm8 =	vgt.s32 v37, $0x2D;
	v12 =	vnsel vm1, $0x0, v12  }
0x4e: {  	v14 =	vnsel vm2, $0x0, v14;
	v17 =	vadd.s32 v42, v41;
	v21 =	vadd.s32 v48, v21  }
0x4f: {  	v23 =	vadd.s32 v24, v23;
	v42 =	vsel vm8, $0x1, v8;
	v16 =	vsel vm11, v35, v17  }
0x50: {  	v17 =	vsel vm2, $0x10, v18;
	v21 =	vadd.s32 v49, v21;
	vm11 =	vlt.s32 v46, $0x8  }
0x51: {  	v54 =	vld [tilespmem:$0x20];
	v23 =	vadd.s32 v57, v23;
	v45 =	vadd.s32 v44, v16;
	v21 =	vadd.s32 v50, v21  }
0x52: {  	v23 =	vadd.s32 v58, v23;
	v16 =	vand.u32 $0xF, v16;
	v52 =	vadd.s32 v51, v21  }
0x53: {  	vm3 =	vlt.s32 v45, $0x10;
	v23 =	vadd.s32 v59, v23;
	v19 =	vadd.s32 v53, v52  }
0x54: {  	v18 =	vsel vm3, $0x10, v45;
	v61 =	vadd.s32 v60, v23;
	v16 =	vnsel vm3, $0x0, v16  }
0x55: {  	v19 =	vsel vm11, v46, v19;
	v21 =	vadd.s32 v62, v61;
	vm11 =	vlt.s32 v20, $0x8  }
0x56: {  	v62 =	vperm.xlane v54, v10;
	v22 =	vadd.s32 v55, v19;
	v20 =	vsel vm11, v20, v21  }
0x57: {  	v21 =	vmin.u32 v63, v29;
	v51 =	vand.u32 $0xF, v19;
	vm4 =	vlt.s32 v22, $0x10  }
0x58: {  	v24 =	vadd.s32 v28, v20;
	vm12 =	vgt.s32 v21, $0xB;
	vm7 =	vgt.s32 v21, $0xF  }
0x59: {  	vm13 =	vgt.s32 v21, $0x16;
	vm14 =	vgt.s32 v21, $0x1F;
	vm15 =	vgt.s32 v21, $0x2D  }
0x5a: {  	vm9 =	vgt.s32 v21, $0x3F;
	vm10 =	vgt.s32 v21, $0x5A;
	vm11 =	vlt.s32 v21, $0x8  }
0x5b: {  	v20 =	vand.u32 $0xF, v20;
	v22 =	vsel vm4, $0x10, v22;
	v30 =	vsel vm12, $0x9, v9  }
0x5c: {  	v25 =	vsel vm7, $0x1, v8;
	v31 =	vsel vm13, $0x1, v8;
	v32 =	vsel vm14, $0x1, v8  }
0x5d: {  	v33 =	vsel vm15, $0x1, v8;
	v34 =	vsel vm9, $0x1, v8;
	v35 =	vsel vm10, $0x1, v8  }
0x5e: {  	vm12 =	vgt.s32 v37, $0xB;
	vm13 =	vgt.s32 v37, $0xF;
	vm14 =	vgt.s32 v37, $0x16  }
0x5f: {  	v29 =	vld [tilespmem:$0x10];
	vm15 =	vgt.s32 v37, $0x1F;
	vm9 =	vgt.s32 v37, $0x3F;
	vm10 =	vgt.s32 v37, $0x5A  }
0x60: {  	v28 =	vld [tilespmem:$0x0];
	v23 =	vadd.s32 v25, v30;
	v39 =	vsel vm12, $0x9, v9;
	v27 =	vsel vm13, $0x1, v8  }
0x61: {  	v40 =	vsel vm14, $0x1, v8;
	v41 =	vsel vm15, $0x1, v8;
	v43 =	vsel vm9, $0x1, v8  }
0x62: {  	v44 =	vsel vm10, $0x1, v8;
	vm12 =	vlt.s32 v37, $0x8;
	v23 =	vadd.s32 v31, v23  }
0x63: {  	vm13 =	vlt.s32 v24, $0x10;
	v19 =	vand.u32 $0xF, v22;
	v23 =	vadd.s32 v32, v23  }
0x64: {  	v24 =	vsel vm13, $0x10, v24;
	v20 =	vnsel vm13, $0x0, v20;
	v23 =	vadd.s32 v33, v23  }
0x65: {  	v53 =	vperm.xlane v29, v19;
	v47 =	vperm.xlane v28, v10;
	v23 =	vadd.s32 v34, v23  }
0x66: {  	v48 =	vperm.xlane v28, v12;
	v50 =	vperm.xlane v28, v14;
	v23 =	vadd.s32 v35, v23  }
0x67: {  	v33 =	vperm.xlane v28, v16;
	v56 =	vperm.xlane v28, v20;
	v23 =	vsel vm11, v21, v23  }
0x68: {  	vm11 =	vlt.s32 v8, v11;
	v38 =	vadd.s32 v26, v23;
	v26 =	vadd.s32 v27, v39  }
0x69: {  	v45 =	vsel vm11, $0x10, v8;
	v55 =	vand.u32 $0xF, v23;
	v26 =	vadd.s32 v40, v26  }
0x6a: {  	v39 =	vperm.xlane v54, v14;
	vm14 =	vlt.s32 v38, $0x10;
	v26 =	vadd.s32 v41, v26  }
0x6b: {  	v25 =	vsel vm14, $0x10, v38;
	v22 =	vnsel vm14, $0x0, v55;
	v26 =	vadd.s32 v42, v26  }
0x6c: {  	v57 =	vperm.xlane v28, v22;
	v23 =	vand.u32 $0xF, v25;
	v11 =	vadd.s32 v43, v26  }
0x6d: {  	v42 =	vperm.xlane v54, v16;
	v59 =	vperm.xlane v29, v23;
	v11 =	vadd.s32 v44, v11  }
0x6e: {  	v35 =	vld [tilespmem:$0x30];
	v46 =	vsel vm12, v37, v11;
	v11 =	vand.u32 $0xF, v13;
	v13 =	vand.u32 $0xF, v15  }
0x6f: {  	v15 =	vand.u32 $0xF, v17;
	v17 =	vand.u32 $0xF, v18;
	v30 =	vperm.xlane v29, v11  }
0x70: {  	v18 =	vnsel vm4, $0x0, v51;
	v61 =	vsel vm14, v57, v59;
	v31 =	vperm.xlane v29, v13  }
0x71: {  	v26 =	vadd.s32 v45, v46;
	v32 =	vperm.xlane v29, v15;
	[tilespmem:$0x2E0] =	vst v61;
	v21 =	vsel vm0, v47, v30  }
0x72: {  	v34 =	vperm.xlane v29, v17;
	v52 =	vperm.xlane v28, v18;
	v49 =	vsel vm1, v48, v31;
	[tilespmem:$0x280] =	vst v21  }
0x73: {  	v58 =	vand.u32 $0xF, v46;
	v63 =	vperm.xlane v35, v11;
	v31 =	vsel vm2, v50, v32;
	[tilespmem:$0x290] =	vst v49  }
0x74: {  	v40 =	vperm.xlane v35, v15;
	v43 =	vperm.xlane v35, v17;
	v33 =	vsel vm3, v33, v34;
	[tilespmem:$0x2A0] =	vst v31  }
0x75: {  	v45 =	vperm.xlane v54, v18;
	vm15 =	vlt.s32 v26, $0x10;
	v32 =	vsel vm4, v52, v53;
	[tilespmem:$0x2B0] =	vst v33  }
0x76: {  	v46 =	vperm.xlane v35, v19;
	v26 =	vsel vm15, $0x10, v26;
	v38 =	vsel vm0, v62, v63;
	[tilespmem:$0x2C0] =	vst v32  }
0x77: {  	v44 =	vsel vm2, v39, v40;
	v47 =	vsel vm3, v42, v43;
	v21 =	vand.u32 $0xF, v24;
	[tilespmem:$0x300] =	vst v38  }
0x78: {  	v24 =	vnsel vm15, $0x0, v58;
	v25 =	vand.u32 $0xF, v26;
	v31 =	vld [tilespmem:$0x40];
	[tilespmem:$0x320] =	vst v44;
	v36 =	vperm.xlane v29, v21  }
0x79: {  	v50 =	vsel vm4, v45, v46;
	v32 =	vld [tilespmem:$0x50];
	[tilespmem:$0x330] =	vst v47;
	v28 =	vperm.xlane v28, v24;
	v29 =	vperm.xlane v29, v25  }
0x7a: {  	v48 =	vperm.xlane v54, v20;
	[tilespmem:$0x340] =	vst v50;
	v49 =	vperm.xlane v35, v21;
	v60 =	vsel vm13, v56, v36  }
0x7b: {  	v51 =	vperm.xlane v54, v22;
	v52 =	vperm.xlane v35, v23;
	v33 =	vsel vm15, v28, v29;
	[tilespmem:$0x2D0] =	vst v60  }
0x7c: {  	v37 =	vperm.xlane v35, v13;
	v36 =	vperm.xlane v54, v12;
	v53 =	vsel vm13, v48, v49;
	[tilespmem:$0x2F0] =	vst v33  }
0x7d: {  	v55 =	vperm.xlane v35, v25;
	v54 =	vperm.xlane v54, v24;
	v56 =	vsel vm14, v51, v52;
	[tilespmem:$0x350] =	vst v53  }
0x7e: {  	[tilespmem:$0x360] =	vst v56;
	v41 =	vsel vm1, v36, v37;
	v57 =	vperm.xlane v31, v10;
	v58 =	vperm.xlane v32, v11  }
0x7f: {  	v59 =	vsel vm15, v54, v55;
	v60 =	vperm.xlane v31, v12;
	v61 =	vperm.xlane v32, v13;
	[tilespmem:$0x310] =	vst v41  }
0x80: {  	v34 =	vld [tilespmem:$0x70];
	v63 =	vperm.xlane v31, v14;
	v36 =	vperm.xlane v32, v15;
	[tilespmem:$0x370] =	vst v59;
	v62 =	vsel vm0, v57, v58  }
0x81: {  	v33 =	vld [tilespmem:$0x60];
	v38 =	vperm.xlane v31, v16;
	v39 =	vperm.xlane v32, v17;
	v37 =	vsel vm1, v60, v61;
	[tilespmem:$0x380] =	vst v62  }
0x82: {  	v44 =	vperm.xlane v31, v20;
	v45 =	vperm.xlane v32, v21;
	v40 =	vsel vm2, v63, v36;
	[tilespmem:$0x390] =	vst v37  }
0x83: {  	v47 =	vperm.xlane v31, v22;
	v48 =	vperm.xlane v32, v23;
	v43 =	vsel vm3, v38, v39;
	[tilespmem:$0x3A0] =	vst v40  }
0x84: {  	v50 =	vperm.xlane v31, v24;
	v51 =	vperm.xlane v32, v25;
	v49 =	vsel vm13, v44, v45;
	[tilespmem:$0x3B0] =	vst v43  }
0x85: {  	v42 =	vperm.xlane v32, v19;
	v41 =	vperm.xlane v31, v18;
	v52 =	vsel vm14, v47, v48;
	[tilespmem:$0x3D0] =	vst v49  }
0x86: {  	v54 =	vperm.xlane v34, v11;
	v55 =	vsel vm15, v50, v51;
	[tilespmem:$0x3E0] =	vst v52;
	v53 =	vperm.xlane v33, v10  }
0x87: {  	v57 =	vperm.xlane v34, v13;
	v46 =	vsel vm4, v41, v42;
	[tilespmem:$0x3F0] =	vst v55;
	v56 =	vperm.xlane v33, v12  }
0x88: {  	v32 =	vld [tilespmem:$0x90];
	v60 =	vperm.xlane v34, v15;
	[tilespmem:$0x3C0] =	vst v46;
	v59 =	vperm.xlane v33, v14;
	v58 =	vsel vm0, v53, v54  }
0x89: {  	v31 =	vld [tilespmem:$0x80];
	v63 =	vperm.xlane v34, v17;
	v62 =	vperm.xlane v33, v16;
	v61 =	vsel vm1, v56, v57;
	[tilespmem:$0x400] =	vst v58  }
0x8a: {  	v37 =	vperm.xlane v34, v19;
	v36 =	vperm.xlane v33, v18;
	v35 =	vsel vm2, v59, v60;
	[tilespmem:$0x410] =	vst v61  }
0x8b: {  	v40 =	vperm.xlane v34, v21;
	v39 =	vperm.xlane v33, v20;
	v38 =	vsel vm3, v62, v63;
	[tilespmem:$0x420] =	vst v35  }
0x8c: {  	v43 =	vperm.xlane v34, v23;
	v42 =	vperm.xlane v33, v22;
	v41 =	vsel vm4, v36, v37;
	[tilespmem:$0x430] =	vst v38  }
0x8d: {  	v45 =	vperm.xlane v33, v24;
	v46 =	vperm.xlane v34, v25;
	v44 =	vsel vm13, v39, v40;
	[tilespmem:$0x440] =	vst v41  }
0x8e: {  	v49 =	vperm.xlane v32, v11;
	v47 =	vsel vm14, v42, v43;
	v48 =	vperm.xlane v31, v10;
	[tilespmem:$0x450] =	vst v44  }
0x8f: {  	v52 =	vperm.xlane v32, v13;
	v50 =	vsel vm15, v45, v46;
	v51 =	vperm.xlane v31, v12;
	[tilespmem:$0x460] =	vst v47  }
0x90: {  	v33 =	vld [tilespmem:$0xA0];
	v55 =	vperm.xlane v32, v15;
	v54 =	vperm.xlane v31, v14;
	[tilespmem:$0x470] =	vst v50;
	v53 =	vsel vm0, v48, v49  }
0x91: {  	v34 =	vld [tilespmem:$0xB0];
	v57 =	vperm.xlane v31, v16;
	v58 =	vperm.xlane v32, v17;
	v56 =	vsel vm1, v51, v52;
	[tilespmem:$0x480] =	vst v53  }
0x92: {  	v60 =	vperm.xlane v31, v18;
	v61 =	vperm.xlane v32, v19;
	v59 =	vsel vm2, v54, v55;
	[tilespmem:$0x490] =	vst v56  }
0x93: {  	v63 =	vperm.xlane v31, v20;
	v35 =	vperm.xlane v32, v21;
	[tilespmem:$0x4A0] =	vst v59;
	v62 =	vsel vm3, v57, v58  }
0x94: {  	v37 =	vperm.xlane v31, v22;
	v38 =	vperm.xlane v32, v23;
	v36 =	vsel vm4, v60, v61;
	[tilespmem:$0x4B0] =	vst v62  }
0x95: {  	v40 =	vperm.xlane v31, v24;
	v41 =	vperm.xlane v32, v25;
	v39 =	vsel vm13, v63, v35;
	[tilespmem:$0x4C0] =	vst v36  }
0x96: {  	v42 =	vsel vm14, v37, v38;
	v43 =	vperm.xlane v33, v10;
	v44 =	vperm.xlane v34, v11;
	[tilespmem:$0x4D0] =	vst v39  }
0x97: {  	v45 =	vsel vm15, v40, v41;
	v46 =	vperm.xlane v33, v12;
	v47 =	vperm.xlane v34, v13;
	[tilespmem:$0x4E0] =	vst v42  }
0x98: {  	v31 =	vld [tilespmem:$0xC0];
	v49 =	vperm.xlane v33, v14;
	v50 =	vperm.xlane v34, v15;
	[tilespmem:$0x4F0] =	vst v45;
	v48 =	vsel vm0, v43, v44  }
0x99: {  	v32 =	vld [tilespmem:$0xD0];
	v52 =	vperm.xlane v33, v16;
	v53 =	vperm.xlane v34, v17;
	v51 =	vsel vm1, v46, v47;
	[tilespmem:$0x500] =	vst v48  }
0x9a: {  	v55 =	vperm.xlane v33, v18;
	v56 =	vperm.xlane v34, v19;
	v54 =	vsel vm2, v49, v50;
	[tilespmem:$0x510] =	vst v51  }
0x9b: {  	v58 =	vperm.xlane v33, v20;
	v59 =	vperm.xlane v34, v21;
	v57 =	vsel vm3, v52, v53;
	[tilespmem:$0x520] =	vst v54  }
0x9c: {  	v61 =	vperm.xlane v33, v22;
	v62 =	vperm.xlane v34, v23;
	v60 =	vsel vm4, v55, v56;
	[tilespmem:$0x530] =	vst v57  }
0x9d: {  	v35 =	vperm.xlane v33, v24;
	v36 =	vperm.xlane v34, v25;
	v63 =	vsel vm13, v58, v59;
	[tilespmem:$0x540] =	vst v60  }
0x9e: {  	v38 =	vperm.xlane v31, v10;
	[tilespmem:$0x550] =	vst v63;
	v37 =	vsel vm14, v61, v62;
	v39 =	vperm.xlane v32, v11  }
0x9f: {  	v41 =	vperm.xlane v31, v12;
	v40 =	vsel vm15, v35, v36;
	v42 =	vperm.xlane v32, v13;
	[tilespmem:$0x560] =	vst v37  }
0xa0: {  	v33 =	vld [tilespmem:$0xE0];
	v44 =	vperm.xlane v31, v14;
	v45 =	vperm.xlane v32, v15;
	[tilespmem:$0x570] =	vst v40;
	v43 =	vsel vm0, v38, v39  }
0xa1: {  	v34 =	vld [tilespmem:$0xF0];
	v47 =	vperm.xlane v31, v16;
	v48 =	vperm.xlane v32, v17;
	v46 =	vsel vm1, v41, v42;
	[tilespmem:$0x580] =	vst v43  }
0xa2: {  	v50 =	vperm.xlane v31, v18;
	v51 =	vperm.xlane v32, v19;
	v49 =	vsel vm2, v44, v45;
	[tilespmem:$0x590] =	vst v46  }
0xa3: {  	v53 =	vperm.xlane v31, v20;
	v54 =	vperm.xlane v32, v21;
	v52 =	vsel vm3, v47, v48;
	[tilespmem:$0x5A0] =	vst v49  }
0xa4: {  	v56 =	vperm.xlane v31, v22;
	v57 =	vperm.xlane v32, v23;
	v55 =	vsel vm4, v50, v51;
	[tilespmem:$0x5B0] =	vst v52  }
0xa5: {  	v59 =	vperm.xlane v31, v24;
	v60 =	vperm.xlane v32, v25;
	v58 =	vsel vm13, v53, v54;
	[tilespmem:$0x5C0] =	vst v55  }
0xa6: {  	v61 =	vsel vm14, v56, v57;
	v62 =	vperm.xlane v33, v10;
	[tilespmem:$0x5D0] =	vst v58;
	v63 =	vperm.xlane v34, v11  }
0xa7: {  	v35 =	vsel vm15, v59, v60;
	v36 =	vperm.xlane v33, v12;
	[tilespmem:$0x5E0] =	vst v61;
	v37 =	vperm.xlane v34, v13  }
0xa8: {  	v31 =	vld [tilespmem:$0x100];
	v39 =	vperm.xlane v33, v14;
	[tilespmem:$0x5F0] =	vst v35;
	v40 =	vperm.xlane v34, v15;
	v38 =	vsel vm0, v62, v63  }
0xa9: {  	v32 =	vld [tilespmem:$0x110];
	v42 =	vperm.xlane v33, v16;
	v43 =	vperm.xlane v34, v17;
	v41 =	vsel vm1, v36, v37;
	[tilespmem:$0x600] =	vst v38  }
0xaa: {  	v45 =	vperm.xlane v33, v18;
	v46 =	vperm.xlane v34, v19;
	v44 =	vsel vm2, v39, v40;
	[tilespmem:$0x610] =	vst v41  }
0xab: {  	v48 =	vperm.xlane v33, v20;
	v49 =	vperm.xlane v34, v21;
	v47 =	vsel vm3, v42, v43;
	[tilespmem:$0x620] =	vst v44  }
0xac: {  	v51 =	vperm.xlane v33, v22;
	v52 =	vperm.xlane v34, v23;
	v50 =	vsel vm4, v45, v46;
	[tilespmem:$0x630] =	vst v47  }
0xad: {  	v54 =	vperm.xlane v33, v24;
	v55 =	vperm.xlane v34, v25;
	v53 =	vsel vm13, v48, v49;
	[tilespmem:$0x640] =	vst v50  }
0xae: {  	v57 =	vperm.xlane v31, v10;
	v56 =	vsel vm14, v51, v52;
	v58 =	vperm.xlane v32, v11;
	[tilespmem:$0x650] =	vst v53  }
0xaf: {  	v60 =	vperm.xlane v31, v12;
	v59 =	vsel vm15, v54, v55;
	v61 =	vperm.xlane v32, v13;
	[tilespmem:$0x660] =	vst v56  }
0xb0: {  	v33 =	vld [tilespmem:$0x120];
	v63 =	vperm.xlane v31, v14;
	v36 =	vperm.xlane v32, v15;
	[tilespmem:$0x670] =	vst v59;
	v62 =	vsel vm0, v57, v58  }
0xb1: {  	v34 =	vld [tilespmem:$0x130];
	v39 =	vperm.xlane v32, v17;
	v38 =	vperm.xlane v31, v16;
	v37 =	vsel vm1, v60, v61;
	[tilespmem:$0x680] =	vst v62  }
0xb2: {  	v42 =	vperm.xlane v32, v19;
	v41 =	vperm.xlane v31, v18;
	v40 =	vsel vm2, v63, v36;
	[tilespmem:$0x690] =	vst v37  }
0xb3: {  	v45 =	vperm.xlane v32, v21;
	v44 =	vperm.xlane v31, v20;
	[tilespmem:$0x6A0] =	vst v40;
	v43 =	vsel vm3, v38, v39  }
0xb4: {  	v48 =	vperm.xlane v32, v23;
	v47 =	vperm.xlane v31, v22;
	v46 =	vsel vm4, v41, v42;
	[tilespmem:$0x6B0] =	vst v43  }
0xb5: {  	v51 =	vperm.xlane v32, v25;
	v50 =	vperm.xlane v31, v24;
	v49 =	vsel vm13, v44, v45;
	[tilespmem:$0x6C0] =	vst v46  }
0xb6: {  	v53 =	vperm.xlane v33, v10;
	v52 =	vsel vm14, v47, v48;
	v54 =	vperm.xlane v34, v11;
	[tilespmem:$0x6D0] =	vst v49  }
0xb7: {  	v56 =	vperm.xlane v33, v12;
	v55 =	vsel vm15, v50, v51;
	v57 =	vperm.xlane v34, v13;
	[tilespmem:$0x6E0] =	vst v52  }
0xb8: {  	v32 =	vld [tilespmem:$0x150];
	v59 =	vperm.xlane v33, v14;
	v60 =	vperm.xlane v34, v15;
	[tilespmem:$0x6F0] =	vst v55;
	v58 =	vsel vm0, v53, v54  }
0xb9: {  	v31 =	vld [tilespmem:$0x140];
	v62 =	vperm.xlane v33, v16;
	v63 =	vperm.xlane v34, v17;
	v61 =	vsel vm1, v56, v57;
	[tilespmem:$0x700] =	vst v58  }
0xba: {  	v36 =	vperm.xlane v33, v18;
	v37 =	vperm.xlane v34, v19;
	v35 =	vsel vm2, v59, v60;
	[tilespmem:$0x710] =	vst v61  }
0xbb: {  	v39 =	vperm.xlane v33, v20;
	v40 =	vperm.xlane v34, v21;
	v38 =	vsel vm3, v62, v63;
	[tilespmem:$0x720] =	vst v35  }
0xbc: {  	v42 =	vperm.xlane v33, v22;
	v43 =	vperm.xlane v34, v23;
	v41 =	vsel vm4, v36, v37;
	[tilespmem:$0x730] =	vst v38  }
0xbd: {  	v45 =	vperm.xlane v33, v24;
	v46 =	vperm.xlane v34, v25;
	v44 =	vsel vm13, v39, v40;
	[tilespmem:$0x740] =	vst v41  }
0xbe: {  	v49 =	vperm.xlane v32, v11;
	[tilespmem:$0x750] =	vst v44;
	v47 =	vsel vm14, v42, v43;
	v48 =	vperm.xlane v31, v10  }
0xbf: {  	v52 =	vperm.xlane v32, v13;
	v50 =	vsel vm15, v45, v46;
	v51 =	vperm.xlane v31, v12;
	[tilespmem:$0x760] =	vst v47  }
0xc0: {  	v33 =	vld [tilespmem:$0x160];
	v55 =	vperm.xlane v32, v15;
	v54 =	vperm.xlane v31, v14;
	[tilespmem:$0x770] =	vst v50;
	v53 =	vsel vm0, v48, v49  }
0xc1: {  	v34 =	vld [tilespmem:$0x170];
	v57 =	vperm.xlane v31, v16;
	v58 =	vperm.xlane v32, v17;
	v56 =	vsel vm1, v51, v52;
	[tilespmem:$0x780] =	vst v53  }
0xc2: {  	v60 =	vperm.xlane v31, v18;
	v61 =	vperm.xlane v32, v19;
	v59 =	vsel vm2, v54, v55;
	[tilespmem:$0x790] =	vst v56  }
0xc3: {  	v63 =	vperm.xlane v31, v20;
	v35 =	vperm.xlane v32, v21;
	v62 =	vsel vm3, v57, v58;
	[tilespmem:$0x7A0] =	vst v59  }
0xc4: {  	v37 =	vperm.xlane v31, v22;
	v38 =	vperm.xlane v32, v23;
	v36 =	vsel vm4, v60, v61;
	[tilespmem:$0x7B0] =	vst v62  }
0xc5: {  	v40 =	vperm.xlane v31, v24;
	v41 =	vperm.xlane v32, v25;
	v39 =	vsel vm13, v63, v35;
	[tilespmem:$0x7C0] =	vst v36  }
0xc6: {  	v42 =	vsel vm14, v37, v38;
	v43 =	vperm.xlane v33, v10;
	[tilespmem:$0x7D0] =	vst v39;
	v44 =	vperm.xlane v34, v11  }
0xc7: {  	v45 =	vsel vm15, v40, v41;
	v46 =	vperm.xlane v33, v12;
	[tilespmem:$0x7E0] =	vst v42;
	v47 =	vperm.xlane v34, v13  }
0xc8: {  	v31 =	vld [tilespmem:$0x180];
	v49 =	vperm.xlane v33, v14;
	[tilespmem:$0x7F0] =	vst v45;
	v50 =	vperm.xlane v34, v15;
	v48 =	vsel vm0, v43, v44  }
0xc9: {  	v32 =	vld [tilespmem:$0x190];
	v52 =	vperm.xlane v33, v16;
	v53 =	vperm.xlane v34, v17;
	v51 =	vsel vm1, v46, v47;
	[tilespmem:$0x800] =	vst v48  }
0xca: {  	v55 =	vperm.xlane v33, v18;
	v56 =	vperm.xlane v34, v19;
	v54 =	vsel vm2, v49, v50;
	[tilespmem:$0x810] =	vst v51  }
0xcb: {  	v58 =	vperm.xlane v33, v20;
	v59 =	vperm.xlane v34, v21;
	v57 =	vsel vm3, v52, v53;
	[tilespmem:$0x820] =	vst v54  }
0xcc: {  	v61 =	vperm.xlane v33, v22;
	v62 =	vperm.xlane v34, v23;
	v60 =	vsel vm4, v55, v56;
	[tilespmem:$0x830] =	vst v57  }
0xcd: {  	v35 =	vperm.xlane v33, v24;
	v36 =	vperm.xlane v34, v25;
	v63 =	vsel vm13, v58, v59;
	[tilespmem:$0x840] =	vst v60  }
0xce: {  	v37 =	vsel vm14, v61, v62;
	v38 =	vperm.xlane v31, v10;
	v39 =	vperm.xlane v32, v11;
	[tilespmem:$0x850] =	vst v63  }
0xcf: {  	v40 =	vsel vm15, v35, v36;
	v41 =	vperm.xlane v31, v12;
	v42 =	vperm.xlane v32, v13;
	[tilespmem:$0x860] =	vst v37  }
0xd0: {  	v33 =	vld [tilespmem:$0x1A0];
	v44 =	vperm.xlane v31, v14;
	v45 =	vperm.xlane v32, v15;
	[tilespmem:$0x870] =	vst v40;
	v43 =	vsel vm0, v38, v39  }
0xd1: {  	v34 =	vld [tilespmem:$0x1B0];
	v47 =	vperm.xlane v31, v16;
	v48 =	vperm.xlane v32, v17;
	v46 =	vsel vm1, v41, v42;
	[tilespmem:$0x880] =	vst v43  }
0xd2: {  	v50 =	vperm.xlane v31, v18;
	v51 =	vperm.xlane v32, v19;
	v49 =	vsel vm2, v44, v45;
	[tilespmem:$0x890] =	vst v46  }
0xd3: {  	v53 =	vperm.xlane v31, v20;
	v54 =	vperm.xlane v32, v21;
	[tilespmem:$0x8A0] =	vst v49;
	v52 =	vsel vm3, v47, v48  }
0xd4: {  	v56 =	vperm.xlane v31, v22;
	v57 =	vperm.xlane v32, v23;
	v55 =	vsel vm4, v50, v51;
	[tilespmem:$0x8B0] =	vst v52  }
0xd5: {  	v59 =	vperm.xlane v31, v24;
	v60 =	vperm.xlane v32, v25;
	v58 =	vsel vm13, v53, v54;
	[tilespmem:$0x8C0] =	vst v55  }
0xd6: {  	v62 =	vperm.xlane v33, v10;
	v61 =	vsel vm14, v56, v57;
	v63 =	vperm.xlane v34, v11;
	[tilespmem:$0x8D0] =	vst v58  }
0xd7: {  	v35 =	vperm.xlane v33, v12;
	v32 =	vsel vm15, v59, v60;
	v36 =	vperm.xlane v34, v13;
	[tilespmem:$0x8E0] =	vst v61  }
0xd8: {  	v31 =	vld [tilespmem:$0x1C0];
	v38 =	vperm.xlane v33, v14;
	v39 =	vperm.xlane v34, v15;
	[tilespmem:$0x8F0] =	vst v32;
	v37 =	vsel vm0, v62, v63  }
0xd9: {  	v41 =	vperm.xlane v33, v16;
	v42 =	vperm.xlane v34, v17;
	v32 =	vld [tilespmem:$0x1D0];
	v40 =	vsel vm1, v35, v36;
	[tilespmem:$0x900] =	vst v37  }
0xda: {  	v44 =	vperm.xlane v33, v18;
	v45 =	vperm.xlane v34, v19;
	v43 =	vsel vm2, v38, v39;
	[tilespmem:$0x910] =	vst v40  }
0xdb: {  	v47 =	vperm.xlane v33, v20;
	v48 =	vperm.xlane v34, v21;
	v46 =	vsel vm3, v41, v42;
	[tilespmem:$0x920] =	vst v43  }
0xdc: {  	v50 =	vperm.xlane v33, v22;
	v51 =	vperm.xlane v34, v23;
	v49 =	vsel vm4, v44, v45;
	[tilespmem:$0x930] =	vst v46  }
0xdd: {  	v53 =	vperm.xlane v33, v24;
	v54 =	vperm.xlane v34, v25;
	v52 =	vsel vm13, v47, v48;
	[tilespmem:$0x940] =	vst v49  }
0xde: {  	v55 =	vsel vm14, v50, v51;
	v56 =	vperm.xlane v31, v10;
	[tilespmem:$0x950] =	vst v52;
	v57 =	vperm.xlane v32, v11  }
0xdf: {  	v58 =	vsel vm15, v53, v54;
	v59 =	vperm.xlane v31, v12;
	[tilespmem:$0x960] =	vst v55;
	v60 =	vperm.xlane v32, v13  }
0xe0: {  	v62 =	vperm.xlane v31, v14;
	v36 =	vld [tilespmem:$0x1E0];
	[tilespmem:$0x970] =	vst v58;
	v63 =	vperm.xlane v32, v15;
	v61 =	vsel vm0, v56, v57  }
0xe1: {  	v38 =	vperm.xlane v31, v16;
	v40 =	vld [tilespmem:$0x1F0];
	v39 =	vperm.xlane v32, v17;
	v37 =	vsel vm1, v59, v60;
	[tilespmem:$0x980] =	vst v61  }
0xe2: {  	v42 =	vperm.xlane v31, v18;
	v43 =	vperm.xlane v32, v19;
	v41 =	vsel vm2, v62, v63;
	[tilespmem:$0x990] =	vst v37  }
0xe3: {  	v45 =	vperm.xlane v31, v20;
	v46 =	vperm.xlane v32, v21;
	v44 =	vsel vm3, v38, v39;
	[tilespmem:$0x9A0] =	vst v41  }
0xe4: {  	v48 =	vperm.xlane v31, v22;
	v49 =	vperm.xlane v32, v23;
	v47 =	vsel vm4, v42, v43;
	[tilespmem:$0x9B0] =	vst v44  }
0xe5: {  	v51 =	vperm.xlane v31, v24;
	v52 =	vperm.xlane v32, v25;
	v50 =	vsel vm13, v45, v46;
	[tilespmem:$0x9C0] =	vst v47  }
0xe6: {  	v10 =	vperm.xlane v36, v10;
	v53 =	vsel vm14, v48, v49;
	v11 =	vperm.xlane v40, v11;
	[tilespmem:$0x9D0] =	vst v50  }
0xe7: {  	v12 =	vperm.xlane v36, v12;
	v54 =	vsel vm15, v51, v52;
	v13 =	vperm.xlane v40, v13;
	[tilespmem:$0x9E0] =	vst v53  }
0xe8: {  	v55 =	vperm.xlane v40, v15;
	[tilespmem:$0x9F0] =	vst v54;
	v10 =	vsel vm0, v10, v11;
	v11 =	vperm.xlane v36, v14  }
0xe9: {  	v56 =	vperm.xlane v36, v16;
	v57 =	vperm.xlane v40, v17;
	[tilespmem:$0xA00] =	vst v10;
	v10 =	vsel vm1, v12, v13  }
0xea: {  	v58 =	vperm.xlane v40, v19;
	[tilespmem:$0xA10] =	vst v10;
	v10 =	vsel vm2, v11, v55;
	v11 =	vperm.xlane v36, v18  }
0xeb: {  	v59 =	vperm.xlane v36, v20;
	v60 =	vperm.xlane v40, v21;
	[tilespmem:$0xA20] =	vst v10;
	v10 =	vsel vm3, v56, v57  }
0xec: {  	v61 =	vperm.xlane v40, v23;
	[tilespmem:$0xA30] =	vst v10;
	v10 =	vsel vm4, v11, v58;
	v11 =	vperm.xlane v36, v22  }
0xed: {  	v62 =	vperm.xlane v36, v24;
	v63 =	vperm.xlane v40, v25;
	[tilespmem:$0xA40] =	vst v10;
	v10 =	vsel vm13, v59, v60  }
0xee: {  	[tilespmem:$0xA50] =	vst v10;
	v10 =	vsel vm14, v11, v61  }
0xef: {  	p0 =	sne.s32 s6, $0x1;
	[tilespmem:$0xA60] =	vst v10;
	v10 =	vsel vm15, v62, v63  }
.Ltmp0:
0xf0: {  	[tilespmem:$0xA70] =	vst v10;
	(pc) =	sbr.rel @p0 .LBB2_1-.Ltmp0, $4  }
0xf1: {  	[hbm4b:s5+s9] =	stream.strided.scatter [tilespmem:s11], [sflag:$0x1], $0x800, s10, s9, $0x38;
	[tilespmem:$0xA80] =	vst v63  }
0xf2: {  	_ =	swait.ge [sflag:s7], $0x800  }
0xf3: {  	[sflag:s7] =	ssyncset.done $0x0  }
0xf4: {  	s6 =	sadd.s32 $0xFFFFFFFF, s6;
	[sflag:s7] =	ssyncadd.s32 $0xFFFFF800  }
0xf5: {  	_ =	sfence.sel $0x180000  }
0xf6: {  	[bflag:$0x0] =	sbarrier.arrive $0xFFFF  }
0xf7: {  	p0 =	sne.s32 s2, $0x0;
	_ =	strace $0x90000047  }
0xf8: {  	s0 =	sadd.s32 @!p0 $0x100000, s0;
	[bflag:$0x2] =	sbarrier.arrive $0xFFFF  }
0xf9: {  	[sflag:s0] =	ssyncadd.tile.s32 @!p0 $0x1;
	_ =	shalt  }
.Lfunc_end2:
_tile_overlayer_lowered:
.L_overlay_start_2:
0xfa: {  	(tag) =	ssettag $0x2  }
0xfb: {  	s0 =	rddreg [dreg:$0x0];
	s2 =	stileid.u32  }
0xfc: {  	s1 =	rddreg [dreg:$0x1];
	p0 =	sne.s32 s2, $0x0  }
0xfd: {  	s3 =	rddreg [dreg:$0x2];
	[bflag:$0x3] =	sbarrier.arrive $0xFFFF;
	s2 =	simm.s32 @!p0 $0x1C01  }
0xfe: {  	[timem:s3], [sflag:s2] =	dma.local @!p0 [hbm:s0], s1  }
0xff: {  	s0 =	simm.s32 @!p0 $0x1  }
0x100: {  	_ =	swait.ge @!p0 [sflag:s0], s1  }
0x101: {  	s1 =	ssub.s32 @!p0 $0x0, s1;
	[sflag:s0] =	ssyncset.done @!p0 $0x0  }
0x102: {  	[sflag:s0] =	ssyncadd.s32 @!p0 s1  }
0x103: {  	[bflag:$0x3] =	sbarrier.arrive $0xFFFF  }
0x104: {  	_ =	shalt  }

</sc_bundles>
